<compile_context>
chip_gen: v7x
topology: tpu7x:2x2x1
jax: 0.10.2.dev20260603
libtpu: 0.0.44.dev20260713+nightly
codegen_flags: <defaults>
</compile_context>

<pallas_src>
import functools

import jax
import jax.numpy as jnp
from jax import lax
from jax.experimental import pallas as pl
from jax.experimental.pallas import tpu as pltpu
from jax.experimental.pallas import tpu_sc as plsc

_NC = 2
_NS = 16
_NW = _NC * _NS

_CHUNK = 400
_SPLITS = ((0, 128), (128, 128), (256, 128), (384, 16))


def _prep_body(x_ref, w_ref, c_ref, p_ref):
    p = jnp.dot(x_ref[...], w_ref[...], preferred_element_type=jnp.float32)
    p_ref[...] = p + c_ref[...]


def _amat_body(eblk, ea0_ref, ea1_ref, ei0_ref, ei1_ref, w0_ref, w1_ref,
               a0_ref, a1_ref, r0_ref, c0_ref, r1_ref, c1_ref):
    a0_ref[...] = jnp.dot(ea0_ref[...], w0_ref[...],
                          preferred_element_type=jnp.float32)
    a1_ref[...] = jnp.dot(ea1_ref[...], w1_ref[...],
                          preferred_element_type=jnp.float32)
    i = pl.program_id(0)
    r0_ref[pl.ds(i * eblk, eblk)] = ei0_ref[0]
    c0_ref[pl.ds(i * eblk, eblk)] = ei0_ref[1]
    r1_ref[pl.ds(i * eblk, eblk)] = ei1_ref[0]
    c1_ref[pl.ds(i * eblk, eblk)] = ei1_ref[1]


def _node_body(nblk, n_total, x_ref, a0_ref, a1_ref, wx_ref, wa_ref, cn_ref,
               wg_ref, u_ref, bg_ref, xn_ref, un_ref, acc_ref):
    i = pl.program_id(0)
    agg = jnp.concatenate(
        [a0_ref[0] + a0_ref[1], a1_ref[0] + a1_ref[1]], axis=-1)
    xb = jnp.dot(x_ref[...], wx_ref[...], preferred_element_type=jnp.float32)
    xb = xb + jnp.dot(agg, wa_ref[...], preferred_element_type=jnp.float32)
    xb = xb + cn_ref[...]
    xn_ref[...] = xb

    @pl.when(i == 0)
    def _():
        acc_ref[...] = jnp.zeros_like(acc_ref)

    acc_ref[...] += jnp.sum(xb, axis=0, keepdims=True)

    @pl.when(i == nblk - 1)
    def _():
        mean = acc_ref[...] / jnp.float32(n_total)
        un = jnp.dot(mean, wg_ref[0:128, :],
                     preferred_element_type=jnp.float32)
        un = un + jnp.dot(u_ref[...], wg_ref[128:160, :],
                          preferred_element_type=jnp.float32)
        un_ref[...] = un + bg_ref[...]


def _sc_body(n_nodes, ew,
             x128, a0h, a1h, row0, col0, row1, col1,
             e0p, e1p, ag0h, ag1h,
             stg, rowb, colb, rbuf, cbuf, ab, ebuf, cpb,
             trs, tcs, ags, sem, sem2):
    cid = lax.axis_index("c")
    sid = lax.axis_index("s")
    wid = cid * _NS + sid

    small = (n_nodes // _NS) // 8 * 8
    big = n_nodes - small * (_NS - 1)
    tile_lo = sid * small
    last = sid == _NS - 1

    z = jnp.zeros((16,), jnp.float32)

    def zero_agg():
        def zbody(i, c):
            cpb[i] = z
            return c

        lax.fori_loop(0, big, zbody, 0)

        @pl.when(last)
        def _():
            pltpu.sync_copy(cpb, ags.at[pl.ds(tile_lo, big)])

        @pl.when(jnp.logical_not(last))
        def _():
            pltpu.sync_copy(cpb.at[pl.ds(0, small)],
                            ags.at[pl.ds(tile_lo, small)])

    def copyout_agg(agh):
        @pl.when(last)
        def _():
            pltpu.sync_copy(ags.at[pl.ds(tile_lo, big)], cpb)
            pltpu.sync_copy(cpb, agh.at[cid, pl.ds(tile_lo, big)])

        @pl.when(jnp.logical_not(last))
        def _():
            cps = cpb.at[pl.ds(0, small)]
            pltpu.sync_copy(ags.at[pl.ds(tile_lo, small)], cps)
            pltpu.sync_copy(cps, agh.at[cid, pl.ds(tile_lo, small)])

    zero_agg()

    def stage_tables(colbase):
        def stage(qrows):
            for h in range(4):
                lo = tile_lo + h * qrows
                pltpu.sync_copy(x128.at[pl.ds(lo, qrows)],
                                stg.at[pl.ds(0, qrows)])
                for tab, tsp in ((0, trs), (1, tcs)):
                    def cbody(i, c, tab=tab):
                        cpb[i] = stg[i, pl.ds(colbase + tab * 16, 16)]
                        return c
                    lax.fori_loop(0, qrows, cbody, 0)
                    pltpu.sync_copy(cpb.at[pl.ds(0, qrows)],
                                    tsp.at[pl.ds(lo, qrows)])

        @pl.when(last)
        def _():
            stage(big // 4)

        @pl.when(jnp.logical_not(last))
        def _():
            stage(small // 4)

    for colbase, ah, rowh, colh, ep, agh in (
        (0, a0h, row0, col0, e0p, ag0h),
        (32, a1h, row1, col1, e1p, ag1h),
    ):
        stage_tables(colbase)
        plsc.subcore_barrier()
        ebase0 = wid * ew
        arow0 = wid * (ew // 8)

        def chunk(g, c, ah=ah, rowh=rowh, colh=colh, ep=ep,
                  ebase0=ebase0, arow0=arow0):
            ebase = ebase0 + g * _CHUNK
            arow = arow0 + g * (_CHUNK // 8)
            d1 = pltpu.async_copy(rowh.at[pl.ds(ebase, _CHUNK)], rowb, sem2)
            d2 = pltpu.async_copy(colh.at[pl.ds(ebase, _CHUNK)], colb, sem2)
            d3 = pltpu.async_copy(ah.at[pl.ds(arow, _CHUNK // 8)], ab, sem2)
            d1.wait()
            d2.wait()
            d3.wait()
            descs = []
            for off, sz in _SPLITS:
                descs.append(pltpu.async_copy(
                    trs.at[rowb.at[pl.ds(off, sz)]],
                    rbuf.at[pl.ds(off, sz)], sem))
                descs.append(pltpu.async_copy(
                    tcs.at[colb.at[pl.ds(off, sz)]],
                    cbuf.at[pl.ds(off, sz)], sem))
            for d in descs:
                d.wait()

            def ebody(j, cc):
                for u in range(8):
                    m = j * 8 + u
                    v = rbuf[m] + cbuf[m] + ab[j, pl.ds(u * 16, 16)]
                    v = jnp.maximum(v, 0.0)
                    rbuf[m] = v
                    ebuf[j, pl.ds(u * 16, 16)] = v
                return cc

            lax.fori_loop(0, _CHUNK // 8, ebody, 0)
            pltpu.sync_copy(ebuf, ep.at[pl.ds(arow, _CHUNK // 8)])
            for off, sz in _SPLITS:
                pltpu.sync_copy(rbuf.at[pl.ds(off, sz)],
                                ags.at[colb.at[pl.ds(off, sz)]], add=True)
            return c

        lax.fori_loop(0, ew // _CHUNK, chunk, 0)

        plsc.subcore_barrier()
        copyout_agg(agh)
        if agh is ag0h:
            zero_agg()
            plsc.subcore_barrier()


def kernel(x, edge_index_0, edge_index_1, edge_attr_0, edge_attr_1, u, batch,
           We0, be0, We1, be1, Wn, bn, Wg, bg):
    n, d = x.shape
    e = edge_index_0.shape[1]
    de = edge_attr_0.shape[1]
    du = u.shape[1]
    f32 = jnp.float32

    u0 = u[0]
    wcat = jnp.concatenate(
        [We0[:d], We0[d:2 * d], We1[:d], We1[d:2 * d],
         jnp.zeros((d, d - 4 * de), f32)], axis=1)
    c0 = u0 @ We0[2 * d + de:] + be0
    c1 = u0 @ We1[2 * d + de:] + be1
    zc = jnp.zeros_like(c0)
    cc = jnp.concatenate(
        [zc, c0, zc, c1, jnp.zeros((d - 4 * de,), f32)])[None, :]
    w8_0 = jnp.kron(jnp.eye(8, dtype=f32), We0[2 * d:2 * d + de])
    w8_1 = jnp.kron(jnp.eye(8, dtype=f32), We1[2 * d:2 * d + de])
    wnx = Wn[:d]
    wna = Wn[d:d + 2 * de]
    cn = (u0 @ Wn[d + 2 * de:] + bn)[None, :]

    x128 = pl.pallas_call(
        _prep_body,
        out_shape=jax.ShapeDtypeStruct((n, d), f32),
    )(x, wcat, cc)

    eq = e // 8
    blk = 2000
    nblk_e = eq // blk
    eblk = e // nblk_e
    ea0r = edge_attr_0.reshape(eq, 8 * de)
    ea1r = edge_attr_1.reshape(eq, 8 * de)
    a0r, a1r, row0, col0, row1, col1 = pl.pallas_call(
        functools.partial(_amat_body, eblk),
        grid=(nblk_e,),
        in_specs=[
            pl.BlockSpec((blk, 8 * de), lambda i: (i, 0)),
            pl.BlockSpec((blk, 8 * de), lambda i: (i, 0)),
            pl.BlockSpec((2, eblk), lambda i: (0, i)),
            pl.BlockSpec((2, eblk), lambda i: (0, i)),
            pl.BlockSpec((8 * de, 8 * de), lambda i: (0, 0)),
            pl.BlockSpec((8 * de, 8 * de), lambda i: (0, 0)),
        ],
        out_specs=(
            pl.BlockSpec((blk, 8 * de), lambda i: (i, 0)),
            pl.BlockSpec((blk, 8 * de), lambda i: (i, 0)),
            pl.BlockSpec((e,), lambda i: (0,)),
            pl.BlockSpec((e,), lambda i: (0,)),
            pl.BlockSpec((e,), lambda i: (0,)),
            pl.BlockSpec((e,), lambda i: (0,)),
        ),
        out_shape=(
            jax.ShapeDtypeStruct((eq, 8 * de), f32),
            jax.ShapeDtypeStruct((eq, 8 * de), f32),
            jax.ShapeDtypeStruct((e,), jnp.int32),
            jax.ShapeDtypeStruct((e,), jnp.int32),
            jax.ShapeDtypeStruct((e,), jnp.int32),
            jax.ShapeDtypeStruct((e,), jnp.int32),
        ),
    )(ea0r, ea1r, edge_index_0, edge_index_1, w8_0, w8_1)

    ew = e // _NW
    mesh = plsc.VectorSubcoreMesh(
        core_axis_name="c", subcore_axis_name="s",
        num_cores=_NC, num_subcores=_NS)
    big = n - (n // _NS) // 8 * 8 * (_NS - 1)
    sc_fn = pl.kernel(
        functools.partial(_sc_body, n, ew),
        out_type=(
            jax.ShapeDtypeStruct((eq, 8 * de), f32),
            jax.ShapeDtypeStruct((eq, 8 * de), f32),
            jax.ShapeDtypeStruct((_NC, n, de), f32),
            jax.ShapeDtypeStruct((_NC, n, de), f32),
        ),
        mesh=mesh,
        scratch_types=[
            pltpu.VMEM((big // 4, d), f32),
            pltpu.VMEM((_CHUNK,), jnp.int32),
            pltpu.VMEM((_CHUNK,), jnp.int32),
            pltpu.VMEM((_CHUNK, de), f32),
            pltpu.VMEM((_CHUNK, de), f32),
            pltpu.VMEM((_CHUNK // 8, d), f32),
            pltpu.VMEM((_CHUNK // 8, d), f32),
            pltpu.VMEM((big, de), f32),
            pltpu.VMEM_SHARED((n, de), f32),
            pltpu.VMEM_SHARED((n, de), f32),
            pltpu.VMEM_SHARED((n, de), f32),
            pltpu.SemaphoreType.DMA,
            pltpu.SemaphoreType.DMA,
        ],
        compiler_params=pltpu.CompilerParams(use_tc_tiling_on_sc=False),
    )
    e0p, e1p, ag0p, ag1p = sc_fn(x128, a0r, a1r, row0, col0, row1, col1)

    nb = 2000
    nblk_n = n // nb
    x_new, u_new = pl.pallas_call(
        functools.partial(_node_body, nblk_n, n),
        grid=(nblk_n,),
        in_specs=[
            pl.BlockSpec((nb, d), lambda i: (i, 0)),
            pl.BlockSpec((_NC, nb, de), lambda i: (0, i, 0)),
            pl.BlockSpec((_NC, nb, de), lambda i: (0, i, 0)),
            pl.BlockSpec((d, d), lambda i: (0, 0)),
            pl.BlockSpec((2 * de, d), lambda i: (0, 0)),
            pl.BlockSpec((1, d), lambda i: (0, 0)),
            pl.BlockSpec((d + du, du), lambda i: (0, 0)),
            pl.BlockSpec((1, du), lambda i: (0, 0)),
            pl.BlockSpec((1, du), lambda i: (0, 0)),
        ],
        out_specs=(
            pl.BlockSpec((nb, d), lambda i: (i, 0)),
            pl.BlockSpec((1, du), lambda i: (0, 0)),
        ),
        out_shape=(
            jax.ShapeDtypeStruct((n, d), f32),
            jax.ShapeDtypeStruct((1, du), f32),
        ),
        scratch_shapes=[pltpu.VMEM((1, d), f32)],
    )(x, ag0p, ag1p, wnx, wna, cn, Wg, u, bg[None, :])

    e0 = e0p.reshape(e, de)
    e1 = e1p.reshape(e, de)
    return (x_new, e0, e1, u_new)

# --- scband reference (transcript-rebuilt; emitter-appended) ---
"""Pipeline reference for scband-meta-layer-scmultigraph-2070174236985 (READ-ONLY COPY).

The authoritative reference and input builder live on the scoring server;
editing this copy changes nothing except your own understanding.
"""

import jax, jax.numpy as jnp
import numpy as np

N = 10000
E = 320000
D = 128
DE = 16
DU = 32


def setup_inputs(seed: int = 0):
    key = jax.random.key(seed)
    ks = jax.random.split(key, 16)
    x = jax.random.normal(ks[0], (N, D), jnp.float32)
    edge_index_0 = jax.random.randint(ks[1], (2, E), 0, N, dtype=jnp.int32)
    edge_index_1 = jax.random.randint(ks[2], (2, E), 0, N, dtype=jnp.int32)
    edge_attr_0 = jax.random.normal(ks[3], (E, DE), jnp.float32)
    edge_attr_1 = jax.random.normal(ks[4], (E, DE), jnp.float32)
    u = jax.random.normal(ks[5], (1, DU), jnp.float32)
    batch = jnp.zeros((N,), jnp.int32)
    din_e = 2 * D + DE + DU
    We0 = jax.random.normal(ks[6], (din_e, DE), jnp.float32) * 0.05
    be0 = jnp.zeros((DE,), jnp.float32)
    We1 = jax.random.normal(ks[7], (din_e, DE), jnp.float32) * 0.05
    be1 = jnp.zeros((DE,), jnp.float32)
    din_n = D + 2 * DE + DU
    Wn = jax.random.normal(ks[8], (din_n, D), jnp.float32) * 0.05
    bn = jnp.zeros((D,), jnp.float32)
    din_g = D + DU
    Wg = jax.random.normal(ks[9], (din_g, DU), jnp.float32) * 0.05
    bg = jnp.zeros((DU,), jnp.float32)
    return {"x": x, "edge_index_0": edge_index_0, "edge_index_1": edge_index_1,
            "edge_attr_0": edge_attr_0, "edge_attr_1": edge_attr_1, "u": u, "batch": batch,
            "We0": We0, "be0": be0, "We1": We1, "be1": be1,
            "Wn": Wn, "bn": bn, "Wg": Wg, "bg": bg}


def _edge_model(x, ei, ea, u, batch, W, b):
    row = ei[0]
    col = ei[1]
    inp = jnp.concatenate([x[row], x[col], ea, u[batch[row]]], axis=1)
    return jax.nn.relu(inp @ W + b)


def reference(x, edge_index_0, edge_index_1, edge_attr_0, edge_attr_1, u, batch,
              We0, be0, We1, be1, Wn, bn, Wg, bg):
    # edge models (one per edge type of the multigraph)
    e0 = _edge_model(x, edge_index_0, edge_attr_0, u, batch, We0, be0)
    e1 = _edge_model(x, edge_index_1, edge_attr_1, u, batch, We1, be1)
    # node model: scatter-add aggregation per edge type at dst node, then linear update
    agg0 = jax.ops.segment_sum(e0, edge_index_0[1], num_segments=N)
    agg1 = jax.ops.segment_sum(e1, edge_index_1[1], num_segments=N)
    node_inp = jnp.concatenate([x, agg0, agg1, u[batch]], axis=1)
    x_new = node_inp @ Wn + bn
    # global model: per-graph mean pool of updated nodes + current globals
    cnt = jax.ops.segment_sum(jnp.ones((N, 1), jnp.float32), batch, num_segments=1)
    node_mean = jax.ops.segment_sum(x_new, batch, num_segments=1) / jnp.maximum(cnt, 1.0)
    u_new = jnp.concatenate([node_mean, u], axis=1) @ Wg + bg
    return (x_new, e0, e1, u_new)

if __name__ == "__main__":
    import jax
    _d = setup_inputs()
    print(jax.jit(kernel)(*tuple(_d.values())))

</pallas_src>

<mosaic_0001>
#map = affine_map<(d0, d1) -> (0, 0)>
#map1 = affine_map<(d0, d1) -> (0)>
#map2 = affine_map<(d0, d1) -> (0, 0, 0)>
module attributes {stable_mosaic.version = 14 : i64} {
  func.func @_sc_body(%arg0: i32, %arg1: i32, %arg2: memref<10000x128xf32, #tpu.memory_space<hbm>>, %arg3: memref<40000x128xf32, #tpu.memory_space<hbm>>, %arg4: memref<40000x128xf32, #tpu.memory_space<hbm>>, %arg5: memref<320000xi32, #tpu.memory_space<hbm>>, %arg6: memref<320000xi32, #tpu.memory_space<hbm>>, %arg7: memref<320000xi32, #tpu.memory_space<hbm>>, %arg8: memref<320000xi32, #tpu.memory_space<hbm>>, %arg9: memref<40000x128xf32, #tpu.memory_space<hbm>>, %arg10: memref<40000x128xf32, #tpu.memory_space<hbm>>, %arg11: memref<2x10000x16xf32, #tpu.memory_space<hbm>>, %arg12: memref<2x10000x16xf32, #tpu.memory_space<hbm>>, %arg13: memref<160x128xf32, #tpu.memory_space<vmem>>, %arg14: memref<400xi32, #tpu.memory_space<vmem>>, %arg15: memref<400xi32, #tpu.memory_space<vmem>>, %arg16: memref<400x16xf32, #tpu.memory_space<vmem>>, %arg17: memref<400x16xf32, #tpu.memory_space<vmem>>, %arg18: memref<50x128xf32, #tpu.memory_space<vmem>>, %arg19: memref<50x128xf32, #tpu.memory_space<vmem>>, %arg20: memref<640x16xf32, #tpu.memory_space<vmem>>, %arg21: memref<10000x16xf32, #tpu.memory_space<vmem_shared>>, %arg22: memref<10000x16xf32, #tpu.memory_space<vmem_shared>>, %arg23: memref<10000x16xf32, #tpu.memory_space<vmem_shared>>, %arg24: memref<!tpu.dma_semaphore, #tpu.memory_space<semaphore_mem>>, %arg25: memref<!tpu.dma_semaphore, #tpu.memory_space<semaphore_mem>>) attributes {dimension_semantics = [#tpu.dimension_semantics<core_parallel>, #tpu.dimension_semantics<subcore_parallel>], iteration_bounds = array<i64: 2, 16>, scalar_prefetch = 0 : i64, scratch_operands = 13 : i64, tpu.core_type = #tpu.core_type<sc_vector_subcore>, window_params = [{transform_indices = #map}, {transform_indices = #map}, {transform_indices = #map}, {transform_indices = #map1}, {transform_indices = #map1}, {transform_indices = #map1}, {transform_indices = #map1}, {transform_indices = #map}, {transform_indices = #map}, {transform_indices = #map2}, {transform_indices = #map2}]} {
    %mul3A = arith.constant 16 : i32
    %mul3A_0 = arith.muli %arg0, %mul3A : i32
    %add3A = arith.addi %mul3A_0, %arg1 : i32
    %mul3A_1 = arith.constant 624 : i32
    %mul3A_2 = arith.muli %arg1, %mul3A_1 : i32
    %eq3A = arith.constant 15 : i32
    %eq3A_3 = arith.cmpi eq, %arg1, %eq3A : i32
    %broadcast_in_dim3A = arith.constant 0.000000e+00 : f32
    %broadcast_in_dim3A_4 = vector.broadcast %broadcast_in_dim3A : f32 to vector<16xf32>
    %scan3A = arith.constant 0 : i32
    %scan3A_5 = arith.constant 0 : i32
    %scan3A_6 = arith.constant 640 : i32
    %scan3A_7 = arith.addi %scan3A_5, %scan3A_6 : i32
    %scan3A_8 = arith.constant 1 : i32
    scf.for %scan3A_85 = %scan3A_5 to %scan3A_7 step %scan3A_8  : i32 {
      %swap3A = arith.index_cast %scan3A_85 : i32 to index
      %swap3A_86 = arith.constant 0 : index
      %swap3A_87 = tpu.vector_load %arg20[%swap3A, %swap3A_86] {strides = array<i32>} : memref<640x16xf32, #tpu.memory_space<vmem>>, vector<1x16xf32>,
      %swap3A_88 = vector.shape_cast %swap3A_87 : vector<1x16xf32> to vector<16xf32>
      %swap3A_89 = vector.shape_cast %broadcast_in_dim3A_4 : vector<16xf32> to vector<1x16xf32>
      tpu.vector_store %arg20[%swap3A, %swap3A_86], %swap3A_89 {strides = array<i32>} : memref<640x16xf32, #tpu.memory_space<vmem>>, vector<1x16xf32>,
    }
    %scan3A_9 = arith.constant 640 : i32
    %convert_element_type3A = arith.extui %eq3A_3 : i1 to i32
    %cond3A = arith.constant 0 : i32
    %cond3A_10 = arith.cmpi ne, %convert_element_type3A, %cond3A : i32
    scf.if %cond3A_10 {
      "tpu.region"() ({
        %run_scoped3A = tpu.sem_alloc : memref<!tpu.dma_semaphore, #tpu.memory_space<semaphore_mem>>
        %dma_start3A = arith.constant 0 : i32
        %dma_start3A_85 = tpu.memref_slice %arg23[%mul3A_2, %dma_start3A] : memref<10000x16xf32, #tpu.memory_space<vmem_shared>> -> memref<640x16xf32, #tpu.memory_space<vmem_shared>>
        %dma_start3A_86 = arith.constant 0 : i32
        %dma_start3A_87 = tpu.memref_slice %arg23[%mul3A_2, %dma_start3A_86] : memref<10000x16xf32, #tpu.memory_space<vmem_shared>> -> memref<640x16xf32, #tpu.memory_space<vmem_shared>>
        tpu.enqueue_dma source(%arg20 : memref<640x16xf32, #tpu.memory_space<vmem>>) target(%dma_start3A_87 : memref<640x16xf32, #tpu.memory_space<vmem_shared>>) target_semaphore(%run_scoped3A : memref<!tpu.dma_semaphore, #tpu.memory_space<semaphore_mem>>)
        %dma_wait3A = arith.constant 0 : i32
        %dma_wait3A_88 = tpu.memref_slice %arg23[%mul3A_2, %dma_wait3A] : memref<10000x16xf32, #tpu.memory_space<vmem_shared>> -> memref<640x16xf32, #tpu.memory_space<vmem_shared>>
        %dma_wait3A_89 = arith.constant 0 : i32
        %dma_wait3A_90 = tpu.memref_slice %arg23[%mul3A_2, %dma_wait3A_89] : memref<10000x16xf32, #tpu.memory_space<vmem_shared>> -> memref<640x16xf32, #tpu.memory_space<vmem_shared>>
        tpu.wait_dma2 semaphore(%run_scoped3A : memref<!tpu.dma_semaphore, #tpu.memory_space<semaphore_mem>>) src(%arg20 : memref<640x16xf32, #tpu.memory_space<vmem>>) dst(%dma_wait3A_90 : memref<640x16xf32, #tpu.memory_space<vmem_shared>>)
        tpu.yield
      }) : () -> ()
    } else {
    }
    %not3A = arith.constant true
    %not3A_11 = arith.xori %eq3A_3, %not3A : i1
    %convert_element_type3A_12 = arith.extui %not3A_11 : i1 to i32
    %cond3A_13 = arith.constant 0 : i32
    %cond3A_14 = arith.cmpi ne, %convert_element_type3A_12, %cond3A_13 : i32
    scf.if %cond3A_14 {
      "tpu.region"() ({
        %run_scoped3A = tpu.sem_alloc : memref<!tpu.dma_semaphore, #tpu.memory_space<semaphore_mem>>
        %dma_start3A = arith.constant 0 : i32
        %dma_start3A_85 = arith.constant 0 : i32
        %dma_start3A_86 = tpu.memref_slice %arg20[%dma_start3A, %dma_start3A_85] : memref<640x16xf32, #tpu.memory_space<vmem>> -> memref<624x16xf32, #tpu.memory_space<vmem>>
        %dma_start3A_87 = arith.constant 0 : i32
        %dma_start3A_88 = tpu.memref_slice %arg23[%mul3A_2, %dma_start3A_87] : memref<10000x16xf32, #tpu.memory_space<vmem_shared>> -> memref<624x16xf32, #tpu.memory_space<vmem_shared>>
        %dma_start3A_89 = arith.constant 0 : i32
        %dma_start3A_90 = tpu.memref_slice %arg23[%mul3A_2, %dma_start3A_89] : memref<10000x16xf32, #tpu.memory_space<vmem_shared>> -> memref<624x16xf32, #tpu.memory_space<vmem_shared>>
        %dma_start3A_91 = arith.constant 0 : i32
        %dma_start3A_92 = arith.constant 0 : i32
        %dma_start3A_93 = tpu.memref_slice %arg20[%dma_start3A_91, %dma_start3A_92] : memref<640x16xf32, #tpu.memory_space<vmem>> -> memref<624x16xf32, #tpu.memory_space<vmem>>
        tpu.enqueue_dma source(%dma_start3A_93 : memref<624x16xf32, #tpu.memory_space<vmem>>) target(%dma_start3A_90 : memref<624x16xf32, #tpu.memory_space<vmem_shared>>) target_semaphore(%run_scoped3A : memref<!tpu.dma_semaphore, #tpu.memory_space<semaphore_mem>>)
        %dma_wait3A = arith.constant 0 : i32
        %dma_wait3A_94 = arith.constant 0 : i32
        %dma_wait3A_95 = tpu.memref_slice %arg20[%dma_wait3A, %dma_wait3A_94] : memref<640x16xf32, #tpu.memory_space<vmem>> -> memref<624x16xf32, #tpu.memory_space<vmem>>
        %dma_wait3A_96 = arith.constant 0 : i32
        %dma_wait3A_97 = tpu.memref_slice %arg23[%mul3A_2, %dma_wait3A_96] : memref<10000x16xf32, #tpu.memory_space<vmem_shared>> -> memref<624x16xf32, #tpu.memory_space<vmem_shared>>
        %dma_wait3A_98 = arith.constant 0 : i32
        %dma_wait3A_99 = tpu.memref_slice %arg23[%mul3A_2, %dma_wait3A_98] : memref<10000x16xf32, #tpu.memory_space<vmem_shared>> -> memref<624x16xf32, #tpu.memory_space<vmem_shared>>
        %dma_wait3A_100 = arith.constant 0 : i32
        %dma_wait3A_101 = arith.constant 0 : i32
        %dma_wait3A_102 = tpu.memref_slice %arg20[%dma_wait3A_100, %dma_wait3A_101] : memref<640x16xf32, #tpu.memory_space<vmem>> -> memref<624x16xf32, #tpu.memory_space<vmem>>
        tpu.wait_dma2 semaphore(%run_scoped3A : memref<!tpu.dma_semaphore, #tpu.memory_space<semaphore_mem>>) src(%dma_wait3A_102 : memref<624x16xf32, #tpu.memory_space<vmem>>) dst(%dma_wait3A_99 : memref<624x16xf32, #tpu.memory_space<vmem_shared>>)
        tpu.yield
      }) : () -> ()
    } else {
    }
    %convert_element_type3A_15 = arith.extui %eq3A_3 : i1 to i32
    %cond3A_16 = arith.constant 0 : i32
    %cond3A_17 = arith.cmpi ne, %convert_element_type3A_15, %cond3A_16 : i32
    scf.if %cond3A_17 {
      %add3A_85 = arith.constant 0 : i32
      %add3A_86 = arith.addi %mul3A_2, %add3A_85 : i32
      "tpu.region"() ({
        %run_scoped3A = tpu.sem_alloc : memref<!tpu.dma_semaphore, #tpu.memory_space<semaphore_mem>>
        %dma_start3A = arith.constant 0 : i32
        %dma_start3A_141 = arith.constant 0 : i32
        %dma_start3A_142 = tpu.memref_slice %arg13[%dma_start3A, %dma_start3A_141] : memref<160x128xf32, #tpu.memory_space<vmem>> -> memref<160x128xf32, #tpu.memory_space<vmem>>
        %dma_start3A_143 = arith.constant 0 : i32
        %dma_start3A_144 = tpu.memref_slice %arg2[%add3A_86, %dma_start3A_143] : memref<10000x128xf32, #tpu.memory_space<hbm>> -> memref<160x128xf32, #tpu.memory_space<hbm>>
        %dma_start3A_145 = arith.constant 0 : i32
        %dma_start3A_146 = arith.constant 0 : i32
        %dma_start3A_147 = tpu.memref_slice %arg13[%dma_start3A_145, %dma_start3A_146] : memref<160x128xf32, #tpu.memory_space<vmem>> -> memref<160x128xf32, #tpu.memory_space<vmem>>
        %dma_start3A_148 = arith.constant 0 : i32
        %dma_start3A_149 = tpu.memref_slice %arg2[%add3A_86, %dma_start3A_148] : memref<10000x128xf32, #tpu.memory_space<hbm>> -> memref<160x128xf32, #tpu.memory_space<hbm>>
        tpu.enqueue_dma source(%dma_start3A_149 : memref<160x128xf32, #tpu.memory_space<hbm>>) target(%dma_start3A_147 : memref<160x128xf32, #tpu.memory_space<vmem>>) target_semaphore(%run_scoped3A : memref<!tpu.dma_semaphore, #tpu.memory_space<semaphore_mem>>)
        %dma_wait3A = arith.constant 0 : i32
        %dma_wait3A_150 = arith.constant 0 : i32
        %dma_wait3A_151 = tpu.memref_slice %arg13[%dma_wait3A, %dma_wait3A_150] : memref<160x128xf32, #tpu.memory_space<vmem>> -> memref<160x128xf32, #tpu.memory_space<vmem>>
        %dma_wait3A_152 = arith.constant 0 : i32
        %dma_wait3A_153 = tpu.memref_slice %arg2[%add3A_86, %dma_wait3A_152] : memref<10000x128xf32, #tpu.memory_space<hbm>> -> memref<160x128xf32, #tpu.memory_space<hbm>>
        %dma_wait3A_154 = arith.constant 0 : i32
        %dma_wait3A_155 = arith.constant 0 : i32
        %dma_wait3A_156 = tpu.memref_slice %arg13[%dma_wait3A_154, %dma_wait3A_155] : memref<160x128xf32, #tpu.memory_space<vmem>> -> memref<160x128xf32, #tpu.memory_space<vmem>>
        %dma_wait3A_157 = arith.constant 0 : i32
        %dma_wait3A_158 = tpu.memref_slice %arg2[%add3A_86, %dma_wait3A_157] : memref<10000x128xf32, #tpu.memory_space<hbm>> -> memref<160x128xf32, #tpu.memory_space<hbm>>
        tpu.wait_dma2 semaphore(%run_scoped3A : memref<!tpu.dma_semaphore, #tpu.memory_space<semaphore_mem>>) src(%dma_wait3A_158 : memref<160x128xf32, #tpu.memory_space<hbm>>) dst(%dma_wait3A_156 : memref<160x128xf32, #tpu.memory_space<vmem>>)
        tpu.yield
      }) : () -> ()
      %scan3A_87 = arith.constant 0 : i32
      %scan3A_88 = arith.constant 0 : i32
      %scan3A_89 = arith.constant 160 : i32
      %scan3A_90 = arith.addi %scan3A_88, %scan3A_89 : i32
      %scan3A_91 = arith.constant 1 : i32
      scf.for %scan3A_141 = %scan3A_88 to %scan3A_90 step %scan3A_91  : i32 {
        %get3A = arith.index_cast %scan3A_141 : i32 to index
        %get3A_142 = arith.constant 0 : index
        %get3A_143 = tpu.vector_load %arg13[%get3A, %get3A_142] {strides = array<i32>} : memref<160x128xf32, #tpu.memory_space<vmem>>, vector<1x16xf32>,
        %get3A_144 = vector.shape_cast %get3A_143 : vector<1x16xf32> to vector<16xf32>
        %swap3A = arith.index_cast %scan3A_141 : i32 to index
        %swap3A_145 = arith.constant 0 : index
        %swap3A_146 = tpu.vector_load %arg20[%swap3A, %swap3A_145] {strides = array<i32>} : memref<640x16xf32, #tpu.memory_space<vmem>>, vector<1x16xf32>,
        %swap3A_147 = vector.shape_cast %swap3A_146 : vector<1x16xf32> to vector<16xf32>
        %swap3A_148 = vector.shape_cast %get3A_144 : vector<16xf32> to vector<1x16xf32>
        tpu.vector_store %arg20[%swap3A, %swap3A_145], %swap3A_148 {strides = array<i32>} : memref<640x16xf32, #tpu.memory_space<vmem>>, vector<1x16xf32>,
      }
      %scan3A_92 = arith.constant 160 : i32
      "tpu.region"() ({
        %run_scoped3A = tpu.sem_alloc : memref<!tpu.dma_semaphore, #tpu.memory_space<semaphore_mem>>
        %dma_start3A = arith.constant 0 : i32
        %dma_start3A_141 = arith.constant 0 : i32
        %dma_start3A_142 = tpu.memref_slice %arg20[%dma_start3A, %dma_start3A_141] : memref<640x16xf32, #tpu.memory_space<vmem>> -> memref<160x16xf32, #tpu.memory_space<vmem>>
        %dma_start3A_143 = arith.constant 0 : i32
        %dma_start3A_144 = tpu.memref_slice %arg21[%add3A_86, %dma_start3A_143] : memref<10000x16xf32, #tpu.memory_space<vmem_shared>> -> memref<160x16xf32, #tpu.memory_space<vmem_shared>>
        %dma_start3A_145 = arith.constant 0 : i32
        %dma_start3A_146 = tpu.memref_slice %arg21[%add3A_86, %dma_start3A_145] : memref<10000x16xf32, #tpu.memory_space<vmem_shared>> -> memref<160x16xf32, #tpu.memory_space<vmem_shared>>
        %dma_start3A_147 = arith.constant 0 : i32
        %dma_start3A_148 = arith.constant 0 : i32
        %dma_start3A_149 = tpu.memref_slice %arg20[%dma_start3A_147, %dma_start3A_148] : memref<640x16xf32, #tpu.memory_space<vmem>> -> memref<160x16xf32, #tpu.memory_space<vmem>>
        tpu.enqueue_dma source(%dma_start3A_149 : memref<160x16xf32, #tpu.memory_space<vmem>>) target(%dma_start3A_146 : memref<160x16xf32, #tpu.memory_space<vmem_shared>>) target_semaphore(%run_scoped3A : memref<!tpu.dma_semaphore, #tpu.memory_space<semaphore_mem>>)
        %dma_wait3A = arith.constant 0 : i32
        %dma_wait3A_150 = arith.constant 0 : i32
        %dma_wait3A_151 = tpu.memref_slice %arg20[%dma_wait3A, %dma_wait3A_150] : memref<640x16xf32, #tpu.memory_space<vmem>> -> memref<160x16xf32, #tpu.memory_space<vmem>>
        %dma_wait3A_152 = arith.constant 0 : i32
        %dma_wait3A_153 = tpu.memref_slice %arg21[%add3A_86, %dma_wait3A_152] : memref<10000x16xf32, #tpu.memory_space<vmem_shared>> -> memref<160x16xf32, #tpu.memory_space<vmem_shared>>
        %dma_wait3A_154 = arith.constant 0 : i32
        %dma_wait3A_155 = tpu.memref_slice %arg21[%add3A_86, %dma_wait3A_154] : memref<10000x16xf32, #tpu.memory_space<vmem_shared>> -> memref<160x16xf32, #tpu.memory_space<vmem_shared>>
        %dma_wait3A_156 = arith.constant 0 : i32
        %dma_wait3A_157 = arith.constant 0 : i32
        %dma_wait3A_158 = tpu.memref_slice %arg20[%dma_wait3A_156, %dma_wait3A_157] : memref<640x16xf32, #tpu.memory_space<vmem>> -> memref<160x16xf32, #tpu.memory_space<vmem>>
        tpu.wait_dma2 semaphore(%run_scoped3A : memref<!tpu.dma_semaphore, #tpu.memory_space<semaphore_mem>>) src(%dma_wait3A_158 : memref<160x16xf32, #tpu.memory_space<vmem>>) dst(%dma_wait3A_155 : memref<160x16xf32, #tpu.memory_space<vmem_shared>>)
        tpu.yield
      }) : () -> ()
      %scan3A_93 = arith.constant 0 : i32
      %scan3A_94 = arith.constant 0 : i32
      %scan3A_95 = arith.constant 160 : i32
      %scan3A_96 = arith.addi %scan3A_94, %scan3A_95 : i32
      %scan3A_97 = arith.constant 1 : i32
      scf.for %scan3A_141 = %scan3A_94 to %scan3A_96 step %scan3A_97  : i32 {
        %get3A = arith.index_cast %scan3A_141 : i32 to index
        %get3A_142 = arith.constant 16 : index
        %get3A_143 = tpu.vector_load %arg13[%get3A, %get3A_142] {strides = array<i32>} : memref<160x128xf32, #tpu.memory_space<vmem>>, vector<1x16xf32>,
        %get3A_144 = vector.shape_cast %get3A_143 : vector<1x16xf32> to vector<16xf32>
        %swap3A = arith.index_cast %scan3A_141 : i32 to index
        %swap3A_145 = arith.constant 0 : index
        %swap3A_146 = tpu.vector_load %arg20[%swap3A, %swap3A_145] {strides = array<i32>} : memref<640x16xf32, #tpu.memory_space<vmem>>, vector<1x16xf32>,
        %swap3A_147 = vector.shape_cast %swap3A_146 : vector<1x16xf32> to vector<16xf32>
        %swap3A_148 = vector.shape_cast %get3A_144 : vector<16xf32> to vector<1x16xf32>
        tpu.vector_store %arg20[%swap3A, %swap3A_145], %swap3A_148 {strides = array<i32>} : memref<640x16xf32, #tpu.memory_space<vmem>>, vector<1x16xf32>,
      }
      %scan3A_98 = arith.constant 160 : i32
      "tpu.region"() ({
        %run_scoped3A = tpu.sem_alloc : memref<!tpu.dma_semaphore, #tpu.memory_space<semaphore_mem>>
        %dma_start3A = arith.constant 0 : i32
        %dma_start3A_141 = arith.constant 0 : i32
        %dma_start3A_142 = tpu.memref_slice %arg20[%dma_start3A, %dma_start3A_141] : memref<640x16xf32, #tpu.memory_space<vmem>> -> memref<160x16xf32, #tpu.memory_space<vmem>>
        %dma_start3A_143 = arith.constant 0 : i32
        %dma_start3A_144 = tpu.memref_slice %arg22[%add3A_86, %dma_start3A_143] : memref<10000x16xf32, #tpu.memory_space<vmem_shared>> -> memref<160x16xf32, #tpu.memory_space<vmem_shared>>
        %dma_start3A_145 = arith.constant 0 : i32
        %dma_start3A_146 = tpu.memref_slice %arg22[%add3A_86, %dma_start3A_145] : memref<10000x16xf32, #tpu.memory_space<vmem_shared>> -> memref<160x16xf32, #tpu.memory_space<vmem_shared>>
        %dma_start3A_147 = arith.constant 0 : i32
        %dma_start3A_148 = arith.constant 0 : i32
        %dma_start3A_149 = tpu.memref_slice %arg20[%dma_start3A_147, %dma_start3A_148] : memref<640x16xf32, #tpu.memory_space<vmem>> -> memref<160x16xf32, #tpu.memory_space<vmem>>
        tpu.enqueue_dma source(%dma_start3A_149 : memref<160x16xf32, #tpu.memory_space<vmem>>) target(%dma_start3A_146 : memref<160x16xf32, #tpu.memory_space<vmem_shared>>) target_semaphore(%run_scoped3A : memref<!tpu.dma_semaphore, #tpu.memory_space<semaphore_mem>>)
        %dma_wait3A = arith.constant 0 : i32
        %dma_wait3A_150 = arith.constant 0 : i32
        %dma_wait3A_151 = tpu.memref_slice %arg20[%dma_wait3A, %dma_wait3A_150] : memref<640x16xf32, #tpu.memory_space<vmem>> -> memref<160x16xf32, #tpu.memory_space<vmem>>
        %dma_wait3A_152 = arith.constant 0 : i32
        %dma_wait3A_153 = tpu.memref_slice %arg22[%add3A_86, %dma_wait3A_152] : memref<10000x16xf32, #tpu.memory_space<vmem_shared>> -> memref<160x16xf32, #tpu.memory_space<vmem_shared>>
        %dma_wait3A_154 = arith.constant 0 : i32
        %dma_wait3A_155 = tpu.memref_slice %arg22[%add3A_86, %dma_wait3A_154] : memref<10000x16xf32, #tpu.memory_space<vmem_shared>> -> memref<160x16xf32, #tpu.memory_space<vmem_shared>>
        %dma_wait3A_156 = arith.constant 0 : i32
        %dma_wait3A_157 = arith.constant 0 : i32
        %dma_wait3A_158 = tpu.memref_slice %arg20[%dma_wait3A_156, %dma_wait3A_157] : memref<640x16xf32, #tpu.memory_space<vmem>> -> memref<160x16xf32, #tpu.memory_space<vmem>>
        tpu.wait_dma2 semaphore(%run_scoped3A : memref<!tpu.dma_semaphore, #tpu.memory_space<semaphore_mem>>) src(%dma_wait3A_158 : memref<160x16xf32, #tpu.memory_space<vmem>>) dst(%dma_wait3A_155 : memref<160x16xf32, #tpu.memory_space<vmem_shared>>)
        tpu.yield
      }) : () -> ()
      %add3A_99 = arith.constant 160 : i32
      %add3A_100 = arith.addi %mul3A_2, %add3A_99 : i32
      "tpu.region"() ({
        %run_scoped3A = tpu.sem_alloc : memref<!tpu.dma_semaphore, #tpu.memory_space<semaphore_mem>>
        %dma_start3A = arith.constant 0 : i32
        %dma_start3A_141 = arith.constant 0 : i32
        %dma_start3A_142 = tpu.memref_slice %arg13[%dma_start3A, %dma_start3A_141] : memref<160x128xf32, #tpu.memory_space<vmem>> -> memref<160x128xf32, #tpu.memory_space<vmem>>
        %dma_start3A_143 = arith.constant 0 : i32
        %dma_start3A_144 = tpu.memref_slice %arg2[%add3A_100, %dma_start3A_143] : memref<10000x128xf32, #tpu.memory_space<hbm>> -> memref<160x128xf32, #tpu.memory_space<hbm>>
        %dma_start3A_145 = arith.constant 0 : i32
        %dma_start3A_146 = arith.constant 0 : i32
        %dma_start3A_147 = tpu.memref_slice %arg13[%dma_start3A_145, %dma_start3A_146] : memref<160x128xf32, #tpu.memory_space<vmem>> -> memref<160x128xf32, #tpu.memory_space<vmem>>
        %dma_start3A_148 = arith.constant 0 : i32
        %dma_start3A_149 = tpu.memref_slice %arg2[%add3A_100, %dma_start3A_148] : memref<10000x128xf32, #tpu.memory_space<hbm>> -> memref<160x128xf32, #tpu.memory_space<hbm>>
        tpu.enqueue_dma source(%dma_start3A_149 : memref<160x128xf32, #tpu.memory_space<hbm>>) target(%dma_start3A_147 : memref<160x128xf32, #tpu.memory_space<vmem>>) target_semaphore(%run_scoped3A : memref<!tpu.dma_semaphore, #tpu.memory_space<semaphore_mem>>)
        %dma_wait3A = arith.constant 0 : i32
        %dma_wait3A_150 = arith.constant 0 : i32
        %dma_wait3A_151 = tpu.memref_slice %arg13[%dma_wait3A, %dma_wait3A_150] : memref<160x128xf32, #tpu.memory_space<vmem>> -> memref<160x128xf32, #tpu.memory_space<vmem>>
        %dma_wait3A_152 = arith.constant 0 : i32
        %dma_wait3A_153 = tpu.memref_slice %arg2[%add3A_100, %dma_wait3A_152] : memref<10000x128xf32, #tpu.memory_space<hbm>> -> memref<160x128xf32, #tpu.memory_space<hbm>>
        %dma_wait3A_154 = arith.constant 0 : i32
        %dma_wait3A_155 = arith.constant 0 : i32
        %dma_wait3A_156 = tpu.memref_slice %arg13[%dma_wait3A_154, %dma_wait3A_155] : memref<160x128xf32, #tpu.memory_space<vmem>> -> memref<160x128xf32, #tpu.memory_space<vmem>>
        %dma_wait3A_157 = arith.constant 0 : i32
        %dma_wait3A_158 = tpu.memref_slice %arg2[%add3A_100, %dma_wait3A_157] : memref<10000x128xf32, #tpu.memory_space<hbm>> -> memref<160x128xf32, #tpu.memory_space<hbm>>
        tpu.wait_dma2 semaphore(%run_scoped3A : memref<!tpu.dma_semaphore, #tpu.memory_space<semaphore_mem>>) src(%dma_wait3A_158 : memref<160x128xf32, #tpu.memory_space<hbm>>) dst(%dma_wait3A_156 : memref<160x128xf32, #tpu.memory_space<vmem>>)
        tpu.yield
      }) : () -> ()
      %scan3A_101 = arith.constant 0 : i32
      %scan3A_102 = arith.constant 0 : i32
      %scan3A_103 = arith.constant 160 : i32
      %scan3A_104 = arith.addi %scan3A_102, %scan3A_103 : i32
      %scan3A_105 = arith.constant 1 : i32
      scf.for %scan3A_141 = %scan3A_102 to %scan3A_104 step %scan3A_105  : i32 {
        %get3A = arith.index_cast %scan3A_141 : i32 to index
        %get3A_142 = arith.constant 0 : index
        %get3A_143 = tpu.vector_load %arg13[%get3A, %get3A_142] {strides = array<i32>} : memref<160x128xf32, #tpu.memory_space<vmem>>, vector<1x16xf32>,
        %get3A_144 = vector.shape_cast %get3A_143 : vector<1x16xf32> to vector<16xf32>
        %swap3A = arith.index_cast %scan3A_141 : i32 to index
        %swap3A_145 = arith.constant 0 : index
        %swap3A_146 = tpu.vector_load %arg20[%swap3A, %swap3A_145] {strides = array<i32>} : memref<640x16xf32, #tpu.memory_space<vmem>>, vector<1x16xf32>,
        %swap3A_147 = vector.shape_cast %swap3A_146 : vector<1x16xf32> to vector<16xf32>
        %swap3A_148 = vector.shape_cast %get3A_144 : vector<16xf32> to vector<1x16xf32>
        tpu.vector_store %arg20[%swap3A, %swap3A_145], %swap3A_148 {strides = array<i32>} : memref<640x16xf32, #tpu.memory_space<vmem>>, vector<1x16xf32>,
      }
      %scan3A_106 = arith.constant 160 : i32
      "tpu.region"() ({
        %run_scoped3A = tpu.sem_alloc : memref<!tpu.dma_semaphore, #tpu.memory_space<semaphore_mem>>
        %dma_start3A = arith.constant 0 : i32
        %dma_start3A_141 = arith.constant 0 : i32
        %dma_start3A_142 = tpu.memref_slice %arg20[%dma_start3A, %dma_start3A_141] : memref<640x16xf32, #tpu.memory_space<vmem>> -> memref<160x16xf32, #tpu.memory_space<vmem>>
        %dma_start3A_143 = arith.constant 0 : i32
        %dma_start3A_144 = tpu.memref_slice %arg21[%add3A_100, %dma_start3A_143] : memref<10000x16xf32, #tpu.memory_space<vmem_shared>> -> memref<160x16xf32, #tpu.memory_space<vmem_shared>>
        %dma_start3A_145 = arith.constant 0 : i32
        %dma_start3A_146 = tpu.memref_slice %arg21[%add3A_100, %dma_start3A_145] : memref<10000x16xf32, #tpu.memory_space<vmem_shared>> -> memref<160x16xf32, #tpu.memory_space<vmem_shared>>
        %dma_start3A_147 = arith.constant 0 : i32
        %dma_start3A_148 = arith.constant 0 : i32
        %dma_start3A_149 = tpu.memref_slice %arg20[%dma_start3A_147, %dma_start3A_148] : memref<640x16xf32, #tpu.memory_space<vmem>> -> memref<160x16xf32, #tpu.memory_space<vmem>>
        tpu.enqueue_dma source(%dma_start3A_149 : memref<160x16xf32, #tpu.memory_space<vmem>>) target(%dma_start3A_146 : memref<160x16xf32, #tpu.memory_space<vmem_shared>>) target_semaphore(%run_scoped3A : memref<!tpu.dma_semaphore, #tpu.memory_space<semaphore_mem>>)
        %dma_wait3A = arith.constant 0 : i32
        %dma_wait3A_150 = arith.constant 0 : i32
        %dma_wait3A_151 = tpu.memref_slice %arg20[%dma_wait3A, %dma_wait3A_150] : memref<640x16xf32, #tpu.memory_space<vmem>> -> memref<160x16xf32, #tpu.memory_space<vmem>>
        %dma_wait3A_152 = arith.constant 0 : i32
        %dma_wait3A_153 = tpu.memref_slice %arg21[%add3A_100, %dma_wait3A_152] : memref<10000x16xf32, #tpu.memory_space<vmem_shared>> -> memref<160x16xf32, #tpu.memory_space<vmem_shared>>
        %dma_wait3A_154 = arith.constant 0 : i32
        %dma_wait3A_155 = tpu.memref_slice %arg21[%add3A_100, %dma_wait3A_154] : memref<10000x16xf32, #tpu.memory_space<vmem_shared>> -> memref<160x16xf32, #tpu.memory_space<vmem_shared>>
        %dma_wait3A_156 = arith.constant 0 : i32
        %dma_wait3A_157 = arith.constant 0 : i32
        %dma_wait3A_158 = tpu.memref_slice %arg20[%dma_wait3A_156, %dma_wait3A_157] : memref<640x16xf32, #tpu.memory_space<vmem>> -> memref<160x16xf32, #tpu.memory_space<vmem>>
        tpu.wait_dma2 semaphore(%run_scoped3A : memref<!tpu.dma_semaphore, #tpu.memory_space<semaphore_mem>>) src(%dma_wait3A_158 : memref<160x16xf32, #tpu.memory_space<vmem>>) dst(%dma_wait3A_155 : memref<160x16xf32, #tpu.memory_space<vmem_shared>>)
        tpu.yield
      }) : () -> ()
      %scan3A_107 = arith.constant 0 : i32
      %scan3A_108 = arith.constant 0 : i32
      %scan3A_109 = arith.constant 160 : i32
      %scan3A_110 = arith.addi %scan3A_108, %scan3A_109 : i32
      %scan3A_111 = arith.constant 1 : i32
      scf.for %scan3A_141 = %scan3A_108 to %scan3A_110 step %scan3A_111  : i32 {
        %get3A = arith.index_cast %scan3A_141 : i32 to index
        %get3A_142 = arith.constant 16 : index
        %get3A_143 = tpu.vector_load %arg13[%get3A, %get3A_142] {strides = array<i32>} : memref<160x128xf32, #tpu.memory_space<vmem>>, vector<1x16xf32>,
        %get3A_144 = vector.shape_cast %get3A_143 : vector<1x16xf32> to vector<16xf32>
        %swap3A = arith.index_cast %scan3A_141 : i32 to index
        %swap3A_145 = arith.constant 0 : index
        %swap3A_146 = tpu.vector_load %arg20[%swap3A, %swap3A_145] {strides = array<i32>} : memref<640x16xf32, #tpu.memory_space<vmem>>, vector<1x16xf32>,
        %swap3A_147 = vector.shape_cast %swap3A_146 : vector<1x16xf32> to vector<16xf32>
        %swap3A_148 = vector.shape_cast %get3A_144 : vector<16xf32> to vector<1x16xf32>
        tpu.vector_store %arg20[%swap3A, %swap3A_145], %swap3A_148 {strides = array<i32>} : memref<640x16xf32, #tpu.memory_space<vmem>>, vector<1x16xf32>,
      }
      %scan3A_112 = arith.constant 160 : i32
      "tpu.region"() ({
        %run_scoped3A = tpu.sem_alloc : memref<!tpu.dma_semaphore, #tpu.memory_space<semaphore_mem>>
        %dma_start3A = arith.constant 0 : i32
        %dma_start3A_141 = arith.constant 0 : i32
        %dma_start3A_142 = tpu.memref_slice %arg20[%dma_start3A, %dma_start3A_141] : memref<640x16xf32, #tpu.memory_space<vmem>> -> memref<160x16xf32, #tpu.memory_space<vmem>>
        %dma_start3A_143 = arith.constant 0 : i32
        %dma_start3A_144 = tpu.memref_slice %arg22[%add3A_100, %dma_start3A_143] : memref<10000x16xf32, #tpu.memory_space<vmem_shared>> -> memref<160x16xf32, #tpu.memory_space<vmem_shared>>
        %dma_start3A_145 = arith.constant 0 : i32
        %dma_start3A_146 = tpu.memref_slice %arg22[%add3A_100, %dma_start3A_145] : memref<10000x16xf32, #tpu.memory_space<vmem_shared>> -> memref<160x16xf32, #tpu.memory_space<vmem_shared>>
        %dma_start3A_147 = arith.constant 0 : i32
        %dma_start3A_148 = arith.constant 0 : i32
        %dma_start3A_149 = tpu.memref_slice %arg20[%dma_start3A_147, %dma_start3A_148] : memref<640x16xf32, #tpu.memory_space<vmem>> -> memref<160x16xf32, #tpu.memory_space<vmem>>
        tpu.enqueue_dma source(%dma_start3A_149 : memref<160x16xf32, #tpu.memory_space<vmem>>) target(%dma_start3A_146 : memref<160x16xf32, #tpu.memory_space<vmem_shared>>) target_semaphore(%run_scoped3A : memref<!tpu.dma_semaphore, #tpu.memory_space<semaphore_mem>>)
        %dma_wait3A = arith.constant 0 : i32
        %dma_wait3A_150 = arith.constant 0 : i32
        %dma_wait3A_151 = tpu.memref_slice %arg20[%dma_wait3A, %dma_wait3A_150] : memref<640x16xf32, #tpu.memory_space<vmem>> -> memref<160x16xf32, #tpu.memory_space<vmem>>
        %dma_wait3A_152 = arith.constant 0 : i32
        %dma_wait3A_153 = tpu.memref_slice %arg22[%add3A_100, %dma_wait3A_152] : memref<10000x16xf32, #tpu.memory_space<vmem_shared>> -> memref<160x16xf32, #tpu.memory_space<vmem_shared>>
        %dma_wait3A_154 = arith.constant 0 : i32
        %dma_wait3A_155 = tpu.memref_slice %arg22[%add3A_100, %dma_wait3A_154] : memref<10000x16xf32, #tpu.memory_space<vmem_shared>> -> memref<160x16xf32, #tpu.memory_space<vmem_shared>>
        %dma_wait3A_156 = arith.constant 0 : i32
        %dma_wait3A_157 = arith.constant 0 : i32
        %dma_wait3A_158 = tpu.memref_slice %arg20[%dma_wait3A_156, %dma_wait3A_157] : memref<640x16xf32, #tpu.memory_space<vmem>> -> memref<160x16xf32, #tpu.memory_space<vmem>>
        tpu.wait_dma2 semaphore(%run_scoped3A : memref<!tpu.dma_semaphore, #tpu.memory_space<semaphore_mem>>) src(%dma_wait3A_158 : memref<160x16xf32, #tpu.memory_space<vmem>>) dst(%dma_wait3A_155 : memref<160x16xf32, #tpu.memory_space<vmem_shared>>)
        tpu.yield
      }) : () -> ()
      %add3A_113 = arith.constant 320 : i32
      %add3A_114 = arith.addi %mul3A_2, %add3A_113 : i32
      "tpu.region"() ({
        %run_scoped3A = tpu.sem_alloc : memref<!tpu.dma_semaphore, #tpu.memory_space<semaphore_mem>>
        %dma_start3A = arith.constant 0 : i32
        %dma_start3A_141 = arith.constant 0 : i32
        %dma_start3A_142 = tpu.memref_slice %arg13[%dma_start3A, %dma_start3A_141] : memref<160x128xf32, #tpu.memory_space<vmem>> -> memref<160x128xf32, #tpu.memory_space<vmem>>
        %dma_start3A_143 = arith.constant 0 : i32
        %dma_start3A_144 = tpu.memref_slice %arg2[%add3A_114, %dma_start3A_143] : memref<10000x128xf32, #tpu.memory_space<hbm>> -> memref<160x128xf32, #tpu.memory_space<hbm>>
        %dma_start3A_145 = arith.constant 0 : i32
        %dma_start3A_146 = arith.constant 0 : i32
        %dma_start3A_147 = tpu.memref_slice %arg13[%dma_start3A_145, %dma_start3A_146] : memref<160x128xf32, #tpu.memory_space<vmem>> -> memref<160x128xf32, #tpu.memory_space<vmem>>
        %dma_start3A_148 = arith.constant 0 : i32
        %dma_start3A_149 = tpu.memref_slice %arg2[%add3A_114, %dma_start3A_148] : memref<10000x128xf32, #tpu.memory_space<hbm>> -> memref<160x128xf32, #tpu.memory_space<hbm>>
        tpu.enqueue_dma source(%dma_start3A_149 : memref<160x128xf32, #tpu.memory_space<hbm>>) target(%dma_start3A_147 : memref<160x128xf32, #tpu.memory_space<vmem>>) target_semaphore(%run_scoped3A : memref<!tpu.dma_semaphore, #tpu.memory_space<semaphore_mem>>)
        %dma_wait3A = arith.constant 0 : i32
        %dma_wait3A_150 = arith.constant 0 : i32
        %dma_wait3A_151 = tpu.memref_slice %arg13[%dma_wait3A, %dma_wait3A_150] : memref<160x128xf32, #tpu.memory_space<vmem>> -> memref<160x128xf32, #tpu.memory_space<vmem>>
        %dma_wait3A_152 = arith.constant 0 : i32
        %dma_wait3A_153 = tpu.memref_slice %arg2[%add3A_114, %dma_wait3A_152] : memref<10000x128xf32, #tpu.memory_space<hbm>> -> memref<160x128xf32, #tpu.memory_space<hbm>>
        %dma_wait3A_154 = arith.constant 0 : i32
        %dma_wait3A_155 = arith.constant 0 : i32
        %dma_wait3A_156 = tpu.memref_slice %arg13[%dma_wait3A_154, %dma_wait3A_155] : memref<160x128xf32, #tpu.memory_space<vmem>> -> memref<160x128xf32, #tpu.memory_space<vmem>>
        %dma_wait3A_157 = arith.constant 0 : i32
        %dma_wait3A_158 = tpu.memref_slice %arg2[%add3A_114, %dma_wait3A_157] : memref<10000x128xf32, #tpu.memory_space<hbm>> -> memref<160x128xf32, #tpu.memory_space<hbm>>
        tpu.wait_dma2 semaphore(%run_scoped3A : memref<!tpu.dma_semaphore, #tpu.memory_space<semaphore_mem>>) src(%dma_wait3A_158 : memref<160x128xf32, #tpu.memory_space<hbm>>) dst(%dma_wait3A_156 : memref<160x128xf32, #tpu.memory_space<vmem>>)
        tpu.yield
      }) : () -> ()
      %scan3A_115 = arith.constant 0 : i32
      %scan3A_116 = arith.constant 0 : i32
      %scan3A_117 = arith.constant 160 : i32
      %scan3A_118 = arith.addi %scan3A_116, %scan3A_117 : i32
      %scan3A_119 = arith.constant 1 : i32
      scf.for %scan3A_141 = %scan3A_116 to %scan3A_118 step %scan3A_119  : i32 {
        %get3A = arith.index_cast %scan3A_141 : i32 to index
        %get3A_142 = arith.constant 0 : index
        %get3A_143 = tpu.vector_load %arg13[%get3A, %get3A_142] {strides = array<i32>} : memref<160x128xf32, #tpu.memory_space<vmem>>, vector<1x16xf32>,
        %get3A_144 = vector.shape_cast %get3A_143 : vector<1x16xf32> to vector<16xf32>
        %swap3A = arith.index_cast %scan3A_141 : i32 to index
        %swap3A_145 = arith.constant 0 : index
        %swap3A_146 = tpu.vector_load %arg20[%swap3A, %swap3A_145] {strides = array<i32>} : memref<640x16xf32, #tpu.memory_space<vmem>>, vector<1x16xf32>,
        %swap3A_147 = vector.shape_cast %swap3A_146 : vector<1x16xf32> to vector<16xf32>
        %swap3A_148 = vector.shape_cast %get3A_144 : vector<16xf32> to vector<1x16xf32>
        tpu.vector_store %arg20[%swap3A, %swap3A_145], %swap3A_148 {strides = array<i32>} : memref<640x16xf32, #tpu.memory_space<vmem>>, vector<1x16xf32>,
      }
      %scan3A_120 = arith.constant 160 : i32
      "tpu.region"() ({
        %run_scoped3A = tpu.sem_alloc : memref<!tpu.dma_semaphore, #tpu.memory_space<semaphore_mem>>
        %dma_start3A = arith.constant 0 : i32
        %dma_start3A_141 = arith.constant 0 : i32
        %dma_start3A_142 = tpu.memref_slice %arg20[%dma_start3A, %dma_start3A_141] : memref<640x16xf32, #tpu.memory_space<vmem>> -> memref<160x16xf32, #tpu.memory_space<vmem>>
        %dma_start3A_143 = arith.constant 0 : i32
        %dma_start3A_144 = tpu.memref_slice %arg21[%add3A_114, %dma_start3A_143] : memref<10000x16xf32, #tpu.memory_space<vmem_shared>> -> memref<160x16xf32, #tpu.memory_space<vmem_shared>>
        %dma_start3A_145 = arith.constant 0 : i32
        %dma_start3A_146 = tpu.memref_slice %arg21[%add3A_114, %dma_start3A_145] : memref<10000x16xf32, #tpu.memory_space<vmem_shared>> -> memref<160x16xf32, #tpu.memory_space<vmem_shared>>
        %dma_start3A_147 = arith.constant 0 : i32
        %dma_start3A_148 = arith.constant 0 : i32
        %dma_start3A_149 = tpu.memref_slice %arg20[%dma_start3A_147, %dma_start3A_148] : memref<640x16xf32, #tpu.memory_space<vmem>> -> memref<160x16xf32, #tpu.memory_space<vmem>>
        tpu.enqueue_dma source(%dma_start3A_149 : memref<160x16xf32, #tpu.memory_space<vmem>>) target(%dma_start3A_146 : memref<160x16xf32, #tpu.memory_space<vmem_shared>>) target_semaphore(%run_scoped3A : memref<!tpu.dma_semaphore, #tpu.memory_space<semaphore_mem>>)
        %dma_wait3A = arith.constant 0 : i32
        %dma_wait3A_150 = arith.constant 0 : i32
        %dma_wait3A_151 = tpu.memref_slice %arg20[%dma_wait3A, %dma_wait3A_150] : memref<640x16xf32, #tpu.memory_space<vmem>> -> memref<160x16xf32, #tpu.memory_space<vmem>>
        %dma_wait3A_152 = arith.constant 0 : i32
        %dma_wait3A_153 = tpu.memref_slice %arg21[%add3A_114, %dma_wait3A_152] : memref<10000x16xf32, #tpu.memory_space<vmem_shared>> -> memref<160x16xf32, #tpu.memory_space<vmem_shared>>
        %dma_wait3A_154 = arith.constant 0 : i32
        %dma_wait3A_155 = tpu.memref_slice %arg21[%add3A_114, %dma_wait3A_154] : memref<10000x16xf32, #tpu.memory_space<vmem_shared>> -> memref<160x16xf32, #tpu.memory_space<vmem_shared>>
        %dma_wait3A_156 = arith.constant 0 : i32
        %dma_wait3A_157 = arith.constant 0 : i32
        %dma_wait3A_158 = tpu.memref_slice %arg20[%dma_wait3A_156, %dma_wait3A_157] : memref<640x16xf32, #tpu.memory_space<vmem>> -> memref<160x16xf32, #tpu.memory_space<vmem>>
        tpu.wait_dma2 semaphore(%run_scoped3A : memref<!tpu.dma_semaphore, #tpu.memory_space<semaphore_mem>>) src(%dma_wait3A_158 : memref<160x16xf32, #tpu.memory_space<vmem>>) dst(%dma_wait3A_155 : memref<160x16xf32, #tpu.memory_space<vmem_shared>>)
        tpu.yield
      }) : () -> ()
      %scan3A_121 = arith.constant 0 : i32
      %scan3A_122 = arith.constant 0 : i32
      %scan3A_123 = arith.constant 160 : i32
      %scan3A_124 = arith.addi %scan3A_122, %scan3A_123 : i32
      %scan3A_125 = arith.constant 1 : i32
      scf.for %scan3A_141 = %scan3A_122 to %scan3A_124 step %scan3A_125  : i32 {
        %get3A = arith.index_cast %scan3A_141 : i32 to index
        %get3A_142 = arith.constant 16 : index
        %get3A_143 = tpu.vector_load %arg13[%get3A, %get3A_142] {strides = array<i32>} : memref<160x128xf32, #tpu.memory_space<vmem>>, vector<1x16xf32>,
        %get3A_144 = vector.shape_cast %get3A_143 : vector<1x16xf32> to vector<16xf32>
        %swap3A = arith.index_cast %scan3A_141 : i32 to index
        %swap3A_145 = arith.constant 0 : index
        %swap3A_146 = tpu.vector_load %arg20[%swap3A, %swap3A_145] {strides = array<i32>} : memref<640x16xf32, #tpu.memory_space<vmem>>, vector<1x16xf32>,
        %swap3A_147 = vector.shape_cast %swap3A_146 : vector<1x16xf32> to vector<16xf32>
        %swap3A_148 = vector.shape_cast %get3A_144 : vector<16xf32> to vector<1x16xf32>
        tpu.vector_store %arg20[%swap3A, %swap3A_145], %swap3A_148 {strides = array<i32>} : memref<640x16xf32, #tpu.memory_space<vmem>>, vector<1x16xf32>,
      }
      %scan3A_126 = arith.constant 160 : i32
      "tpu.region"() ({
        %run_scoped3A = tpu.sem_alloc : memref<!tpu.dma_semaphore, #tpu.memory_space<semaphore_mem>>
        %dma_start3A = arith.constant 0 : i32
        %dma_start3A_141 = arith.constant 0 : i32
        %dma_start3A_142 = tpu.memref_slice %arg20[%dma_start3A, %dma_start3A_141] : memref<640x16xf32, #tpu.memory_space<vmem>> -> memref<160x16xf32, #tpu.memory_space<vmem>>
        %dma_start3A_143 = arith.constant 0 : i32
        %dma_start3A_144 = tpu.memref_slice %arg22[%add3A_114, %dma_start3A_143] : memref<10000x16xf32, #tpu.memory_space<vmem_shared>> -> memref<160x16xf32, #tpu.memory_space<vmem_shared>>
        %dma_start3A_145 = arith.constant 0 : i32
        %dma_start3A_146 = tpu.memref_slice %arg22[%add3A_114, %dma_start3A_145] : memref<10000x16xf32, #tpu.memory_space<vmem_shared>> -> memref<160x16xf32, #tpu.memory_space<vmem_shared>>
        %dma_start3A_147 = arith.constant 0 : i32
        %dma_start3A_148 = arith.constant 0 : i32
        %dma_start3A_149 = tpu.memref_slice %arg20[%dma_start3A_147, %dma_start3A_148] : memref<640x16xf32, #tpu.memory_space<vmem>> -> memref<160x16xf32, #tpu.memory_space<vmem>>
        tpu.enqueue_dma source(%dma_start3A_149 : memref<160x16xf32, #tpu.memory_space<vmem>>) target(%dma_start3A_146 : memref<160x16xf32, #tpu.memory_space<vmem_shared>>) target_semaphore(%run_scoped3A : memref<!tpu.dma_semaphore, #tpu.memory_space<semaphore_mem>>)
        %dma_wait3A = arith.constant 0 : i32
        %dma_wait3A_150 = arith.constant 0 : i32
        %dma_wait3A_151 = tpu.memref_slice %arg20[%dma_wait3A, %dma_wait3A_150] : memref<640x16xf32, #tpu.memory_space<vmem>> -> memref<160x16xf32, #tpu.memory_space<vmem>>
        %dma_wait3A_152 = arith.constant 0 : i32
        %dma_wait3A_153 = tpu.memref_slice %arg22[%add3A_114, %dma_wait3A_152] : memref<10000x16xf32, #tpu.memory_space<vmem_shared>> -> memref<160x16xf32, #tpu.memory_space<vmem_shared>>
        %dma_wait3A_154 = arith.constant 0 : i32
        %dma_wait3A_155 = tpu.memref_slice %arg22[%add3A_114, %dma_wait3A_154] : memref<10000x16xf32, #tpu.memory_space<vmem_shared>> -> memref<160x16xf32, #tpu.memory_space<vmem_shared>>
        %dma_wait3A_156 = arith.constant 0 : i32
        %dma_wait3A_157 = arith.constant 0 : i32
        %dma_wait3A_158 = tpu.memref_slice %arg20[%dma_wait3A_156, %dma_wait3A_157] : memref<640x16xf32, #tpu.memory_space<vmem>> -> memref<160x16xf32, #tpu.memory_space<vmem>>
        tpu.wait_dma2 semaphore(%run_scoped3A : memref<!tpu.dma_semaphore, #tpu.memory_space<semaphore_mem>>) src(%dma_wait3A_158 : memref<160x16xf32, #tpu.memory_space<vmem>>) dst(%dma_wait3A_155 : memref<160x16xf32, #tpu.memory_space<vmem_shared>>)
        tpu.yield
      }) : () -> ()
      %add3A_127 = arith.constant 480 : i32
      %add3A_128 = arith.addi %mul3A_2, %add3A_127 : i32
      "tpu.region"() ({
        %run_scoped3A = tpu.sem_alloc : memref<!tpu.dma_semaphore, #tpu.memory_space<semaphore_mem>>
        %dma_start3A = arith.constant 0 : i32
        %dma_start3A_141 = arith.constant 0 : i32
        %dma_start3A_142 = tpu.memref_slice %arg13[%dma_start3A, %dma_start3A_141] : memref<160x128xf32, #tpu.memory_space<vmem>> -> memref<160x128xf32, #tpu.memory_space<vmem>>
        %dma_start3A_143 = arith.constant 0 : i32
        %dma_start3A_144 = tpu.memref_slice %arg2[%add3A_128, %dma_start3A_143] : memref<10000x128xf32, #tpu.memory_space<hbm>> -> memref<160x128xf32, #tpu.memory_space<hbm>>
        %dma_start3A_145 = arith.constant 0 : i32
        %dma_start3A_146 = arith.constant 0 : i32
        %dma_start3A_147 = tpu.memref_slice %arg13[%dma_start3A_145, %dma_start3A_146] : memref<160x128xf32, #tpu.memory_space<vmem>> -> memref<160x128xf32, #tpu.memory_space<vmem>>
        %dma_start3A_148 = arith.constant 0 : i32
        %dma_start3A_149 = tpu.memref_slice %arg2[%add3A_128, %dma_start3A_148] : memref<10000x128xf32, #tpu.memory_space<hbm>> -> memref<160x128xf32, #tpu.memory_space<hbm>>
        tpu.enqueue_dma source(%dma_start3A_149 : memref<160x128xf32, #tpu.memory_space<hbm>>) target(%dma_start3A_147 : memref<160x128xf32, #tpu.memory_space<vmem>>) target_semaphore(%run_scoped3A : memref<!tpu.dma_semaphore, #tpu.memory_space<semaphore_mem>>)
        %dma_wait3A = arith.constant 0 : i32
        %dma_wait3A_150 = arith.constant 0 : i32
        %dma_wait3A_151 = tpu.memref_slice %arg13[%dma_wait3A, %dma_wait3A_150] : memref<160x128xf32, #tpu.memory_space<vmem>> -> memref<160x128xf32, #tpu.memory_space<vmem>>
        %dma_wait3A_152 = arith.constant 0 : i32
        %dma_wait3A_153 = tpu.memref_slice %arg2[%add3A_128, %dma_wait3A_152] : memref<10000x128xf32, #tpu.memory_space<hbm>> -> memref<160x128xf32, #tpu.memory_space<hbm>>
        %dma_wait3A_154 = arith.constant 0 : i32
        %dma_wait3A_155 = arith.constant 0 : i32
        %dma_wait3A_156 = tpu.memref_slice %arg13[%dma_wait3A_154, %dma_wait3A_155] : memref<160x128xf32, #tpu.memory_space<vmem>> -> memref<160x128xf32, #tpu.memory_space<vmem>>
        %dma_wait3A_157 = arith.constant 0 : i32
        %dma_wait3A_158 = tpu.memref_slice %arg2[%add3A_128, %dma_wait3A_157] : memref<10000x128xf32, #tpu.memory_space<hbm>> -> memref<160x128xf32, #tpu.memory_space<hbm>>
        tpu.wait_dma2 semaphore(%run_scoped3A : memref<!tpu.dma_semaphore, #tpu.memory_space<semaphore_mem>>) src(%dma_wait3A_158 : memref<160x128xf32, #tpu.memory_space<hbm>>) dst(%dma_wait3A_156 : memref<160x128xf32, #tpu.memory_space<vmem>>)
        tpu.yield
      }) : () -> ()
      %scan3A_129 = arith.constant 0 : i32
      %scan3A_130 = arith.constant 0 : i32
      %scan3A_131 = arith.constant 160 : i32
      %scan3A_132 = arith.addi %scan3A_130, %scan3A_131 : i32
      %scan3A_133 = arith.constant 1 : i32
      scf.for %scan3A_141 = %scan3A_130 to %scan3A_132 step %scan3A_133  : i32 {
        %get3A = arith.index_cast %scan3A_141 : i32 to index
        %get3A_142 = arith.constant 0 : index
        %get3A_143 = tpu.vector_load %arg13[%get3A, %get3A_142] {strides = array<i32>} : memref<160x128xf32, #tpu.memory_space<vmem>>, vector<1x16xf32>,
        %get3A_144 = vector.shape_cast %get3A_143 : vector<1x16xf32> to vector<16xf32>
        %swap3A = arith.index_cast %scan3A_141 : i32 to index
        %swap3A_145 = arith.constant 0 : index
        %swap3A_146 = tpu.vector_load %arg20[%swap3A, %swap3A_145] {strides = array<i32>} : memref<640x16xf32, #tpu.memory_space<vmem>>, vector<1x16xf32>,
        %swap3A_147 = vector.shape_cast %swap3A_146 : vector<1x16xf32> to vector<16xf32>
        %swap3A_148 = vector.shape_cast %get3A_144 : vector<16xf32> to vector<1x16xf32>
        tpu.vector_store %arg20[%swap3A, %swap3A_145], %swap3A_148 {strides = array<i32>} : memref<640x16xf32, #tpu.memory_space<vmem>>, vector<1x16xf32>,
      }
      %scan3A_134 = arith.constant 160 : i32
      "tpu.region"() ({
        %run_scoped3A = tpu.sem_alloc : memref<!tpu.dma_semaphore, #tpu.memory_space<semaphore_mem>>
        %dma_start3A = arith.constant 0 : i32
        %dma_start3A_141 = arith.constant 0 : i32
        %dma_start3A_142 = tpu.memref_slice %arg20[%dma_start3A, %dma_start3A_141] : memref<640x16xf32, #tpu.memory_space<vmem>> -> memref<160x16xf32, #tpu.memory_space<vmem>>
        %dma_start3A_143 = arith.constant 0 : i32
        %dma_start3A_144 = tpu.memref_slice %arg21[%add3A_128, %dma_start3A_143] : memref<10000x16xf32, #tpu.memory_space<vmem_shared>> -> memref<160x16xf32, #tpu.memory_space<vmem_shared>>
        %dma_start3A_145 = arith.constant 0 : i32
        %dma_start3A_146 = tpu.memref_slice %arg21[%add3A_128, %dma_start3A_145] : memref<10000x16xf32, #tpu.memory_space<vmem_shared>> -> memref<160x16xf32, #tpu.memory_space<vmem_shared>>
        %dma_start3A_147 = arith.constant 0 : i32
        %dma_start3A_148 = arith.constant 0 : i32
        %dma_start3A_149 = tpu.memref_slice %arg20[%dma_start3A_147, %dma_start3A_148] : memref<640x16xf32, #tpu.memory_space<vmem>> -> memref<160x16xf32, #tpu.memory_space<vmem>>
        tpu.enqueue_dma source(%dma_start3A_149 : memref<160x16xf32, #tpu.memory_space<vmem>>) target(%dma_start3A_146 : memref<160x16xf32, #tpu.memory_space<vmem_shared>>) target_semaphore(%run_scoped3A : memref<!tpu.dma_semaphore, #tpu.memory_space<semaphore_mem>>)
        %dma_wait3A = arith.constant 0 : i32
        %dma_wait3A_150 = arith.constant 0 : i32
        %dma_wait3A_151 = tpu.memref_slice %arg20[%dma_wait3A, %dma_wait3A_150] : memref<640x16xf32, #tpu.memory_space<vmem>> -> memref<160x16xf32, #tpu.memory_space<vmem>>
        %dma_wait3A_152 = arith.constant 0 : i32
        %dma_wait3A_153 = tpu.memref_slice %arg21[%add3A_128, %dma_wait3A_152] : memref<10000x16xf32, #tpu.memory_space<vmem_shared>> -> memref<160x16xf32, #tpu.memory_space<vmem_shared>>
        %dma_wait3A_154 = arith.constant 0 : i32
        %dma_wait3A_155 = tpu.memref_slice %arg21[%add3A_128, %dma_wait3A_154] : memref<10000x16xf32, #tpu.memory_space<vmem_shared>> -> memref<160x16xf32, #tpu.memory_space<vmem_shared>>
        %dma_wait3A_156 = arith.constant 0 : i32
        %dma_wait3A_157 = arith.constant 0 : i32
        %dma_wait3A_158 = tpu.memref_slice %arg20[%dma_wait3A_156, %dma_wait3A_157] : memref<640x16xf32, #tpu.memory_space<vmem>> -> memref<160x16xf32, #tpu.memory_space<vmem>>
        tpu.wait_dma2 semaphore(%run_scoped3A : memref<!tpu.dma_semaphore, #tpu.memory_space<semaphore_mem>>) src(%dma_wait3A_158 : memref<160x16xf32, #tpu.memory_space<vmem>>) dst(%dma_wait3A_155 : memref<160x16xf32, #tpu.memory_space<vmem_shared>>)
        tpu.yield
      }) : () -> ()
      %scan3A_135 = arith.constant 0 : i32
      %scan3A_136 = arith.constant 0 : i32
      %scan3A_137 = arith.constant 160 : i32
      %scan3A_138 = arith.addi %scan3A_136, %scan3A_137 : i32
      %scan3A_139 = arith.constant 1 : i32
      scf.for %scan3A_141 = %scan3A_136 to %scan3A_138 step %scan3A_139  : i32 {
        %get3A = arith.index_cast %scan3A_141 : i32 to index
        %get3A_142 = arith.constant 16 : index
        %get3A_143 = tpu.vector_load %arg13[%get3A, %get3A_142] {strides = array<i32>} : memref<160x128xf32, #tpu.memory_space<vmem>>, vector<1x16xf32>,
        %get3A_144 = vector.shape_cast %get3A_143 : vector<1x16xf32> to vector<16xf32>
        %swap3A = arith.index_cast %scan3A_141 : i32 to index
        %swap3A_145 = arith.constant 0 : index
        %swap3A_146 = tpu.vector_load %arg20[%swap3A, %swap3A_145] {strides = array<i32>} : memref<640x16xf32, #tpu.memory_space<vmem>>, vector<1x16xf32>,
        %swap3A_147 = vector.shape_cast %swap3A_146 : vector<1x16xf32> to vector<16xf32>
        %swap3A_148 = vector.shape_cast %get3A_144 : vector<16xf32> to vector<1x16xf32>
        tpu.vector_store %arg20[%swap3A, %swap3A_145], %swap3A_148 {strides = array<i32>} : memref<640x16xf32, #tpu.memory_space<vmem>>, vector<1x16xf32>,
      }
      %scan3A_140 = arith.constant 160 : i32
      "tpu.region"() ({
        %run_scoped3A = tpu.sem_alloc : memref<!tpu.dma_semaphore, #tpu.memory_space<semaphore_mem>>
        %dma_start3A = arith.constant 0 : i32
        %dma_start3A_141 = arith.constant 0 : i32
        %dma_start3A_142 = tpu.memref_slice %arg20[%dma_start3A, %dma_start3A_141] : memref<640x16xf32, #tpu.memory_space<vmem>> -> memref<160x16xf32, #tpu.memory_space<vmem>>
        %dma_start3A_143 = arith.constant 0 : i32
        %dma_start3A_144 = tpu.memref_slice %arg22[%add3A_128, %dma_start3A_143] : memref<10000x16xf32, #tpu.memory_space<vmem_shared>> -> memref<160x16xf32, #tpu.memory_space<vmem_shared>>
        %dma_start3A_145 = arith.constant 0 : i32
        %dma_start3A_146 = tpu.memref_slice %arg22[%add3A_128, %dma_start3A_145] : memref<10000x16xf32, #tpu.memory_space<vmem_shared>> -> memref<160x16xf32, #tpu.memory_space<vmem_shared>>
        %dma_start3A_147 = arith.constant 0 : i32
        %dma_start3A_148 = arith.constant 0 : i32
        %dma_start3A_149 = tpu.memref_slice %arg20[%dma_start3A_147, %dma_start3A_148] : memref<640x16xf32, #tpu.memory_space<vmem>> -> memref<160x16xf32, #tpu.memory_space<vmem>>
        tpu.enqueue_dma source(%dma_start3A_149 : memref<160x16xf32, #tpu.memory_space<vmem>>) target(%dma_start3A_146 : memref<160x16xf32, #tpu.memory_space<vmem_shared>>) target_semaphore(%run_scoped3A : memref<!tpu.dma_semaphore, #tpu.memory_space<semaphore_mem>>)
        %dma_wait3A = arith.constant 0 : i32
        %dma_wait3A_150 = arith.constant 0 : i32
        %dma_wait3A_151 = tpu.memref_slice %arg20[%dma_wait3A, %dma_wait3A_150] : memref<640x16xf32, #tpu.memory_space<vmem>> -> memref<160x16xf32, #tpu.memory_space<vmem>>
        %dma_wait3A_152 = arith.constant 0 : i32
        %dma_wait3A_153 = tpu.memref_slice %arg22[%add3A_128, %dma_wait3A_152] : memref<10000x16xf32, #tpu.memory_space<vmem_shared>> -> memref<160x16xf32, #tpu.memory_space<vmem_shared>>
        %dma_wait3A_154 = arith.constant 0 : i32
        %dma_wait3A_155 = tpu.memref_slice %arg22[%add3A_128, %dma_wait3A_154] : memref<10000x16xf32, #tpu.memory_space<vmem_shared>> -> memref<160x16xf32, #tpu.memory_space<vmem_shared>>
        %dma_wait3A_156 = arith.constant 0 : i32
        %dma_wait3A_157 = arith.constant 0 : i32
        %dma_wait3A_158 = tpu.memref_slice %arg20[%dma_wait3A_156, %dma_wait3A_157] : memref<640x16xf32, #tpu.memory_space<vmem>> -> memref<160x16xf32, #tpu.memory_space<vmem>>
        tpu.wait_dma2 semaphore(%run_scoped3A : memref<!tpu.dma_semaphore, #tpu.memory_space<semaphore_mem>>) src(%dma_wait3A_158 : memref<160x16xf32, #tpu.memory_space<vmem>>) dst(%dma_wait3A_155 : memref<160x16xf32, #tpu.memory_space<vmem_shared>>)
        tpu.yield
      }) : () -> ()
    } else {
    }
    %not3A_18 = arith.constant true
    %not3A_19 = arith.xori %eq3A_3, %not3A_18 : i1
    %convert_element_type3A_20 = arith.extui %not3A_19 : i1 to i32
    %cond3A_21 = arith.constant 0 : i32
    %cond3A_22 = arith.cmpi ne, %convert_element_type3A_20, %cond3A_21 : i32
    scf.if %cond3A_22 {
      %add3A_85 = arith.constant 0 : i32
      %add3A_86 = arith.addi %mul3A_2, %add3A_85 : i32
      "tpu.region"() ({
        %run_scoped3A = tpu.sem_alloc : memref<!tpu.dma_semaphore, #tpu.memory_space<semaphore_mem>>
        %dma_start3A = arith.constant 0 : i32
        %dma_start3A_141 = arith.constant 0 : i32
        %dma_start3A_142 = tpu.memref_slice %arg13[%dma_start3A, %dma_start3A_141] : memref<160x128xf32, #tpu.memory_space<vmem>> -> memref<156x128xf32, #tpu.memory_space<vmem>>
        %dma_start3A_143 = arith.constant 0 : i32
        %dma_start3A_144 = tpu.memref_slice %arg2[%add3A_86, %dma_start3A_143] : memref<10000x128xf32, #tpu.memory_space<hbm>> -> memref<156x128xf32, #tpu.memory_space<hbm>>
        %dma_start3A_145 = arith.constant 0 : i32
        %dma_start3A_146 = arith.constant 0 : i32
        %dma_start3A_147 = tpu.memref_slice %arg13[%dma_start3A_145, %dma_start3A_146] : memref<160x128xf32, #tpu.memory_space<vmem>> -> memref<156x128xf32, #tpu.memory_space<vmem>>
        %dma_start3A_148 = arith.constant 0 : i32
        %dma_start3A_149 = tpu.memref_slice %arg2[%add3A_86, %dma_start3A_148] : memref<10000x128xf32, #tpu.memory_space<hbm>> -> memref<156x128xf32, #tpu.memory_space<hbm>>
        tpu.enqueue_dma source(%dma_start3A_149 : memref<156x128xf32, #tpu.memory_space<hbm>>) target(%dma_start3A_147 : memref<156x128xf32, #tpu.memory_space<vmem>>) target_semaphore(%run_scoped3A : memref<!tpu.dma_semaphore, #tpu.memory_space<semaphore_mem>>)
        %dma_wait3A = arith.constant 0 : i32
        %dma_wait3A_150 = arith.constant 0 : i32
        %dma_wait3A_151 = tpu.memref_slice %arg13[%dma_wait3A, %dma_wait3A_150] : memref<160x128xf32, #tpu.memory_space<vmem>> -> memref<156x128xf32, #tpu.memory_space<vmem>>
        %dma_wait3A_152 = arith.constant 0 : i32
        %dma_wait3A_153 = tpu.memref_slice %arg2[%add3A_86, %dma_wait3A_152] : memref<10000x128xf32, #tpu.memory_space<hbm>> -> memref<156x128xf32, #tpu.memory_space<hbm>>
        %dma_wait3A_154 = arith.constant 0 : i32
        %dma_wait3A_155 = arith.constant 0 : i32
        %dma_wait3A_156 = tpu.memref_slice %arg13[%dma_wait3A_154, %dma_wait3A_155] : memref<160x128xf32, #tpu.memory_space<vmem>> -> memref<156x128xf32, #tpu.memory_space<vmem>>
        %dma_wait3A_157 = arith.constant 0 : i32
        %dma_wait3A_158 = tpu.memref_slice %arg2[%add3A_86, %dma_wait3A_157] : memref<10000x128xf32, #tpu.memory_space<hbm>> -> memref<156x128xf32, #tpu.memory_space<hbm>>
        tpu.wait_dma2 semaphore(%run_scoped3A : memref<!tpu.dma_semaphore, #tpu.memory_space<semaphore_mem>>) src(%dma_wait3A_158 : memref<156x128xf32, #tpu.memory_space<hbm>>) dst(%dma_wait3A_156 : memref<156x128xf32, #tpu.memory_space<vmem>>)
        tpu.yield
      }) : () -> ()
      %scan3A_87 = arith.constant 0 : i32
      %scan3A_88 = arith.constant 0 : i32
      %scan3A_89 = arith.constant 156 : i32
      %scan3A_90 = arith.addi %scan3A_88, %scan3A_89 : i32
      %scan3A_91 = arith.constant 1 : i32
      scf.for %scan3A_141 = %scan3A_88 to %scan3A_90 step %scan3A_91  : i32 {
        %get3A = arith.index_cast %scan3A_141 : i32 to index
        %get3A_142 = arith.constant 0 : index
        %get3A_143 = tpu.vector_load %arg13[%get3A, %get3A_142] {strides = array<i32>} : memref<160x128xf32, #tpu.memory_space<vmem>>, vector<1x16xf32>,
        %get3A_144 = vector.shape_cast %get3A_143 : vector<1x16xf32> to vector<16xf32>
        %swap3A = arith.index_cast %scan3A_141 : i32 to index
        %swap3A_145 = arith.constant 0 : index
        %swap3A_146 = tpu.vector_load %arg20[%swap3A, %swap3A_145] {strides = array<i32>} : memref<640x16xf32, #tpu.memory_space<vmem>>, vector<1x16xf32>,
        %swap3A_147 = vector.shape_cast %swap3A_146 : vector<1x16xf32> to vector<16xf32>
        %swap3A_148 = vector.shape_cast %get3A_144 : vector<16xf32> to vector<1x16xf32>
        tpu.vector_store %arg20[%swap3A, %swap3A_145], %swap3A_148 {strides = array<i32>} : memref<640x16xf32, #tpu.memory_space<vmem>>, vector<1x16xf32>,
      }
      %scan3A_92 = arith.constant 156 : i32
      "tpu.region"() ({
        %run_scoped3A = tpu.sem_alloc : memref<!tpu.dma_semaphore, #tpu.memory_space<semaphore_mem>>
        %dma_start3A = arith.constant 0 : i32
        %dma_start3A_141 = arith.constant 0 : i32
        %dma_start3A_142 = tpu.memref_slice %arg20[%dma_start3A, %dma_start3A_141] : memref<640x16xf32, #tpu.memory_space<vmem>> -> memref<156x16xf32, #tpu.memory_space<vmem>>
        %dma_start3A_143 = arith.constant 0 : i32
        %dma_start3A_144 = tpu.memref_slice %arg21[%add3A_86, %dma_start3A_143] : memref<10000x16xf32, #tpu.memory_space<vmem_shared>> -> memref<156x16xf32, #tpu.memory_space<vmem_shared>>
        %dma_start3A_145 = arith.constant 0 : i32
        %dma_start3A_146 = tpu.memref_slice %arg21[%add3A_86, %dma_start3A_145] : memref<10000x16xf32, #tpu.memory_space<vmem_shared>> -> memref<156x16xf32, #tpu.memory_space<vmem_shared>>
        %dma_start3A_147 = arith.constant 0 : i32
        %dma_start3A_148 = arith.constant 0 : i32
        %dma_start3A_149 = tpu.memref_slice %arg20[%dma_start3A_147, %dma_start3A_148] : memref<640x16xf32, #tpu.memory_space<vmem>> -> memref<156x16xf32, #tpu.memory_space<vmem>>
        tpu.enqueue_dma source(%dma_start3A_149 : memref<156x16xf32, #tpu.memory_space<vmem>>) target(%dma_start3A_146 : memref<156x16xf32, #tpu.memory_space<vmem_shared>>) target_semaphore(%run_scoped3A : memref<!tpu.dma_semaphore, #tpu.memory_space<semaphore_mem>>)
        %dma_wait3A = arith.constant 0 : i32
        %dma_wait3A_150 = arith.constant 0 : i32
        %dma_wait3A_151 = tpu.memref_slice %arg20[%dma_wait3A, %dma_wait3A_150] : memref<640x16xf32, #tpu.memory_space<vmem>> -> memref<156x16xf32, #tpu.memory_space<vmem>>
        %dma_wait3A_152 = arith.constant 0 : i32
        %dma_wait3A_153 = tpu.memref_slice %arg21[%add3A_86, %dma_wait3A_152] : memref<10000x16xf32, #tpu.memory_space<vmem_shared>> -> memref<156x16xf32, #tpu.memory_space<vmem_shared>>
        %dma_wait3A_154 = arith.constant 0 : i32
        %dma_wait3A_155 = tpu.memref_slice %arg21[%add3A_86, %dma_wait3A_154] : memref<10000x16xf32, #tpu.memory_space<vmem_shared>> -> memref<156x16xf32, #tpu.memory_space<vmem_shared>>
        %dma_wait3A_156 = arith.constant 0 : i32
        %dma_wait3A_157 = arith.constant 0 : i32
        %dma_wait3A_158 = tpu.memref_slice %arg20[%dma_wait3A_156, %dma_wait3A_157] : memref<640x16xf32, #tpu.memory_space<vmem>> -> memref<156x16xf32, #tpu.memory_space<vmem>>
        tpu.wait_dma2 semaphore(%run_scoped3A : memref<!tpu.dma_semaphore, #tpu.memory_space<semaphore_mem>>) src(%dma_wait3A_158 : memref<156x16xf32, #tpu.memory_space<vmem>>) dst(%dma_wait3A_155 : memref<156x16xf32, #tpu.memory_space<vmem_shared>>)
        tpu.yield
      }) : () -> ()
      %scan3A_93 = arith.constant 0 : i32
      %scan3A_94 = arith.constant 0 : i32
      %scan3A_95 = arith.constant 156 : i32
      %scan3A_96 = arith.addi %scan3A_94, %scan3A_95 : i32
      %scan3A_97 = arith.constant 1 : i32
      scf.for %scan3A_141 = %scan3A_94 to %scan3A_96 step %scan3A_97  : i32 {
        %get3A = arith.index_cast %scan3A_141 : i32 to index
        %get3A_142 = arith.constant 16 : index
        %get3A_143 = tpu.vector_load %arg13[%get3A, %get3A_142] {strides = array<i32>} : memref<160x128xf32, #tpu.memory_space<vmem>>, vector<1x16xf32>,
        %get3A_144 = vector.shape_cast %get3A_143 : vector<1x16xf32> to vector<16xf32>
        %swap3A = arith.index_cast %scan3A_141 : i32 to index
        %swap3A_145 = arith.constant 0 : index
        %swap3A_146 = tpu.vector_load %arg20[%swap3A, %swap3A_145] {strides = array<i32>} : memref<640x16xf32, #tpu.memory_space<vmem>>, vector<1x16xf32>,
        %swap3A_147 = vector.shape_cast %swap3A_146 : vector<1x16xf32> to vector<16xf32>
        %swap3A_148 = vector.shape_cast %get3A_144 : vector<16xf32> to vector<1x16xf32>
        tpu.vector_store %arg20[%swap3A, %swap3A_145], %swap3A_148 {strides = array<i32>} : memref<640x16xf32, #tpu.memory_space<vmem>>, vector<1x16xf32>,
      }
      %scan3A_98 = arith.constant 156 : i32
      "tpu.region"() ({
        %run_scoped3A = tpu.sem_alloc : memref<!tpu.dma_semaphore, #tpu.memory_space<semaphore_mem>>
        %dma_start3A = arith.constant 0 : i32
        %dma_start3A_141 = arith.constant 0 : i32
        %dma_start3A_142 = tpu.memref_slice %arg20[%dma_start3A, %dma_start3A_141] : memref<640x16xf32, #tpu.memory_space<vmem>> -> memref<156x16xf32, #tpu.memory_space<vmem>>
        %dma_start3A_143 = arith.constant 0 : i32
        %dma_start3A_144 = tpu.memref_slice %arg22[%add3A_86, %dma_start3A_143] : memref<10000x16xf32, #tpu.memory_space<vmem_shared>> -> memref<156x16xf32, #tpu.memory_space<vmem_shared>>
        %dma_start3A_145 = arith.constant 0 : i32
        %dma_start3A_146 = tpu.memref_slice %arg22[%add3A_86, %dma_start3A_145] : memref<10000x16xf32, #tpu.memory_space<vmem_shared>> -> memref<156x16xf32, #tpu.memory_space<vmem_shared>>
        %dma_start3A_147 = arith.constant 0 : i32
        %dma_start3A_148 = arith.constant 0 : i32
        %dma_start3A_149 = tpu.memref_slice %arg20[%dma_start3A_147, %dma_start3A_148] : memref<640x16xf32, #tpu.memory_space<vmem>> -> memref<156x16xf32, #tpu.memory_space<vmem>>
        tpu.enqueue_dma source(%dma_start3A_149 : memref<156x16xf32, #tpu.memory_space<vmem>>) target(%dma_start3A_146 : memref<156x16xf32, #tpu.memory_space<vmem_shared>>) target_semaphore(%run_scoped3A : memref<!tpu.dma_semaphore, #tpu.memory_space<semaphore_mem>>)
        %dma_wait3A = arith.constant 0 : i32
        %dma_wait3A_150 = arith.constant 0 : i32
        %dma_wait3A_151 = tpu.memref_slice %arg20[%dma_wait3A, %dma_wait3A_150] : memref<640x16xf32, #tpu.memory_space<vmem>> -> memref<156x16xf32, #tpu.memory_space<vmem>>
        %dma_wait3A_152 = arith.constant 0 : i32
        %dma_wait3A_153 = tpu.memref_slice %arg22[%add3A_86, %dma_wait3A_152] : memref<10000x16xf32, #tpu.memory_space<vmem_shared>> -> memref<156x16xf32, #tpu.memory_space<vmem_shared>>
        %dma_wait3A_154 = arith.constant 0 : i32
        %dma_wait3A_155 = tpu.memref_slice %arg22[%add3A_86, %dma_wait3A_154] : memref<10000x16xf32, #tpu.memory_space<vmem_shared>> -> memref<156x16xf32, #tpu.memory_space<vmem_shared>>
        %dma_wait3A_156 = arith.constant 0 : i32
        %dma_wait3A_157 = arith.constant 0 : i32
        %dma_wait3A_158 = tpu.memref_slice %arg20[%dma_wait3A_156, %dma_wait3A_157] : memref<640x16xf32, #tpu.memory_space<vmem>> -> memref<156x16xf32, #tpu.memory_space<vmem>>
        tpu.wait_dma2 semaphore(%run_scoped3A : memref<!tpu.dma_semaphore, #tpu.memory_space<semaphore_mem>>) src(%dma_wait3A_158 : memref<156x16xf32, #tpu.memory_space<vmem>>) dst(%dma_wait3A_155 : memref<156x16xf32, #tpu.memory_space<vmem_shared>>)
        tpu.yield
      }) : () -> ()
      %add3A_99 = arith.constant 156 : i32
      %add3A_100 = arith.addi %mul3A_2, %add3A_99 : i32
      "tpu.region"() ({
        %run_scoped3A = tpu.sem_alloc : memref<!tpu.dma_semaphore, #tpu.memory_space<semaphore_mem>>
        %dma_start3A = arith.constant 0 : i32
        %dma_start3A_141 = arith.constant 0 : i32
        %dma_start3A_142 = tpu.memref_slice %arg13[%dma_start3A, %dma_start3A_141] : memref<160x128xf32, #tpu.memory_space<vmem>> -> memref<156x128xf32, #tpu.memory_space<vmem>>
        %dma_start3A_143 = arith.constant 0 : i32
        %dma_start3A_144 = tpu.memref_slice %arg2[%add3A_100, %dma_start3A_143] : memref<10000x128xf32, #tpu.memory_space<hbm>> -> memref<156x128xf32, #tpu.memory_space<hbm>>
        %dma_start3A_145 = arith.constant 0 : i32
        %dma_start3A_146 = arith.constant 0 : i32
        %dma_start3A_147 = tpu.memref_slice %arg13[%dma_start3A_145, %dma_start3A_146] : memref<160x128xf32, #tpu.memory_space<vmem>> -> memref<156x128xf32, #tpu.memory_space<vmem>>
        %dma_start3A_148 = arith.constant 0 : i32
        %dma_start3A_149 = tpu.memref_slice %arg2[%add3A_100, %dma_start3A_148] : memref<10000x128xf32, #tpu.memory_space<hbm>> -> memref<156x128xf32, #tpu.memory_space<hbm>>
        tpu.enqueue_dma source(%dma_start3A_149 : memref<156x128xf32, #tpu.memory_space<hbm>>) target(%dma_start3A_147 : memref<156x128xf32, #tpu.memory_space<vmem>>) target_semaphore(%run_scoped3A : memref<!tpu.dma_semaphore, #tpu.memory_space<semaphore_mem>>)
        %dma_wait3A = arith.constant 0 : i32
        %dma_wait3A_150 = arith.constant 0 : i32
        %dma_wait3A_151 = tpu.memref_slice %arg13[%dma_wait3A, %dma_wait3A_150] : memref<160x128xf32, #tpu.memory_space<vmem>> -> memref<156x128xf32, #tpu.memory_space<vmem>>
        %dma_wait3A_152 = arith.constant 0 : i32
        %dma_wait3A_153 = tpu.memref_slice %arg2[%add3A_100, %dma_wait3A_152] : memref<10000x128xf32, #tpu.memory_space<hbm>> -> memref<156x128xf32, #tpu.memory_space<hbm>>
        %dma_wait3A_154 = arith.constant 0 : i32
        %dma_wait3A_155 = arith.constant 0 : i32
        %dma_wait3A_156 = tpu.memref_slice %arg13[%dma_wait3A_154, %dma_wait3A_155] : memref<160x128xf32, #tpu.memory_space<vmem>> -> memref<156x128xf32, #tpu.memory_space<vmem>>
        %dma_wait3A_157 = arith.constant 0 : i32
        %dma_wait3A_158 = tpu.memref_slice %arg2[%add3A_100, %dma_wait3A_157] : memref<10000x128xf32, #tpu.memory_space<hbm>> -> memref<156x128xf32, #tpu.memory_space<hbm>>
        tpu.wait_dma2 semaphore(%run_scoped3A : memref<!tpu.dma_semaphore, #tpu.memory_space<semaphore_mem>>) src(%dma_wait3A_158 : memref<156x128xf32, #tpu.memory_space<hbm>>) dst(%dma_wait3A_156 : memref<156x128xf32, #tpu.memory_space<vmem>>)
        tpu.yield
      }) : () -> ()
      %scan3A_101 = arith.constant 0 : i32
      %scan3A_102 = arith.constant 0 : i32
      %scan3A_103 = arith.constant 156 : i32
      %scan3A_104 = arith.addi %scan3A_102, %scan3A_103 : i32
      %scan3A_105 = arith.constant 1 : i32
      scf.for %scan3A_141 = %scan3A_102 to %scan3A_104 step %scan3A_105  : i32 {
        %get3A = arith.index_cast %scan3A_141 : i32 to index
        %get3A_142 = arith.constant 0 : index
        %get3A_143 = tpu.vector_load %arg13[%get3A, %get3A_142] {strides = array<i32>} : memref<160x128xf32, #tpu.memory_space<vmem>>, vector<1x16xf32>,
        %get3A_144 = vector.shape_cast %get3A_143 : vector<1x16xf32> to vector<16xf32>
        %swap3A = arith.index_cast %scan3A_141 : i32 to index
        %swap3A_145 = arith.constant 0 : index
        %swap3A_146 = tpu.vector_load %arg20[%swap3A, %swap3A_145] {strides = array<i32>} : memref<640x16xf32, #tpu.memory_space<vmem>>, vector<1x16xf32>,
        %swap3A_147 = vector.shape_cast %swap3A_146 : vector<1x16xf32> to vector<16xf32>
        %swap3A_148 = vector.shape_cast %get3A_144 : vector<16xf32> to vector<1x16xf32>
        tpu.vector_store %arg20[%swap3A, %swap3A_145], %swap3A_148 {strides = array<i32>} : memref<640x16xf32, #tpu.memory_space<vmem>>, vector<1x16xf32>,
      }
      %scan3A_106 = arith.constant 156 : i32
      "tpu.region"() ({
        %run_scoped3A = tpu.sem_alloc : memref<!tpu.dma_semaphore, #tpu.memory_space<semaphore_mem>>
        %dma_start3A = arith.constant 0 : i32
        %dma_start3A_141 = arith.constant 0 : i32
        %dma_start3A_142 = tpu.memref_slice %arg20[%dma_start3A, %dma_start3A_141] : memref<640x16xf32, #tpu.memory_space<vmem>> -> memref<156x16xf32, #tpu.memory_space<vmem>>
        %dma_start3A_143 = arith.constant 0 : i32
        %dma_start3A_144 = tpu.memref_slice %arg21[%add3A_100, %dma_start3A_143] : memref<10000x16xf32, #tpu.memory_space<vmem_shared>> -> memref<156x16xf32, #tpu.memory_space<vmem_shared>>
        %dma_start3A_145 = arith.constant 0 : i32
        %dma_start3A_146 = tpu.memref_slice %arg21[%add3A_100, %dma_start3A_145] : memref<10000x16xf32, #tpu.memory_space<vmem_shared>> -> memref<156x16xf32, #tpu.memory_space<vmem_shared>>
        %dma_start3A_147 = arith.constant 0 : i32
        %dma_start3A_148 = arith.constant 0 : i32
        %dma_start3A_149 = tpu.memref_slice %arg20[%dma_start3A_147, %dma_start3A_148] : memref<640x16xf32, #tpu.memory_space<vmem>> -> memref<156x16xf32, #tpu.memory_space<vmem>>
        tpu.enqueue_dma source(%dma_start3A_149 : memref<156x16xf32, #tpu.memory_space<vmem>>) target(%dma_start3A_146 : memref<156x16xf32, #tpu.memory_space<vmem_shared>>) target_semaphore(%run_scoped3A : memref<!tpu.dma_semaphore, #tpu.memory_space<semaphore_mem>>)
        %dma_wait3A = arith.constant 0 : i32
        %dma_wait3A_150 = arith.constant 0 : i32
        %dma_wait3A_151 = tpu.memref_slice %arg20[%dma_wait3A, %dma_wait3A_150] : memref<640x16xf32, #tpu.memory_space<vmem>> -> memref<156x16xf32, #tpu.memory_space<vmem>>
        %dma_wait3A_152 = arith.constant 0 : i32
        %dma_wait3A_153 = tpu.memref_slice %arg21[%add3A_100, %dma_wait3A_152] : memref<10000x16xf32, #tpu.memory_space<vmem_shared>> -> memref<156x16xf32, #tpu.memory_space<vmem_shared>>
        %dma_wait3A_154 = arith.constant 0 : i32
        %dma_wait3A_155 = tpu.memref_slice %arg21[%add3A_100, %dma_wait3A_154] : memref<10000x16xf32, #tpu.memory_space<vmem_shared>> -> memref<156x16xf32, #tpu.memory_space<vmem_shared>>
        %dma_wait3A_156 = arith.constant 0 : i32
        %dma_wait3A_157 = arith.constant 0 : i32
        %dma_wait3A_158 = tpu.memref_slice %arg20[%dma_wait3A_156, %dma_wait3A_157] : memref<640x16xf32, #tpu.memory_space<vmem>> -> memref<156x16xf32, #tpu.memory_space<vmem>>
        tpu.wait_dma2 semaphore(%run_scoped3A : memref<!tpu.dma_semaphore, #tpu.memory_space<semaphore_mem>>) src(%dma_wait3A_158 : memref<156x16xf32, #tpu.memory_space<vmem>>) dst(%dma_wait3A_155 : memref<156x16xf32, #tpu.memory_space<vmem_shared>>)
        tpu.yield
      }) : () -> ()
      %scan3A_107 = arith.constant 0 : i32
      %scan3A_108 = arith.constant 0 : i32
      %scan3A_109 = arith.constant 156 : i32
      %scan3A_110 = arith.addi %scan3A_108, %scan3A_109 : i32
      %scan3A_111 = arith.constant 1 : i32
      scf.for %scan3A_141 = %scan3A_108 to %scan3A_110 step %scan3A_111  : i32 {
        %get3A = arith.index_cast %scan3A_141 : i32 to index
        %get3A_142 = arith.constant 16 : index
        %get3A_143 = tpu.vector_load %arg13[%get3A, %get3A_142] {strides = array<i32>} : memref<160x128xf32, #tpu.memory_space<vmem>>, vector<1x16xf32>,
        %get3A_144 = vector.shape_cast %get3A_143 : vector<1x16xf32> to vector<16xf32>
        %swap3A = arith.index_cast %scan3A_141 : i32 to index
        %swap3A_145 = arith.constant 0 : index
        %swap3A_146 = tpu.vector_load %arg20[%swap3A, %swap3A_145] {strides = array<i32>} : memref<640x16xf32, #tpu.memory_space<vmem>>, vector<1x16xf32>,
        %swap3A_147 = vector.shape_cast %swap3A_146 : vector<1x16xf32> to vector<16xf32>
        %swap3A_148 = vector.shape_cast %get3A_144 : vector<16xf32> to vector<1x16xf32>
        tpu.vector_store %arg20[%swap3A, %swap3A_145], %swap3A_148 {strides = array<i32>} : memref<640x16xf32, #tpu.memory_space<vmem>>, vector<1x16xf32>,
      }
      %scan3A_112 = arith.constant 156 : i32
      "tpu.region"() ({
        %run_scoped3A = tpu.sem_alloc : memref<!tpu.dma_semaphore, #tpu.memory_space<semaphore_mem>>
        %dma_start3A = arith.constant 0 : i32
        %dma_start3A_141 = arith.constant 0 : i32
        %dma_start3A_142 = tpu.memref_slice %arg20[%dma_start3A, %dma_start3A_141] : memref<640x16xf32, #tpu.memory_space<vmem>> -> memref<156x16xf32, #tpu.memory_space<vmem>>
        %dma_start3A_143 = arith.constant 0 : i32
        %dma_start3A_144 = tpu.memref_slice %arg22[%add3A_100, %dma_start3A_143] : memref<10000x16xf32, #tpu.memory_space<vmem_shared>> -> memref<156x16xf32, #tpu.memory_space<vmem_shared>>
        %dma_start3A_145 = arith.constant 0 : i32
        %dma_start3A_146 = tpu.memref_slice %arg22[%add3A_100, %dma_start3A_145] : memref<10000x16xf32, #tpu.memory_space<vmem_shared>> -> memref<156x16xf32, #tpu.memory_space<vmem_shared>>
        %dma_start3A_147 = arith.constant 0 : i32
        %dma_start3A_148 = arith.constant 0 : i32
        %dma_start3A_149 = tpu.memref_slice %arg20[%dma_start3A_147, %dma_start3A_148] : memref<640x16xf32, #tpu.memory_space<vmem>> -> memref<156x16xf32, #tpu.memory_space<vmem>>
        tpu.enqueue_dma source(%dma_start3A_149 : memref<156x16xf32, #tpu.memory_space<vmem>>) target(%dma_start3A_146 : memref<156x16xf32, #tpu.memory_space<vmem_shared>>) target_semaphore(%run_scoped3A : memref<!tpu.dma_semaphore, #tpu.memory_space<semaphore_mem>>)
        %dma_wait3A = arith.constant 0 : i32
        %dma_wait3A_150 = arith.constant 0 : i32
        %dma_wait3A_151 = tpu.memref_slice %arg20[%dma_wait3A, %dma_wait3A_150] : memref<640x16xf32, #tpu.memory_space<vmem>> -> memref<156x16xf32, #tpu.memory_space<vmem>>
        %dma_wait3A_152 = arith.constant 0 : i32
        %dma_wait3A_153 = tpu.memref_slice %arg22[%add3A_100, %dma_wait3A_152] : memref<10000x16xf32, #tpu.memory_space<vmem_shared>> -> memref<156x16xf32, #tpu.memory_space<vmem_shared>>
        %dma_wait3A_154 = arith.constant 0 : i32
        %dma_wait3A_155 = tpu.memref_slice %arg22[%add3A_100, %dma_wait3A_154] : memref<10000x16xf32, #tpu.memory_space<vmem_shared>> -> memref<156x16xf32, #tpu.memory_space<vmem_shared>>
        %dma_wait3A_156 = arith.constant 0 : i32
        %dma_wait3A_157 = arith.constant 0 : i32
        %dma_wait3A_158 = tpu.memref_slice %arg20[%dma_wait3A_156, %dma_wait3A_157] : memref<640x16xf32, #tpu.memory_space<vmem>> -> memref<156x16xf32, #tpu.memory_space<vmem>>
        tpu.wait_dma2 semaphore(%run_scoped3A : memref<!tpu.dma_semaphore, #tpu.memory_space<semaphore_mem>>) src(%dma_wait3A_158 : memref<156x16xf32, #tpu.memory_space<vmem>>) dst(%dma_wait3A_155 : memref<156x16xf32, #tpu.memory_space<vmem_shared>>)
        tpu.yield
      }) : () -> ()
      %add3A_113 = arith.constant 312 : i32
      %add3A_114 = arith.addi %mul3A_2, %add3A_113 : i32
      "tpu.region"() ({
        %run_scoped3A = tpu.sem_alloc : memref<!tpu.dma_semaphore, #tpu.memory_space<semaphore_mem>>
        %dma_start3A = arith.constant 0 : i32
        %dma_start3A_141 = arith.constant 0 : i32
        %dma_start3A_142 = tpu.memref_slice %arg13[%dma_start3A, %dma_start3A_141] : memref<160x128xf32, #tpu.memory_space<vmem>> -> memref<156x128xf32, #tpu.memory_space<vmem>>
        %dma_start3A_143 = arith.constant 0 : i32
        %dma_start3A_144 = tpu.memref_slice %arg2[%add3A_114, %dma_start3A_143] : memref<10000x128xf32, #tpu.memory_space<hbm>> -> memref<156x128xf32, #tpu.memory_space<hbm>>
        %dma_start3A_145 = arith.constant 0 : i32
        %dma_start3A_146 = arith.constant 0 : i32
        %dma_start3A_147 = tpu.memref_slice %arg13[%dma_start3A_145, %dma_start3A_146] : memref<160x128xf32, #tpu.memory_space<vmem>> -> memref<156x128xf32, #tpu.memory_space<vmem>>
        %dma_start3A_148 = arith.constant 0 : i32
        %dma_start3A_149 = tpu.memref_slice %arg2[%add3A_114, %dma_start3A_148] : memref<10000x128xf32, #tpu.memory_space<hbm>> -> memref<156x128xf32, #tpu.memory_space<hbm>>
        tpu.enqueue_dma source(%dma_start3A_149 : memref<156x128xf32, #tpu.memory_space<hbm>>) target(%dma_start3A_147 : memref<156x128xf32, #tpu.memory_space<vmem>>) target_semaphore(%run_scoped3A : memref<!tpu.dma_semaphore, #tpu.memory_space<semaphore_mem>>)
        %dma_wait3A = arith.constant 0 : i32
        %dma_wait3A_150 = arith.constant 0 : i32
        %dma_wait3A_151 = tpu.memref_slice %arg13[%dma_wait3A, %dma_wait3A_150] : memref<160x128xf32, #tpu.memory_space<vmem>> -> memref<156x128xf32, #tpu.memory_space<vmem>>
        %dma_wait3A_152 = arith.constant 0 : i32
        %dma_wait3A_153 = tpu.memref_slice %arg2[%add3A_114, %dma_wait3A_152] : memref<10000x128xf32, #tpu.memory_space<hbm>> -> memref<156x128xf32, #tpu.memory_space<hbm>>
        %dma_wait3A_154 = arith.constant 0 : i32
        %dma_wait3A_155 = arith.constant 0 : i32
        %dma_wait3A_156 = tpu.memref_slice %arg13[%dma_wait3A_154, %dma_wait3A_155] : memref<160x128xf32, #tpu.memory_space<vmem>> -> memref<156x128xf32, #tpu.memory_space<vmem>>
        %dma_wait3A_157 = arith.constant 0 : i32
        %dma_wait3A_158 = tpu.memref_slice %arg2[%add3A_114, %dma_wait3A_157] : memref<10000x128xf32, #tpu.memory_space<hbm>> -> memref<156x128xf32, #tpu.memory_space<hbm>>
        tpu.wait_dma2 semaphore(%run_scoped3A : memref<!tpu.dma_semaphore, #tpu.memory_space<semaphore_mem>>) src(%dma_wait3A_158 : memref<156x128xf32, #tpu.memory_space<hbm>>) dst(%dma_wait3A_156 : memref<156x128xf32, #tpu.memory_space<vmem>>)
        tpu.yield
      }) : () -> ()
      %scan3A_115 = arith.constant 0 : i32
      %scan3A_116 = arith.constant 0 : i32
      %scan3A_117 = arith.constant 156 : i32
      %scan3A_118 = arith.addi %scan3A_116, %scan3A_117 : i32
      %scan3A_119 = arith.constant 1 : i32
      scf.for %scan3A_141 = %scan3A_116 to %scan3A_118 step %scan3A_119  : i32 {
        %get3A = arith.index_cast %scan3A_141 : i32 to index
        %get3A_142 = arith.constant 0 : index
        %get3A_143 = tpu.vector_load %arg13[%get3A, %get3A_142] {strides = array<i32>} : memref<160x128xf32, #tpu.memory_space<vmem>>, vector<1x16xf32>,
        %get3A_144 = vector.shape_cast %get3A_143 : vector<1x16xf32> to vector<16xf32>
        %swap3A = arith.index_cast %scan3A_141 : i32 to index
        %swap3A_145 = arith.constant 0 : index
        %swap3A_146 = tpu.vector_load %arg20[%swap3A, %swap3A_145] {strides = array<i32>} : memref<640x16xf32, #tpu.memory_space<vmem>>, vector<1x16xf32>,
        %swap3A_147 = vector.shape_cast %swap3A_146 : vector<1x16xf32> to vector<16xf32>
        %swap3A_148 = vector.shape_cast %get3A_144 : vector<16xf32> to vector<1x16xf32>
        tpu.vector_store %arg20[%swap3A, %swap3A_145], %swap3A_148 {strides = array<i32>} : memref<640x16xf32, #tpu.memory_space<vmem>>, vector<1x16xf32>,
      }
      %scan3A_120 = arith.constant 156 : i32
      "tpu.region"() ({
        %run_scoped3A = tpu.sem_alloc : memref<!tpu.dma_semaphore, #tpu.memory_space<semaphore_mem>>
        %dma_start3A = arith.constant 0 : i32
        %dma_start3A_141 = arith.constant 0 : i32
        %dma_start3A_142 = tpu.memref_slice %arg20[%dma_start3A, %dma_start3A_141] : memref<640x16xf32, #tpu.memory_space<vmem>> -> memref<156x16xf32, #tpu.memory_space<vmem>>
        %dma_start3A_143 = arith.constant 0 : i32
        %dma_start3A_144 = tpu.memref_slice %arg21[%add3A_114, %dma_start3A_143] : memref<10000x16xf32, #tpu.memory_space<vmem_shared>> -> memref<156x16xf32, #tpu.memory_space<vmem_shared>>
        %dma_start3A_145 = arith.constant 0 : i32
        %dma_start3A_146 = tpu.memref_slice %arg21[%add3A_114, %dma_start3A_145] : memref<10000x16xf32, #tpu.memory_space<vmem_shared>> -> memref<156x16xf32, #tpu.memory_space<vmem_shared>>
        %dma_start3A_147 = arith.constant 0 : i32
        %dma_start3A_148 = arith.constant 0 : i32
        %dma_start3A_149 = tpu.memref_slice %arg20[%dma_start3A_147, %dma_start3A_148] : memref<640x16xf32, #tpu.memory_space<vmem>> -> memref<156x16xf32, #tpu.memory_space<vmem>>
        tpu.enqueue_dma source(%dma_start3A_149 : memref<156x16xf32, #tpu.memory_space<vmem>>) target(%dma_start3A_146 : memref<156x16xf32, #tpu.memory_space<vmem_shared>>) target_semaphore(%run_scoped3A : memref<!tpu.dma_semaphore, #tpu.memory_space<semaphore_mem>>)
        %dma_wait3A = arith.constant 0 : i32
        %dma_wait3A_150 = arith.constant 0 : i32
        %dma_wait3A_151 = tpu.memref_slice %arg20[%dma_wait3A, %dma_wait3A_150] : memref<640x16xf32, #tpu.memory_space<vmem>> -> memref<156x16xf32, #tpu.memory_space<vmem>>
        %dma_wait3A_152 = arith.constant 0 : i32
        %dma_wait3A_153 = tpu.memref_slice %arg21[%add3A_114, %dma_wait3A_152] : memref<10000x16xf32, #tpu.memory_space<vmem_shared>> -> memref<156x16xf32, #tpu.memory_space<vmem_shared>>
        %dma_wait3A_154 = arith.constant 0 : i32
        %dma_wait3A_155 = tpu.memref_slice %arg21[%add3A_114, %dma_wait3A_154] : memref<10000x16xf32, #tpu.memory_space<vmem_shared>> -> memref<156x16xf32, #tpu.memory_space<vmem_shared>>
        %dma_wait3A_156 = arith.constant 0 : i32
        %dma_wait3A_157 = arith.constant 0 : i32
        %dma_wait3A_158 = tpu.memref_slice %arg20[%dma_wait3A_156, %dma_wait3A_157] : memref<640x16xf32, #tpu.memory_space<vmem>> -> memref<156x16xf32, #tpu.memory_space<vmem>>
        tpu.wait_dma2 semaphore(%run_scoped3A : memref<!tpu.dma_semaphore, #tpu.memory_space<semaphore_mem>>) src(%dma_wait3A_158 : memref<156x16xf32, #tpu.memory_space<vmem>>) dst(%dma_wait3A_155 : memref<156x16xf32, #tpu.memory_space<vmem_shared>>)
        tpu.yield
      }) : () -> ()
      %scan3A_121 = arith.constant 0 : i32
      %scan3A_122 = arith.constant 0 : i32
      %scan3A_123 = arith.constant 156 : i32
      %scan3A_124 = arith.addi %scan3A_122, %scan3A_123 : i32
      %scan3A_125 = arith.constant 1 : i32
      scf.for %scan3A_141 = %scan3A_122 to %scan3A_124 step %scan3A_125  : i32 {
        %get3A = arith.index_cast %scan3A_141 : i32 to index
        %get3A_142 = arith.constant 16 : index
        %get3A_143 = tpu.vector_load %arg13[%get3A, %get3A_142] {strides = array<i32>} : memref<160x128xf32, #tpu.memory_space<vmem>>, vector<1x16xf32>,
        %get3A_144 = vector.shape_cast %get3A_143 : vector<1x16xf32> to vector<16xf32>
        %swap3A = arith.index_cast %scan3A_141 : i32 to index
        %swap3A_145 = arith.constant 0 : index
        %swap3A_146 = tpu.vector_load %arg20[%swap3A, %swap3A_145] {strides = array<i32>} : memref<640x16xf32, #tpu.memory_space<vmem>>, vector<1x16xf32>,
        %swap3A_147 = vector.shape_cast %swap3A_146 : vector<1x16xf32> to vector<16xf32>
        %swap3A_148 = vector.shape_cast %get3A_144 : vector<16xf32> to vector<1x16xf32>
        tpu.vector_store %arg20[%swap3A, %swap3A_145], %swap3A_148 {strides = array<i32>} : memref<640x16xf32, #tpu.memory_space<vmem>>, vector<1x16xf32>,
      }
      %scan3A_126 = arith.constant 156 : i32
      "tpu.region"() ({
        %run_scoped3A = tpu.sem_alloc : memref<!tpu.dma_semaphore, #tpu.memory_space<semaphore_mem>>
        %dma_start3A = arith.constant 0 : i32
        %dma_start3A_141 = arith.constant 0 : i32
        %dma_start3A_142 = tpu.memref_slice %arg20[%dma_start3A, %dma_start3A_141] : memref<640x16xf32, #tpu.memory_space<vmem>> -> memref<156x16xf32, #tpu.memory_space<vmem>>
        %dma_start3A_143 = arith.constant 0 : i32
        %dma_start3A_144 = tpu.memref_slice %arg22[%add3A_114, %dma_start3A_143] : memref<10000x16xf32, #tpu.memory_space<vmem_shared>> -> memref<156x16xf32, #tpu.memory_space<vmem_shared>>
        %dma_start3A_145 = arith.constant 0 : i32
        %dma_start3A_146 = tpu.memref_slice %arg22[%add3A_114, %dma_start3A_145] : memref<10000x16xf32, #tpu.memory_space<vmem_shared>> -> memref<156x16xf32, #tpu.memory_space<vmem_shared>>
        %dma_start3A_147 = arith.constant 0 : i32
        %dma_start3A_148 = arith.constant 0 : i32
        %dma_start3A_149 = tpu.memref_slice %arg20[%dma_start3A_147, %dma_start3A_148] : memref<640x16xf32, #tpu.memory_space<vmem>> -> memref<156x16xf32, #tpu.memory_space<vmem>>
        tpu.enqueue_dma source(%dma_start3A_149 : memref<156x16xf32, #tpu.memory_space<vmem>>) target(%dma_start3A_146 : memref<156x16xf32, #tpu.memory_space<vmem_shared>>) target_semaphore(%run_scoped3A : memref<!tpu.dma_semaphore, #tpu.memory_space<semaphore_mem>>)
        %dma_wait3A = arith.constant 0 : i32
        %dma_wait3A_150 = arith.constant 0 : i32
        %dma_wait3A_151 = tpu.memref_slice %arg20[%dma_wait3A, %dma_wait3A_150] : memref<640x16xf32, #tpu.memory_space<vmem>> -> memref<156x16xf32, #tpu.memory_space<vmem>>
        %dma_wait3A_152 = arith.constant 0 : i32
        %dma_wait3A_153 = tpu.memref_slice %arg22[%add3A_114, %dma_wait3A_152] : memref<10000x16xf32, #tpu.memory_space<vmem_shared>> -> memref<156x16xf32, #tpu.memory_space<vmem_shared>>
        %dma_wait3A_154 = arith.constant 0 : i32
        %dma_wait3A_155 = tpu.memref_slice %arg22[%add3A_114, %dma_wait3A_154] : memref<10000x16xf32, #tpu.memory_space<vmem_shared>> -> memref<156x16xf32, #tpu.memory_space<vmem_shared>>
        %dma_wait3A_156 = arith.constant 0 : i32
        %dma_wait3A_157 = arith.constant 0 : i32
        %dma_wait3A_158 = tpu.memref_slice %arg20[%dma_wait3A_156, %dma_wait3A_157] : memref<640x16xf32, #tpu.memory_space<vmem>> -> memref<156x16xf32, #tpu.memory_space<vmem>>
        tpu.wait_dma2 semaphore(%run_scoped3A : memref<!tpu.dma_semaphore, #tpu.memory_space<semaphore_mem>>) src(%dma_wait3A_158 : memref<156x16xf32, #tpu.memory_space<vmem>>) dst(%dma_wait3A_155 : memref<156x16xf32, #tpu.memory_space<vmem_shared>>)
        tpu.yield
      }) : () -> ()
      %add3A_127 = arith.constant 468 : i32
      %add3A_128 = arith.addi %mul3A_2, %add3A_127 : i32
      "tpu.region"() ({
        %run_scoped3A = tpu.sem_alloc : memref<!tpu.dma_semaphore, #tpu.memory_space<semaphore_mem>>
        %dma_start3A = arith.constant 0 : i32
        %dma_start3A_141 = arith.constant 0 : i32
        %dma_start3A_142 = tpu.memref_slice %arg13[%dma_start3A, %dma_start3A_141] : memref<160x128xf32, #tpu.memory_space<vmem>> -> memref<156x128xf32, #tpu.memory_space<vmem>>
        %dma_start3A_143 = arith.constant 0 : i32
        %dma_start3A_144 = tpu.memref_slice %arg2[%add3A_128, %dma_start3A_143] : memref<10000x128xf32, #tpu.memory_space<hbm>> -> memref<156x128xf32, #tpu.memory_space<hbm>>
        %dma_start3A_145 = arith.constant 0 : i32
        %dma_start3A_146 = arith.constant 0 : i32
        %dma_start3A_147 = tpu.memref_slice %arg13[%dma_start3A_145, %dma_start3A_146] : memref<160x128xf32, #tpu.memory_space<vmem>> -> memref<156x128xf32, #tpu.memory_space<vmem>>
        %dma_start3A_148 = arith.constant 0 : i32
        %dma_start3A_149 = tpu.memref_slice %arg2[%add3A_128, %dma_start3A_148] : memref<10000x128xf32, #tpu.memory_space<hbm>> -> memref<156x128xf32, #tpu.memory_space<hbm>>
        tpu.enqueue_dma source(%dma_start3A_149 : memref<156x128xf32, #tpu.memory_space<hbm>>) target(%dma_start3A_147 : memref<156x128xf32, #tpu.memory_space<vmem>>) target_semaphore(%run_scoped3A : memref<!tpu.dma_semaphore, #tpu.memory_space<semaphore_mem>>)
        %dma_wait3A = arith.constant 0 : i32
        %dma_wait3A_150 = arith.constant 0 : i32
        %dma_wait3A_151 = tpu.memref_slice %arg13[%dma_wait3A, %dma_wait3A_150] : memref<160x128xf32, #tpu.memory_space<vmem>> -> memref<156x128xf32, #tpu.memory_space<vmem>>
        %dma_wait3A_152 = arith.constant 0 : i32
        %dma_wait3A_153 = tpu.memref_slice %arg2[%add3A_128, %dma_wait3A_152] : memref<10000x128xf32, #tpu.memory_space<hbm>> -> memref<156x128xf32, #tpu.memory_space<hbm>>
        %dma_wait3A_154 = arith.constant 0 : i32
        %dma_wait3A_155 = arith.constant 0 : i32
        %dma_wait3A_156 = tpu.memref_slice %arg13[%dma_wait3A_154, %dma_wait3A_155] : memref<160x128xf32, #tpu.memory_space<vmem>> -> memref<156x128xf32, #tpu.memory_space<vmem>>
        %dma_wait3A_157 = arith.constant 0 : i32
        %dma_wait3A_158 = tpu.memref_slice %arg2[%add3A_128, %dma_wait3A_157] : memref<10000x128xf32, #tpu.memory_space<hbm>> -> memref<156x128xf32, #tpu.memory_space<hbm>>
        tpu.wait_dma2 semaphore(%run_scoped3A : memref<!tpu.dma_semaphore, #tpu.memory_space<semaphore_mem>>) src(%dma_wait3A_158 : memref<156x128xf32, #tpu.memory_space<hbm>>) dst(%dma_wait3A_156 : memref<156x128xf32, #tpu.memory_space<vmem>>)
        tpu.yield
      }) : () -> ()
      %scan3A_129 = arith.constant 0 : i32
      %scan3A_130 = arith.constant 0 : i32
      %scan3A_131 = arith.constant 156 : i32
      %scan3A_132 = arith.addi %scan3A_130, %scan3A_131 : i32
      %scan3A_133 = arith.constant 1 : i32
      scf.for %scan3A_141 = %scan3A_130 to %scan3A_132 step %scan3A_133  : i32 {
        %get3A = arith.index_cast %scan3A_141 : i32 to index
        %get3A_142 = arith.constant 0 : index
        %get3A_143 = tpu.vector_load %arg13[%get3A, %get3A_142] {strides = array<i32>} : memref<160x128xf32, #tpu.memory_space<vmem>>, vector<1x16xf32>,
        %get3A_144 = vector.shape_cast %get3A_143 : vector<1x16xf32> to vector<16xf32>
        %swap3A = arith.index_cast %scan3A_141 : i32 to index
        %swap3A_145 = arith.constant 0 : index
        %swap3A_146 = tpu.vector_load %arg20[%swap3A, %swap3A_145] {strides = array<i32>} : memref<640x16xf32, #tpu.memory_space<vmem>>, vector<1x16xf32>,
        %swap3A_147 = vector.shape_cast %swap3A_146 : vector<1x16xf32> to vector<16xf32>
        %swap3A_148 = vector.shape_cast %get3A_144 : vector<16xf32> to vector<1x16xf32>
        tpu.vector_store %arg20[%swap3A, %swap3A_145], %swap3A_148 {strides = array<i32>} : memref<640x16xf32, #tpu.memory_space<vmem>>, vector<1x16xf32>,
      }
      %scan3A_134 = arith.constant 156 : i32
      "tpu.region"() ({
        %run_scoped3A = tpu.sem_alloc : memref<!tpu.dma_semaphore, #tpu.memory_space<semaphore_mem>>
        %dma_start3A = arith.constant 0 : i32
        %dma_start3A_141 = arith.constant 0 : i32
        %dma_start3A_142 = tpu.memref_slice %arg20[%dma_start3A, %dma_start3A_141] : memref<640x16xf32, #tpu.memory_space<vmem>> -> memref<156x16xf32, #tpu.memory_space<vmem>>
        %dma_start3A_143 = arith.constant 0 : i32
        %dma_start3A_144 = tpu.memref_slice %arg21[%add3A_128, %dma_start3A_143] : memref<10000x16xf32, #tpu.memory_space<vmem_shared>> -> memref<156x16xf32, #tpu.memory_space<vmem_shared>>
        %dma_start3A_145 = arith.constant 0 : i32
        %dma_start3A_146 = tpu.memref_slice %arg21[%add3A_128, %dma_start3A_145] : memref<10000x16xf32, #tpu.memory_space<vmem_shared>> -> memref<156x16xf32, #tpu.memory_space<vmem_shared>>
        %dma_start3A_147 = arith.constant 0 : i32
        %dma_start3A_148 = arith.constant 0 : i32
        %dma_start3A_149 = tpu.memref_slice %arg20[%dma_start3A_147, %dma_start3A_148] : memref<640x16xf32, #tpu.memory_space<vmem>> -> memref<156x16xf32, #tpu.memory_space<vmem>>
        tpu.enqueue_dma source(%dma_start3A_149 : memref<156x16xf32, #tpu.memory_space<vmem>>) target(%dma_start3A_146 : memref<156x16xf32, #tpu.memory_space<vmem_shared>>) target_semaphore(%run_scoped3A : memref<!tpu.dma_semaphore, #tpu.memory_space<semaphore_mem>>)
        %dma_wait3A = arith.constant 0 : i32
        %dma_wait3A_150 = arith.constant 0 : i32
        %dma_wait3A_151 = tpu.memref_slice %arg20[%dma_wait3A, %dma_wait3A_150] : memref<640x16xf32, #tpu.memory_space<vmem>> -> memref<156x16xf32, #tpu.memory_space<vmem>>
        %dma_wait3A_152 = arith.constant 0 : i32
        %dma_wait3A_153 = tpu.memref_slice %arg21[%add3A_128, %dma_wait3A_152] : memref<10000x16xf32, #tpu.memory_space<vmem_shared>> -> memref<156x16xf32, #tpu.memory_space<vmem_shared>>
        %dma_wait3A_154 = arith.constant 0 : i32
        %dma_wait3A_155 = tpu.memref_slice %arg21[%add3A_128, %dma_wait3A_154] : memref<10000x16xf32, #tpu.memory_space<vmem_shared>> -> memref<156x16xf32, #tpu.memory_space<vmem_shared>>
        %dma_wait3A_156 = arith.constant 0 : i32
        %dma_wait3A_157 = arith.constant 0 : i32
        %dma_wait3A_158 = tpu.memref_slice %arg20[%dma_wait3A_156, %dma_wait3A_157] : memref<640x16xf32, #tpu.memory_space<vmem>> -> memref<156x16xf32, #tpu.memory_space<vmem>>
        tpu.wait_dma2 semaphore(%run_scoped3A : memref<!tpu.dma_semaphore, #tpu.memory_space<semaphore_mem>>) src(%dma_wait3A_158 : memref<156x16xf32, #tpu.memory_space<vmem>>) dst(%dma_wait3A_155 : memref<156x16xf32, #tpu.memory_space<vmem_shared>>)
        tpu.yield
      }) : () -> ()
      %scan3A_135 = arith.constant 0 : i32
      %scan3A_136 = arith.constant 0 : i32
      %scan3A_137 = arith.constant 156 : i32
      %scan3A_138 = arith.addi %scan3A_136, %scan3A_137 : i32
      %scan3A_139 = arith.constant 1 : i32
      scf.for %scan3A_141 = %scan3A_136 to %scan3A_138 step %scan3A_139  : i32 {
        %get3A = arith.index_cast %scan3A_141 : i32 to index
        %get3A_142 = arith.constant 16 : index
        %get3A_143 = tpu.vector_load %arg13[%get3A, %get3A_142] {strides = array<i32>} : memref<160x128xf32, #tpu.memory_space<vmem>>, vector<1x16xf32>,
        %get3A_144 = vector.shape_cast %get3A_143 : vector<1x16xf32> to vector<16xf32>
        %swap3A = arith.index_cast %scan3A_141 : i32 to index
        %swap3A_145 = arith.constant 0 : index
        %swap3A_146 = tpu.vector_load %arg20[%swap3A, %swap3A_145] {strides = array<i32>} : memref<640x16xf32, #tpu.memory_space<vmem>>, vector<1x16xf32>,
        %swap3A_147 = vector.shape_cast %swap3A_146 : vector<1x16xf32> to vector<16xf32>
        %swap3A_148 = vector.shape_cast %get3A_144 : vector<16xf32> to vector<1x16xf32>
        tpu.vector_store %arg20[%swap3A, %swap3A_145], %swap3A_148 {strides = array<i32>} : memref<640x16xf32, #tpu.memory_space<vmem>>, vector<1x16xf32>,
      }
      %scan3A_140 = arith.constant 156 : i32
      "tpu.region"() ({
        %run_scoped3A = tpu.sem_alloc : memref<!tpu.dma_semaphore, #tpu.memory_space<semaphore_mem>>
        %dma_start3A = arith.constant 0 : i32
        %dma_start3A_141 = arith.constant 0 : i32
        %dma_start3A_142 = tpu.memref_slice %arg20[%dma_start3A, %dma_start3A_141] : memref<640x16xf32, #tpu.memory_space<vmem>> -> memref<156x16xf32, #tpu.memory_space<vmem>>
        %dma_start3A_143 = arith.constant 0 : i32
        %dma_start3A_144 = tpu.memref_slice %arg22[%add3A_128, %dma_start3A_143] : memref<10000x16xf32, #tpu.memory_space<vmem_shared>> -> memref<156x16xf32, #tpu.memory_space<vmem_shared>>
        %dma_start3A_145 = arith.constant 0 : i32
        %dma_start3A_146 = tpu.memref_slice %arg22[%add3A_128, %dma_start3A_145] : memref<10000x16xf32, #tpu.memory_space<vmem_shared>> -> memref<156x16xf32, #tpu.memory_space<vmem_shared>>
        %dma_start3A_147 = arith.constant 0 : i32
        %dma_start3A_148 = arith.constant 0 : i32
        %dma_start3A_149 = tpu.memref_slice %arg20[%dma_start3A_147, %dma_start3A_148] : memref<640x16xf32, #tpu.memory_space<vmem>> -> memref<156x16xf32, #tpu.memory_space<vmem>>
        tpu.enqueue_dma source(%dma_start3A_149 : memref<156x16xf32, #tpu.memory_space<vmem>>) target(%dma_start3A_146 : memref<156x16xf32, #tpu.memory_space<vmem_shared>>) target_semaphore(%run_scoped3A : memref<!tpu.dma_semaphore, #tpu.memory_space<semaphore_mem>>)
        %dma_wait3A = arith.constant 0 : i32
        %dma_wait3A_150 = arith.constant 0 : i32
        %dma_wait3A_151 = tpu.memref_slice %arg20[%dma_wait3A, %dma_wait3A_150] : memref<640x16xf32, #tpu.memory_space<vmem>> -> memref<156x16xf32, #tpu.memory_space<vmem>>
        %dma_wait3A_152 = arith.constant 0 : i32
        %dma_wait3A_153 = tpu.memref_slice %arg22[%add3A_128, %dma_wait3A_152] : memref<10000x16xf32, #tpu.memory_space<vmem_shared>> -> memref<156x16xf32, #tpu.memory_space<vmem_shared>>
        %dma_wait3A_154 = arith.constant 0 : i32
        %dma_wait3A_155 = tpu.memref_slice %arg22[%add3A_128, %dma_wait3A_154] : memref<10000x16xf32, #tpu.memory_space<vmem_shared>> -> memref<156x16xf32, #tpu.memory_space<vmem_shared>>
        %dma_wait3A_156 = arith.constant 0 : i32
        %dma_wait3A_157 = arith.constant 0 : i32
        %dma_wait3A_158 = tpu.memref_slice %arg20[%dma_wait3A_156, %dma_wait3A_157] : memref<640x16xf32, #tpu.memory_space<vmem>> -> memref<156x16xf32, #tpu.memory_space<vmem>>
        tpu.wait_dma2 semaphore(%run_scoped3A : memref<!tpu.dma_semaphore, #tpu.memory_space<semaphore_mem>>) src(%dma_wait3A_158 : memref<156x16xf32, #tpu.memory_space<vmem>>) dst(%dma_wait3A_155 : memref<156x16xf32, #tpu.memory_space<vmem_shared>>)
        tpu.yield
      }) : () -> ()
    } else {
    }
    %barrier3A = arith.constant 0 : index
    tpu.barrier barrier_id(%barrier3A)
    %mul3A_23 = arith.constant 10000 : i32
    %mul3A_24 = arith.muli %add3A, %mul3A_23 : i32
    %mul3A_25 = arith.constant 1250 : i32
    %mul3A_26 = arith.muli %add3A, %mul3A_25 : i32
    %scan3A_27 = arith.constant 0 : i32
    %scan3A_28 = arith.constant 0 : i32
    %scan3A_29 = arith.constant 25 : i32
    %scan3A_30 = arith.addi %scan3A_28, %scan3A_29 : i32
    %scan3A_31 = arith.constant 1 : i32
    scf.for %scan3A_85 = %scan3A_28 to %scan3A_30 step %scan3A_31  : i32 {
      %mul3A_86 = arith.constant 400 : i32
      %mul3A_87 = arith.muli %scan3A_85, %mul3A_86 : i32
      %add3A_88 = arith.addi %mul3A_24, %mul3A_87 : i32
      %mul3A_89 = arith.constant 50 : i32
      %mul3A_90 = arith.muli %scan3A_85, %mul3A_89 : i32
      %add3A_91 = arith.addi %mul3A_26, %mul3A_90 : i32
      %dma_start3A = tpu.memref_slice %arg5[%add3A_88] : memref<320000xi32, #tpu.memory_space<hbm>> -> memref<400xi32, #tpu.memory_space<hbm>>
      %dma_start3A_92 = tpu.memref_slice %arg5[%add3A_88] : memref<320000xi32, #tpu.memory_space<hbm>> -> memref<400xi32, #tpu.memory_space<hbm>>
      tpu.enqueue_dma source(%dma_start3A_92 : memref<400xi32, #tpu.memory_space<hbm>>) target(%arg14 : memref<400xi32, #tpu.memory_space<vmem>>) target_semaphore(%arg25 : memref<!tpu.dma_semaphore, #tpu.memory_space<semaphore_mem>>)
      %dma_start3A_93 = tpu.memref_slice %arg6[%add3A_88] : memref<320000xi32, #tpu.memory_space<hbm>> -> memref<400xi32, #tpu.memory_space<hbm>>
      %dma_start3A_94 = tpu.memref_slice %arg6[%add3A_88] : memref<320000xi32, #tpu.memory_space<hbm>> -> memref<400xi32, #tpu.memory_space<hbm>>
      tpu.enqueue_dma source(%dma_start3A_94 : memref<400xi32, #tpu.memory_space<hbm>>) target(%arg15 : memref<400xi32, #tpu.memory_space<vmem>>) target_semaphore(%arg25 : memref<!tpu.dma_semaphore, #tpu.memory_space<semaphore_mem>>)
      %dma_start3A_95 = arith.constant 0 : i32
      %dma_start3A_96 = tpu.memref_slice %arg3[%add3A_91, %dma_start3A_95] : memref<40000x128xf32, #tpu.memory_space<hbm>> -> memref<50x128xf32, #tpu.memory_space<hbm>>
      %dma_start3A_97 = arith.constant 0 : i32
      %dma_start3A_98 = tpu.memref_slice %arg3[%add3A_91, %dma_start3A_97] : memref<40000x128xf32, #tpu.memory_space<hbm>> -> memref<50x128xf32, #tpu.memory_space<hbm>>
      tpu.enqueue_dma source(%dma_start3A_98 : memref<50x128xf32, #tpu.memory_space<hbm>>) target(%arg18 : memref<50x128xf32, #tpu.memory_space<vmem>>) target_semaphore(%arg25 : memref<!tpu.dma_semaphore, #tpu.memory_space<semaphore_mem>>)
      %dma_wait3A = tpu.memref_slice %arg5[%add3A_88] : memref<320000xi32, #tpu.memory_space<hbm>> -> memref<400xi32, #tpu.memory_space<hbm>>
      %dma_wait3A_99 = tpu.memref_slice %arg5[%add3A_88] : memref<320000xi32, #tpu.memory_space<hbm>> -> memref<400xi32, #tpu.memory_space<hbm>>
      tpu.wait_dma2 semaphore(%arg25 : memref<!tpu.dma_semaphore, #tpu.memory_space<semaphore_mem>>) src(%dma_wait3A_99 : memref<400xi32, #tpu.memory_space<hbm>>) dst(%arg14 : memref<400xi32, #tpu.memory_space<vmem>>)
      %dma_wait3A_100 = tpu.memref_slice %arg6[%add3A_88] : memref<320000xi32, #tpu.memory_space<hbm>> -> memref<400xi32, #tpu.memory_space<hbm>>
      %dma_wait3A_101 = tpu.memref_slice %arg6[%add3A_88] : memref<320000xi32, #tpu.memory_space<hbm>> -> memref<400xi32, #tpu.memory_space<hbm>>
      tpu.wait_dma2 semaphore(%arg25 : memref<!tpu.dma_semaphore, #tpu.memory_space<semaphore_mem>>) src(%dma_wait3A_101 : memref<400xi32, #tpu.memory_space<hbm>>) dst(%arg15 : memref<400xi32, #tpu.memory_space<vmem>>)
      %dma_wait3A_102 = arith.constant 0 : i32
      %dma_wait3A_103 = tpu.memref_slice %arg3[%add3A_91, %dma_wait3A_102] : memref<40000x128xf32, #tpu.memory_space<hbm>> -> memref<50x128xf32, #tpu.memory_space<hbm>>
      %dma_wait3A_104 = arith.constant 0 : i32
      %dma_wait3A_105 = tpu.memref_slice %arg3[%add3A_91, %dma_wait3A_104] : memref<40000x128xf32, #tpu.memory_space<hbm>> -> memref<50x128xf32, #tpu.memory_space<hbm>>
      tpu.wait_dma2 semaphore(%arg25 : memref<!tpu.dma_semaphore, #tpu.memory_space<semaphore_mem>>) src(%dma_wait3A_105 : memref<50x128xf32, #tpu.memory_space<hbm>>) dst(%arg18 : memref<50x128xf32, #tpu.memory_space<vmem>>)
      %dma_start3A_106 = arith.constant 0 : i32
      %dma_start3A_107 = arith.constant 0 : i32
      %dma_start3A_108 = tpu.memref_slice %arg16[%dma_start3A_106, %dma_start3A_107] : memref<400x16xf32, #tpu.memory_space<vmem>> -> memref<128x16xf32, #tpu.memory_space<vmem>>
      %dma_start3A_109 = arith.constant 0 : i32
      %dma_start3A_110 = tpu.memref_slice %arg14[%dma_start3A_109] : memref<400xi32, #tpu.memory_space<vmem>> -> memref<128xi32, #tpu.memory_space<vmem>>
      %dma_start3A_111 = arith.constant 0 : i32
      %dma_start3A_112 = arith.constant 0 : i32
      %dma_start3A_113 = tpu.memref_slice %arg21[%dma_start3A_111, %dma_start3A_112] : memref<10000x16xf32, #tpu.memory_space<vmem_shared>> -> memref<10000x16xf32, #tpu.memory_space<vmem_shared>>
      tpu.enqueue_indirect_dma source(%dma_start3A_113 : memref<10000x16xf32, #tpu.memory_space<vmem_shared>>) target(%dma_start3A_108 : memref<128x16xf32, #tpu.memory_space<vmem>>) offsets(%dma_start3A_110 : memref<128xi32, #tpu.memory_space<vmem>>) semaphore(%arg24 : memref<!tpu.dma_semaphore, #tpu.memory_space<semaphore_mem>>)
      %dma_start3A_114 = arith.constant 0 : i32
      %dma_start3A_115 = arith.constant 0 : i32
      %dma_start3A_116 = tpu.memref_slice %arg17[%dma_start3A_114, %dma_start3A_115] : memref<400x16xf32, #tpu.memory_space<vmem>> -> memref<128x16xf32, #tpu.memory_space<vmem>>
      %dma_start3A_117 = arith.constant 0 : i32
      %dma_start3A_118 = tpu.memref_slice %arg15[%dma_start3A_117] : memref<400xi32, #tpu.memory_space<vmem>> -> memref<128xi32, #tpu.memory_space<vmem>>
      %dma_start3A_119 = arith.constant 0 : i32
      %dma_start3A_120 = arith.constant 0 : i32
      %dma_start3A_121 = tpu.memref_slice %arg22[%dma_start3A_119, %dma_start3A_120] : memref<10000x16xf32, #tpu.memory_space<vmem_shared>> -> memref<10000x16xf32, #tpu.memory_space<vmem_shared>>
      tpu.enqueue_indirect_dma source(%dma_start3A_121 : memref<10000x16xf32, #tpu.memory_space<vmem_shared>>) target(%dma_start3A_116 : memref<128x16xf32, #tpu.memory_space<vmem>>) offsets(%dma_start3A_118 : memref<128xi32, #tpu.memory_space<vmem>>) semaphore(%arg24 : memref<!tpu.dma_semaphore, #tpu.memory_space<semaphore_mem>>)
      %dma_start3A_122 = arith.constant 128 : i32
      %dma_start3A_123 = arith.constant 0 : i32
      %dma_start3A_124 = tpu.memref_slice %arg16[%dma_start3A_122, %dma_start3A_123] : memref<400x16xf32, #tpu.memory_space<vmem>> -> memref<128x16xf32, #tpu.memory_space<vmem>>
      %dma_start3A_125 = arith.constant 128 : i32
      %dma_start3A_126 = tpu.memref_slice %arg14[%dma_start3A_125] : memref<400xi32, #tpu.memory_space<vmem>> -> memref<128xi32, #tpu.memory_space<vmem>>
      %dma_start3A_127 = arith.constant 0 : i32
      %dma_start3A_128 = arith.constant 0 : i32
      %dma_start3A_129 = tpu.memref_slice %arg21[%dma_start3A_127, %dma_start3A_128] : memref<10000x16xf32, #tpu.memory_space<vmem_shared>> -> memref<10000x16xf32, #tpu.memory_space<vmem_shared>>
      tpu.enqueue_indirect_dma source(%dma_start3A_129 : memref<10000x16xf32, #tpu.memory_space<vmem_shared>>) target(%dma_start3A_124 : memref<128x16xf32, #tpu.memory_space<vmem>>) offsets(%dma_start3A_126 : memref<128xi32, #tpu.memory_space<vmem>>) semaphore(%arg24 : memref<!tpu.dma_semaphore, #tpu.memory_space<semaphore_mem>>)
      %dma_start3A_130 = arith.constant 128 : i32
      %dma_start3A_131 = arith.constant 0 : i32
      %dma_start3A_132 = tpu.memref_slice %arg17[%dma_start3A_130, %dma_start3A_131] : memref<400x16xf32, #tpu.memory_space<vmem>> -> memref<128x16xf32, #tpu.memory_space<vmem>>
      %dma_start3A_133 = arith.constant 128 : i32
      %dma_start3A_134 = tpu.memref_slice %arg15[%dma_start3A_133] : memref<400xi32, #tpu.memory_space<vmem>> -> memref<128xi32, #tpu.memory_space<vmem>>
      %dma_start3A_135 = arith.constant 0 : i32
      %dma_start3A_136 = arith.constant 0 : i32
      %dma_start3A_137 = tpu.memref_slice %arg22[%dma_start3A_135, %dma_start3A_136] : memref<10000x16xf32, #tpu.memory_space<vmem_shared>> -> memref<10000x16xf32, #tpu.memory_space<vmem_shared>>
      tpu.enqueue_indirect_dma source(%dma_start3A_137 : memref<10000x16xf32, #tpu.memory_space<vmem_shared>>) target(%dma_start3A_132 : memref<128x16xf32, #tpu.memory_space<vmem>>) offsets(%dma_start3A_134 : memref<128xi32, #tpu.memory_space<vmem>>) semaphore(%arg24 : memref<!tpu.dma_semaphore, #tpu.memory_space<semaphore_mem>>)
      %dma_start3A_138 = arith.constant 256 : i32
      %dma_start3A_139 = arith.constant 0 : i32
      %dma_start3A_140 = tpu.memref_slice %arg16[%dma_start3A_138, %dma_start3A_139] : memref<400x16xf32, #tpu.memory_space<vmem>> -> memref<128x16xf32, #tpu.memory_space<vmem>>
      %dma_start3A_141 = arith.constant 256 : i32
      %dma_start3A_142 = tpu.memref_slice %arg14[%dma_start3A_141] : memref<400xi32, #tpu.memory_space<vmem>> -> memref<128xi32, #tpu.memory_space<vmem>>
      %dma_start3A_143 = arith.constant 0 : i32
      %dma_start3A_144 = arith.constant 0 : i32
      %dma_start3A_145 = tpu.memref_slice %arg21[%dma_start3A_143, %dma_start3A_144] : memref<10000x16xf32, #tpu.memory_space<vmem_shared>> -> memref<10000x16xf32, #tpu.memory_space<vmem_shared>>
      tpu.enqueue_indirect_dma source(%dma_start3A_145 : memref<10000x16xf32, #tpu.memory_space<vmem_shared>>) target(%dma_start3A_140 : memref<128x16xf32, #tpu.memory_space<vmem>>) offsets(%dma_start3A_142 : memref<128xi32, #tpu.memory_space<vmem>>) semaphore(%arg24 : memref<!tpu.dma_semaphore, #tpu.memory_space<semaphore_mem>>)
      %dma_start3A_146 = arith.constant 256 : i32
      %dma_start3A_147 = arith.constant 0 : i32
      %dma_start3A_148 = tpu.memref_slice %arg17[%dma_start3A_146, %dma_start3A_147] : memref<400x16xf32, #tpu.memory_space<vmem>> -> memref<128x16xf32, #tpu.memory_space<vmem>>
      %dma_start3A_149 = arith.constant 256 : i32
      %dma_start3A_150 = tpu.memref_slice %arg15[%dma_start3A_149] : memref<400xi32, #tpu.memory_space<vmem>> -> memref<128xi32, #tpu.memory_space<vmem>>
      %dma_start3A_151 = arith.constant 0 : i32
      %dma_start3A_152 = arith.constant 0 : i32
      %dma_start3A_153 = tpu.memref_slice %arg22[%dma_start3A_151, %dma_start3A_152] : memref<10000x16xf32, #tpu.memory_space<vmem_shared>> -> memref<10000x16xf32, #tpu.memory_space<vmem_shared>>
      tpu.enqueue_indirect_dma source(%dma_start3A_153 : memref<10000x16xf32, #tpu.memory_space<vmem_shared>>) target(%dma_start3A_148 : memref<128x16xf32, #tpu.memory_space<vmem>>) offsets(%dma_start3A_150 : memref<128xi32, #tpu.memory_space<vmem>>) semaphore(%arg24 : memref<!tpu.dma_semaphore, #tpu.memory_space<semaphore_mem>>)
      %dma_start3A_154 = arith.constant 384 : i32
      %dma_start3A_155 = arith.constant 0 : i32
      %dma_start3A_156 = tpu.memref_slice %arg16[%dma_start3A_154, %dma_start3A_155] : memref<400x16xf32, #tpu.memory_space<vmem>> -> memref<16x16xf32, #tpu.memory_space<vmem>>
      %dma_start3A_157 = arith.constant 384 : i32
      %dma_start3A_158 = tpu.memref_slice %arg14[%dma_start3A_157] : memref<400xi32, #tpu.memory_space<vmem>> -> memref<16xi32, #tpu.memory_space<vmem>>
      %dma_start3A_159 = arith.constant 0 : i32
      %dma_start3A_160 = arith.constant 0 : i32
      %dma_start3A_161 = tpu.memref_slice %arg21[%dma_start3A_159, %dma_start3A_160] : memref<10000x16xf32, #tpu.memory_space<vmem_shared>> -> memref<10000x16xf32, #tpu.memory_space<vmem_shared>>
      tpu.enqueue_indirect_dma source(%dma_start3A_161 : memref<10000x16xf32, #tpu.memory_space<vmem_shared>>) target(%dma_start3A_156 : memref<16x16xf32, #tpu.memory_space<vmem>>) offsets(%dma_start3A_158 : memref<16xi32, #tpu.memory_space<vmem>>) semaphore(%arg24 : memref<!tpu.dma_semaphore, #tpu.memory_space<semaphore_mem>>)
      %dma_start3A_162 = arith.constant 384 : i32
      %dma_start3A_163 = arith.constant 0 : i32
      %dma_start3A_164 = tpu.memref_slice %arg17[%dma_start3A_162, %dma_start3A_163] : memref<400x16xf32, #tpu.memory_space<vmem>> -> memref<16x16xf32, #tpu.memory_space<vmem>>
      %dma_start3A_165 = arith.constant 384 : i32
      %dma_start3A_166 = tpu.memref_slice %arg15[%dma_start3A_165] : memref<400xi32, #tpu.memory_space<vmem>> -> memref<16xi32, #tpu.memory_space<vmem>>
      %dma_start3A_167 = arith.constant 0 : i32
      %dma_start3A_168 = arith.constant 0 : i32
      %dma_start3A_169 = tpu.memref_slice %arg22[%dma_start3A_167, %dma_start3A_168] : memref<10000x16xf32, #tpu.memory_space<vmem_shared>> -> memref<10000x16xf32, #tpu.memory_space<vmem_shared>>
      tpu.enqueue_indirect_dma source(%dma_start3A_169 : memref<10000x16xf32, #tpu.memory_space<vmem_shared>>) target(%dma_start3A_164 : memref<16x16xf32, #tpu.memory_space<vmem>>) offsets(%dma_start3A_166 : memref<16xi32, #tpu.memory_space<vmem>>) semaphore(%arg24 : memref<!tpu.dma_semaphore, #tpu.memory_space<semaphore_mem>>)
      %dma_wait3A_170 = arith.constant 0 : i32
      %dma_wait3A_171 = arith.constant 0 : i32
      %dma_wait3A_172 = tpu.memref_slice %arg16[%dma_wait3A_170, %dma_wait3A_171] : memref<400x16xf32, #tpu.memory_space<vmem>> -> memref<128x16xf32, #tpu.memory_space<vmem>>
      %dma_wait3A_173 = arith.constant 0 : i32
      %dma_wait3A_174 = tpu.memref_slice %arg14[%dma_wait3A_173] : memref<400xi32, #tpu.memory_space<vmem>> -> memref<128xi32, #tpu.memory_space<vmem>>
      %dma_wait3A_175 = arith.constant 0 : i32
      %dma_wait3A_176 = arith.constant 0 : i32
      %dma_wait3A_177 = tpu.memref_slice %arg21[%dma_wait3A_175, %dma_wait3A_176] : memref<10000x16xf32, #tpu.memory_space<vmem_shared>> -> memref<10000x16xf32, #tpu.memory_space<vmem_shared>>
      tpu.wait_indirect_dma semaphore(%arg24 : memref<!tpu.dma_semaphore, #tpu.memory_space<semaphore_mem>>) src(%dma_wait3A_177 : memref<10000x16xf32, #tpu.memory_space<vmem_shared>>) dst(%dma_wait3A_172 : memref<128x16xf32, #tpu.memory_space<vmem>>)
      %dma_wait3A_178 = arith.constant 0 : i32
      %dma_wait3A_179 = arith.constant 0 : i32
      %dma_wait3A_180 = tpu.memref_slice %arg17[%dma_wait3A_178, %dma_wait3A_179] : memref<400x16xf32, #tpu.memory_space<vmem>> -> memref<128x16xf32, #tpu.memory_space<vmem>>
      %dma_wait3A_181 = arith.constant 0 : i32
      %dma_wait3A_182 = tpu.memref_slice %arg15[%dma_wait3A_181] : memref<400xi32, #tpu.memory_space<vmem>> -> memref<128xi32, #tpu.memory_space<vmem>>
      %dma_wait3A_183 = arith.constant 0 : i32
      %dma_wait3A_184 = arith.constant 0 : i32
      %dma_wait3A_185 = tpu.memref_slice %arg22[%dma_wait3A_183, %dma_wait3A_184] : memref<10000x16xf32, #tpu.memory_space<vmem_shared>> -> memref<10000x16xf32, #tpu.memory_space<vmem_shared>>
      tpu.wait_indirect_dma semaphore(%arg24 : memref<!tpu.dma_semaphore, #tpu.memory_space<semaphore_mem>>) src(%dma_wait3A_185 : memref<10000x16xf32, #tpu.memory_space<vmem_shared>>) dst(%dma_wait3A_180 : memref<128x16xf32, #tpu.memory_space<vmem>>)
      %dma_wait3A_186 = arith.constant 128 : i32
      %dma_wait3A_187 = arith.constant 0 : i32
      %dma_wait3A_188 = tpu.memref_slice %arg16[%dma_wait3A_186, %dma_wait3A_187] : memref<400x16xf32, #tpu.memory_space<vmem>> -> memref<128x16xf32, #tpu.memory_space<vmem>>
      %dma_wait3A_189 = arith.constant 128 : i32
      %dma_wait3A_190 = tpu.memref_slice %arg14[%dma_wait3A_189] : memref<400xi32, #tpu.memory_space<vmem>> -> memref<128xi32, #tpu.memory_space<vmem>>
      %dma_wait3A_191 = arith.constant 0 : i32
      %dma_wait3A_192 = arith.constant 0 : i32
      %dma_wait3A_193 = tpu.memref_slice %arg21[%dma_wait3A_191, %dma_wait3A_192] : memref<10000x16xf32, #tpu.memory_space<vmem_shared>> -> memref<10000x16xf32, #tpu.memory_space<vmem_shared>>
      tpu.wait_indirect_dma semaphore(%arg24 : memref<!tpu.dma_semaphore, #tpu.memory_space<semaphore_mem>>) src(%dma_wait3A_193 : memref<10000x16xf32, #tpu.memory_space<vmem_shared>>) dst(%dma_wait3A_188 : memref<128x16xf32, #tpu.memory_space<vmem>>)
      %dma_wait3A_194 = arith.constant 128 : i32
      %dma_wait3A_195 = arith.constant 0 : i32
      %dma_wait3A_196 = tpu.memref_slice %arg17[%dma_wait3A_194, %dma_wait3A_195] : memref<400x16xf32, #tpu.memory_space<vmem>> -> memref<128x16xf32, #tpu.memory_space<vmem>>
      %dma_wait3A_197 = arith.constant 128 : i32
      %dma_wait3A_198 = tpu.memref_slice %arg15[%dma_wait3A_197] : memref<400xi32, #tpu.memory_space<vmem>> -> memref<128xi32, #tpu.memory_space<vmem>>
      %dma_wait3A_199 = arith.constant 0 : i32
      %dma_wait3A_200 = arith.constant 0 : i32
      %dma_wait3A_201 = tpu.memref_slice %arg22[%dma_wait3A_199, %dma_wait3A_200] : memref<10000x16xf32, #tpu.memory_space<vmem_shared>> -> memref<10000x16xf32, #tpu.memory_space<vmem_shared>>
      tpu.wait_indirect_dma semaphore(%arg24 : memref<!tpu.dma_semaphore, #tpu.memory_space<semaphore_mem>>) src(%dma_wait3A_201 : memref<10000x16xf32, #tpu.memory_space<vmem_shared>>) dst(%dma_wait3A_196 : memref<128x16xf32, #tpu.memory_space<vmem>>)
      %dma_wait3A_202 = arith.constant 256 : i32
      %dma_wait3A_203 = arith.constant 0 : i32
      %dma_wait3A_204 = tpu.memref_slice %arg16[%dma_wait3A_202, %dma_wait3A_203] : memref<400x16xf32, #tpu.memory_space<vmem>> -> memref<128x16xf32, #tpu.memory_space<vmem>>
      %dma_wait3A_205 = arith.constant 256 : i32
      %dma_wait3A_206 = tpu.memref_slice %arg14[%dma_wait3A_205] : memref<400xi32, #tpu.memory_space<vmem>> -> memref<128xi32, #tpu.memory_space<vmem>>
      %dma_wait3A_207 = arith.constant 0 : i32
      %dma_wait3A_208 = arith.constant 0 : i32
      %dma_wait3A_209 = tpu.memref_slice %arg21[%dma_wait3A_207, %dma_wait3A_208] : memref<10000x16xf32, #tpu.memory_space<vmem_shared>> -> memref<10000x16xf32, #tpu.memory_space<vmem_shared>>
      tpu.wait_indirect_dma semaphore(%arg24 : memref<!tpu.dma_semaphore, #tpu.memory_space<semaphore_mem>>) src(%dma_wait3A_209 : memref<10000x16xf32, #tpu.memory_space<vmem_shared>>) dst(%dma_wait3A_204 : memref<128x16xf32, #tpu.memory_space<vmem>>)
      %dma_wait3A_210 = arith.constant 256 : i32
      %dma_wait3A_211 = arith.constant 0 : i32
      %dma_wait3A_212 = tpu.memref_slice %arg17[%dma_wait3A_210, %dma_wait3A_211] : memref<400x16xf32, #tpu.memory_space<vmem>> -> memref<128x16xf32, #tpu.memory_space<vmem>>
      %dma_wait3A_213 = arith.constant 256 : i32
      %dma_wait3A_214 = tpu.memref_slice %arg15[%dma_wait3A_213] : memref<400xi32, #tpu.memory_space<vmem>> -> memref<128xi32, #tpu.memory_space<vmem>>
      %dma_wait3A_215 = arith.constant 0 : i32
      %dma_wait3A_216 = arith.constant 0 : i32
      %dma_wait3A_217 = tpu.memref_slice %arg22[%dma_wait3A_215, %dma_wait3A_216] : memref<10000x16xf32, #tpu.memory_space<vmem_shared>> -> memref<10000x16xf32, #tpu.memory_space<vmem_shared>>
      tpu.wait_indirect_dma semaphore(%arg24 : memref<!tpu.dma_semaphore, #tpu.memory_space<semaphore_mem>>) src(%dma_wait3A_217 : memref<10000x16xf32, #tpu.memory_space<vmem_shared>>) dst(%dma_wait3A_212 : memref<128x16xf32, #tpu.memory_space<vmem>>)
      %dma_wait3A_218 = arith.constant 384 : i32
      %dma_wait3A_219 = arith.constant 0 : i32
      %dma_wait3A_220 = tpu.memref_slice %arg16[%dma_wait3A_218, %dma_wait3A_219] : memref<400x16xf32, #tpu.memory_space<vmem>> -> memref<16x16xf32, #tpu.memory_space<vmem>>
      %dma_wait3A_221 = arith.constant 384 : i32
      %dma_wait3A_222 = tpu.memref_slice %arg14[%dma_wait3A_221] : memref<400xi32, #tpu.memory_space<vmem>> -> memref<16xi32, #tpu.memory_space<vmem>>
      %dma_wait3A_223 = arith.constant 0 : i32
      %dma_wait3A_224 = arith.constant 0 : i32
      %dma_wait3A_225 = tpu.memref_slice %arg21[%dma_wait3A_223, %dma_wait3A_224] : memref<10000x16xf32, #tpu.memory_space<vmem_shared>> -> memref<10000x16xf32, #tpu.memory_space<vmem_shared>>
      tpu.wait_indirect_dma semaphore(%arg24 : memref<!tpu.dma_semaphore, #tpu.memory_space<semaphore_mem>>) src(%dma_wait3A_225 : memref<10000x16xf32, #tpu.memory_space<vmem_shared>>) dst(%dma_wait3A_220 : memref<16x16xf32, #tpu.memory_space<vmem>>)
      %dma_wait3A_226 = arith.constant 384 : i32
      %dma_wait3A_227 = arith.constant 0 : i32
      %dma_wait3A_228 = tpu.memref_slice %arg17[%dma_wait3A_226, %dma_wait3A_227] : memref<400x16xf32, #tpu.memory_space<vmem>> -> memref<16x16xf32, #tpu.memory_space<vmem>>
      %dma_wait3A_229 = arith.constant 384 : i32
      %dma_wait3A_230 = tpu.memref_slice %arg15[%dma_wait3A_229] : memref<400xi32, #tpu.memory_space<vmem>> -> memref<16xi32, #tpu.memory_space<vmem>>
      %dma_wait3A_231 = arith.constant 0 : i32
      %dma_wait3A_232 = arith.constant 0 : i32
      %dma_wait3A_233 = tpu.memref_slice %arg22[%dma_wait3A_231, %dma_wait3A_232] : memref<10000x16xf32, #tpu.memory_space<vmem_shared>> -> memref<10000x16xf32, #tpu.memory_space<vmem_shared>>
      tpu.wait_indirect_dma semaphore(%arg24 : memref<!tpu.dma_semaphore, #tpu.memory_space<semaphore_mem>>) src(%dma_wait3A_233 : memref<10000x16xf32, #tpu.memory_space<vmem_shared>>) dst(%dma_wait3A_228 : memref<16x16xf32, #tpu.memory_space<vmem>>)
      %scan3A_234 = arith.constant 0 : i32
      %scan3A_235 = arith.constant 0 : i32
      %scan3A_236 = arith.constant 50 : i32
      %scan3A_237 = arith.addi %scan3A_235, %scan3A_236 : i32
      %scan3A_238 = arith.constant 1 : i32
      scf.for %scan3A_240 = %scan3A_235 to %scan3A_237 step %scan3A_238  : i32 {
        %mul3A_241 = arith.constant 8 : i32
        %mul3A_242 = arith.muli %scan3A_240, %mul3A_241 : i32
        %add3A_243 = arith.constant 0 : i32
        %add3A_244 = arith.addi %mul3A_242, %add3A_243 : i32
        %get3A = arith.index_cast %add3A_244 : i32 to index
        %get3A_245 = arith.constant 0 : index
        %get3A_246 = tpu.vector_load %arg16[%get3A, %get3A_245] {strides = array<i32>} : memref<400x16xf32, #tpu.memory_space<vmem>>, vector<1x16xf32>,
        %get3A_247 = vector.shape_cast %get3A_246 : vector<1x16xf32> to vector<16xf32>
        %get3A_248 = arith.index_cast %add3A_244 : i32 to index
        %get3A_249 = arith.constant 0 : index
        %get3A_250 = tpu.vector_load %arg17[%get3A_248, %get3A_249] {strides = array<i32>} : memref<400x16xf32, #tpu.memory_space<vmem>>, vector<1x16xf32>,
        %get3A_251 = vector.shape_cast %get3A_250 : vector<1x16xf32> to vector<16xf32>
        %add3A_252 = arith.addf %get3A_247, %get3A_251 : vector<16xf32>
        %get3A_253 = arith.index_cast %scan3A_240 : i32 to index
        %get3A_254 = arith.constant 0 : index
        %get3A_255 = tpu.vector_load %arg18[%get3A_253, %get3A_254] {strides = array<i32>} : memref<50x128xf32, #tpu.memory_space<vmem>>, vector<1x16xf32>,
        %get3A_256 = vector.shape_cast %get3A_255 : vector<1x16xf32> to vector<16xf32>
        %add3A_257 = arith.addf %add3A_252, %get3A_256 : vector<16xf32>
        %max3A = arith.constant 0.000000e+00 : f32
        %max3A_258 = vector.broadcast %max3A : f32 to vector<16xf32>
        %max3A_259 = arith.maximumf %add3A_257, %max3A_258 : vector<16xf32>
        %swap3A = arith.index_cast %add3A_244 : i32 to index
        %swap3A_260 = arith.constant 0 : index
        %swap3A_261 = tpu.vector_load %arg16[%swap3A, %swap3A_260] {strides = array<i32>} : memref<400x16xf32, #tpu.memory_space<vmem>>, vector<1x16xf32>,
        %swap3A_262 = vector.shape_cast %swap3A_261 : vector<1x16xf32> to vector<16xf32>
        %swap3A_263 = vector.shape_cast %max3A_259 : vector<16xf32> to vector<1x16xf32>
        tpu.vector_store %arg16[%swap3A, %swap3A_260], %swap3A_263 {strides = array<i32>} : memref<400x16xf32, #tpu.memory_space<vmem>>, vector<1x16xf32>,
        %swap3A_264 = arith.index_cast %scan3A_240 : i32 to index
        %swap3A_265 = arith.constant 0 : index
        %swap3A_266 = tpu.vector_load %arg19[%swap3A_264, %swap3A_265] {strides = array<i32>} : memref<50x128xf32, #tpu.memory_space<vmem>>, vector<1x16xf32>,
        %swap3A_267 = vector.shape_cast %swap3A_266 : vector<1x16xf32> to vector<16xf32>
        %swap3A_268 = vector.shape_cast %max3A_259 : vector<16xf32> to vector<1x16xf32>
        tpu.vector_store %arg19[%swap3A_264, %swap3A_265], %swap3A_268 {strides = array<i32>} : memref<50x128xf32, #tpu.memory_space<vmem>>, vector<1x16xf32>,
        %mul3A_269 = arith.constant 8 : i32
        %mul3A_270 = arith.muli %scan3A_240, %mul3A_269 : i32
        %add3A_271 = arith.constant 1 : i32
        %add3A_272 = arith.addi %mul3A_270, %add3A_271 : i32
        %get3A_273 = arith.index_cast %add3A_272 : i32 to index
        %get3A_274 = arith.constant 0 : index
        %get3A_275 = tpu.vector_load %arg16[%get3A_273, %get3A_274] {strides = array<i32>} : memref<400x16xf32, #tpu.memory_space<vmem>>, vector<1x16xf32>,
        %get3A_276 = vector.shape_cast %get3A_275 : vector<1x16xf32> to vector<16xf32>
        %get3A_277 = arith.index_cast %add3A_272 : i32 to index
        %get3A_278 = arith.constant 0 : index
        %get3A_279 = tpu.vector_load %arg17[%get3A_277, %get3A_278] {strides = array<i32>} : memref<400x16xf32, #tpu.memory_space<vmem>>, vector<1x16xf32>,
        %get3A_280 = vector.shape_cast %get3A_279 : vector<1x16xf32> to vector<16xf32>
        %add3A_281 = arith.addf %get3A_276, %get3A_280 : vector<16xf32>
        %get3A_282 = arith.index_cast %scan3A_240 : i32 to index
        %get3A_283 = arith.constant 16 : index
        %get3A_284 = tpu.vector_load %arg18[%get3A_282, %get3A_283] {strides = array<i32>} : memref<50x128xf32, #tpu.memory_space<vmem>>, vector<1x16xf32>,
        %get3A_285 = vector.shape_cast %get3A_284 : vector<1x16xf32> to vector<16xf32>
        %add3A_286 = arith.addf %add3A_281, %get3A_285 : vector<16xf32>
        %max3A_287 = arith.constant 0.000000e+00 : f32
        %max3A_288 = vector.broadcast %max3A_287 : f32 to vector<16xf32>
        %max3A_289 = arith.maximumf %add3A_286, %max3A_288 : vector<16xf32>
        %swap3A_290 = arith.index_cast %add3A_272 : i32 to index
        %swap3A_291 = arith.constant 0 : index
        %swap3A_292 = tpu.vector_load %arg16[%swap3A_290, %swap3A_291] {strides = array<i32>} : memref<400x16xf32, #tpu.memory_space<vmem>>, vector<1x16xf32>,
        %swap3A_293 = vector.shape_cast %swap3A_292 : vector<1x16xf32> to vector<16xf32>
        %swap3A_294 = vector.shape_cast %max3A_289 : vector<16xf32> to vector<1x16xf32>
        tpu.vector_store %arg16[%swap3A_290, %swap3A_291], %swap3A_294 {strides = array<i32>} : memref<400x16xf32, #tpu.memory_space<vmem>>, vector<1x16xf32>,
        %swap3A_295 = arith.index_cast %scan3A_240 : i32 to index
        %swap3A_296 = arith.constant 16 : index
        %swap3A_297 = tpu.vector_load %arg19[%swap3A_295, %swap3A_296] {strides = array<i32>} : memref<50x128xf32, #tpu.memory_space<vmem>>, vector<1x16xf32>,
        %swap3A_298 = vector.shape_cast %swap3A_297 : vector<1x16xf32> to vector<16xf32>
        %swap3A_299 = vector.shape_cast %max3A_289 : vector<16xf32> to vector<1x16xf32>
        tpu.vector_store %arg19[%swap3A_295, %swap3A_296], %swap3A_299 {strides = array<i32>} : memref<50x128xf32, #tpu.memory_space<vmem>>, vector<1x16xf32>,
        %mul3A_300 = arith.constant 8 : i32
        %mul3A_301 = arith.muli %scan3A_240, %mul3A_300 : i32
        %add3A_302 = arith.constant 2 : i32
        %add3A_303 = arith.addi %mul3A_301, %add3A_302 : i32
        %get3A_304 = arith.index_cast %add3A_303 : i32 to index
        %get3A_305 = arith.constant 0 : index
        %get3A_306 = tpu.vector_load %arg16[%get3A_304, %get3A_305] {strides = array<i32>} : memref<400x16xf32, #tpu.memory_space<vmem>>, vector<1x16xf32>,
        %get3A_307 = vector.shape_cast %get3A_306 : vector<1x16xf32> to vector<16xf32>
        %get3A_308 = arith.index_cast %add3A_303 : i32 to index
        %get3A_309 = arith.constant 0 : index
        %get3A_310 = tpu.vector_load %arg17[%get3A_308, %get3A_309] {strides = array<i32>} : memref<400x16xf32, #tpu.memory_space<vmem>>, vector<1x16xf32>,
        %get3A_311 = vector.shape_cast %get3A_310 : vector<1x16xf32> to vector<16xf32>
        %add3A_312 = arith.addf %get3A_307, %get3A_311 : vector<16xf32>
        %get3A_313 = arith.index_cast %scan3A_240 : i32 to index
        %get3A_314 = arith.constant 32 : index
        %get3A_315 = tpu.vector_load %arg18[%get3A_313, %get3A_314] {strides = array<i32>} : memref<50x128xf32, #tpu.memory_space<vmem>>, vector<1x16xf32>,
        %get3A_316 = vector.shape_cast %get3A_315 : vector<1x16xf32> to vector<16xf32>
        %add3A_317 = arith.addf %add3A_312, %get3A_316 : vector<16xf32>
        %max3A_318 = arith.constant 0.000000e+00 : f32
        %max3A_319 = vector.broadcast %max3A_318 : f32 to vector<16xf32>
        %max3A_320 = arith.maximumf %add3A_317, %max3A_319 : vector<16xf32>
        %swap3A_321 = arith.index_cast %add3A_303 : i32 to index
        %swap3A_322 = arith.constant 0 : index
        %swap3A_323 = tpu.vector_load %arg16[%swap3A_321, %swap3A_322] {strides = array<i32>} : memref<400x16xf32, #tpu.memory_space<vmem>>, vector<1x16xf32>,
        %swap3A_324 = vector.shape_cast %swap3A_323 : vector<1x16xf32> to vector<16xf32>
        %swap3A_325 = vector.shape_cast %max3A_320 : vector<16xf32> to vector<1x16xf32>
        tpu.vector_store %arg16[%swap3A_321, %swap3A_322], %swap3A_325 {strides = array<i32>} : memref<400x16xf32, #tpu.memory_space<vmem>>, vector<1x16xf32>,
        %swap3A_326 = arith.index_cast %scan3A_240 : i32 to index
        %swap3A_327 = arith.constant 32 : index
        %swap3A_328 = tpu.vector_load %arg19[%swap3A_326, %swap3A_327] {strides = array<i32>} : memref<50x128xf32, #tpu.memory_space<vmem>>, vector<1x16xf32>,
        %swap3A_329 = vector.shape_cast %swap3A_328 : vector<1x16xf32> to vector<16xf32>
        %swap3A_330 = vector.shape_cast %max3A_320 : vector<16xf32> to vector<1x16xf32>
        tpu.vector_store %arg19[%swap3A_326, %swap3A_327], %swap3A_330 {strides = array<i32>} : memref<50x128xf32, #tpu.memory_space<vmem>>, vector<1x16xf32>,
        %mul3A_331 = arith.constant 8 : i32
        %mul3A_332 = arith.muli %scan3A_240, %mul3A_331 : i32
        %add3A_333 = arith.constant 3 : i32
        %add3A_334 = arith.addi %mul3A_332, %add3A_333 : i32
        %get3A_335 = arith.index_cast %add3A_334 : i32 to index
        %get3A_336 = arith.constant 0 : index
        %get3A_337 = tpu.vector_load %arg16[%get3A_335, %get3A_336] {strides = array<i32>} : memref<400x16xf32, #tpu.memory_space<vmem>>, vector<1x16xf32>,
        %get3A_338 = vector.shape_cast %get3A_337 : vector<1x16xf32> to vector<16xf32>
        %get3A_339 = arith.index_cast %add3A_334 : i32 to index
        %get3A_340 = arith.constant 0 : index
        %get3A_341 = tpu.vector_load %arg17[%get3A_339, %get3A_340] {strides = array<i32>} : memref<400x16xf32, #tpu.memory_space<vmem>>, vector<1x16xf32>,
        %get3A_342 = vector.shape_cast %get3A_341 : vector<1x16xf32> to vector<16xf32>
        %add3A_343 = arith.addf %get3A_338, %get3A_342 : vector<16xf32>
        %get3A_344 = arith.index_cast %scan3A_240 : i32 to index
        %get3A_345 = arith.constant 48 : index
        %get3A_346 = tpu.vector_load %arg18[%get3A_344, %get3A_345] {strides = array<i32>} : memref<50x128xf32, #tpu.memory_space<vmem>>, vector<1x16xf32>,
        %get3A_347 = vector.shape_cast %get3A_346 : vector<1x16xf32> to vector<16xf32>
        %add3A_348 = arith.addf %add3A_343, %get3A_347 : vector<16xf32>
        %max3A_349 = arith.constant 0.000000e+00 : f32
        %max3A_350 = vector.broadcast %max3A_349 : f32 to vector<16xf32>
        %max3A_351 = arith.maximumf %add3A_348, %max3A_350 : vector<16xf32>
        %swap3A_352 = arith.index_cast %add3A_334 : i32 to index
        %swap3A_353 = arith.constant 0 : index
        %swap3A_354 = tpu.vector_load %arg16[%swap3A_352, %swap3A_353] {strides = array<i32>} : memref<400x16xf32, #tpu.memory_space<vmem>>, vector<1x16xf32>,
        %swap3A_355 = vector.shape_cast %swap3A_354 : vector<1x16xf32> to vector<16xf32>
        %swap3A_356 = vector.shape_cast %max3A_351 : vector<16xf32> to vector<1x16xf32>
        tpu.vector_store %arg16[%swap3A_352, %swap3A_353], %swap3A_356 {strides = array<i32>} : memref<400x16xf32, #tpu.memory_space<vmem>>, vector<1x16xf32>,
        %swap3A_357 = arith.index_cast %scan3A_240 : i32 to index
        %swap3A_358 = arith.constant 48 : index
        %swap3A_359 = tpu.vector_load %arg19[%swap3A_357, %swap3A_358] {strides = array<i32>} : memref<50x128xf32, #tpu.memory_space<vmem>>, vector<1x16xf32>,
        %swap3A_360 = vector.shape_cast %swap3A_359 : vector<1x16xf32> to vector<16xf32>
        %swap3A_361 = vector.shape_cast %max3A_351 : vector<16xf32> to vector<1x16xf32>
        tpu.vector_store %arg19[%swap3A_357, %swap3A_358], %swap3A_361 {strides = array<i32>} : memref<50x128xf32, #tpu.memory_space<vmem>>, vector<1x16xf32>,
        %mul3A_362 = arith.constant 8 : i32
        %mul3A_363 = arith.muli %scan3A_240, %mul3A_362 : i32
        %add3A_364 = arith.constant 4 : i32
        %add3A_365 = arith.addi %mul3A_363, %add3A_364 : i32
        %get3A_366 = arith.index_cast %add3A_365 : i32 to index
        %get3A_367 = arith.constant 0 : index
        %get3A_368 = tpu.vector_load %arg16[%get3A_366, %get3A_367] {strides = array<i32>} : memref<400x16xf32, #tpu.memory_space<vmem>>, vector<1x16xf32>,
        %get3A_369 = vector.shape_cast %get3A_368 : vector<1x16xf32> to vector<16xf32>
        %get3A_370 = arith.index_cast %add3A_365 : i32 to index
        %get3A_371 = arith.constant 0 : index
        %get3A_372 = tpu.vector_load %arg17[%get3A_370, %get3A_371] {strides = array<i32>} : memref<400x16xf32, #tpu.memory_space<vmem>>, vector<1x16xf32>,
        %get3A_373 = vector.shape_cast %get3A_372 : vector<1x16xf32> to vector<16xf32>
        %add3A_374 = arith.addf %get3A_369, %get3A_373 : vector<16xf32>
        %get3A_375 = arith.index_cast %scan3A_240 : i32 to index
        %get3A_376 = arith.constant 64 : index
        %get3A_377 = tpu.vector_load %arg18[%get3A_375, %get3A_376] {strides = array<i32>} : memref<50x128xf32, #tpu.memory_space<vmem>>, vector<1x16xf32>,
        %get3A_378 = vector.shape_cast %get3A_377 : vector<1x16xf32> to vector<16xf32>
        %add3A_379 = arith.addf %add3A_374, %get3A_378 : vector<16xf32>
        %max3A_380 = arith.constant 0.000000e+00 : f32
        %max3A_381 = vector.broadcast %max3A_380 : f32 to vector<16xf32>
        %max3A_382 = arith.maximumf %add3A_379, %max3A_381 : vector<16xf32>
        %swap3A_383 = arith.index_cast %add3A_365 : i32 to index
        %swap3A_384 = arith.constant 0 : index
        %swap3A_385 = tpu.vector_load %arg16[%swap3A_383, %swap3A_384] {strides = array<i32>} : memref<400x16xf32, #tpu.memory_space<vmem>>, vector<1x16xf32>,
        %swap3A_386 = vector.shape_cast %swap3A_385 : vector<1x16xf32> to vector<16xf32>
        %swap3A_387 = vector.shape_cast %max3A_382 : vector<16xf32> to vector<1x16xf32>
        tpu.vector_store %arg16[%swap3A_383, %swap3A_384], %swap3A_387 {strides = array<i32>} : memref<400x16xf32, #tpu.memory_space<vmem>>, vector<1x16xf32>,
        %swap3A_388 = arith.index_cast %scan3A_240 : i32 to index
        %swap3A_389 = arith.constant 64 : index
        %swap3A_390 = tpu.vector_load %arg19[%swap3A_388, %swap3A_389] {strides = array<i32>} : memref<50x128xf32, #tpu.memory_space<vmem>>, vector<1x16xf32>,
        %swap3A_391 = vector.shape_cast %swap3A_390 : vector<1x16xf32> to vector<16xf32>
        %swap3A_392 = vector.shape_cast %max3A_382 : vector<16xf32> to vector<1x16xf32>
        tpu.vector_store %arg19[%swap3A_388, %swap3A_389], %swap3A_392 {strides = array<i32>} : memref<50x128xf32, #tpu.memory_space<vmem>>, vector<1x16xf32>,
        %mul3A_393 = arith.constant 8 : i32
        %mul3A_394 = arith.muli %scan3A_240, %mul3A_393 : i32
        %add3A_395 = arith.constant 5 : i32
        %add3A_396 = arith.addi %mul3A_394, %add3A_395 : i32
        %get3A_397 = arith.index_cast %add3A_396 : i32 to index
        %get3A_398 = arith.constant 0 : index
        %get3A_399 = tpu.vector_load %arg16[%get3A_397, %get3A_398] {strides = array<i32>} : memref<400x16xf32, #tpu.memory_space<vmem>>, vector<1x16xf32>,
        %get3A_400 = vector.shape_cast %get3A_399 : vector<1x16xf32> to vector<16xf32>
        %get3A_401 = arith.index_cast %add3A_396 : i32 to index
        %get3A_402 = arith.constant 0 : index
        %get3A_403 = tpu.vector_load %arg17[%get3A_401, %get3A_402] {strides = array<i32>} : memref<400x16xf32, #tpu.memory_space<vmem>>, vector<1x16xf32>,
        %get3A_404 = vector.shape_cast %get3A_403 : vector<1x16xf32> to vector<16xf32>
        %add3A_405 = arith.addf %get3A_400, %get3A_404 : vector<16xf32>
        %get3A_406 = arith.index_cast %scan3A_240 : i32 to index
        %get3A_407 = arith.constant 80 : index
        %get3A_408 = tpu.vector_load %arg18[%get3A_406, %get3A_407] {strides = array<i32>} : memref<50x128xf32, #tpu.memory_space<vmem>>, vector<1x16xf32>,
        %get3A_409 = vector.shape_cast %get3A_408 : vector<1x16xf32> to vector<16xf32>
        %add3A_410 = arith.addf %add3A_405, %get3A_409 : vector<16xf32>
        %max3A_411 = arith.constant 0.000000e+00 : f32
        %max3A_412 = vector.broadcast %max3A_411 : f32 to vector<16xf32>
        %max3A_413 = arith.maximumf %add3A_410, %max3A_412 : vector<16xf32>
        %swap3A_414 = arith.index_cast %add3A_396 : i32 to index
        %swap3A_415 = arith.constant 0 : index
        %swap3A_416 = tpu.vector_load %arg16[%swap3A_414, %swap3A_415] {strides = array<i32>} : memref<400x16xf32, #tpu.memory_space<vmem>>, vector<1x16xf32>,
        %swap3A_417 = vector.shape_cast %swap3A_416 : vector<1x16xf32> to vector<16xf32>
        %swap3A_418 = vector.shape_cast %max3A_413 : vector<16xf32> to vector<1x16xf32>
        tpu.vector_store %arg16[%swap3A_414, %swap3A_415], %swap3A_418 {strides = array<i32>} : memref<400x16xf32, #tpu.memory_space<vmem>>, vector<1x16xf32>,
        %swap3A_419 = arith.index_cast %scan3A_240 : i32 to index
        %swap3A_420 = arith.constant 80 : index
        %swap3A_421 = tpu.vector_load %arg19[%swap3A_419, %swap3A_420] {strides = array<i32>} : memref<50x128xf32, #tpu.memory_space<vmem>>, vector<1x16xf32>,
        %swap3A_422 = vector.shape_cast %swap3A_421 : vector<1x16xf32> to vector<16xf32>
        %swap3A_423 = vector.shape_cast %max3A_413 : vector<16xf32> to vector<1x16xf32>
        tpu.vector_store %arg19[%swap3A_419, %swap3A_420], %swap3A_423 {strides = array<i32>} : memref<50x128xf32, #tpu.memory_space<vmem>>, vector<1x16xf32>,
        %mul3A_424 = arith.constant 8 : i32
        %mul3A_425 = arith.muli %scan3A_240, %mul3A_424 : i32
        %add3A_426 = arith.constant 6 : i32
        %add3A_427 = arith.addi %mul3A_425, %add3A_426 : i32
        %get3A_428 = arith.index_cast %add3A_427 : i32 to index
        %get3A_429 = arith.constant 0 : index
        %get3A_430 = tpu.vector_load %arg16[%get3A_428, %get3A_429] {strides = array<i32>} : memref<400x16xf32, #tpu.memory_space<vmem>>, vector<1x16xf32>,
        %get3A_431 = vector.shape_cast %get3A_430 : vector<1x16xf32> to vector<16xf32>
        %get3A_432 = arith.index_cast %add3A_427 : i32 to index
        %get3A_433 = arith.constant 0 : index
        %get3A_434 = tpu.vector_load %arg17[%get3A_432, %get3A_433] {strides = array<i32>} : memref<400x16xf32, #tpu.memory_space<vmem>>, vector<1x16xf32>,
        %get3A_435 = vector.shape_cast %get3A_434 : vector<1x16xf32> to vector<16xf32>
        %add3A_436 = arith.addf %get3A_431, %get3A_435 : vector<16xf32>
        %get3A_437 = arith.index_cast %scan3A_240 : i32 to index
        %get3A_438 = arith.constant 96 : index
        %get3A_439 = tpu.vector_load %arg18[%get3A_437, %get3A_438] {strides = array<i32>} : memref<50x128xf32, #tpu.memory_space<vmem>>, vector<1x16xf32>,
        %get3A_440 = vector.shape_cast %get3A_439 : vector<1x16xf32> to vector<16xf32>
        %add3A_441 = arith.addf %add3A_436, %get3A_440 : vector<16xf32>
        %max3A_442 = arith.constant 0.000000e+00 : f32
        %max3A_443 = vector.broadcast %max3A_442 : f32 to vector<16xf32>
        %max3A_444 = arith.maximumf %add3A_441, %max3A_443 : vector<16xf32>
        %swap3A_445 = arith.index_cast %add3A_427 : i32 to index
        %swap3A_446 = arith.constant 0 : index
        %swap3A_447 = tpu.vector_load %arg16[%swap3A_445, %swap3A_446] {strides = array<i32>} : memref<400x16xf32, #tpu.memory_space<vmem>>, vector<1x16xf32>,
        %swap3A_448 = vector.shape_cast %swap3A_447 : vector<1x16xf32> to vector<16xf32>
        %swap3A_449 = vector.shape_cast %max3A_444 : vector<16xf32> to vector<1x16xf32>
        tpu.vector_store %arg16[%swap3A_445, %swap3A_446], %swap3A_449 {strides = array<i32>} : memref<400x16xf32, #tpu.memory_space<vmem>>, vector<1x16xf32>,
        %swap3A_450 = arith.index_cast %scan3A_240 : i32 to index
        %swap3A_451 = arith.constant 96 : index
        %swap3A_452 = tpu.vector_load %arg19[%swap3A_450, %swap3A_451] {strides = array<i32>} : memref<50x128xf32, #tpu.memory_space<vmem>>, vector<1x16xf32>,
        %swap3A_453 = vector.shape_cast %swap3A_452 : vector<1x16xf32> to vector<16xf32>
        %swap3A_454 = vector.shape_cast %max3A_444 : vector<16xf32> to vector<1x16xf32>
        tpu.vector_store %arg19[%swap3A_450, %swap3A_451], %swap3A_454 {strides = array<i32>} : memref<50x128xf32, #tpu.memory_space<vmem>>, vector<1x16xf32>,
        %mul3A_455 = arith.constant 8 : i32
        %mul3A_456 = arith.muli %scan3A_240, %mul3A_455 : i32
        %add3A_457 = arith.constant 7 : i32
        %add3A_458 = arith.addi %mul3A_456, %add3A_457 : i32
        %get3A_459 = arith.index_cast %add3A_458 : i32 to index
        %get3A_460 = arith.constant 0 : index
        %get3A_461 = tpu.vector_load %arg16[%get3A_459, %get3A_460] {strides = array<i32>} : memref<400x16xf32, #tpu.memory_space<vmem>>, vector<1x16xf32>,
        %get3A_462 = vector.shape_cast %get3A_461 : vector<1x16xf32> to vector<16xf32>
        %get3A_463 = arith.index_cast %add3A_458 : i32 to index
        %get3A_464 = arith.constant 0 : index
        %get3A_465 = tpu.vector_load %arg17[%get3A_463, %get3A_464] {strides = array<i32>} : memref<400x16xf32, #tpu.memory_space<vmem>>, vector<1x16xf32>,
        %get3A_466 = vector.shape_cast %get3A_465 : vector<1x16xf32> to vector<16xf32>
        %add3A_467 = arith.addf %get3A_462, %get3A_466 : vector<16xf32>
        %get3A_468 = arith.index_cast %scan3A_240 : i32 to index
        %get3A_469 = arith.constant 112 : index
        %get3A_470 = tpu.vector_load %arg18[%get3A_468, %get3A_469] {strides = array<i32>} : memref<50x128xf32, #tpu.memory_space<vmem>>, vector<1x16xf32>,
        %get3A_471 = vector.shape_cast %get3A_470 : vector<1x16xf32> to vector<16xf32>
        %add3A_472 = arith.addf %add3A_467, %get3A_471 : vector<16xf32>
        %max3A_473 = arith.constant 0.000000e+00 : f32
        %max3A_474 = vector.broadcast %max3A_473 : f32 to vector<16xf32>
        %max3A_475 = arith.maximumf %add3A_472, %max3A_474 : vector<16xf32>
        %swap3A_476 = arith.index_cast %add3A_458 : i32 to index
        %swap3A_477 = arith.constant 0 : index
        %swap3A_478 = tpu.vector_load %arg16[%swap3A_476, %swap3A_477] {strides = array<i32>} : memref<400x16xf32, #tpu.memory_space<vmem>>, vector<1x16xf32>,
        %swap3A_479 = vector.shape_cast %swap3A_478 : vector<1x16xf32> to vector<16xf32>
        %swap3A_480 = vector.shape_cast %max3A_475 : vector<16xf32> to vector<1x16xf32>
        tpu.vector_store %arg16[%swap3A_476, %swap3A_477], %swap3A_480 {strides = array<i32>} : memref<400x16xf32, #tpu.memory_space<vmem>>, vector<1x16xf32>,
        %swap3A_481 = arith.index_cast %scan3A_240 : i32 to index
        %swap3A_482 = arith.constant 112 : index
        %swap3A_483 = tpu.vector_load %arg19[%swap3A_481, %swap3A_482] {strides = array<i32>} : memref<50x128xf32, #tpu.memory_space<vmem>>, vector<1x16xf32>,
        %swap3A_484 = vector.shape_cast %swap3A_483 : vector<1x16xf32> to vector<16xf32>
        %swap3A_485 = vector.shape_cast %max3A_475 : vector<16xf32> to vector<1x16xf32>
        tpu.vector_store %arg19[%swap3A_481, %swap3A_482], %swap3A_485 {strides = array<i32>} : memref<50x128xf32, #tpu.memory_space<vmem>>, vector<1x16xf32>,
      }
      %scan3A_239 = arith.constant 50 : i32
      "tpu.region"() ({
        %run_scoped3A = tpu.sem_alloc : memref<!tpu.dma_semaphore, #tpu.memory_space<semaphore_mem>>
        %dma_start3A_240 = arith.constant 0 : i32
        %dma_start3A_241 = tpu.memref_slice %arg9[%add3A_91, %dma_start3A_240] : memref<40000x128xf32, #tpu.memory_space<hbm>> -> memref<50x128xf32, #tpu.memory_space<hbm>>
        %dma_start3A_242 = arith.constant 0 : i32
        %dma_start3A_243 = tpu.memref_slice %arg9[%add3A_91, %dma_start3A_242] : memref<40000x128xf32, #tpu.memory_space<hbm>> -> memref<50x128xf32, #tpu.memory_space<hbm>>
        tpu.enqueue_dma source(%arg19 : memref<50x128xf32, #tpu.memory_space<vmem>>) target(%dma_start3A_243 : memref<50x128xf32, #tpu.memory_space<hbm>>) target_semaphore(%run_scoped3A : memref<!tpu.dma_semaphore, #tpu.memory_space<semaphore_mem>>)
        %dma_wait3A_244 = arith.constant 0 : i32
        %dma_wait3A_245 = tpu.memref_slice %arg9[%add3A_91, %dma_wait3A_244] : memref<40000x128xf32, #tpu.memory_space<hbm>> -> memref<50x128xf32, #tpu.memory_space<hbm>>
        %dma_wait3A_246 = arith.constant 0 : i32
        %dma_wait3A_247 = tpu.memref_slice %arg9[%add3A_91, %dma_wait3A_246] : memref<40000x128xf32, #tpu.memory_space<hbm>> -> memref<50x128xf32, #tpu.memory_space<hbm>>
        tpu.wait_dma2 semaphore(%run_scoped3A : memref<!tpu.dma_semaphore, #tpu.memory_space<semaphore_mem>>) src(%arg19 : memref<50x128xf32, #tpu.memory_space<vmem>>) dst(%dma_wait3A_247 : memref<50x128xf32, #tpu.memory_space<hbm>>)
        tpu.yield
      }) : () -> ()
      "tpu.region"() ({
        %run_scoped3A = tpu.sem_alloc : memref<!tpu.dma_semaphore, #tpu.memory_space<semaphore_mem>>
        %dma_start3A_240 = arith.constant 0 : i32
        %dma_start3A_241 = arith.constant 0 : i32
        %dma_start3A_242 = tpu.memref_slice %arg16[%dma_start3A_240, %dma_start3A_241] : memref<400x16xf32, #tpu.memory_space<vmem>> -> memref<128x16xf32, #tpu.memory_space<vmem>>
        %dma_start3A_243 = arith.constant 0 : i32
        %dma_start3A_244 = tpu.memref_slice %arg15[%dma_start3A_243] : memref<400xi32, #tpu.memory_space<vmem>> -> memref<128xi32, #tpu.memory_space<vmem>>
        %dma_start3A_245 = arith.constant 0 : i32
        %dma_start3A_246 = arith.constant 0 : i32
        %dma_start3A_247 = tpu.memref_slice %arg23[%dma_start3A_245, %dma_start3A_246] : memref<10000x16xf32, #tpu.memory_space<vmem_shared>> -> memref<10000x16xf32, #tpu.memory_space<vmem_shared>>
        tpu.enqueue_indirect_dma source(%dma_start3A_242 : memref<128x16xf32, #tpu.memory_space<vmem>>) target(%dma_start3A_247 : memref<10000x16xf32, #tpu.memory_space<vmem_shared>>) offsets(%dma_start3A_244 : memref<128xi32, #tpu.memory_space<vmem>>) semaphore(%run_scoped3A : memref<!tpu.dma_semaphore, #tpu.memory_space<semaphore_mem>>) {add = true}
        %dma_wait3A_248 = arith.constant 0 : i32
        %dma_wait3A_249 = arith.constant 0 : i32
        %dma_wait3A_250 = tpu.memref_slice %arg16[%dma_wait3A_248, %dma_wait3A_249] : memref<400x16xf32, #tpu.memory_space<vmem>> -> memref<128x16xf32, #tpu.memory_space<vmem>>
        %dma_wait3A_251 = arith.constant 0 : i32
        %dma_wait3A_252 = tpu.memref_slice %arg15[%dma_wait3A_251] : memref<400xi32, #tpu.memory_space<vmem>> -> memref<128xi32, #tpu.memory_space<vmem>>
        %dma_wait3A_253 = arith.constant 0 : i32
        %dma_wait3A_254 = arith.constant 0 : i32
        %dma_wait3A_255 = tpu.memref_slice %arg23[%dma_wait3A_253, %dma_wait3A_254] : memref<10000x16xf32, #tpu.memory_space<vmem_shared>> -> memref<10000x16xf32, #tpu.memory_space<vmem_shared>>
        tpu.wait_indirect_dma semaphore(%run_scoped3A : memref<!tpu.dma_semaphore, #tpu.memory_space<semaphore_mem>>) src(%dma_wait3A_250 : memref<128x16xf32, #tpu.memory_space<vmem>>) dst(%dma_wait3A_255 : memref<10000x16xf32, #tpu.memory_space<vmem_shared>>)
        tpu.yield
      }) : () -> ()
      "tpu.region"() ({
        %run_scoped3A = tpu.sem_alloc : memref<!tpu.dma_semaphore, #tpu.memory_space<semaphore_mem>>
        %dma_start3A_240 = arith.constant 128 : i32
        %dma_start3A_241 = arith.constant 0 : i32
        %dma_start3A_242 = tpu.memref_slice %arg16[%dma_start3A_240, %dma_start3A_241] : memref<400x16xf32, #tpu.memory_space<vmem>> -> memref<128x16xf32, #tpu.memory_space<vmem>>
        %dma_start3A_243 = arith.constant 128 : i32
        %dma_start3A_244 = tpu.memref_slice %arg15[%dma_start3A_243] : memref<400xi32, #tpu.memory_space<vmem>> -> memref<128xi32, #tpu.memory_space<vmem>>
        %dma_start3A_245 = arith.constant 0 : i32
        %dma_start3A_246 = arith.constant 0 : i32
        %dma_start3A_247 = tpu.memref_slice %arg23[%dma_start3A_245, %dma_start3A_246] : memref<10000x16xf32, #tpu.memory_space<vmem_shared>> -> memref<10000x16xf32, #tpu.memory_space<vmem_shared>>
        tpu.enqueue_indirect_dma source(%dma_start3A_242 : memref<128x16xf32, #tpu.memory_space<vmem>>) target(%dma_start3A_247 : memref<10000x16xf32, #tpu.memory_space<vmem_shared>>) offsets(%dma_start3A_244 : memref<128xi32, #tpu.memory_space<vmem>>) semaphore(%run_scoped3A : memref<!tpu.dma_semaphore, #tpu.memory_space<semaphore_mem>>) {add = true}
        %dma_wait3A_248 = arith.constant 128 : i32
        %dma_wait3A_249 = arith.constant 0 : i32
        %dma_wait3A_250 = tpu.memref_slice %arg16[%dma_wait3A_248, %dma_wait3A_249] : memref<400x16xf32, #tpu.memory_space<vmem>> -> memref<128x16xf32, #tpu.memory_space<vmem>>
        %dma_wait3A_251 = arith.constant 128 : i32
        %dma_wait3A_252 = tpu.memref_slice %arg15[%dma_wait3A_251] : memref<400xi32, #tpu.memory_space<vmem>> -> memref<128xi32, #tpu.memory_space<vmem>>
        %dma_wait3A_253 = arith.constant 0 : i32
        %dma_wait3A_254 = arith.constant 0 : i32
        %dma_wait3A_255 = tpu.memref_slice %arg23[%dma_wait3A_253, %dma_wait3A_254] : memref<10000x16xf32, #tpu.memory_space<vmem_shared>> -> memref<10000x16xf32, #tpu.memory_space<vmem_shared>>
        tpu.wait_indirect_dma semaphore(%run_scoped3A : memref<!tpu.dma_semaphore, #tpu.memory_space<semaphore_mem>>) src(%dma_wait3A_250 : memref<128x16xf32, #tpu.memory_space<vmem>>) dst(%dma_wait3A_255 : memref<10000x16xf32, #tpu.memory_space<vmem_shared>>)
        tpu.yield
      }) : () -> ()
      "tpu.region"() ({
        %run_scoped3A = tpu.sem_alloc : memref<!tpu.dma_semaphore, #tpu.memory_space<semaphore_mem>>
        %dma_start3A_240 = arith.constant 256 : i32
        %dma_start3A_241 = arith.constant 0 : i32
        %dma_start3A_242 = tpu.memref_slice %arg16[%dma_start3A_240, %dma_start3A_241] : memref<400x16xf32, #tpu.memory_space<vmem>> -> memref<128x16xf32, #tpu.memory_space<vmem>>
        %dma_start3A_243 = arith.constant 256 : i32
        %dma_start3A_244 = tpu.memref_slice %arg15[%dma_start3A_243] : memref<400xi32, #tpu.memory_space<vmem>> -> memref<128xi32, #tpu.memory_space<vmem>>
        %dma_start3A_245 = arith.constant 0 : i32
        %dma_start3A_246 = arith.constant 0 : i32
        %dma_start3A_247 = tpu.memref_slice %arg23[%dma_start3A_245, %dma_start3A_246] : memref<10000x16xf32, #tpu.memory_space<vmem_shared>> -> memref<10000x16xf32, #tpu.memory_space<vmem_shared>>
        tpu.enqueue_indirect_dma source(%dma_start3A_242 : memref<128x16xf32, #tpu.memory_space<vmem>>) target(%dma_start3A_247 : memref<10000x16xf32, #tpu.memory_space<vmem_shared>>) offsets(%dma_start3A_244 : memref<128xi32, #tpu.memory_space<vmem>>) semaphore(%run_scoped3A : memref<!tpu.dma_semaphore, #tpu.memory_space<semaphore_mem>>) {add = true}
        %dma_wait3A_248 = arith.constant 256 : i32
        %dma_wait3A_249 = arith.constant 0 : i32
        %dma_wait3A_250 = tpu.memref_slice %arg16[%dma_wait3A_248, %dma_wait3A_249] : memref<400x16xf32, #tpu.memory_space<vmem>> -> memref<128x16xf32, #tpu.memory_space<vmem>>
        %dma_wait3A_251 = arith.constant 256 : i32
        %dma_wait3A_252 = tpu.memref_slice %arg15[%dma_wait3A_251] : memref<400xi32, #tpu.memory_space<vmem>> -> memref<128xi32, #tpu.memory_space<vmem>>
        %dma_wait3A_253 = arith.constant 0 : i32
        %dma_wait3A_254 = arith.constant 0 : i32
        %dma_wait3A_255 = tpu.memref_slice %arg23[%dma_wait3A_253, %dma_wait3A_254] : memref<10000x16xf32, #tpu.memory_space<vmem_shared>> -> memref<10000x16xf32, #tpu.memory_space<vmem_shared>>
        tpu.wait_indirect_dma semaphore(%run_scoped3A : memref<!tpu.dma_semaphore, #tpu.memory_space<semaphore_mem>>) src(%dma_wait3A_250 : memref<128x16xf32, #tpu.memory_space<vmem>>) dst(%dma_wait3A_255 : memref<10000x16xf32, #tpu.memory_space<vmem_shared>>)
        tpu.yield
      }) : () -> ()
      "tpu.region"() ({
        %run_scoped3A = tpu.sem_alloc : memref<!tpu.dma_semaphore, #tpu.memory_space<semaphore_mem>>
        %dma_start3A_240 = arith.constant 384 : i32
        %dma_start3A_241 = arith.constant 0 : i32
        %dma_start3A_242 = tpu.memref_slice %arg16[%dma_start3A_240, %dma_start3A_241] : memref<400x16xf32, #tpu.memory_space<vmem>> -> memref<16x16xf32, #tpu.memory_space<vmem>>
        %dma_start3A_243 = arith.constant 384 : i32
        %dma_start3A_244 = tpu.memref_slice %arg15[%dma_start3A_243] : memref<400xi32, #tpu.memory_space<vmem>> -> memref<16xi32, #tpu.memory_space<vmem>>
        %dma_start3A_245 = arith.constant 0 : i32
        %dma_start3A_246 = arith.constant 0 : i32
        %dma_start3A_247 = tpu.memref_slice %arg23[%dma_start3A_245, %dma_start3A_246] : memref<10000x16xf32, #tpu.memory_space<vmem_shared>> -> memref<10000x16xf32, #tpu.memory_space<vmem_shared>>
        tpu.enqueue_indirect_dma source(%dma_start3A_242 : memref<16x16xf32, #tpu.memory_space<vmem>>) target(%dma_start3A_247 : memref<10000x16xf32, #tpu.memory_space<vmem_shared>>) offsets(%dma_start3A_244 : memref<16xi32, #tpu.memory_space<vmem>>) semaphore(%run_scoped3A : memref<!tpu.dma_semaphore, #tpu.memory_space<semaphore_mem>>) {add = true}
        %dma_wait3A_248 = arith.constant 384 : i32
        %dma_wait3A_249 = arith.constant 0 : i32
        %dma_wait3A_250 = tpu.memref_slice %arg16[%dma_wait3A_248, %dma_wait3A_249] : memref<400x16xf32, #tpu.memory_space<vmem>> -> memref<16x16xf32, #tpu.memory_space<vmem>>
        %dma_wait3A_251 = arith.constant 384 : i32
        %dma_wait3A_252 = tpu.memref_slice %arg15[%dma_wait3A_251] : memref<400xi32, #tpu.memory_space<vmem>> -> memref<16xi32, #tpu.memory_space<vmem>>
        %dma_wait3A_253 = arith.constant 0 : i32
        %dma_wait3A_254 = arith.constant 0 : i32
        %dma_wait3A_255 = tpu.memref_slice %arg23[%dma_wait3A_253, %dma_wait3A_254] : memref<10000x16xf32, #tpu.memory_space<vmem_shared>> -> memref<10000x16xf32, #tpu.memory_space<vmem_shared>>
        tpu.wait_indirect_dma semaphore(%run_scoped3A : memref<!tpu.dma_semaphore, #tpu.memory_space<semaphore_mem>>) src(%dma_wait3A_250 : memref<16x16xf32, #tpu.memory_space<vmem>>) dst(%dma_wait3A_255 : memref<10000x16xf32, #tpu.memory_space<vmem_shared>>)
        tpu.yield
      }) : () -> ()
    }
    %scan3A_32 = arith.constant 25 : i32
    %barrier3A_33 = arith.constant 0 : index
    tpu.barrier barrier_id(%barrier3A_33)
    %convert_element_type3A_34 = arith.extui %eq3A_3 : i1 to i32
    %cond3A_35 = arith.constant 0 : i32
    %cond3A_36 = arith.cmpi ne, %convert_element_type3A_34, %cond3A_35 : i32
    scf.if %cond3A_36 {
      "tpu.region"() ({
        %run_scoped3A = tpu.sem_alloc : memref<!tpu.dma_semaphore, #tpu.memory_space<semaphore_mem>>
        %dma_start3A = arith.constant 0 : i32
        %dma_start3A_85 = tpu.memref_slice %arg23[%mul3A_2, %dma_start3A] : memref<10000x16xf32, #tpu.memory_space<vmem_shared>> -> memref<640x16xf32, #tpu.memory_space<vmem_shared>>
        %dma_start3A_86 = arith.constant 0 : i32
        %dma_start3A_87 = tpu.memref_slice %arg23[%mul3A_2, %dma_start3A_86] : memref<10000x16xf32, #tpu.memory_space<vmem_shared>> -> memref<640x16xf32, #tpu.memory_space<vmem_shared>>
        tpu.enqueue_dma source(%dma_start3A_87 : memref<640x16xf32, #tpu.memory_space<vmem_shared>>) target(%arg20 : memref<640x16xf32, #tpu.memory_space<vmem>>) target_semaphore(%run_scoped3A : memref<!tpu.dma_semaphore, #tpu.memory_space<semaphore_mem>>)
        %dma_wait3A = arith.constant 0 : i32
        %dma_wait3A_88 = tpu.memref_slice %arg23[%mul3A_2, %dma_wait3A] : memref<10000x16xf32, #tpu.memory_space<vmem_shared>> -> memref<640x16xf32, #tpu.memory_space<vmem_shared>>
        %dma_wait3A_89 = arith.constant 0 : i32
        %dma_wait3A_90 = tpu.memref_slice %arg23[%mul3A_2, %dma_wait3A_89] : memref<10000x16xf32, #tpu.memory_space<vmem_shared>> -> memref<640x16xf32, #tpu.memory_space<vmem_shared>>
        tpu.wait_dma2 semaphore(%run_scoped3A : memref<!tpu.dma_semaphore, #tpu.memory_space<semaphore_mem>>) src(%dma_wait3A_90 : memref<640x16xf32, #tpu.memory_space<vmem_shared>>) dst(%arg20 : memref<640x16xf32, #tpu.memory_space<vmem>>)
        tpu.yield
      }) : () -> ()
      "tpu.region"() ({
        %run_scoped3A = tpu.sem_alloc : memref<!tpu.dma_semaphore, #tpu.memory_space<semaphore_mem>>
        %dma_start3A = arith.constant 0 : i32
        %dma_start3A_85 = tpu.memref_slice %arg11[%arg0, %mul3A_2, %dma_start3A] : memref<2x10000x16xf32, #tpu.memory_space<hbm>> -> memref<1x640x16xf32, #tpu.memory_space<hbm>>
        %dma_start3A_86 = tpu.memref_squeeze %dma_start3A_85 : memref<1x640x16xf32, #tpu.memory_space<hbm>> -> memref<640x16xf32, #tpu.memory_space<hbm>>
        %dma_start3A_87 = arith.constant 0 : i32
        %dma_start3A_88 = tpu.memref_slice %arg11[%arg0, %mul3A_2, %dma_start3A_87] : memref<2x10000x16xf32, #tpu.memory_space<hbm>> -> memref<1x640x16xf32, #tpu.memory_space<hbm>>
        %dma_start3A_89 = tpu.memref_squeeze %dma_start3A_88 : memref<1x640x16xf32, #tpu.memory_space<hbm>> -> memref<640x16xf32, #tpu.memory_space<hbm>>
        tpu.enqueue_dma source(%arg20 : memref<640x16xf32, #tpu.memory_space<vmem>>) target(%dma_start3A_89 : memref<640x16xf32, #tpu.memory_space<hbm>>) target_semaphore(%run_scoped3A : memref<!tpu.dma_semaphore, #tpu.memory_space<semaphore_mem>>)
        %dma_wait3A = arith.constant 0 : i32
        %dma_wait3A_90 = tpu.memref_slice %arg11[%arg0, %mul3A_2, %dma_wait3A] : memref<2x10000x16xf32, #tpu.memory_space<hbm>> -> memref<1x640x16xf32, #tpu.memory_space<hbm>>
        %dma_wait3A_91 = tpu.memref_squeeze %dma_wait3A_90 : memref<1x640x16xf32, #tpu.memory_space<hbm>> -> memref<640x16xf32, #tpu.memory_space<hbm>>
        %dma_wait3A_92 = arith.constant 0 : i32
        %dma_wait3A_93 = tpu.memref_slice %arg11[%arg0, %mul3A_2, %dma_wait3A_92] : memref<2x10000x16xf32, #tpu.memory_space<hbm>> -> memref<1x640x16xf32, #tpu.memory_space<hbm>>
        %dma_wait3A_94 = tpu.memref_squeeze %dma_wait3A_93 : memref<1x640x16xf32, #tpu.memory_space<hbm>> -> memref<640x16xf32, #tpu.memory_space<hbm>>
        tpu.wait_dma2 semaphore(%run_scoped3A : memref<!tpu.dma_semaphore, #tpu.memory_space<semaphore_mem>>) src(%arg20 : memref<640x16xf32, #tpu.memory_space<vmem>>) dst(%dma_wait3A_94 : memref<640x16xf32, #tpu.memory_space<hbm>>)
        tpu.yield
      }) : () -> ()
    } else {
    }
    %not3A_37 = arith.constant true
    %not3A_38 = arith.xori %eq3A_3, %not3A_37 : i1
    %convert_element_type3A_39 = arith.extui %not3A_38 : i1 to i32
    %cond3A_40 = arith.constant 0 : i32
    %cond3A_41 = arith.cmpi ne, %convert_element_type3A_39, %cond3A_40 : i32
    scf.if %cond3A_41 {
      "tpu.region"() ({
        %run_scoped3A = tpu.sem_alloc : memref<!tpu.dma_semaphore, #tpu.memory_space<semaphore_mem>>
        %dma_start3A = arith.constant 0 : i32
        %dma_start3A_85 = arith.constant 0 : i32
        %dma_start3A_86 = tpu.memref_slice %arg20[%dma_start3A, %dma_start3A_85] : memref<640x16xf32, #tpu.memory_space<vmem>> -> memref<624x16xf32, #tpu.memory_space<vmem>>
        %dma_start3A_87 = arith.constant 0 : i32
        %dma_start3A_88 = tpu.memref_slice %arg23[%mul3A_2, %dma_start3A_87] : memref<10000x16xf32, #tpu.memory_space<vmem_shared>> -> memref<624x16xf32, #tpu.memory_space<vmem_shared>>
        %dma_start3A_89 = arith.constant 0 : i32
        %dma_start3A_90 = arith.constant 0 : i32
        %dma_start3A_91 = tpu.memref_slice %arg20[%dma_start3A_89, %dma_start3A_90] : memref<640x16xf32, #tpu.memory_space<vmem>> -> memref<624x16xf32, #tpu.memory_space<vmem>>
        %dma_start3A_92 = arith.constant 0 : i32
        %dma_start3A_93 = tpu.memref_slice %arg23[%mul3A_2, %dma_start3A_92] : memref<10000x16xf32, #tpu.memory_space<vmem_shared>> -> memref<624x16xf32, #tpu.memory_space<vmem_shared>>
        tpu.enqueue_dma source(%dma_start3A_93 : memref<624x16xf32, #tpu.memory_space<vmem_shared>>) target(%dma_start3A_91 : memref<624x16xf32, #tpu.memory_space<vmem>>) target_semaphore(%run_scoped3A : memref<!tpu.dma_semaphore, #tpu.memory_space<semaphore_mem>>)
        %dma_wait3A = arith.constant 0 : i32
        %dma_wait3A_94 = arith.constant 0 : i32
        %dma_wait3A_95 = tpu.memref_slice %arg20[%dma_wait3A, %dma_wait3A_94] : memref<640x16xf32, #tpu.memory_space<vmem>> -> memref<624x16xf32, #tpu.memory_space<vmem>>
        %dma_wait3A_96 = arith.constant 0 : i32
        %dma_wait3A_97 = tpu.memref_slice %arg23[%mul3A_2, %dma_wait3A_96] : memref<10000x16xf32, #tpu.memory_space<vmem_shared>> -> memref<624x16xf32, #tpu.memory_space<vmem_shared>>
        %dma_wait3A_98 = arith.constant 0 : i32
        %dma_wait3A_99 = arith.constant 0 : i32
        %dma_wait3A_100 = tpu.memref_slice %arg20[%dma_wait3A_98, %dma_wait3A_99] : memref<640x16xf32, #tpu.memory_space<vmem>> -> memref<624x16xf32, #tpu.memory_space<vmem>>
        %dma_wait3A_101 = arith.constant 0 : i32
        %dma_wait3A_102 = tpu.memref_slice %arg23[%mul3A_2, %dma_wait3A_101] : memref<10000x16xf32, #tpu.memory_space<vmem_shared>> -> memref<624x16xf32, #tpu.memory_space<vmem_shared>>
        tpu.wait_dma2 semaphore(%run_scoped3A : memref<!tpu.dma_semaphore, #tpu.memory_space<semaphore_mem>>) src(%dma_wait3A_102 : memref<624x16xf32, #tpu.memory_space<vmem_shared>>) dst(%dma_wait3A_100 : memref<624x16xf32, #tpu.memory_space<vmem>>)
        tpu.yield
      }) : () -> ()
      "tpu.region"() ({
        %run_scoped3A = tpu.sem_alloc : memref<!tpu.dma_semaphore, #tpu.memory_space<semaphore_mem>>
        %dma_start3A = arith.constant 0 : i32
        %dma_start3A_85 = arith.constant 0 : i32
        %dma_start3A_86 = tpu.memref_slice %arg20[%dma_start3A, %dma_start3A_85] : memref<640x16xf32, #tpu.memory_space<vmem>> -> memref<624x16xf32, #tpu.memory_space<vmem>>
        %dma_start3A_87 = arith.constant 0 : i32
        %dma_start3A_88 = tpu.memref_slice %arg11[%arg0, %mul3A_2, %dma_start3A_87] : memref<2x10000x16xf32, #tpu.memory_space<hbm>> -> memref<1x624x16xf32, #tpu.memory_space<hbm>>
        %dma_start3A_89 = tpu.memref_squeeze %dma_start3A_88 : memref<1x624x16xf32, #tpu.memory_space<hbm>> -> memref<624x16xf32, #tpu.memory_space<hbm>>
        %dma_start3A_90 = arith.constant 0 : i32
        %dma_start3A_91 = tpu.memref_slice %arg11[%arg0, %mul3A_2, %dma_start3A_90] : memref<2x10000x16xf32, #tpu.memory_space<hbm>> -> memref<1x624x16xf32, #tpu.memory_space<hbm>>
        %dma_start3A_92 = tpu.memref_squeeze %dma_start3A_91 : memref<1x624x16xf32, #tpu.memory_space<hbm>> -> memref<624x16xf32, #tpu.memory_space<hbm>>
        %dma_start3A_93 = arith.constant 0 : i32
        %dma_start3A_94 = arith.constant 0 : i32
        %dma_start3A_95 = tpu.memref_slice %arg20[%dma_start3A_93, %dma_start3A_94] : memref<640x16xf32, #tpu.memory_space<vmem>> -> memref<624x16xf32, #tpu.memory_space<vmem>>
        tpu.enqueue_dma source(%dma_start3A_95 : memref<624x16xf32, #tpu.memory_space<vmem>>) target(%dma_start3A_92 : memref<624x16xf32, #tpu.memory_space<hbm>>) target_semaphore(%run_scoped3A : memref<!tpu.dma_semaphore, #tpu.memory_space<semaphore_mem>>)
        %dma_wait3A = arith.constant 0 : i32
        %dma_wait3A_96 = arith.constant 0 : i32
        %dma_wait3A_97 = tpu.memref_slice %arg20[%dma_wait3A, %dma_wait3A_96] : memref<640x16xf32, #tpu.memory_space<vmem>> -> memref<624x16xf32, #tpu.memory_space<vmem>>
        %dma_wait3A_98 = arith.constant 0 : i32
        %dma_wait3A_99 = tpu.memref_slice %arg11[%arg0, %mul3A_2, %dma_wait3A_98] : memref<2x10000x16xf32, #tpu.memory_space<hbm>> -> memref<1x624x16xf32, #tpu.memory_space<hbm>>
        %dma_wait3A_100 = tpu.memref_squeeze %dma_wait3A_99 : memref<1x624x16xf32, #tpu.memory_space<hbm>> -> memref<624x16xf32, #tpu.memory_space<hbm>>
        %dma_wait3A_101 = arith.constant 0 : i32
        %dma_wait3A_102 = tpu.memref_slice %arg11[%arg0, %mul3A_2, %dma_wait3A_101] : memref<2x10000x16xf32, #tpu.memory_space<hbm>> -> memref<1x624x16xf32, #tpu.memory_space<hbm>>
        %dma_wait3A_103 = tpu.memref_squeeze %dma_wait3A_102 : memref<1x624x16xf32, #tpu.memory_space<hbm>> -> memref<624x16xf32, #tpu.memory_space<hbm>>
        %dma_wait3A_104 = arith.constant 0 : i32
        %dma_wait3A_105 = arith.constant 0 : i32
        %dma_wait3A_106 = tpu.memref_slice %arg20[%dma_wait3A_104, %dma_wait3A_105] : memref<640x16xf32, #tpu.memory_space<vmem>> -> memref<624x16xf32, #tpu.memory_space<vmem>>
        tpu.wait_dma2 semaphore(%run_scoped3A : memref<!tpu.dma_semaphore, #tpu.memory_space<semaphore_mem>>) src(%dma_wait3A_106 : memref<624x16xf32, #tpu.memory_space<vmem>>) dst(%dma_wait3A_103 : memref<624x16xf32, #tpu.memory_space<hbm>>)
        tpu.yield
      }) : () -> ()
    } else {
    }
    %scan3A_42 = arith.constant 0 : i32
    %scan3A_43 = arith.constant 0 : i32
    %scan3A_44 = arith.constant 640 : i32
    %scan3A_45 = arith.addi %scan3A_43, %scan3A_44 : i32
    %scan3A_46 = arith.constant 1 : i32
    scf.for %scan3A_85 = %scan3A_43 to %scan3A_45 step %scan3A_46  : i32 {
      %swap3A = arith.index_cast %scan3A_85 : i32 to index
      %swap3A_86 = arith.constant 0 : index
      %swap3A_87 = tpu.vector_load %arg20[%swap3A, %swap3A_86] {strides = array<i32>} : memref<640x16xf32, #tpu.memory_space<vmem>>, vector<1x16xf32>,
      %swap3A_88 = vector.shape_cast %swap3A_87 : vector<1x16xf32> to vector<16xf32>
      %swap3A_89 = vector.shape_cast %broadcast_in_dim3A_4 : vector<16xf32> to vector<1x16xf32>
      tpu.vector_store %arg20[%swap3A, %swap3A_86], %swap3A_89 {strides = array<i32>} : memref<640x16xf32, #tpu.memory_space<vmem>>, vector<1x16xf32>,
    }
    %scan3A_47 = arith.constant 640 : i32
    %convert_element_type3A_48 = arith.extui %eq3A_3 : i1 to i32
    %cond3A_49 = arith.constant 0 : i32
    %cond3A_50 = arith.cmpi ne, %convert_element_type3A_48, %cond3A_49 : i32
    scf.if %cond3A_50 {
      "tpu.region"() ({
        %run_scoped3A = tpu.sem_alloc : memref<!tpu.dma_semaphore, #tpu.memory_space<semaphore_mem>>
        %dma_start3A = arith.constant 0 : i32
        %dma_start3A_85 = tpu.memref_slice %arg23[%mul3A_2, %dma_start3A] : memref<10000x16xf32, #tpu.memory_space<vmem_shared>> -> memref<640x16xf32, #tpu.memory_space<vmem_shared>>
        %dma_start3A_86 = arith.constant 0 : i32
        %dma_start3A_87 = tpu.memref_slice %arg23[%mul3A_2, %dma_start3A_86] : memref<10000x16xf32, #tpu.memory_space<vmem_shared>> -> memref<640x16xf32, #tpu.memory_space<vmem_shared>>
        tpu.enqueue_dma source(%arg20 : memref<640x16xf32, #tpu.memory_space<vmem>>) target(%dma_start3A_87 : memref<640x16xf32, #tpu.memory_space<vmem_shared>>) target_semaphore(%run_scoped3A : memref<!tpu.dma_semaphore, #tpu.memory_space<semaphore_mem>>)
        %dma_wait3A = arith.constant 0 : i32
        %dma_wait3A_88 = tpu.memref_slice %arg23[%mul3A_2, %dma_wait3A] : memref<10000x16xf32, #tpu.memory_space<vmem_shared>> -> memref<640x16xf32, #tpu.memory_space<vmem_shared>>
        %dma_wait3A_89 = arith.constant 0 : i32
        %dma_wait3A_90 = tpu.memref_slice %arg23[%mul3A_2, %dma_wait3A_89] : memref<10000x16xf32, #tpu.memory_space<vmem_shared>> -> memref<640x16xf32, #tpu.memory_space<vmem_shared>>
        tpu.wait_dma2 semaphore(%run_scoped3A : memref<!tpu.dma_semaphore, #tpu.memory_space<semaphore_mem>>) src(%arg20 : memref<640x16xf32, #tpu.memory_space<vmem>>) dst(%dma_wait3A_90 : memref<640x16xf32, #tpu.memory_space<vmem_shared>>)
        tpu.yield
      }) : () -> ()
    } else {
    }
    %not3A_51 = arith.constant true
    %not3A_52 = arith.xori %eq3A_3, %not3A_51 : i1
    %convert_element_type3A_53 = arith.extui %not3A_52 : i1 to i32
    %cond3A_54 = arith.constant 0 : i32
    %cond3A_55 = arith.cmpi ne, %convert_element_type3A_53, %cond3A_54 : i32
    scf.if %cond3A_55 {
      "tpu.region"() ({
        %run_scoped3A = tpu.sem_alloc : memref<!tpu.dma_semaphore, #tpu.memory_space<semaphore_mem>>
        %dma_start3A = arith.constant 0 : i32
        %dma_start3A_85 = arith.constant 0 : i32
        %dma_start3A_86 = tpu.memref_slice %arg20[%dma_start3A, %dma_start3A_85] : memref<640x16xf32, #tpu.memory_space<vmem>> -> memref<624x16xf32, #tpu.memory_space<vmem>>
        %dma_start3A_87 = arith.constant 0 : i32
        %dma_start3A_88 = tpu.memref_slice %arg23[%mul3A_2, %dma_start3A_87] : memref<10000x16xf32, #tpu.memory_space<vmem_shared>> -> memref<624x16xf32, #tpu.memory_space<vmem_shared>>
        %dma_start3A_89 = arith.constant 0 : i32
        %dma_start3A_90 = tpu.memref_slice %arg23[%mul3A_2, %dma_start3A_89] : memref<10000x16xf32, #tpu.memory_space<vmem_shared>> -> memref<624x16xf32, #tpu.memory_space<vmem_shared>>
        %dma_start3A_91 = arith.constant 0 : i32
        %dma_start3A_92 = arith.constant 0 : i32
        %dma_start3A_93 = tpu.memref_slice %arg20[%dma_start3A_91, %dma_start3A_92] : memref<640x16xf32, #tpu.memory_space<vmem>> -> memref<624x16xf32, #tpu.memory_space<vmem>>
        tpu.enqueue_dma source(%dma_start3A_93 : memref<624x16xf32, #tpu.memory_space<vmem>>) target(%dma_start3A_90 : memref<624x16xf32, #tpu.memory_space<vmem_shared>>) target_semaphore(%run_scoped3A : memref<!tpu.dma_semaphore, #tpu.memory_space<semaphore_mem>>)
        %dma_wait3A = arith.constant 0 : i32
        %dma_wait3A_94 = arith.constant 0 : i32
        %dma_wait3A_95 = tpu.memref_slice %arg20[%dma_wait3A, %dma_wait3A_94] : memref<640x16xf32, #tpu.memory_space<vmem>> -> memref<624x16xf32, #tpu.memory_space<vmem>>
        %dma_wait3A_96 = arith.constant 0 : i32
        %dma_wait3A_97 = tpu.memref_slice %arg23[%mul3A_2, %dma_wait3A_96] : memref<10000x16xf32, #tpu.memory_space<vmem_shared>> -> memref<624x16xf32, #tpu.memory_space<vmem_shared>>
        %dma_wait3A_98 = arith.constant 0 : i32
        %dma_wait3A_99 = tpu.memref_slice %arg23[%mul3A_2, %dma_wait3A_98] : memref<10000x16xf32, #tpu.memory_space<vmem_shared>> -> memref<624x16xf32, #tpu.memory_space<vmem_shared>>
        %dma_wait3A_100 = arith.constant 0 : i32
        %dma_wait3A_101 = arith.constant 0 : i32
        %dma_wait3A_102 = tpu.memref_slice %arg20[%dma_wait3A_100, %dma_wait3A_101] : memref<640x16xf32, #tpu.memory_space<vmem>> -> memref<624x16xf32, #tpu.memory_space<vmem>>
        tpu.wait_dma2 semaphore(%run_scoped3A : memref<!tpu.dma_semaphore, #tpu.memory_space<semaphore_mem>>) src(%dma_wait3A_102 : memref<624x16xf32, #tpu.memory_space<vmem>>) dst(%dma_wait3A_99 : memref<624x16xf32, #tpu.memory_space<vmem_shared>>)
        tpu.yield
      }) : () -> ()
    } else {
    }
    %barrier3A_56 = arith.constant 0 : index
    tpu.barrier barrier_id(%barrier3A_56)
    %convert_element_type3A_57 = arith.extui %eq3A_3 : i1 to i32
    %cond3A_58 = arith.constant 0 : i32
    %cond3A_59 = arith.cmpi ne, %convert_element_type3A_57, %cond3A_58 : i32
    scf.if %cond3A_59 {
      %add3A_85 = arith.constant 0 : i32
      %add3A_86 = arith.addi %mul3A_2, %add3A_85 : i32
      "tpu.region"() ({
        %run_scoped3A = tpu.sem_alloc : memref<!tpu.dma_semaphore, #tpu.memory_space<semaphore_mem>>
        %dma_start3A = arith.constant 0 : i32
        %dma_start3A_141 = arith.constant 0 : i32
        %dma_start3A_142 = tpu.memref_slice %arg13[%dma_start3A, %dma_start3A_141] : memref<160x128xf32, #tpu.memory_space<vmem>> -> memref<160x128xf32, #tpu.memory_space<vmem>>
        %dma_start3A_143 = arith.constant 0 : i32
        %dma_start3A_144 = tpu.memref_slice %arg2[%add3A_86, %dma_start3A_143] : memref<10000x128xf32, #tpu.memory_space<hbm>> -> memref<160x128xf32, #tpu.memory_space<hbm>>
        %dma_start3A_145 = arith.constant 0 : i32
        %dma_start3A_146 = arith.constant 0 : i32
        %dma_start3A_147 = tpu.memref_slice %arg13[%dma_start3A_145, %dma_start3A_146] : memref<160x128xf32, #tpu.memory_space<vmem>> -> memref<160x128xf32, #tpu.memory_space<vmem>>
        %dma_start3A_148 = arith.constant 0 : i32
        %dma_start3A_149 = tpu.memref_slice %arg2[%add3A_86, %dma_start3A_148] : memref<10000x128xf32, #tpu.memory_space<hbm>> -> memref<160x128xf32, #tpu.memory_space<hbm>>
        tpu.enqueue_dma source(%dma_start3A_149 : memref<160x128xf32, #tpu.memory_space<hbm>>) target(%dma_start3A_147 : memref<160x128xf32, #tpu.memory_space<vmem>>) target_semaphore(%run_scoped3A : memref<!tpu.dma_semaphore, #tpu.memory_space<semaphore_mem>>)
        %dma_wait3A = arith.constant 0 : i32
        %dma_wait3A_150 = arith.constant 0 : i32
        %dma_wait3A_151 = tpu.memref_slice %arg13[%dma_wait3A, %dma_wait3A_150] : memref<160x128xf32, #tpu.memory_space<vmem>> -> memref<160x128xf32, #tpu.memory_space<vmem>>
        %dma_wait3A_152 = arith.constant 0 : i32
        %dma_wait3A_153 = tpu.memref_slice %arg2[%add3A_86, %dma_wait3A_152] : memref<10000x128xf32, #tpu.memory_space<hbm>> -> memref<160x128xf32, #tpu.memory_space<hbm>>
        %dma_wait3A_154 = arith.constant 0 : i32
        %dma_wait3A_155 = arith.constant 0 : i32
        %dma_wait3A_156 = tpu.memref_slice %arg13[%dma_wait3A_154, %dma_wait3A_155] : memref<160x128xf32, #tpu.memory_space<vmem>> -> memref<160x128xf32, #tpu.memory_space<vmem>>
        %dma_wait3A_157 = arith.constant 0 : i32
        %dma_wait3A_158 = tpu.memref_slice %arg2[%add3A_86, %dma_wait3A_157] : memref<10000x128xf32, #tpu.memory_space<hbm>> -> memref<160x128xf32, #tpu.memory_space<hbm>>
        tpu.wait_dma2 semaphore(%run_scoped3A : memref<!tpu.dma_semaphore, #tpu.memory_space<semaphore_mem>>) src(%dma_wait3A_158 : memref<160x128xf32, #tpu.memory_space<hbm>>) dst(%dma_wait3A_156 : memref<160x128xf32, #tpu.memory_space<vmem>>)
        tpu.yield
      }) : () -> ()
      %scan3A_87 = arith.constant 0 : i32
      %scan3A_88 = arith.constant 0 : i32
      %scan3A_89 = arith.constant 160 : i32
      %scan3A_90 = arith.addi %scan3A_88, %scan3A_89 : i32
      %scan3A_91 = arith.constant 1 : i32
      scf.for %scan3A_141 = %scan3A_88 to %scan3A_90 step %scan3A_91  : i32 {
        %get3A = arith.index_cast %scan3A_141 : i32 to index
        %get3A_142 = arith.constant 32 : index
        %get3A_143 = tpu.vector_load %arg13[%get3A, %get3A_142] {strides = array<i32>} : memref<160x128xf32, #tpu.memory_space<vmem>>, vector<1x16xf32>,
        %get3A_144 = vector.shape_cast %get3A_143 : vector<1x16xf32> to vector<16xf32>
        %swap3A = arith.index_cast %scan3A_141 : i32 to index
        %swap3A_145 = arith.constant 0 : index
        %swap3A_146 = tpu.vector_load %arg20[%swap3A, %swap3A_145] {strides = array<i32>} : memref<640x16xf32, #tpu.memory_space<vmem>>, vector<1x16xf32>,
        %swap3A_147 = vector.shape_cast %swap3A_146 : vector<1x16xf32> to vector<16xf32>
        %swap3A_148 = vector.shape_cast %get3A_144 : vector<16xf32> to vector<1x16xf32>
        tpu.vector_store %arg20[%swap3A, %swap3A_145], %swap3A_148 {strides = array<i32>} : memref<640x16xf32, #tpu.memory_space<vmem>>, vector<1x16xf32>,
      }
      %scan3A_92 = arith.constant 160 : i32
      "tpu.region"() ({
        %run_scoped3A = tpu.sem_alloc : memref<!tpu.dma_semaphore, #tpu.memory_space<semaphore_mem>>
        %dma_start3A = arith.constant 0 : i32
        %dma_start3A_141 = arith.constant 0 : i32
        %dma_start3A_142 = tpu.memref_slice %arg20[%dma_start3A, %dma_start3A_141] : memref<640x16xf32, #tpu.memory_space<vmem>> -> memref<160x16xf32, #tpu.memory_space<vmem>>
        %dma_start3A_143 = arith.constant 0 : i32
        %dma_start3A_144 = tpu.memref_slice %arg21[%add3A_86, %dma_start3A_143] : memref<10000x16xf32, #tpu.memory_space<vmem_shared>> -> memref<160x16xf32, #tpu.memory_space<vmem_shared>>
        %dma_start3A_145 = arith.constant 0 : i32
        %dma_start3A_146 = tpu.memref_slice %arg21[%add3A_86, %dma_start3A_145] : memref<10000x16xf32, #tpu.memory_space<vmem_shared>> -> memref<160x16xf32, #tpu.memory_space<vmem_shared>>
        %dma_start3A_147 = arith.constant 0 : i32
        %dma_start3A_148 = arith.constant 0 : i32
        %dma_start3A_149 = tpu.memref_slice %arg20[%dma_start3A_147, %dma_start3A_148] : memref<640x16xf32, #tpu.memory_space<vmem>> -> memref<160x16xf32, #tpu.memory_space<vmem>>
        tpu.enqueue_dma source(%dma_start3A_149 : memref<160x16xf32, #tpu.memory_space<vmem>>) target(%dma_start3A_146 : memref<160x16xf32, #tpu.memory_space<vmem_shared>>) target_semaphore(%run_scoped3A : memref<!tpu.dma_semaphore, #tpu.memory_space<semaphore_mem>>)
        %dma_wait3A = arith.constant 0 : i32
        %dma_wait3A_150 = arith.constant 0 : i32
        %dma_wait3A_151 = tpu.memref_slice %arg20[%dma_wait3A, %dma_wait3A_150] : memref<640x16xf32, #tpu.memory_space<vmem>> -> memref<160x16xf32, #tpu.memory_space<vmem>>
        %dma_wait3A_152 = arith.constant 0 : i32
        %dma_wait3A_153 = tpu.memref_slice %arg21[%add3A_86, %dma_wait3A_152] : memref<10000x16xf32, #tpu.memory_space<vmem_shared>> -> memref<160x16xf32, #tpu.memory_space<vmem_shared>>
        %dma_wait3A_154 = arith.constant 0 : i32
        %dma_wait3A_155 = tpu.memref_slice %arg21[%add3A_86, %dma_wait3A_154] : memref<10000x16xf32, #tpu.memory_space<vmem_shared>> -> memref<160x16xf32, #tpu.memory_space<vmem_shared>>
        %dma_wait3A_156 = arith.constant 0 : i32
        %dma_wait3A_157 = arith.constant 0 : i32
        %dma_wait3A_158 = tpu.memref_slice %arg20[%dma_wait3A_156, %dma_wait3A_157] : memref<640x16xf32, #tpu.memory_space<vmem>> -> memref<160x16xf32, #tpu.memory_space<vmem>>
        tpu.wait_dma2 semaphore(%run_scoped3A : memref<!tpu.dma_semaphore, #tpu.memory_space<semaphore_mem>>) src(%dma_wait3A_158 : memref<160x16xf32, #tpu.memory_space<vmem>>) dst(%dma_wait3A_155 : memref<160x16xf32, #tpu.memory_space<vmem_shared>>)
        tpu.yield
      }) : () -> ()
      %scan3A_93 = arith.constant 0 : i32
      %scan3A_94 = arith.constant 0 : i32
      %scan3A_95 = arith.constant 160 : i32
      %scan3A_96 = arith.addi %scan3A_94, %scan3A_95 : i32
      %scan3A_97 = arith.constant 1 : i32
      scf.for %scan3A_141 = %scan3A_94 to %scan3A_96 step %scan3A_97  : i32 {
        %get3A = arith.index_cast %scan3A_141 : i32 to index
        %get3A_142 = arith.constant 48 : index
        %get3A_143 = tpu.vector_load %arg13[%get3A, %get3A_142] {strides = array<i32>} : memref<160x128xf32, #tpu.memory_space<vmem>>, vector<1x16xf32>,
        %get3A_144 = vector.shape_cast %get3A_143 : vector<1x16xf32> to vector<16xf32>
        %swap3A = arith.index_cast %scan3A_141 : i32 to index
        %swap3A_145 = arith.constant 0 : index
        %swap3A_146 = tpu.vector_load %arg20[%swap3A, %swap3A_145] {strides = array<i32>} : memref<640x16xf32, #tpu.memory_space<vmem>>, vector<1x16xf32>,
        %swap3A_147 = vector.shape_cast %swap3A_146 : vector<1x16xf32> to vector<16xf32>
        %swap3A_148 = vector.shape_cast %get3A_144 : vector<16xf32> to vector<1x16xf32>
        tpu.vector_store %arg20[%swap3A, %swap3A_145], %swap3A_148 {strides = array<i32>} : memref<640x16xf32, #tpu.memory_space<vmem>>, vector<1x16xf32>,
      }
      %scan3A_98 = arith.constant 160 : i32
      "tpu.region"() ({
        %run_scoped3A = tpu.sem_alloc : memref<!tpu.dma_semaphore, #tpu.memory_space<semaphore_mem>>
        %dma_start3A = arith.constant 0 : i32
        %dma_start3A_141 = arith.constant 0 : i32
        %dma_start3A_142 = tpu.memref_slice %arg20[%dma_start3A, %dma_start3A_141] : memref<640x16xf32, #tpu.memory_space<vmem>> -> memref<160x16xf32, #tpu.memory_space<vmem>>
        %dma_start3A_143 = arith.constant 0 : i32
        %dma_start3A_144 = tpu.memref_slice %arg22[%add3A_86, %dma_start3A_143] : memref<10000x16xf32, #tpu.memory_space<vmem_shared>> -> memref<160x16xf32, #tpu.memory_space<vmem_shared>>
        %dma_start3A_145 = arith.constant 0 : i32
        %dma_start3A_146 = tpu.memref_slice %arg22[%add3A_86, %dma_start3A_145] : memref<10000x16xf32, #tpu.memory_space<vmem_shared>> -> memref<160x16xf32, #tpu.memory_space<vmem_shared>>
        %dma_start3A_147 = arith.constant 0 : i32
        %dma_start3A_148 = arith.constant 0 : i32
        %dma_start3A_149 = tpu.memref_slice %arg20[%dma_start3A_147, %dma_start3A_148] : memref<640x16xf32, #tpu.memory_space<vmem>> -> memref<160x16xf32, #tpu.memory_space<vmem>>
        tpu.enqueue_dma source(%dma_start3A_149 : memref<160x16xf32, #tpu.memory_space<vmem>>) target(%dma_start3A_146 : memref<160x16xf32, #tpu.memory_space<vmem_shared>>) target_semaphore(%run_scoped3A : memref<!tpu.dma_semaphore, #tpu.memory_space<semaphore_mem>>)
        %dma_wait3A = arith.constant 0 : i32
        %dma_wait3A_150 = arith.constant 0 : i32
        %dma_wait3A_151 = tpu.memref_slice %arg20[%dma_wait3A, %dma_wait3A_150] : memref<640x16xf32, #tpu.memory_space<vmem>> -> memref<160x16xf32, #tpu.memory_space<vmem>>
        %dma_wait3A_152 = arith.constant 0 : i32
        %dma_wait3A_153 = tpu.memref_slice %arg22[%add3A_86, %dma_wait3A_152] : memref<10000x16xf32, #tpu.memory_space<vmem_shared>> -> memref<160x16xf32, #tpu.memory_space<vmem_shared>>
        %dma_wait3A_154 = arith.constant 0 : i32
        %dma_wait3A_155 = tpu.memref_slice %arg22[%add3A_86, %dma_wait3A_154] : memref<10000x16xf32, #tpu.memory_space<vmem_shared>> -> memref<160x16xf32, #tpu.memory_space<vmem_shared>>
        %dma_wait3A_156 = arith.constant 0 : i32
        %dma_wait3A_157 = arith.constant 0 : i32
        %dma_wait3A_158 = tpu.memref_slice %arg20[%dma_wait3A_156, %dma_wait3A_157] : memref<640x16xf32, #tpu.memory_space<vmem>> -> memref<160x16xf32, #tpu.memory_space<vmem>>
        tpu.wait_dma2 semaphore(%run_scoped3A : memref<!tpu.dma_semaphore, #tpu.memory_space<semaphore_mem>>) src(%dma_wait3A_158 : memref<160x16xf32, #tpu.memory_space<vmem>>) dst(%dma_wait3A_155 : memref<160x16xf32, #tpu.memory_space<vmem_shared>>)
        tpu.yield
      }) : () -> ()
      %add3A_99 = arith.constant 160 : i32
      %add3A_100 = arith.addi %mul3A_2, %add3A_99 : i32
      "tpu.region"() ({
        %run_scoped3A = tpu.sem_alloc : memref<!tpu.dma_semaphore, #tpu.memory_space<semaphore_mem>>
        %dma_start3A = arith.constant 0 : i32
        %dma_start3A_141 = arith.constant 0 : i32
        %dma_start3A_142 = tpu.memref_slice %arg13[%dma_start3A, %dma_start3A_141] : memref<160x128xf32, #tpu.memory_space<vmem>> -> memref<160x128xf32, #tpu.memory_space<vmem>>
        %dma_start3A_143 = arith.constant 0 : i32
        %dma_start3A_144 = tpu.memref_slice %arg2[%add3A_100, %dma_start3A_143] : memref<10000x128xf32, #tpu.memory_space<hbm>> -> memref<160x128xf32, #tpu.memory_space<hbm>>
        %dma_start3A_145 = arith.constant 0 : i32
        %dma_start3A_146 = arith.constant 0 : i32
        %dma_start3A_147 = tpu.memref_slice %arg13[%dma_start3A_145, %dma_start3A_146] : memref<160x128xf32, #tpu.memory_space<vmem>> -> memref<160x128xf32, #tpu.memory_space<vmem>>
        %dma_start3A_148 = arith.constant 0 : i32
        %dma_start3A_149 = tpu.memref_slice %arg2[%add3A_100, %dma_start3A_148] : memref<10000x128xf32, #tpu.memory_space<hbm>> -> memref<160x128xf32, #tpu.memory_space<hbm>>
        tpu.enqueue_dma source(%dma_start3A_149 : memref<160x128xf32, #tpu.memory_space<hbm>>) target(%dma_start3A_147 : memref<160x128xf32, #tpu.memory_space<vmem>>) target_semaphore(%run_scoped3A : memref<!tpu.dma_semaphore, #tpu.memory_space<semaphore_mem>>)
        %dma_wait3A = arith.constant 0 : i32
        %dma_wait3A_150 = arith.constant 0 : i32
        %dma_wait3A_151 = tpu.memref_slice %arg13[%dma_wait3A, %dma_wait3A_150] : memref<160x128xf32, #tpu.memory_space<vmem>> -> memref<160x128xf32, #tpu.memory_space<vmem>>
        %dma_wait3A_152 = arith.constant 0 : i32
        %dma_wait3A_153 = tpu.memref_slice %arg2[%add3A_100, %dma_wait3A_152] : memref<10000x128xf32, #tpu.memory_space<hbm>> -> memref<160x128xf32, #tpu.memory_space<hbm>>
        %dma_wait3A_154 = arith.constant 0 : i32
        %dma_wait3A_155 = arith.constant 0 : i32
        %dma_wait3A_156 = tpu.memref_slice %arg13[%dma_wait3A_154, %dma_wait3A_155] : memref<160x128xf32, #tpu.memory_space<vmem>> -> memref<160x128xf32, #tpu.memory_space<vmem>>
        %dma_wait3A_157 = arith.constant 0 : i32
        %dma_wait3A_158 = tpu.memref_slice %arg2[%add3A_100, %dma_wait3A_157] : memref<10000x128xf32, #tpu.memory_space<hbm>> -> memref<160x128xf32, #tpu.memory_space<hbm>>
        tpu.wait_dma2 semaphore(%run_scoped3A : memref<!tpu.dma_semaphore, #tpu.memory_space<semaphore_mem>>) src(%dma_wait3A_158 : memref<160x128xf32, #tpu.memory_space<hbm>>) dst(%dma_wait3A_156 : memref<160x128xf32, #tpu.memory_space<vmem>>)
        tpu.yield
      }) : () -> ()
      %scan3A_101 = arith.constant 0 : i32
      %scan3A_102 = arith.constant 0 : i32
      %scan3A_103 = arith.constant 160 : i32
      %scan3A_104 = arith.addi %scan3A_102, %scan3A_103 : i32
      %scan3A_105 = arith.constant 1 : i32
      scf.for %scan3A_141 = %scan3A_102 to %scan3A_104 step %scan3A_105  : i32 {
        %get3A = arith.index_cast %scan3A_141 : i32 to index
        %get3A_142 = arith.constant 32 : index
        %get3A_143 = tpu.vector_load %arg13[%get3A, %get3A_142] {strides = array<i32>} : memref<160x128xf32, #tpu.memory_space<vmem>>, vector<1x16xf32>,
        %get3A_144 = vector.shape_cast %get3A_143 : vector<1x16xf32> to vector<16xf32>
        %swap3A = arith.index_cast %scan3A_141 : i32 to index
        %swap3A_145 = arith.constant 0 : index
        %swap3A_146 = tpu.vector_load %arg20[%swap3A, %swap3A_145] {strides = array<i32>} : memref<640x16xf32, #tpu.memory_space<vmem>>, vector<1x16xf32>,
        %swap3A_147 = vector.shape_cast %swap3A_146 : vector<1x16xf32> to vector<16xf32>
        %swap3A_148 = vector.shape_cast %get3A_144 : vector<16xf32> to vector<1x16xf32>
        tpu.vector_store %arg20[%swap3A, %swap3A_145], %swap3A_148 {strides = array<i32>} : memref<640x16xf32, #tpu.memory_space<vmem>>, vector<1x16xf32>,
      }
      %scan3A_106 = arith.constant 160 : i32
      "tpu.region"() ({
        %run_scoped3A = tpu.sem_alloc : memref<!tpu.dma_semaphore, #tpu.memory_space<semaphore_mem>>
        %dma_start3A = arith.constant 0 : i32
        %dma_start3A_141 = arith.constant 0 : i32
        %dma_start3A_142 = tpu.memref_slice %arg20[%dma_start3A, %dma_start3A_141] : memref<640x16xf32, #tpu.memory_space<vmem>> -> memref<160x16xf32, #tpu.memory_space<vmem>>
        %dma_start3A_143 = arith.constant 0 : i32
        %dma_start3A_144 = tpu.memref_slice %arg21[%add3A_100, %dma_start3A_143] : memref<10000x16xf32, #tpu.memory_space<vmem_shared>> -> memref<160x16xf32, #tpu.memory_space<vmem_shared>>
        %dma_start3A_145 = arith.constant 0 : i32
        %dma_start3A_146 = tpu.memref_slice %arg21[%add3A_100, %dma_start3A_145] : memref<10000x16xf32, #tpu.memory_space<vmem_shared>> -> memref<160x16xf32, #tpu.memory_space<vmem_shared>>
        %dma_start3A_147 = arith.constant 0 : i32
        %dma_start3A_148 = arith.constant 0 : i32
        %dma_start3A_149 = tpu.memref_slice %arg20[%dma_start3A_147, %dma_start3A_148] : memref<640x16xf32, #tpu.memory_space<vmem>> -> memref<160x16xf32, #tpu.memory_space<vmem>>
        tpu.enqueue_dma source(%dma_start3A_149 : memref<160x16xf32, #tpu.memory_space<vmem>>) target(%dma_start3A_146 : memref<160x16xf32, #tpu.memory_space<vmem_shared>>) target_semaphore(%run_scoped3A : memref<!tpu.dma_semaphore, #tpu.memory_space<semaphore_mem>>)
        %dma_wait3A = arith.constant 0 : i32
        %dma_wait3A_150 = arith.constant 0 : i32
        %dma_wait3A_151 = tpu.memref_slice %arg20[%dma_wait3A, %dma_wait3A_150] : memref<640x16xf32, #tpu.memory_space<vmem>> -> memref<160x16xf32, #tpu.memory_space<vmem>>
        %dma_wait3A_152 = arith.constant 0 : i32
        %dma_wait3A_153 = tpu.memref_slice %arg21[%add3A_100, %dma_wait3A_152] : memref<10000x16xf32, #tpu.memory_space<vmem_shared>> -> memref<160x16xf32, #tpu.memory_space<vmem_shared>>
        %dma_wait3A_154 = arith.constant 0 : i32
        %dma_wait3A_155 = tpu.memref_slice %arg21[%add3A_100, %dma_wait3A_154] : memref<10000x16xf32, #tpu.memory_space<vmem_shared>> -> memref<160x16xf32, #tpu.memory_space<vmem_shared>>
        %dma_wait3A_156 = arith.constant 0 : i32
        %dma_wait3A_157 = arith.constant 0 : i32
        %dma_wait3A_158 = tpu.memref_slice %arg20[%dma_wait3A_156, %dma_wait3A_157] : memref<640x16xf32, #tpu.memory_space<vmem>> -> memref<160x16xf32, #tpu.memory_space<vmem>>
        tpu.wait_dma2 semaphore(%run_scoped3A : memref<!tpu.dma_semaphore, #tpu.memory_space<semaphore_mem>>) src(%dma_wait3A_158 : memref<160x16xf32, #tpu.memory_space<vmem>>) dst(%dma_wait3A_155 : memref<160x16xf32, #tpu.memory_space<vmem_shared>>)
        tpu.yield
      }) : () -> ()
      %scan3A_107 = arith.constant 0 : i32
      %scan3A_108 = arith.constant 0 : i32
      %scan3A_109 = arith.constant 160 : i32
      %scan3A_110 = arith.addi %scan3A_108, %scan3A_109 : i32
      %scan3A_111 = arith.constant 1 : i32
      scf.for %scan3A_141 = %scan3A_108 to %scan3A_110 step %scan3A_111  : i32 {
        %get3A = arith.index_cast %scan3A_141 : i32 to index
        %get3A_142 = arith.constant 48 : index
        %get3A_143 = tpu.vector_load %arg13[%get3A, %get3A_142] {strides = array<i32>} : memref<160x128xf32, #tpu.memory_space<vmem>>, vector<1x16xf32>,
        %get3A_144 = vector.shape_cast %get3A_143 : vector<1x16xf32> to vector<16xf32>
        %swap3A = arith.index_cast %scan3A_141 : i32 to index
        %swap3A_145 = arith.constant 0 : index
        %swap3A_146 = tpu.vector_load %arg20[%swap3A, %swap3A_145] {strides = array<i32>} : memref<640x16xf32, #tpu.memory_space<vmem>>, vector<1x16xf32>,
        %swap3A_147 = vector.shape_cast %swap3A_146 : vector<1x16xf32> to vector<16xf32>
        %swap3A_148 = vector.shape_cast %get3A_144 : vector<16xf32> to vector<1x16xf32>
        tpu.vector_store %arg20[%swap3A, %swap3A_145], %swap3A_148 {strides = array<i32>} : memref<640x16xf32, #tpu.memory_space<vmem>>, vector<1x16xf32>,
      }
      %scan3A_112 = arith.constant 160 : i32
      "tpu.region"() ({
        %run_scoped3A = tpu.sem_alloc : memref<!tpu.dma_semaphore, #tpu.memory_space<semaphore_mem>>
        %dma_start3A = arith.constant 0 : i32
        %dma_start3A_141 = arith.constant 0 : i32
        %dma_start3A_142 = tpu.memref_slice %arg20[%dma_start3A, %dma_start3A_141] : memref<640x16xf32, #tpu.memory_space<vmem>> -> memref<160x16xf32, #tpu.memory_space<vmem>>
        %dma_start3A_143 = arith.constant 0 : i32
        %dma_start3A_144 = tpu.memref_slice %arg22[%add3A_100, %dma_start3A_143] : memref<10000x16xf32, #tpu.memory_space<vmem_shared>> -> memref<160x16xf32, #tpu.memory_space<vmem_shared>>
        %dma_start3A_145 = arith.constant 0 : i32
        %dma_start3A_146 = tpu.memref_slice %arg22[%add3A_100, %dma_start3A_145] : memref<10000x16xf32, #tpu.memory_space<vmem_shared>> -> memref<160x16xf32, #tpu.memory_space<vmem_shared>>
        %dma_start3A_147 = arith.constant 0 : i32
        %dma_start3A_148 = arith.constant 0 : i32
        %dma_start3A_149 = tpu.memref_slice %arg20[%dma_start3A_147, %dma_start3A_148] : memref<640x16xf32, #tpu.memory_space<vmem>> -> memref<160x16xf32, #tpu.memory_space<vmem>>
        tpu.enqueue_dma source(%dma_start3A_149 : memref<160x16xf32, #tpu.memory_space<vmem>>) target(%dma_start3A_146 : memref<160x16xf32, #tpu.memory_space<vmem_shared>>) target_semaphore(%run_scoped3A : memref<!tpu.dma_semaphore, #tpu.memory_space<semaphore_mem>>)
        %dma_wait3A = arith.constant 0 : i32
        %dma_wait3A_150 = arith.constant 0 : i32
        %dma_wait3A_151 = tpu.memref_slice %arg20[%dma_wait3A, %dma_wait3A_150] : memref<640x16xf32, #tpu.memory_space<vmem>> -> memref<160x16xf32, #tpu.memory_space<vmem>>
        %dma_wait3A_152 = arith.constant 0 : i32
        %dma_wait3A_153 = tpu.memref_slice %arg22[%add3A_100, %dma_wait3A_152] : memref<10000x16xf32, #tpu.memory_space<vmem_shared>> -> memref<160x16xf32, #tpu.memory_space<vmem_shared>>
        %dma_wait3A_154 = arith.constant 0 : i32
        %dma_wait3A_155 = tpu.memref_slice %arg22[%add3A_100, %dma_wait3A_154] : memref<10000x16xf32, #tpu.memory_space<vmem_shared>> -> memref<160x16xf32, #tpu.memory_space<vmem_shared>>
        %dma_wait3A_156 = arith.constant 0 : i32
        %dma_wait3A_157 = arith.constant 0 : i32
        %dma_wait3A_158 = tpu.memref_slice %arg20[%dma_wait3A_156, %dma_wait3A_157] : memref<640x16xf32, #tpu.memory_space<vmem>> -> memref<160x16xf32, #tpu.memory_space<vmem>>
        tpu.wait_dma2 semaphore(%run_scoped3A : memref<!tpu.dma_semaphore, #tpu.memory_space<semaphore_mem>>) src(%dma_wait3A_158 : memref<160x16xf32, #tpu.memory_space<vmem>>) dst(%dma_wait3A_155 : memref<160x16xf32, #tpu.memory_space<vmem_shared>>)
        tpu.yield
      }) : () -> ()
      %add3A_113 = arith.constant 320 : i32
      %add3A_114 = arith.addi %mul3A_2, %add3A_113 : i32
      "tpu.region"() ({
        %run_scoped3A = tpu.sem_alloc : memref<!tpu.dma_semaphore, #tpu.memory_space<semaphore_mem>>
        %dma_start3A = arith.constant 0 : i32
        %dma_start3A_141 = arith.constant 0 : i32
        %dma_start3A_142 = tpu.memref_slice %arg13[%dma_start3A, %dma_start3A_141] : memref<160x128xf32, #tpu.memory_space<vmem>> -> memref<160x128xf32, #tpu.memory_space<vmem>>
        %dma_start3A_143 = arith.constant 0 : i32
        %dma_start3A_144 = tpu.memref_slice %arg2[%add3A_114, %dma_start3A_143] : memref<10000x128xf32, #tpu.memory_space<hbm>> -> memref<160x128xf32, #tpu.memory_space<hbm>>
        %dma_start3A_145 = arith.constant 0 : i32
        %dma_start3A_146 = arith.constant 0 : i32
        %dma_start3A_147 = tpu.memref_slice %arg13[%dma_start3A_145, %dma_start3A_146] : memref<160x128xf32, #tpu.memory_space<vmem>> -> memref<160x128xf32, #tpu.memory_space<vmem>>
        %dma_start3A_148 = arith.constant 0 : i32
        %dma_start3A_149 = tpu.memref_slice %arg2[%add3A_114, %dma_start3A_148] : memref<10000x128xf32, #tpu.memory_space<hbm>> -> memref<160x128xf32, #tpu.memory_space<hbm>>
        tpu.enqueue_dma source(%dma_start3A_149 : memref<160x128xf32, #tpu.memory_space<hbm>>) target(%dma_start3A_147 : memref<160x128xf32, #tpu.memory_space<vmem>>) target_semaphore(%run_scoped3A : memref<!tpu.dma_semaphore, #tpu.memory_space<semaphore_mem>>)
        %dma_wait3A = arith.constant 0 : i32
        %dma_wait3A_150 = arith.constant 0 : i32
        %dma_wait3A_151 = tpu.memref_slice %arg13[%dma_wait3A, %dma_wait3A_150] : memref<160x128xf32, #tpu.memory_space<vmem>> -> memref<160x128xf32, #tpu.memory_space<vmem>>
        %dma_wait3A_152 = arith.constant 0 : i32
        %dma_wait3A_153 = tpu.memref_slice %arg2[%add3A_114, %dma_wait3A_152] : memref<10000x128xf32, #tpu.memory_space<hbm>> -> memref<160x128xf32, #tpu.memory_space<hbm>>
        %dma_wait3A_154 = arith.constant 0 : i32
        %dma_wait3A_155 = arith.constant 0 : i32
        %dma_wait3A_156 = tpu.memref_slice %arg13[%dma_wait3A_154, %dma_wait3A_155] : memref<160x128xf32, #tpu.memory_space<vmem>> -> memref<160x128xf32, #tpu.memory_space<vmem>>
        %dma_wait3A_157 = arith.constant 0 : i32
        %dma_wait3A_158 = tpu.memref_slice %arg2[%add3A_114, %dma_wait3A_157] : memref<10000x128xf32, #tpu.memory_space<hbm>> -> memref<160x128xf32, #tpu.memory_space<hbm>>
        tpu.wait_dma2 semaphore(%run_scoped3A : memref<!tpu.dma_semaphore, #tpu.memory_space<semaphore_mem>>) src(%dma_wait3A_158 : memref<160x128xf32, #tpu.memory_space<hbm>>) dst(%dma_wait3A_156 : memref<160x128xf32, #tpu.memory_space<vmem>>)
        tpu.yield
      }) : () -> ()
      %scan3A_115 = arith.constant 0 : i32
      %scan3A_116 = arith.constant 0 : i32
      %scan3A_117 = arith.constant 160 : i32
      %scan3A_118 = arith.addi %scan3A_116, %scan3A_117 : i32
      %scan3A_119 = arith.constant 1 : i32
      scf.for %scan3A_141 = %scan3A_116 to %scan3A_118 step %scan3A_119  : i32 {
        %get3A = arith.index_cast %scan3A_141 : i32 to index
        %get3A_142 = arith.constant 32 : index
        %get3A_143 = tpu.vector_load %arg13[%get3A, %get3A_142] {strides = array<i32>} : memref<160x128xf32, #tpu.memory_space<vmem>>, vector<1x16xf32>,
        %get3A_144 = vector.shape_cast %get3A_143 : vector<1x16xf32> to vector<16xf32>
        %swap3A = arith.index_cast %scan3A_141 : i32 to index
        %swap3A_145 = arith.constant 0 : index
        %swap3A_146 = tpu.vector_load %arg20[%swap3A, %swap3A_145] {strides = array<i32>} : memref<640x16xf32, #tpu.memory_space<vmem>>, vector<1x16xf32>,
        %swap3A_147 = vector.shape_cast %swap3A_146 : vector<1x16xf32> to vector<16xf32>
        %swap3A_148 = vector.shape_cast %get3A_144 : vector<16xf32> to vector<1x16xf32>
        tpu.vector_store %arg20[%swap3A, %swap3A_145], %swap3A_148 {strides = array<i32>} : memref<640x16xf32, #tpu.memory_space<vmem>>, vector<1x16xf32>,
      }
      %scan3A_120 = arith.constant 160 : i32
      "tpu.region"() ({
        %run_scoped3A = tpu.sem_alloc : memref<!tpu.dma_semaphore, #tpu.memory_space<semaphore_mem>>
        %dma_start3A = arith.constant 0 : i32
        %dma_start3A_141 = arith.constant 0 : i32
        %dma_start3A_142 = tpu.memref_slice %arg20[%dma_start3A, %dma_start3A_141] : memref<640x16xf32, #tpu.memory_space<vmem>> -> memref<160x16xf32, #tpu.memory_space<vmem>>
        %dma_start3A_143 = arith.constant 0 : i32
        %dma_start3A_144 = tpu.memref_slice %arg21[%add3A_114, %dma_start3A_143] : memref<10000x16xf32, #tpu.memory_space<vmem_shared>> -> memref<160x16xf32, #tpu.memory_space<vmem_shared>>
        %dma_start3A_145 = arith.constant 0 : i32
        %dma_start3A_146 = tpu.memref_slice %arg21[%add3A_114, %dma_start3A_145] : memref<10000x16xf32, #tpu.memory_space<vmem_shared>> -> memref<160x16xf32, #tpu.memory_space<vmem_shared>>
        %dma_start3A_147 = arith.constant 0 : i32
        %dma_start3A_148 = arith.constant 0 : i32
        %dma_start3A_149 = tpu.memref_slice %arg20[%dma_start3A_147, %dma_start3A_148] : memref<640x16xf32, #tpu.memory_space<vmem>> -> memref<160x16xf32, #tpu.memory_space<vmem>>
        tpu.enqueue_dma source(%dma_start3A_149 : memref<160x16xf32, #tpu.memory_space<vmem>>) target(%dma_start3A_146 : memref<160x16xf32, #tpu.memory_space<vmem_shared>>) target_semaphore(%run_scoped3A : memref<!tpu.dma_semaphore, #tpu.memory_space<semaphore_mem>>)
        %dma_wait3A = arith.constant 0 : i32
        %dma_wait3A_150 = arith.constant 0 : i32
        %dma_wait3A_151 = tpu.memref_slice %arg20[%dma_wait3A, %dma_wait3A_150] : memref<640x16xf32, #tpu.memory_space<vmem>> -> memref<160x16xf32, #tpu.memory_space<vmem>>
        %dma_wait3A_152 = arith.constant 0 : i32
        %dma_wait3A_153 = tpu.memref_slice %arg21[%add3A_114, %dma_wait3A_152] : memref<10000x16xf32, #tpu.memory_space<vmem_shared>> -> memref<160x16xf32, #tpu.memory_space<vmem_shared>>
        %dma_wait3A_154 = arith.constant 0 : i32
        %dma_wait3A_155 = tpu.memref_slice %arg21[%add3A_114, %dma_wait3A_154] : memref<10000x16xf32, #tpu.memory_space<vmem_shared>> -> memref<160x16xf32, #tpu.memory_space<vmem_shared>>
        %dma_wait3A_156 = arith.constant 0 : i32
        %dma_wait3A_157 = arith.constant 0 : i32
        %dma_wait3A_158 = tpu.memref_slice %arg20[%dma_wait3A_156, %dma_wait3A_157] : memref<640x16xf32, #tpu.memory_space<vmem>> -> memref<160x16xf32, #tpu.memory_space<vmem>>
        tpu.wait_dma2 semaphore(%run_scoped3A : memref<!tpu.dma_semaphore, #tpu.memory_space<semaphore_mem>>) src(%dma_wait3A_158 : memref<160x16xf32, #tpu.memory_space<vmem>>) dst(%dma_wait3A_155 : memref<160x16xf32, #tpu.memory_space<vmem_shared>>)
        tpu.yield
      }) : () -> ()
      %scan3A_121 = arith.constant 0 : i32
      %scan3A_122 = arith.constant 0 : i32
      %scan3A_123 = arith.constant 160 : i32
      %scan3A_124 = arith.addi %scan3A_122, %scan3A_123 : i32
      %scan3A_125 = arith.constant 1 : i32
      scf.for %scan3A_141 = %scan3A_122 to %scan3A_124 step %scan3A_125  : i32 {
        %get3A = arith.index_cast %scan3A_141 : i32 to index
        %get3A_142 = arith.constant 48 : index
        %get3A_143 = tpu.vector_load %arg13[%get3A, %get3A_142] {strides = array<i32>} : memref<160x128xf32, #tpu.memory_space<vmem>>, vector<1x16xf32>,
        %get3A_144 = vector.shape_cast %get3A_143 : vector<1x16xf32> to vector<16xf32>
        %swap3A = arith.index_cast %scan3A_141 : i32 to index
        %swap3A_145 = arith.constant 0 : index
        %swap3A_146 = tpu.vector_load %arg20[%swap3A, %swap3A_145] {strides = array<i32>} : memref<640x16xf32, #tpu.memory_space<vmem>>, vector<1x16xf32>,
        %swap3A_147 = vector.shape_cast %swap3A_146 : vector<1x16xf32> to vector<16xf32>
        %swap3A_148 = vector.shape_cast %get3A_144 : vector<16xf32> to vector<1x16xf32>
        tpu.vector_store %arg20[%swap3A, %swap3A_145], %swap3A_148 {strides = array<i32>} : memref<640x16xf32, #tpu.memory_space<vmem>>, vector<1x16xf32>,
      }
      %scan3A_126 = arith.constant 160 : i32
      "tpu.region"() ({
        %run_scoped3A = tpu.sem_alloc : memref<!tpu.dma_semaphore, #tpu.memory_space<semaphore_mem>>
        %dma_start3A = arith.constant 0 : i32
        %dma_start3A_141 = arith.constant 0 : i32
        %dma_start3A_142 = tpu.memref_slice %arg20[%dma_start3A, %dma_start3A_141] : memref<640x16xf32, #tpu.memory_space<vmem>> -> memref<160x16xf32, #tpu.memory_space<vmem>>
        %dma_start3A_143 = arith.constant 0 : i32
        %dma_start3A_144 = tpu.memref_slice %arg22[%add3A_114, %dma_start3A_143] : memref<10000x16xf32, #tpu.memory_space<vmem_shared>> -> memref<160x16xf32, #tpu.memory_space<vmem_shared>>
        %dma_start3A_145 = arith.constant 0 : i32
        %dma_start3A_146 = tpu.memref_slice %arg22[%add3A_114, %dma_start3A_145] : memref<10000x16xf32, #tpu.memory_space<vmem_shared>> -> memref<160x16xf32, #tpu.memory_space<vmem_shared>>
        %dma_start3A_147 = arith.constant 0 : i32
        %dma_start3A_148 = arith.constant 0 : i32
        %dma_start3A_149 = tpu.memref_slice %arg20[%dma_start3A_147, %dma_start3A_148] : memref<640x16xf32, #tpu.memory_space<vmem>> -> memref<160x16xf32, #tpu.memory_space<vmem>>
        tpu.enqueue_dma source(%dma_start3A_149 : memref<160x16xf32, #tpu.memory_space<vmem>>) target(%dma_start3A_146 : memref<160x16xf32, #tpu.memory_space<vmem_shared>>) target_semaphore(%run_scoped3A : memref<!tpu.dma_semaphore, #tpu.memory_space<semaphore_mem>>)
        %dma_wait3A = arith.constant 0 : i32
        %dma_wait3A_150 = arith.constant 0 : i32
        %dma_wait3A_151 = tpu.memref_slice %arg20[%dma_wait3A, %dma_wait3A_150] : memref<640x16xf32, #tpu.memory_space<vmem>> -> memref<160x16xf32, #tpu.memory_space<vmem>>
        %dma_wait3A_152 = arith.constant 0 : i32
        %dma_wait3A_153 = tpu.memref_slice %arg22[%add3A_114, %dma_wait3A_152] : memref<10000x16xf32, #tpu.memory_space<vmem_shared>> -> memref<160x16xf32, #tpu.memory_space<vmem_shared>>
        %dma_wait3A_154 = arith.constant 0 : i32
        %dma_wait3A_155 = tpu.memref_slice %arg22[%add3A_114, %dma_wait3A_154] : memref<10000x16xf32, #tpu.memory_space<vmem_shared>> -> memref<160x16xf32, #tpu.memory_space<vmem_shared>>
        %dma_wait3A_156 = arith.constant 0 : i32
        %dma_wait3A_157 = arith.constant 0 : i32
        %dma_wait3A_158 = tpu.memref_slice %arg20[%dma_wait3A_156, %dma_wait3A_157] : memref<640x16xf32, #tpu.memory_space<vmem>> -> memref<160x16xf32, #tpu.memory_space<vmem>>
        tpu.wait_dma2 semaphore(%run_scoped3A : memref<!tpu.dma_semaphore, #tpu.memory_space<semaphore_mem>>) src(%dma_wait3A_158 : memref<160x16xf32, #tpu.memory_space<vmem>>) dst(%dma_wait3A_155 : memref<160x16xf32, #tpu.memory_space<vmem_shared>>)
        tpu.yield
      }) : () -> ()
      %add3A_127 = arith.constant 480 : i32
      %add3A_128 = arith.addi %mul3A_2, %add3A_127 : i32
      "tpu.region"() ({
        %run_scoped3A = tpu.sem_alloc : memref<!tpu.dma_semaphore, #tpu.memory_space<semaphore_mem>>
        %dma_start3A = arith.constant 0 : i32
        %dma_start3A_141 = arith.constant 0 : i32
        %dma_start3A_142 = tpu.memref_slice %arg13[%dma_start3A, %dma_start3A_141] : memref<160x128xf32, #tpu.memory_space<vmem>> -> memref<160x128xf32, #tpu.memory_space<vmem>>
        %dma_start3A_143 = arith.constant 0 : i32
        %dma_start3A_144 = tpu.memref_slice %arg2[%add3A_128, %dma_start3A_143] : memref<10000x128xf32, #tpu.memory_space<hbm>> -> memref<160x128xf32, #tpu.memory_space<hbm>>
        %dma_start3A_145 = arith.constant 0 : i32
        %dma_start3A_146 = arith.constant 0 : i32
        %dma_start3A_147 = tpu.memref_slice %arg13[%dma_start3A_145, %dma_start3A_146] : memref<160x128xf32, #tpu.memory_space<vmem>> -> memref<160x128xf32, #tpu.memory_space<vmem>>
        %dma_start3A_148 = arith.constant 0 : i32
        %dma_start3A_149 = tpu.memref_slice %arg2[%add3A_128, %dma_start3A_148] : memref<10000x128xf32, #tpu.memory_space<hbm>> -> memref<160x128xf32, #tpu.memory_space<hbm>>
        tpu.enqueue_dma source(%dma_start3A_149 : memref<160x128xf32, #tpu.memory_space<hbm>>) target(%dma_start3A_147 : memref<160x128xf32, #tpu.memory_space<vmem>>) target_semaphore(%run_scoped3A : memref<!tpu.dma_semaphore, #tpu.memory_space<semaphore_mem>>)
        %dma_wait3A = arith.constant 0 : i32
        %dma_wait3A_150 = arith.constant 0 : i32
        %dma_wait3A_151 = tpu.memref_slice %arg13[%dma_wait3A, %dma_wait3A_150] : memref<160x128xf32, #tpu.memory_space<vmem>> -> memref<160x128xf32, #tpu.memory_space<vmem>>
        %dma_wait3A_152 = arith.constant 0 : i32
        %dma_wait3A_153 = tpu.memref_slice %arg2[%add3A_128, %dma_wait3A_152] : memref<10000x128xf32, #tpu.memory_space<hbm>> -> memref<160x128xf32, #tpu.memory_space<hbm>>
        %dma_wait3A_154 = arith.constant 0 : i32
        %dma_wait3A_155 = arith.constant 0 : i32
        %dma_wait3A_156 = tpu.memref_slice %arg13[%dma_wait3A_154, %dma_wait3A_155] : memref<160x128xf32, #tpu.memory_space<vmem>> -> memref<160x128xf32, #tpu.memory_space<vmem>>
        %dma_wait3A_157 = arith.constant 0 : i32
        %dma_wait3A_158 = tpu.memref_slice %arg2[%add3A_128, %dma_wait3A_157] : memref<10000x128xf32, #tpu.memory_space<hbm>> -> memref<160x128xf32, #tpu.memory_space<hbm>>
        tpu.wait_dma2 semaphore(%run_scoped3A : memref<!tpu.dma_semaphore, #tpu.memory_space<semaphore_mem>>) src(%dma_wait3A_158 : memref<160x128xf32, #tpu.memory_space<hbm>>) dst(%dma_wait3A_156 : memref<160x128xf32, #tpu.memory_space<vmem>>)
        tpu.yield
      }) : () -> ()
      %scan3A_129 = arith.constant 0 : i32
      %scan3A_130 = arith.constant 0 : i32
      %scan3A_131 = arith.constant 160 : i32
      %scan3A_132 = arith.addi %scan3A_130, %scan3A_131 : i32
      %scan3A_133 = arith.constant 1 : i32
      scf.for %scan3A_141 = %scan3A_130 to %scan3A_132 step %scan3A_133  : i32 {
        %get3A = arith.index_cast %scan3A_141 : i32 to index
        %get3A_142 = arith.constant 32 : index
        %get3A_143 = tpu.vector_load %arg13[%get3A, %get3A_142] {strides = array<i32>} : memref<160x128xf32, #tpu.memory_space<vmem>>, vector<1x16xf32>,
        %get3A_144 = vector.shape_cast %get3A_143 : vector<1x16xf32> to vector<16xf32>
        %swap3A = arith.index_cast %scan3A_141 : i32 to index
        %swap3A_145 = arith.constant 0 : index
        %swap3A_146 = tpu.vector_load %arg20[%swap3A, %swap3A_145] {strides = array<i32>} : memref<640x16xf32, #tpu.memory_space<vmem>>, vector<1x16xf32>,
        %swap3A_147 = vector.shape_cast %swap3A_146 : vector<1x16xf32> to vector<16xf32>
        %swap3A_148 = vector.shape_cast %get3A_144 : vector<16xf32> to vector<1x16xf32>
        tpu.vector_store %arg20[%swap3A, %swap3A_145], %swap3A_148 {strides = array<i32>} : memref<640x16xf32, #tpu.memory_space<vmem>>, vector<1x16xf32>,
      }
      %scan3A_134 = arith.constant 160 : i32
      "tpu.region"() ({
        %run_scoped3A = tpu.sem_alloc : memref<!tpu.dma_semaphore, #tpu.memory_space<semaphore_mem>>
        %dma_start3A = arith.constant 0 : i32
        %dma_start3A_141 = arith.constant 0 : i32
        %dma_start3A_142 = tpu.memref_slice %arg20[%dma_start3A, %dma_start3A_141] : memref<640x16xf32, #tpu.memory_space<vmem>> -> memref<160x16xf32, #tpu.memory_space<vmem>>
        %dma_start3A_143 = arith.constant 0 : i32
        %dma_start3A_144 = tpu.memref_slice %arg21[%add3A_128, %dma_start3A_143] : memref<10000x16xf32, #tpu.memory_space<vmem_shared>> -> memref<160x16xf32, #tpu.memory_space<vmem_shared>>
        %dma_start3A_145 = arith.constant 0 : i32
        %dma_start3A_146 = tpu.memref_slice %arg21[%add3A_128, %dma_start3A_145] : memref<10000x16xf32, #tpu.memory_space<vmem_shared>> -> memref<160x16xf32, #tpu.memory_space<vmem_shared>>
        %dma_start3A_147 = arith.constant 0 : i32
        %dma_start3A_148 = arith.constant 0 : i32
        %dma_start3A_149 = tpu.memref_slice %arg20[%dma_start3A_147, %dma_start3A_148] : memref<640x16xf32, #tpu.memory_space<vmem>> -> memref<160x16xf32, #tpu.memory_space<vmem>>
        tpu.enqueue_dma source(%dma_start3A_149 : memref<160x16xf32, #tpu.memory_space<vmem>>) target(%dma_start3A_146 : memref<160x16xf32, #tpu.memory_space<vmem_shared>>) target_semaphore(%run_scoped3A : memref<!tpu.dma_semaphore, #tpu.memory_space<semaphore_mem>>)
        %dma_wait3A = arith.constant 0 : i32
        %dma_wait3A_150 = arith.constant 0 : i32
        %dma_wait3A_151 = tpu.memref_slice %arg20[%dma_wait3A, %dma_wait3A_150] : memref<640x16xf32, #tpu.memory_space<vmem>> -> memref<160x16xf32, #tpu.memory_space<vmem>>
        %dma_wait3A_152 = arith.constant 0 : i32
        %dma_wait3A_153 = tpu.memref_slice %arg21[%add3A_128, %dma_wait3A_152] : memref<10000x16xf32, #tpu.memory_space<vmem_shared>> -> memref<160x16xf32, #tpu.memory_space<vmem_shared>>
        %dma_wait3A_154 = arith.constant 0 : i32
        %dma_wait3A_155 = tpu.memref_slice %arg21[%add3A_128, %dma_wait3A_154] : memref<10000x16xf32, #tpu.memory_space<vmem_shared>> -> memref<160x16xf32, #tpu.memory_space<vmem_shared>>
        %dma_wait3A_156 = arith.constant 0 : i32
        %dma_wait3A_157 = arith.constant 0 : i32
        %dma_wait3A_158 = tpu.memref_slice %arg20[%dma_wait3A_156, %dma_wait3A_157] : memref<640x16xf32, #tpu.memory_space<vmem>> -> memref<160x16xf32, #tpu.memory_space<vmem>>
        tpu.wait_dma2 semaphore(%run_scoped3A : memref<!tpu.dma_semaphore, #tpu.memory_space<semaphore_mem>>) src(%dma_wait3A_158 : memref<160x16xf32, #tpu.memory_space<vmem>>) dst(%dma_wait3A_155 : memref<160x16xf32, #tpu.memory_space<vmem_shared>>)
        tpu.yield
      }) : () -> ()
      %scan3A_135 = arith.constant 0 : i32
      %scan3A_136 = arith.constant 0 : i32
      %scan3A_137 = arith.constant 160 : i32
      %scan3A_138 = arith.addi %scan3A_136, %scan3A_137 : i32
      %scan3A_139 = arith.constant 1 : i32
      scf.for %scan3A_141 = %scan3A_136 to %scan3A_138 step %scan3A_139  : i32 {
        %get3A = arith.index_cast %scan3A_141 : i32 to index
        %get3A_142 = arith.constant 48 : index
        %get3A_143 = tpu.vector_load %arg13[%get3A, %get3A_142] {strides = array<i32>} : memref<160x128xf32, #tpu.memory_space<vmem>>, vector<1x16xf32>,
        %get3A_144 = vector.shape_cast %get3A_143 : vector<1x16xf32> to vector<16xf32>
        %swap3A = arith.index_cast %scan3A_141 : i32 to index
        %swap3A_145 = arith.constant 0 : index
        %swap3A_146 = tpu.vector_load %arg20[%swap3A, %swap3A_145] {strides = array<i32>} : memref<640x16xf32, #tpu.memory_space<vmem>>, vector<1x16xf32>,
        %swap3A_147 = vector.shape_cast %swap3A_146 : vector<1x16xf32> to vector<16xf32>
        %swap3A_148 = vector.shape_cast %get3A_144 : vector<16xf32> to vector<1x16xf32>
        tpu.vector_store %arg20[%swap3A, %swap3A_145], %swap3A_148 {strides = array<i32>} : memref<640x16xf32, #tpu.memory_space<vmem>>, vector<1x16xf32>,
      }
      %scan3A_140 = arith.constant 160 : i32
      "tpu.region"() ({
        %run_scoped3A = tpu.sem_alloc : memref<!tpu.dma_semaphore, #tpu.memory_space<semaphore_mem>>
        %dma_start3A = arith.constant 0 : i32
        %dma_start3A_141 = arith.constant 0 : i32
        %dma_start3A_142 = tpu.memref_slice %arg20[%dma_start3A, %dma_start3A_141] : memref<640x16xf32, #tpu.memory_space<vmem>> -> memref<160x16xf32, #tpu.memory_space<vmem>>
        %dma_start3A_143 = arith.constant 0 : i32
        %dma_start3A_144 = tpu.memref_slice %arg22[%add3A_128, %dma_start3A_143] : memref<10000x16xf32, #tpu.memory_space<vmem_shared>> -> memref<160x16xf32, #tpu.memory_space<vmem_shared>>
        %dma_start3A_145 = arith.constant 0 : i32
        %dma_start3A_146 = tpu.memref_slice %arg22[%add3A_128, %dma_start3A_145] : memref<10000x16xf32, #tpu.memory_space<vmem_shared>> -> memref<160x16xf32, #tpu.memory_space<vmem_shared>>
        %dma_start3A_147 = arith.constant 0 : i32
        %dma_start3A_148 = arith.constant 0 : i32
        %dma_start3A_149 = tpu.memref_slice %arg20[%dma_start3A_147, %dma_start3A_148] : memref<640x16xf32, #tpu.memory_space<vmem>> -> memref<160x16xf32, #tpu.memory_space<vmem>>
        tpu.enqueue_dma source(%dma_start3A_149 : memref<160x16xf32, #tpu.memory_space<vmem>>) target(%dma_start3A_146 : memref<160x16xf32, #tpu.memory_space<vmem_shared>>) target_semaphore(%run_scoped3A : memref<!tpu.dma_semaphore, #tpu.memory_space<semaphore_mem>>)
        %dma_wait3A = arith.constant 0 : i32
        %dma_wait3A_150 = arith.constant 0 : i32
        %dma_wait3A_151 = tpu.memref_slice %arg20[%dma_wait3A, %dma_wait3A_150] : memref<640x16xf32, #tpu.memory_space<vmem>> -> memref<160x16xf32, #tpu.memory_space<vmem>>
        %dma_wait3A_152 = arith.constant 0 : i32
        %dma_wait3A_153 = tpu.memref_slice %arg22[%add3A_128, %dma_wait3A_152] : memref<10000x16xf32, #tpu.memory_space<vmem_shared>> -> memref<160x16xf32, #tpu.memory_space<vmem_shared>>
        %dma_wait3A_154 = arith.constant 0 : i32
        %dma_wait3A_155 = tpu.memref_slice %arg22[%add3A_128, %dma_wait3A_154] : memref<10000x16xf32, #tpu.memory_space<vmem_shared>> -> memref<160x16xf32, #tpu.memory_space<vmem_shared>>
        %dma_wait3A_156 = arith.constant 0 : i32
        %dma_wait3A_157 = arith.constant 0 : i32
        %dma_wait3A_158 = tpu.memref_slice %arg20[%dma_wait3A_156, %dma_wait3A_157] : memref<640x16xf32, #tpu.memory_space<vmem>> -> memref<160x16xf32, #tpu.memory_space<vmem>>
        tpu.wait_dma2 semaphore(%run_scoped3A : memref<!tpu.dma_semaphore, #tpu.memory_space<semaphore_mem>>) src(%dma_wait3A_158 : memref<160x16xf32, #tpu.memory_space<vmem>>) dst(%dma_wait3A_155 : memref<160x16xf32, #tpu.memory_space<vmem_shared>>)
        tpu.yield
      }) : () -> ()
    } else {
    }
    %not3A_60 = arith.constant true
    %not3A_61 = arith.xori %eq3A_3, %not3A_60 : i1
    %convert_element_type3A_62 = arith.extui %not3A_61 : i1 to i32
    %cond3A_63 = arith.constant 0 : i32
    %cond3A_64 = arith.cmpi ne, %convert_element_type3A_62, %cond3A_63 : i32
    scf.if %cond3A_64 {
      %add3A_85 = arith.constant 0 : i32
      %add3A_86 = arith.addi %mul3A_2, %add3A_85 : i32
      "tpu.region"() ({
        %run_scoped3A = tpu.sem_alloc : memref<!tpu.dma_semaphore, #tpu.memory_space<semaphore_mem>>
        %dma_start3A = arith.constant 0 : i32
        %dma_start3A_141 = arith.constant 0 : i32
        %dma_start3A_142 = tpu.memref_slice %arg13[%dma_start3A, %dma_start3A_141] : memref<160x128xf32, #tpu.memory_space<vmem>> -> memref<156x128xf32, #tpu.memory_space<vmem>>
        %dma_start3A_143 = arith.constant 0 : i32
        %dma_start3A_144 = tpu.memref_slice %arg2[%add3A_86, %dma_start3A_143] : memref<10000x128xf32, #tpu.memory_space<hbm>> -> memref<156x128xf32, #tpu.memory_space<hbm>>
        %dma_start3A_145 = arith.constant 0 : i32
        %dma_start3A_146 = arith.constant 0 : i32
        %dma_start3A_147 = tpu.memref_slice %arg13[%dma_start3A_145, %dma_start3A_146] : memref<160x128xf32, #tpu.memory_space<vmem>> -> memref<156x128xf32, #tpu.memory_space<vmem>>
        %dma_start3A_148 = arith.constant 0 : i32
        %dma_start3A_149 = tpu.memref_slice %arg2[%add3A_86, %dma_start3A_148] : memref<10000x128xf32, #tpu.memory_space<hbm>> -> memref<156x128xf32, #tpu.memory_space<hbm>>
        tpu.enqueue_dma source(%dma_start3A_149 : memref<156x128xf32, #tpu.memory_space<hbm>>) target(%dma_start3A_147 : memref<156x128xf32, #tpu.memory_space<vmem>>) target_semaphore(%run_scoped3A : memref<!tpu.dma_semaphore, #tpu.memory_space<semaphore_mem>>)
        %dma_wait3A = arith.constant 0 : i32
        %dma_wait3A_150 = arith.constant 0 : i32
        %dma_wait3A_151 = tpu.memref_slice %arg13[%dma_wait3A, %dma_wait3A_150] : memref<160x128xf32, #tpu.memory_space<vmem>> -> memref<156x128xf32, #tpu.memory_space<vmem>>
        %dma_wait3A_152 = arith.constant 0 : i32
        %dma_wait3A_153 = tpu.memref_slice %arg2[%add3A_86, %dma_wait3A_152] : memref<10000x128xf32, #tpu.memory_space<hbm>> -> memref<156x128xf32, #tpu.memory_space<hbm>>
        %dma_wait3A_154 = arith.constant 0 : i32
        %dma_wait3A_155 = arith.constant 0 : i32
        %dma_wait3A_156 = tpu.memref_slice %arg13[%dma_wait3A_154, %dma_wait3A_155] : memref<160x128xf32, #tpu.memory_space<vmem>> -> memref<156x128xf32, #tpu.memory_space<vmem>>
        %dma_wait3A_157 = arith.constant 0 : i32
        %dma_wait3A_158 = tpu.memref_slice %arg2[%add3A_86, %dma_wait3A_157] : memref<10000x128xf32, #tpu.memory_space<hbm>> -> memref<156x128xf32, #tpu.memory_space<hbm>>
        tpu.wait_dma2 semaphore(%run_scoped3A : memref<!tpu.dma_semaphore, #tpu.memory_space<semaphore_mem>>) src(%dma_wait3A_158 : memref<156x128xf32, #tpu.memory_space<hbm>>) dst(%dma_wait3A_156 : memref<156x128xf32, #tpu.memory_space<vmem>>)
        tpu.yield
      }) : () -> ()
      %scan3A_87 = arith.constant 0 : i32
      %scan3A_88 = arith.constant 0 : i32
      %scan3A_89 = arith.constant 156 : i32
      %scan3A_90 = arith.addi %scan3A_88, %scan3A_89 : i32
      %scan3A_91 = arith.constant 1 : i32
      scf.for %scan3A_141 = %scan3A_88 to %scan3A_90 step %scan3A_91  : i32 {
        %get3A = arith.index_cast %scan3A_141 : i32 to index
        %get3A_142 = arith.constant 32 : index
        %get3A_143 = tpu.vector_load %arg13[%get3A, %get3A_142] {strides = array<i32>} : memref<160x128xf32, #tpu.memory_space<vmem>>, vector<1x16xf32>,
        %get3A_144 = vector.shape_cast %get3A_143 : vector<1x16xf32> to vector<16xf32>
        %swap3A = arith.index_cast %scan3A_141 : i32 to index
        %swap3A_145 = arith.constant 0 : index
        %swap3A_146 = tpu.vector_load %arg20[%swap3A, %swap3A_145] {strides = array<i32>} : memref<640x16xf32, #tpu.memory_space<vmem>>, vector<1x16xf32>,
        %swap3A_147 = vector.shape_cast %swap3A_146 : vector<1x16xf32> to vector<16xf32>
        %swap3A_148 = vector.shape_cast %get3A_144 : vector<16xf32> to vector<1x16xf32>
        tpu.vector_store %arg20[%swap3A, %swap3A_145], %swap3A_148 {strides = array<i32>} : memref<640x16xf32, #tpu.memory_space<vmem>>, vector<1x16xf32>,
      }
      %scan3A_92 = arith.constant 156 : i32
      "tpu.region"() ({
        %run_scoped3A = tpu.sem_alloc : memref<!tpu.dma_semaphore, #tpu.memory_space<semaphore_mem>>
        %dma_start3A = arith.constant 0 : i32
        %dma_start3A_141 = arith.constant 0 : i32
        %dma_start3A_142 = tpu.memref_slice %arg20[%dma_start3A, %dma_start3A_141] : memref<640x16xf32, #tpu.memory_space<vmem>> -> memref<156x16xf32, #tpu.memory_space<vmem>>
        %dma_start3A_143 = arith.constant 0 : i32
        %dma_start3A_144 = tpu.memref_slice %arg21[%add3A_86, %dma_start3A_143] : memref<10000x16xf32, #tpu.memory_space<vmem_shared>> -> memref<156x16xf32, #tpu.memory_space<vmem_shared>>
        %dma_start3A_145 = arith.constant 0 : i32
        %dma_start3A_146 = tpu.memref_slice %arg21[%add3A_86, %dma_start3A_145] : memref<10000x16xf32, #tpu.memory_space<vmem_shared>> -> memref<156x16xf32, #tpu.memory_space<vmem_shared>>
        %dma_start3A_147 = arith.constant 0 : i32
        %dma_start3A_148 = arith.constant 0 : i32
        %dma_start3A_149 = tpu.memref_slice %arg20[%dma_start3A_147, %dma_start3A_148] : memref<640x16xf32, #tpu.memory_space<vmem>> -> memref<156x16xf32, #tpu.memory_space<vmem>>
        tpu.enqueue_dma source(%dma_start3A_149 : memref<156x16xf32, #tpu.memory_space<vmem>>) target(%dma_start3A_146 : memref<156x16xf32, #tpu.memory_space<vmem_shared>>) target_semaphore(%run_scoped3A : memref<!tpu.dma_semaphore, #tpu.memory_space<semaphore_mem>>)
        %dma_wait3A = arith.constant 0 : i32
        %dma_wait3A_150 = arith.constant 0 : i32
        %dma_wait3A_151 = tpu.memref_slice %arg20[%dma_wait3A, %dma_wait3A_150] : memref<640x16xf32, #tpu.memory_space<vmem>> -> memref<156x16xf32, #tpu.memory_space<vmem>>
        %dma_wait3A_152 = arith.constant 0 : i32
        %dma_wait3A_153 = tpu.memref_slice %arg21[%add3A_86, %dma_wait3A_152] : memref<10000x16xf32, #tpu.memory_space<vmem_shared>> -> memref<156x16xf32, #tpu.memory_space<vmem_shared>>
        %dma_wait3A_154 = arith.constant 0 : i32
        %dma_wait3A_155 = tpu.memref_slice %arg21[%add3A_86, %dma_wait3A_154] : memref<10000x16xf32, #tpu.memory_space<vmem_shared>> -> memref<156x16xf32, #tpu.memory_space<vmem_shared>>
        %dma_wait3A_156 = arith.constant 0 : i32
        %dma_wait3A_157 = arith.constant 0 : i32
        %dma_wait3A_158 = tpu.memref_slice %arg20[%dma_wait3A_156, %dma_wait3A_157] : memref<640x16xf32, #tpu.memory_space<vmem>> -> memref<156x16xf32, #tpu.memory_space<vmem>>
        tpu.wait_dma2 semaphore(%run_scoped3A : memref<!tpu.dma_semaphore, #tpu.memory_space<semaphore_mem>>) src(%dma_wait3A_158 : memref<156x16xf32, #tpu.memory_space<vmem>>) dst(%dma_wait3A_155 : memref<156x16xf32, #tpu.memory_space<vmem_shared>>)
        tpu.yield
      }) : () -> ()
      %scan3A_93 = arith.constant 0 : i32
      %scan3A_94 = arith.constant 0 : i32
      %scan3A_95 = arith.constant 156 : i32
      %scan3A_96 = arith.addi %scan3A_94, %scan3A_95 : i32
      %scan3A_97 = arith.constant 1 : i32
      scf.for %scan3A_141 = %scan3A_94 to %scan3A_96 step %scan3A_97  : i32 {
        %get3A = arith.index_cast %scan3A_141 : i32 to index
        %get3A_142 = arith.constant 48 : index
        %get3A_143 = tpu.vector_load %arg13[%get3A, %get3A_142] {strides = array<i32>} : memref<160x128xf32, #tpu.memory_space<vmem>>, vector<1x16xf32>,
        %get3A_144 = vector.shape_cast %get3A_143 : vector<1x16xf32> to vector<16xf32>
        %swap3A = arith.index_cast %scan3A_141 : i32 to index
        %swap3A_145 = arith.constant 0 : index
        %swap3A_146 = tpu.vector_load %arg20[%swap3A, %swap3A_145] {strides = array<i32>} : memref<640x16xf32, #tpu.memory_space<vmem>>, vector<1x16xf32>,
        %swap3A_147 = vector.shape_cast %swap3A_146 : vector<1x16xf32> to vector<16xf32>
        %swap3A_148 = vector.shape_cast %get3A_144 : vector<16xf32> to vector<1x16xf32>
        tpu.vector_store %arg20[%swap3A, %swap3A_145], %swap3A_148 {strides = array<i32>} : memref<640x16xf32, #tpu.memory_space<vmem>>, vector<1x16xf32>,
      }
      %scan3A_98 = arith.constant 156 : i32
      "tpu.region"() ({
        %run_scoped3A = tpu.sem_alloc : memref<!tpu.dma_semaphore, #tpu.memory_space<semaphore_mem>>
        %dma_start3A = arith.constant 0 : i32
        %dma_start3A_141 = arith.constant 0 : i32
        %dma_start3A_142 = tpu.memref_slice %arg20[%dma_start3A, %dma_start3A_141] : memref<640x16xf32, #tpu.memory_space<vmem>> -> memref<156x16xf32, #tpu.memory_space<vmem>>
        %dma_start3A_143 = arith.constant 0 : i32
        %dma_start3A_144 = tpu.memref_slice %arg22[%add3A_86, %dma_start3A_143] : memref<10000x16xf32, #tpu.memory_space<vmem_shared>> -> memref<156x16xf32, #tpu.memory_space<vmem_shared>>
        %dma_start3A_145 = arith.constant 0 : i32
        %dma_start3A_146 = tpu.memref_slice %arg22[%add3A_86, %dma_start3A_145] : memref<10000x16xf32, #tpu.memory_space<vmem_shared>> -> memref<156x16xf32, #tpu.memory_space<vmem_shared>>
        %dma_start3A_147 = arith.constant 0 : i32
        %dma_start3A_148 = arith.constant 0 : i32
        %dma_start3A_149 = tpu.memref_slice %arg20[%dma_start3A_147, %dma_start3A_148] : memref<640x16xf32, #tpu.memory_space<vmem>> -> memref<156x16xf32, #tpu.memory_space<vmem>>
        tpu.enqueue_dma source(%dma_start3A_149 : memref<156x16xf32, #tpu.memory_space<vmem>>) target(%dma_start3A_146 : memref<156x16xf32, #tpu.memory_space<vmem_shared>>) target_semaphore(%run_scoped3A : memref<!tpu.dma_semaphore, #tpu.memory_space<semaphore_mem>>)
        %dma_wait3A = arith.constant 0 : i32
        %dma_wait3A_150 = arith.constant 0 : i32
        %dma_wait3A_151 = tpu.memref_slice %arg20[%dma_wait3A, %dma_wait3A_150] : memref<640x16xf32, #tpu.memory_space<vmem>> -> memref<156x16xf32, #tpu.memory_space<vmem>>
        %dma_wait3A_152 = arith.constant 0 : i32
        %dma_wait3A_153 = tpu.memref_slice %arg22[%add3A_86, %dma_wait3A_152] : memref<10000x16xf32, #tpu.memory_space<vmem_shared>> -> memref<156x16xf32, #tpu.memory_space<vmem_shared>>
        %dma_wait3A_154 = arith.constant 0 : i32
        %dma_wait3A_155 = tpu.memref_slice %arg22[%add3A_86, %dma_wait3A_154] : memref<10000x16xf32, #tpu.memory_space<vmem_shared>> -> memref<156x16xf32, #tpu.memory_space<vmem_shared>>
        %dma_wait3A_156 = arith.constant 0 : i32
        %dma_wait3A_157 = arith.constant 0 : i32
        %dma_wait3A_158 = tpu.memref_slice %arg20[%dma_wait3A_156, %dma_wait3A_157] : memref<640x16xf32, #tpu.memory_space<vmem>> -> memref<156x16xf32, #tpu.memory_space<vmem>>
        tpu.wait_dma2 semaphore(%run_scoped3A : memref<!tpu.dma_semaphore, #tpu.memory_space<semaphore_mem>>) src(%dma_wait3A_158 : memref<156x16xf32, #tpu.memory_space<vmem>>) dst(%dma_wait3A_155 : memref<156x16xf32, #tpu.memory_space<vmem_shared>>)
        tpu.yield
      }) : () -> ()
      %add3A_99 = arith.constant 156 : i32
      %add3A_100 = arith.addi %mul3A_2, %add3A_99 : i32
      "tpu.region"() ({
        %run_scoped3A = tpu.sem_alloc : memref<!tpu.dma_semaphore, #tpu.memory_space<semaphore_mem>>
        %dma_start3A = arith.constant 0 : i32
        %dma_start3A_141 = arith.constant 0 : i32
        %dma_start3A_142 = tpu.memref_slice %arg13[%dma_start3A, %dma_start3A_141] : memref<160x128xf32, #tpu.memory_space<vmem>> -> memref<156x128xf32, #tpu.memory_space<vmem>>
        %dma_start3A_143 = arith.constant 0 : i32
        %dma_start3A_144 = tpu.memref_slice %arg2[%add3A_100, %dma_start3A_143] : memref<10000x128xf32, #tpu.memory_space<hbm>> -> memref<156x128xf32, #tpu.memory_space<hbm>>
        %dma_start3A_145 = arith.constant 0 : i32
        %dma_start3A_146 = arith.constant 0 : i32
        %dma_start3A_147 = tpu.memref_slice %arg13[%dma_start3A_145, %dma_start3A_146] : memref<160x128xf32, #tpu.memory_space<vmem>> -> memref<156x128xf32, #tpu.memory_space<vmem>>
        %dma_start3A_148 = arith.constant 0 : i32
        %dma_start3A_149 = tpu.memref_slice %arg2[%add3A_100, %dma_start3A_148] : memref<10000x128xf32, #tpu.memory_space<hbm>> -> memref<156x128xf32, #tpu.memory_space<hbm>>
        tpu.enqueue_dma source(%dma_start3A_149 : memref<156x128xf32, #tpu.memory_space<hbm>>) target(%dma_start3A_147 : memref<156x128xf32, #tpu.memory_space<vmem>>) target_semaphore(%run_scoped3A : memref<!tpu.dma_semaphore, #tpu.memory_space<semaphore_mem>>)
        %dma_wait3A = arith.constant 0 : i32
        %dma_wait3A_150 = arith.constant 0 : i32
        %dma_wait3A_151 = tpu.memref_slice %arg13[%dma_wait3A, %dma_wait3A_150] : memref<160x128xf32, #tpu.memory_space<vmem>> -> memref<156x128xf32, #tpu.memory_space<vmem>>
        %dma_wait3A_152 = arith.constant 0 : i32
        %dma_wait3A_153 = tpu.memref_slice %arg2[%add3A_100, %dma_wait3A_152] : memref<10000x128xf32, #tpu.memory_space<hbm>> -> memref<156x128xf32, #tpu.memory_space<hbm>>
        %dma_wait3A_154 = arith.constant 0 : i32
        %dma_wait3A_155 = arith.constant 0 : i32
        %dma_wait3A_156 = tpu.memref_slice %arg13[%dma_wait3A_154, %dma_wait3A_155] : memref<160x128xf32, #tpu.memory_space<vmem>> -> memref<156x128xf32, #tpu.memory_space<vmem>>
        %dma_wait3A_157 = arith.constant 0 : i32
        %dma_wait3A_158 = tpu.memref_slice %arg2[%add3A_100, %dma_wait3A_157] : memref<10000x128xf32, #tpu.memory_space<hbm>> -> memref<156x128xf32, #tpu.memory_space<hbm>>
        tpu.wait_dma2 semaphore(%run_scoped3A : memref<!tpu.dma_semaphore, #tpu.memory_space<semaphore_mem>>) src(%dma_wait3A_158 : memref<156x128xf32, #tpu.memory_space<hbm>>) dst(%dma_wait3A_156 : memref<156x128xf32, #tpu.memory_space<vmem>>)
        tpu.yield
      }) : () -> ()
      %scan3A_101 = arith.constant 0 : i32
      %scan3A_102 = arith.constant 0 : i32
      %scan3A_103 = arith.constant 156 : i32
      %scan3A_104 = arith.addi %scan3A_102, %scan3A_103 : i32
      %scan3A_105 = arith.constant 1 : i32
      scf.for %scan3A_141 = %scan3A_102 to %scan3A_104 step %scan3A_105  : i32 {
        %get3A = arith.index_cast %scan3A_141 : i32 to index
        %get3A_142 = arith.constant 32 : index
        %get3A_143 = tpu.vector_load %arg13[%get3A, %get3A_142] {strides = array<i32>} : memref<160x128xf32, #tpu.memory_space<vmem>>, vector<1x16xf32>,
        %get3A_144 = vector.shape_cast %get3A_143 : vector<1x16xf32> to vector<16xf32>
        %swap3A = arith.index_cast %scan3A_141 : i32 to index
        %swap3A_145 = arith.constant 0 : index
        %swap3A_146 = tpu.vector_load %arg20[%swap3A, %swap3A_145] {strides = array<i32>} : memref<640x16xf32, #tpu.memory_space<vmem>>, vector<1x16xf32>,
        %swap3A_147 = vector.shape_cast %swap3A_146 : vector<1x16xf32> to vector<16xf32>
        %swap3A_148 = vector.shape_cast %get3A_144 : vector<16xf32> to vector<1x16xf32>
        tpu.vector_store %arg20[%swap3A, %swap3A_145], %swap3A_148 {strides = array<i32>} : memref<640x16xf32, #tpu.memory_space<vmem>>, vector<1x16xf32>,
      }
      %scan3A_106 = arith.constant 156 : i32
      "tpu.region"() ({
        %run_scoped3A = tpu.sem_alloc : memref<!tpu.dma_semaphore, #tpu.memory_space<semaphore_mem>>
        %dma_start3A = arith.constant 0 : i32
        %dma_start3A_141 = arith.constant 0 : i32
        %dma_start3A_142 = tpu.memref_slice %arg20[%dma_start3A, %dma_start3A_141] : memref<640x16xf32, #tpu.memory_space<vmem>> -> memref<156x16xf32, #tpu.memory_space<vmem>>
        %dma_start3A_143 = arith.constant 0 : i32
        %dma_start3A_144 = tpu.memref_slice %arg21[%add3A_100, %dma_start3A_143] : memref<10000x16xf32, #tpu.memory_space<vmem_shared>> -> memref<156x16xf32, #tpu.memory_space<vmem_shared>>
        %dma_start3A_145 = arith.constant 0 : i32
        %dma_start3A_146 = tpu.memref_slice %arg21[%add3A_100, %dma_start3A_145] : memref<10000x16xf32, #tpu.memory_space<vmem_shared>> -> memref<156x16xf32, #tpu.memory_space<vmem_shared>>
        %dma_start3A_147 = arith.constant 0 : i32
        %dma_start3A_148 = arith.constant 0 : i32
        %dma_start3A_149 = tpu.memref_slice %arg20[%dma_start3A_147, %dma_start3A_148] : memref<640x16xf32, #tpu.memory_space<vmem>> -> memref<156x16xf32, #tpu.memory_space<vmem>>
        tpu.enqueue_dma source(%dma_start3A_149 : memref<156x16xf32, #tpu.memory_space<vmem>>) target(%dma_start3A_146 : memref<156x16xf32, #tpu.memory_space<vmem_shared>>) target_semaphore(%run_scoped3A : memref<!tpu.dma_semaphore, #tpu.memory_space<semaphore_mem>>)
        %dma_wait3A = arith.constant 0 : i32
        %dma_wait3A_150 = arith.constant 0 : i32
        %dma_wait3A_151 = tpu.memref_slice %arg20[%dma_wait3A, %dma_wait3A_150] : memref<640x16xf32, #tpu.memory_space<vmem>> -> memref<156x16xf32, #tpu.memory_space<vmem>>
        %dma_wait3A_152 = arith.constant 0 : i32
        %dma_wait3A_153 = tpu.memref_slice %arg21[%add3A_100, %dma_wait3A_152] : memref<10000x16xf32, #tpu.memory_space<vmem_shared>> -> memref<156x16xf32, #tpu.memory_space<vmem_shared>>
        %dma_wait3A_154 = arith.constant 0 : i32
        %dma_wait3A_155 = tpu.memref_slice %arg21[%add3A_100, %dma_wait3A_154] : memref<10000x16xf32, #tpu.memory_space<vmem_shared>> -> memref<156x16xf32, #tpu.memory_space<vmem_shared>>
        %dma_wait3A_156 = arith.constant 0 : i32
        %dma_wait3A_157 = arith.constant 0 : i32
        %dma_wait3A_158 = tpu.memref_slice %arg20[%dma_wait3A_156, %dma_wait3A_157] : memref<640x16xf32, #tpu.memory_space<vmem>> -> memref<156x16xf32, #tpu.memory_space<vmem>>
        tpu.wait_dma2 semaphore(%run_scoped3A : memref<!tpu.dma_semaphore, #tpu.memory_space<semaphore_mem>>) src(%dma_wait3A_158 : memref<156x16xf32, #tpu.memory_space<vmem>>) dst(%dma_wait3A_155 : memref<156x16xf32, #tpu.memory_space<vmem_shared>>)
        tpu.yield
      }) : () -> ()
      %scan3A_107 = arith.constant 0 : i32
      %scan3A_108 = arith.constant 0 : i32
      %scan3A_109 = arith.constant 156 : i32
      %scan3A_110 = arith.addi %scan3A_108, %scan3A_109 : i32
      %scan3A_111 = arith.constant 1 : i32
      scf.for %scan3A_141 = %scan3A_108 to %scan3A_110 step %scan3A_111  : i32 {
        %get3A = arith.index_cast %scan3A_141 : i32 to index
        %get3A_142 = arith.constant 48 : index
        %get3A_143 = tpu.vector_load %arg13[%get3A, %get3A_142] {strides = array<i32>} : memref<160x128xf32, #tpu.memory_space<vmem>>, vector<1x16xf32>,
        %get3A_144 = vector.shape_cast %get3A_143 : vector<1x16xf32> to vector<16xf32>
        %swap3A = arith.index_cast %scan3A_141 : i32 to index
        %swap3A_145 = arith.constant 0 : index
        %swap3A_146 = tpu.vector_load %arg20[%swap3A, %swap3A_145] {strides = array<i32>} : memref<640x16xf32, #tpu.memory_space<vmem>>, vector<1x16xf32>,
        %swap3A_147 = vector.shape_cast %swap3A_146 : vector<1x16xf32> to vector<16xf32>
        %swap3A_148 = vector.shape_cast %get3A_144 : vector<16xf32> to vector<1x16xf32>
        tpu.vector_store %arg20[%swap3A, %swap3A_145], %swap3A_148 {strides = array<i32>} : memref<640x16xf32, #tpu.memory_space<vmem>>, vector<1x16xf32>,
      }
      %scan3A_112 = arith.constant 156 : i32
      "tpu.region"() ({
        %run_scoped3A = tpu.sem_alloc : memref<!tpu.dma_semaphore, #tpu.memory_space<semaphore_mem>>
        %dma_start3A = arith.constant 0 : i32
        %dma_start3A_141 = arith.constant 0 : i32
        %dma_start3A_142 = tpu.memref_slice %arg20[%dma_start3A, %dma_start3A_141] : memref<640x16xf32, #tpu.memory_space<vmem>> -> memref<156x16xf32, #tpu.memory_space<vmem>>
        %dma_start3A_143 = arith.constant 0 : i32
        %dma_start3A_144 = tpu.memref_slice %arg22[%add3A_100, %dma_start3A_143] : memref<10000x16xf32, #tpu.memory_space<vmem_shared>> -> memref<156x16xf32, #tpu.memory_space<vmem_shared>>
        %dma_start3A_145 = arith.constant 0 : i32
        %dma_start3A_146 = tpu.memref_slice %arg22[%add3A_100, %dma_start3A_145] : memref<10000x16xf32, #tpu.memory_space<vmem_shared>> -> memref<156x16xf32, #tpu.memory_space<vmem_shared>>
        %dma_start3A_147 = arith.constant 0 : i32
        %dma_start3A_148 = arith.constant 0 : i32
        %dma_start3A_149 = tpu.memref_slice %arg20[%dma_start3A_147, %dma_start3A_148] : memref<640x16xf32, #tpu.memory_space<vmem>> -> memref<156x16xf32, #tpu.memory_space<vmem>>
        tpu.enqueue_dma source(%dma_start3A_149 : memref<156x16xf32, #tpu.memory_space<vmem>>) target(%dma_start3A_146 : memref<156x16xf32, #tpu.memory_space<vmem_shared>>) target_semaphore(%run_scoped3A : memref<!tpu.dma_semaphore, #tpu.memory_space<semaphore_mem>>)
        %dma_wait3A = arith.constant 0 : i32
        %dma_wait3A_150 = arith.constant 0 : i32
        %dma_wait3A_151 = tpu.memref_slice %arg20[%dma_wait3A, %dma_wait3A_150] : memref<640x16xf32, #tpu.memory_space<vmem>> -> memref<156x16xf32, #tpu.memory_space<vmem>>
        %dma_wait3A_152 = arith.constant 0 : i32
        %dma_wait3A_153 = tpu.memref_slice %arg22[%add3A_100, %dma_wait3A_152] : memref<10000x16xf32, #tpu.memory_space<vmem_shared>> -> memref<156x16xf32, #tpu.memory_space<vmem_shared>>
        %dma_wait3A_154 = arith.constant 0 : i32
        %dma_wait3A_155 = tpu.memref_slice %arg22[%add3A_100, %dma_wait3A_154] : memref<10000x16xf32, #tpu.memory_space<vmem_shared>> -> memref<156x16xf32, #tpu.memory_space<vmem_shared>>
        %dma_wait3A_156 = arith.constant 0 : i32
        %dma_wait3A_157 = arith.constant 0 : i32
        %dma_wait3A_158 = tpu.memref_slice %arg20[%dma_wait3A_156, %dma_wait3A_157] : memref<640x16xf32, #tpu.memory_space<vmem>> -> memref<156x16xf32, #tpu.memory_space<vmem>>
        tpu.wait_dma2 semaphore(%run_scoped3A : memref<!tpu.dma_semaphore, #tpu.memory_space<semaphore_mem>>) src(%dma_wait3A_158 : memref<156x16xf32, #tpu.memory_space<vmem>>) dst(%dma_wait3A_155 : memref<156x16xf32, #tpu.memory_space<vmem_shared>>)
        tpu.yield
      }) : () -> ()
      %add3A_113 = arith.constant 312 : i32
      %add3A_114 = arith.addi %mul3A_2, %add3A_113 : i32
      "tpu.region"() ({
        %run_scoped3A = tpu.sem_alloc : memref<!tpu.dma_semaphore, #tpu.memory_space<semaphore_mem>>
        %dma_start3A = arith.constant 0 : i32
        %dma_start3A_141 = arith.constant 0 : i32
        %dma_start3A_142 = tpu.memref_slice %arg13[%dma_start3A, %dma_start3A_141] : memref<160x128xf32, #tpu.memory_space<vmem>> -> memref<156x128xf32, #tpu.memory_space<vmem>>
        %dma_start3A_143 = arith.constant 0 : i32
        %dma_start3A_144 = tpu.memref_slice %arg2[%add3A_114, %dma_start3A_143] : memref<10000x128xf32, #tpu.memory_space<hbm>> -> memref<156x128xf32, #tpu.memory_space<hbm>>
        %dma_start3A_145 = arith.constant 0 : i32
        %dma_start3A_146 = arith.constant 0 : i32
        %dma_start3A_147 = tpu.memref_slice %arg13[%dma_start3A_145, %dma_start3A_146] : memref<160x128xf32, #tpu.memory_space<vmem>> -> memref<156x128xf32, #tpu.memory_space<vmem>>
        %dma_start3A_148 = arith.constant 0 : i32
        %dma_start3A_149 = tpu.memref_slice %arg2[%add3A_114, %dma_start3A_148] : memref<10000x128xf32, #tpu.memory_space<hbm>> -> memref<156x128xf32, #tpu.memory_space<hbm>>
        tpu.enqueue_dma source(%dma_start3A_149 : memref<156x128xf32, #tpu.memory_space<hbm>>) target(%dma_start3A_147 : memref<156x128xf32, #tpu.memory_space<vmem>>) target_semaphore(%run_scoped3A : memref<!tpu.dma_semaphore, #tpu.memory_space<semaphore_mem>>)
        %dma_wait3A = arith.constant 0 : i32
        %dma_wait3A_150 = arith.constant 0 : i32
        %dma_wait3A_151 = tpu.memref_slice %arg13[%dma_wait3A, %dma_wait3A_150] : memref<160x128xf32, #tpu.memory_space<vmem>> -> memref<156x128xf32, #tpu.memory_space<vmem>>
        %dma_wait3A_152 = arith.constant 0 : i32
        %dma_wait3A_153 = tpu.memref_slice %arg2[%add3A_114, %dma_wait3A_152] : memref<10000x128xf32, #tpu.memory_space<hbm>> -> memref<156x128xf32, #tpu.memory_space<hbm>>
        %dma_wait3A_154 = arith.constant 0 : i32
        %dma_wait3A_155 = arith.constant 0 : i32
        %dma_wait3A_156 = tpu.memref_slice %arg13[%dma_wait3A_154, %dma_wait3A_155] : memref<160x128xf32, #tpu.memory_space<vmem>> -> memref<156x128xf32, #tpu.memory_space<vmem>>
        %dma_wait3A_157 = arith.constant 0 : i32
        %dma_wait3A_158 = tpu.memref_slice %arg2[%add3A_114, %dma_wait3A_157] : memref<10000x128xf32, #tpu.memory_space<hbm>> -> memref<156x128xf32, #tpu.memory_space<hbm>>
        tpu.wait_dma2 semaphore(%run_scoped3A : memref<!tpu.dma_semaphore, #tpu.memory_space<semaphore_mem>>) src(%dma_wait3A_158 : memref<156x128xf32, #tpu.memory_space<hbm>>) dst(%dma_wait3A_156 : memref<156x128xf32, #tpu.memory_space<vmem>>)
        tpu.yield
      }) : () -> ()
      %scan3A_115 = arith.constant 0 : i32
      %scan3A_116 = arith.constant 0 : i32
      %scan3A_117 = arith.constant 156 : i32
      %scan3A_118 = arith.addi %scan3A_116, %scan3A_117 : i32
      %scan3A_119 = arith.constant 1 : i32
      scf.for %scan3A_141 = %scan3A_116 to %scan3A_118 step %scan3A_119  : i32 {
        %get3A = arith.index_cast %scan3A_141 : i32 to index
        %get3A_142 = arith.constant 32 : index
        %get3A_143 = tpu.vector_load %arg13[%get3A, %get3A_142] {strides = array<i32>} : memref<160x128xf32, #tpu.memory_space<vmem>>, vector<1x16xf32>,
        %get3A_144 = vector.shape_cast %get3A_143 : vector<1x16xf32> to vector<16xf32>
        %swap3A = arith.index_cast %scan3A_141 : i32 to index
        %swap3A_145 = arith.constant 0 : index
        %swap3A_146 = tpu.vector_load %arg20[%swap3A, %swap3A_145] {strides = array<i32>} : memref<640x16xf32, #tpu.memory_space<vmem>>, vector<1x16xf32>,
        %swap3A_147 = vector.shape_cast %swap3A_146 : vector<1x16xf32> to vector<16xf32>
        %swap3A_148 = vector.shape_cast %get3A_144 : vector<16xf32> to vector<1x16xf32>
        tpu.vector_store %arg20[%swap3A, %swap3A_145], %swap3A_148 {strides = array<i32>} : memref<640x16xf32, #tpu.memory_space<vmem>>, vector<1x16xf32>,
      }
      %scan3A_120 = arith.constant 156 : i32
      "tpu.region"() ({
        %run_scoped3A = tpu.sem_alloc : memref<!tpu.dma_semaphore, #tpu.memory_space<semaphore_mem>>
        %dma_start3A = arith.constant 0 : i32
        %dma_start3A_141 = arith.constant 0 : i32
        %dma_start3A_142 = tpu.memref_slice %arg20[%dma_start3A, %dma_start3A_141] : memref<640x16xf32, #tpu.memory_space<vmem>> -> memref<156x16xf32, #tpu.memory_space<vmem>>
        %dma_start3A_143 = arith.constant 0 : i32
        %dma_start3A_144 = tpu.memref_slice %arg21[%add3A_114, %dma_start3A_143] : memref<10000x16xf32, #tpu.memory_space<vmem_shared>> -> memref<156x16xf32, #tpu.memory_space<vmem_shared>>
        %dma_start3A_145 = arith.constant 0 : i32
        %dma_start3A_146 = tpu.memref_slice %arg21[%add3A_114, %dma_start3A_145] : memref<10000x16xf32, #tpu.memory_space<vmem_shared>> -> memref<156x16xf32, #tpu.memory_space<vmem_shared>>
        %dma_start3A_147 = arith.constant 0 : i32
        %dma_start3A_148 = arith.constant 0 : i32
        %dma_start3A_149 = tpu.memref_slice %arg20[%dma_start3A_147, %dma_start3A_148] : memref<640x16xf32, #tpu.memory_space<vmem>> -> memref<156x16xf32, #tpu.memory_space<vmem>>
        tpu.enqueue_dma source(%dma_start3A_149 : memref<156x16xf32, #tpu.memory_space<vmem>>) target(%dma_start3A_146 : memref<156x16xf32, #tpu.memory_space<vmem_shared>>) target_semaphore(%run_scoped3A : memref<!tpu.dma_semaphore, #tpu.memory_space<semaphore_mem>>)
        %dma_wait3A = arith.constant 0 : i32
        %dma_wait3A_150 = arith.constant 0 : i32
        %dma_wait3A_151 = tpu.memref_slice %arg20[%dma_wait3A, %dma_wait3A_150] : memref<640x16xf32, #tpu.memory_space<vmem>> -> memref<156x16xf32, #tpu.memory_space<vmem>>
        %dma_wait3A_152 = arith.constant 0 : i32
        %dma_wait3A_153 = tpu.memref_slice %arg21[%add3A_114, %dma_wait3A_152] : memref<10000x16xf32, #tpu.memory_space<vmem_shared>> -> memref<156x16xf32, #tpu.memory_space<vmem_shared>>
        %dma_wait3A_154 = arith.constant 0 : i32
        %dma_wait3A_155 = tpu.memref_slice %arg21[%add3A_114, %dma_wait3A_154] : memref<10000x16xf32, #tpu.memory_space<vmem_shared>> -> memref<156x16xf32, #tpu.memory_space<vmem_shared>>
        %dma_wait3A_156 = arith.constant 0 : i32
        %dma_wait3A_157 = arith.constant 0 : i32
        %dma_wait3A_158 = tpu.memref_slice %arg20[%dma_wait3A_156, %dma_wait3A_157] : memref<640x16xf32, #tpu.memory_space<vmem>> -> memref<156x16xf32, #tpu.memory_space<vmem>>
        tpu.wait_dma2 semaphore(%run_scoped3A : memref<!tpu.dma_semaphore, #tpu.memory_space<semaphore_mem>>) src(%dma_wait3A_158 : memref<156x16xf32, #tpu.memory_space<vmem>>) dst(%dma_wait3A_155 : memref<156x16xf32, #tpu.memory_space<vmem_shared>>)
        tpu.yield
      }) : () -> ()
      %scan3A_121 = arith.constant 0 : i32
      %scan3A_122 = arith.constant 0 : i32
      %scan3A_123 = arith.constant 156 : i32
      %scan3A_124 = arith.addi %scan3A_122, %scan3A_123 : i32
      %scan3A_125 = arith.constant 1 : i32
      scf.for %scan3A_141 = %scan3A_122 to %scan3A_124 step %scan3A_125  : i32 {
        %get3A = arith.index_cast %scan3A_141 : i32 to index
        %get3A_142 = arith.constant 48 : index
        %get3A_143 = tpu.vector_load %arg13[%get3A, %get3A_142] {strides = array<i32>} : memref<160x128xf32, #tpu.memory_space<vmem>>, vector<1x16xf32>,
        %get3A_144 = vector.shape_cast %get3A_143 : vector<1x16xf32> to vector<16xf32>
        %swap3A = arith.index_cast %scan3A_141 : i32 to index
        %swap3A_145 = arith.constant 0 : index
        %swap3A_146 = tpu.vector_load %arg20[%swap3A, %swap3A_145] {strides = array<i32>} : memref<640x16xf32, #tpu.memory_space<vmem>>, vector<1x16xf32>,
        %swap3A_147 = vector.shape_cast %swap3A_146 : vector<1x16xf32> to vector<16xf32>
        %swap3A_148 = vector.shape_cast %get3A_144 : vector<16xf32> to vector<1x16xf32>
        tpu.vector_store %arg20[%swap3A, %swap3A_145], %swap3A_148 {strides = array<i32>} : memref<640x16xf32, #tpu.memory_space<vmem>>, vector<1x16xf32>,
      }
      %scan3A_126 = arith.constant 156 : i32
      "tpu.region"() ({
        %run_scoped3A = tpu.sem_alloc : memref<!tpu.dma_semaphore, #tpu.memory_space<semaphore_mem>>
        %dma_start3A = arith.constant 0 : i32
        %dma_start3A_141 = arith.constant 0 : i32
        %dma_start3A_142 = tpu.memref_slice %arg20[%dma_start3A, %dma_start3A_141] : memref<640x16xf32, #tpu.memory_space<vmem>> -> memref<156x16xf32, #tpu.memory_space<vmem>>
        %dma_start3A_143 = arith.constant 0 : i32
        %dma_start3A_144 = tpu.memref_slice %arg22[%add3A_114, %dma_start3A_143] : memref<10000x16xf32, #tpu.memory_space<vmem_shared>> -> memref<156x16xf32, #tpu.memory_space<vmem_shared>>
        %dma_start3A_145 = arith.constant 0 : i32
        %dma_start3A_146 = tpu.memref_slice %arg22[%add3A_114, %dma_start3A_145] : memref<10000x16xf32, #tpu.memory_space<vmem_shared>> -> memref<156x16xf32, #tpu.memory_space<vmem_shared>>
        %dma_start3A_147 = arith.constant 0 : i32
        %dma_start3A_148 = arith.constant 0 : i32
        %dma_start3A_149 = tpu.memref_slice %arg20[%dma_start3A_147, %dma_start3A_148] : memref<640x16xf32, #tpu.memory_space<vmem>> -> memref<156x16xf32, #tpu.memory_space<vmem>>
        tpu.enqueue_dma source(%dma_start3A_149 : memref<156x16xf32, #tpu.memory_space<vmem>>) target(%dma_start3A_146 : memref<156x16xf32, #tpu.memory_space<vmem_shared>>) target_semaphore(%run_scoped3A : memref<!tpu.dma_semaphore, #tpu.memory_space<semaphore_mem>>)
        %dma_wait3A = arith.constant 0 : i32
        %dma_wait3A_150 = arith.constant 0 : i32
        %dma_wait3A_151 = tpu.memref_slice %arg20[%dma_wait3A, %dma_wait3A_150] : memref<640x16xf32, #tpu.memory_space<vmem>> -> memref<156x16xf32, #tpu.memory_space<vmem>>
        %dma_wait3A_152 = arith.constant 0 : i32
        %dma_wait3A_153 = tpu.memref_slice %arg22[%add3A_114, %dma_wait3A_152] : memref<10000x16xf32, #tpu.memory_space<vmem_shared>> -> memref<156x16xf32, #tpu.memory_space<vmem_shared>>
        %dma_wait3A_154 = arith.constant 0 : i32
        %dma_wait3A_155 = tpu.memref_slice %arg22[%add3A_114, %dma_wait3A_154] : memref<10000x16xf32, #tpu.memory_space<vmem_shared>> -> memref<156x16xf32, #tpu.memory_space<vmem_shared>>
        %dma_wait3A_156 = arith.constant 0 : i32
        %dma_wait3A_157 = arith.constant 0 : i32
        %dma_wait3A_158 = tpu.memref_slice %arg20[%dma_wait3A_156, %dma_wait3A_157] : memref<640x16xf32, #tpu.memory_space<vmem>> -> memref<156x16xf32, #tpu.memory_space<vmem>>
        tpu.wait_dma2 semaphore(%run_scoped3A : memref<!tpu.dma_semaphore, #tpu.memory_space<semaphore_mem>>) src(%dma_wait3A_158 : memref<156x16xf32, #tpu.memory_space<vmem>>) dst(%dma_wait3A_155 : memref<156x16xf32, #tpu.memory_space<vmem_shared>>)
        tpu.yield
      }) : () -> ()
      %add3A_127 = arith.constant 468 : i32
      %add3A_128 = arith.addi %mul3A_2, %add3A_127 : i32
      "tpu.region"() ({
        %run_scoped3A = tpu.sem_alloc : memref<!tpu.dma_semaphore, #tpu.memory_space<semaphore_mem>>
        %dma_start3A = arith.constant 0 : i32
        %dma_start3A_141 = arith.constant 0 : i32
        %dma_start3A_142 = tpu.memref_slice %arg13[%dma_start3A, %dma_start3A_141] : memref<160x128xf32, #tpu.memory_space<vmem>> -> memref<156x128xf32, #tpu.memory_space<vmem>>
        %dma_start3A_143 = arith.constant 0 : i32
        %dma_start3A_144 = tpu.memref_slice %arg2[%add3A_128, %dma_start3A_143] : memref<10000x128xf32, #tpu.memory_space<hbm>> -> memref<156x128xf32, #tpu.memory_space<hbm>>
        %dma_start3A_145 = arith.constant 0 : i32
        %dma_start3A_146 = arith.constant 0 : i32
        %dma_start3A_147 = tpu.memref_slice %arg13[%dma_start3A_145, %dma_start3A_146] : memref<160x128xf32, #tpu.memory_space<vmem>> -> memref<156x128xf32, #tpu.memory_space<vmem>>
        %dma_start3A_148 = arith.constant 0 : i32
        %dma_start3A_149 = tpu.memref_slice %arg2[%add3A_128, %dma_start3A_148] : memref<10000x128xf32, #tpu.memory_space<hbm>> -> memref<156x128xf32, #tpu.memory_space<hbm>>
        tpu.enqueue_dma source(%dma_start3A_149 : memref<156x128xf32, #tpu.memory_space<hbm>>) target(%dma_start3A_147 : memref<156x128xf32, #tpu.memory_space<vmem>>) target_semaphore(%run_scoped3A : memref<!tpu.dma_semaphore, #tpu.memory_space<semaphore_mem>>)
        %dma_wait3A = arith.constant 0 : i32
        %dma_wait3A_150 = arith.constant 0 : i32
        %dma_wait3A_151 = tpu.memref_slice %arg13[%dma_wait3A, %dma_wait3A_150] : memref<160x128xf32, #tpu.memory_space<vmem>> -> memref<156x128xf32, #tpu.memory_space<vmem>>
        %dma_wait3A_152 = arith.constant 0 : i32
        %dma_wait3A_153 = tpu.memref_slice %arg2[%add3A_128, %dma_wait3A_152] : memref<10000x128xf32, #tpu.memory_space<hbm>> -> memref<156x128xf32, #tpu.memory_space<hbm>>
        %dma_wait3A_154 = arith.constant 0 : i32
        %dma_wait3A_155 = arith.constant 0 : i32
        %dma_wait3A_156 = tpu.memref_slice %arg13[%dma_wait3A_154, %dma_wait3A_155] : memref<160x128xf32, #tpu.memory_space<vmem>> -> memref<156x128xf32, #tpu.memory_space<vmem>>
        %dma_wait3A_157 = arith.constant 0 : i32
        %dma_wait3A_158 = tpu.memref_slice %arg2[%add3A_128, %dma_wait3A_157] : memref<10000x128xf32, #tpu.memory_space<hbm>> -> memref<156x128xf32, #tpu.memory_space<hbm>>
        tpu.wait_dma2 semaphore(%run_scoped3A : memref<!tpu.dma_semaphore, #tpu.memory_space<semaphore_mem>>) src(%dma_wait3A_158 : memref<156x128xf32, #tpu.memory_space<hbm>>) dst(%dma_wait3A_156 : memref<156x128xf32, #tpu.memory_space<vmem>>)
        tpu.yield
      }) : () -> ()
      %scan3A_129 = arith.constant 0 : i32
      %scan3A_130 = arith.constant 0 : i32
      %scan3A_131 = arith.constant 156 : i32
      %scan3A_132 = arith.addi %scan3A_130, %scan3A_131 : i32
      %scan3A_133 = arith.constant 1 : i32
      scf.for %scan3A_141 = %scan3A_130 to %scan3A_132 step %scan3A_133  : i32 {
        %get3A = arith.index_cast %scan3A_141 : i32 to index
        %get3A_142 = arith.constant 32 : index
        %get3A_143 = tpu.vector_load %arg13[%get3A, %get3A_142] {strides = array<i32>} : memref<160x128xf32, #tpu.memory_space<vmem>>, vector<1x16xf32>,
        %get3A_144 = vector.shape_cast %get3A_143 : vector<1x16xf32> to vector<16xf32>
        %swap3A = arith.index_cast %scan3A_141 : i32 to index
        %swap3A_145 = arith.constant 0 : index
        %swap3A_146 = tpu.vector_load %arg20[%swap3A, %swap3A_145] {strides = array<i32>} : memref<640x16xf32, #tpu.memory_space<vmem>>, vector<1x16xf32>,
        %swap3A_147 = vector.shape_cast %swap3A_146 : vector<1x16xf32> to vector<16xf32>
        %swap3A_148 = vector.shape_cast %get3A_144 : vector<16xf32> to vector<1x16xf32>
        tpu.vector_store %arg20[%swap3A, %swap3A_145], %swap3A_148 {strides = array<i32>} : memref<640x16xf32, #tpu.memory_space<vmem>>, vector<1x16xf32>,
      }
      %scan3A_134 = arith.constant 156 : i32
      "tpu.region"() ({
        %run_scoped3A = tpu.sem_alloc : memref<!tpu.dma_semaphore, #tpu.memory_space<semaphore_mem>>
        %dma_start3A = arith.constant 0 : i32
        %dma_start3A_141 = arith.constant 0 : i32
        %dma_start3A_142 = tpu.memref_slice %arg20[%dma_start3A, %dma_start3A_141] : memref<640x16xf32, #tpu.memory_space<vmem>> -> memref<156x16xf32, #tpu.memory_space<vmem>>
        %dma_start3A_143 = arith.constant 0 : i32
        %dma_start3A_144 = tpu.memref_slice %arg21[%add3A_128, %dma_start3A_143] : memref<10000x16xf32, #tpu.memory_space<vmem_shared>> -> memref<156x16xf32, #tpu.memory_space<vmem_shared>>
        %dma_start3A_145 = arith.constant 0 : i32
        %dma_start3A_146 = tpu.memref_slice %arg21[%add3A_128, %dma_start3A_145] : memref<10000x16xf32, #tpu.memory_space<vmem_shared>> -> memref<156x16xf32, #tpu.memory_space<vmem_shared>>
        %dma_start3A_147 = arith.constant 0 : i32
        %dma_start3A_148 = arith.constant 0 : i32
        %dma_start3A_149 = tpu.memref_slice %arg20[%dma_start3A_147, %dma_start3A_148] : memref<640x16xf32, #tpu.memory_space<vmem>> -> memref<156x16xf32, #tpu.memory_space<vmem>>
        tpu.enqueue_dma source(%dma_start3A_149 : memref<156x16xf32, #tpu.memory_space<vmem>>) target(%dma_start3A_146 : memref<156x16xf32, #tpu.memory_space<vmem_shared>>) target_semaphore(%run_scoped3A : memref<!tpu.dma_semaphore, #tpu.memory_space<semaphore_mem>>)
        %dma_wait3A = arith.constant 0 : i32
        %dma_wait3A_150 = arith.constant 0 : i32
        %dma_wait3A_151 = tpu.memref_slice %arg20[%dma_wait3A, %dma_wait3A_150] : memref<640x16xf32, #tpu.memory_space<vmem>> -> memref<156x16xf32, #tpu.memory_space<vmem>>
        %dma_wait3A_152 = arith.constant 0 : i32
        %dma_wait3A_153 = tpu.memref_slice %arg21[%add3A_128, %dma_wait3A_152] : memref<10000x16xf32, #tpu.memory_space<vmem_shared>> -> memref<156x16xf32, #tpu.memory_space<vmem_shared>>
        %dma_wait3A_154 = arith.constant 0 : i32
        %dma_wait3A_155 = tpu.memref_slice %arg21[%add3A_128, %dma_wait3A_154] : memref<10000x16xf32, #tpu.memory_space<vmem_shared>> -> memref<156x16xf32, #tpu.memory_space<vmem_shared>>
        %dma_wait3A_156 = arith.constant 0 : i32
        %dma_wait3A_157 = arith.constant 0 : i32
        %dma_wait3A_158 = tpu.memref_slice %arg20[%dma_wait3A_156, %dma_wait3A_157] : memref<640x16xf32, #tpu.memory_space<vmem>> -> memref<156x16xf32, #tpu.memory_space<vmem>>
        tpu.wait_dma2 semaphore(%run_scoped3A : memref<!tpu.dma_semaphore, #tpu.memory_space<semaphore_mem>>) src(%dma_wait3A_158 : memref<156x16xf32, #tpu.memory_space<vmem>>) dst(%dma_wait3A_155 : memref<156x16xf32, #tpu.memory_space<vmem_shared>>)
        tpu.yield
      }) : () -> ()
      %scan3A_135 = arith.constant 0 : i32
      %scan3A_136 = arith.constant 0 : i32
      %scan3A_137 = arith.constant 156 : i32
      %scan3A_138 = arith.addi %scan3A_136, %scan3A_137 : i32
      %scan3A_139 = arith.constant 1 : i32
      scf.for %scan3A_141 = %scan3A_136 to %scan3A_138 step %scan3A_139  : i32 {
        %get3A = arith.index_cast %scan3A_141 : i32 to index
        %get3A_142 = arith.constant 48 : index
        %get3A_143 = tpu.vector_load %arg13[%get3A, %get3A_142] {strides = array<i32>} : memref<160x128xf32, #tpu.memory_space<vmem>>, vector<1x16xf32>,
        %get3A_144 = vector.shape_cast %get3A_143 : vector<1x16xf32> to vector<16xf32>
        %swap3A = arith.index_cast %scan3A_141 : i32 to index
        %swap3A_145 = arith.constant 0 : index
        %swap3A_146 = tpu.vector_load %arg20[%swap3A, %swap3A_145] {strides = array<i32>} : memref<640x16xf32, #tpu.memory_space<vmem>>, vector<1x16xf32>,
        %swap3A_147 = vector.shape_cast %swap3A_146 : vector<1x16xf32> to vector<16xf32>
        %swap3A_148 = vector.shape_cast %get3A_144 : vector<16xf32> to vector<1x16xf32>
        tpu.vector_store %arg20[%swap3A, %swap3A_145], %swap3A_148 {strides = array<i32>} : memref<640x16xf32, #tpu.memory_space<vmem>>, vector<1x16xf32>,
      }
      %scan3A_140 = arith.constant 156 : i32
      "tpu.region"() ({
        %run_scoped3A = tpu.sem_alloc : memref<!tpu.dma_semaphore, #tpu.memory_space<semaphore_mem>>
        %dma_start3A = arith.constant 0 : i32
        %dma_start3A_141 = arith.constant 0 : i32
        %dma_start3A_142 = tpu.memref_slice %arg20[%dma_start3A, %dma_start3A_141] : memref<640x16xf32, #tpu.memory_space<vmem>> -> memref<156x16xf32, #tpu.memory_space<vmem>>
        %dma_start3A_143 = arith.constant 0 : i32
        %dma_start3A_144 = tpu.memref_slice %arg22[%add3A_128, %dma_start3A_143] : memref<10000x16xf32, #tpu.memory_space<vmem_shared>> -> memref<156x16xf32, #tpu.memory_space<vmem_shared>>
        %dma_start3A_145 = arith.constant 0 : i32
        %dma_start3A_146 = tpu.memref_slice %arg22[%add3A_128, %dma_start3A_145] : memref<10000x16xf32, #tpu.memory_space<vmem_shared>> -> memref<156x16xf32, #tpu.memory_space<vmem_shared>>
        %dma_start3A_147 = arith.constant 0 : i32
        %dma_start3A_148 = arith.constant 0 : i32
        %dma_start3A_149 = tpu.memref_slice %arg20[%dma_start3A_147, %dma_start3A_148] : memref<640x16xf32, #tpu.memory_space<vmem>> -> memref<156x16xf32, #tpu.memory_space<vmem>>
        tpu.enqueue_dma source(%dma_start3A_149 : memref<156x16xf32, #tpu.memory_space<vmem>>) target(%dma_start3A_146 : memref<156x16xf32, #tpu.memory_space<vmem_shared>>) target_semaphore(%run_scoped3A : memref<!tpu.dma_semaphore, #tpu.memory_space<semaphore_mem>>)
        %dma_wait3A = arith.constant 0 : i32
        %dma_wait3A_150 = arith.constant 0 : i32
        %dma_wait3A_151 = tpu.memref_slice %arg20[%dma_wait3A, %dma_wait3A_150] : memref<640x16xf32, #tpu.memory_space<vmem>> -> memref<156x16xf32, #tpu.memory_space<vmem>>
        %dma_wait3A_152 = arith.constant 0 : i32
        %dma_wait3A_153 = tpu.memref_slice %arg22[%add3A_128, %dma_wait3A_152] : memref<10000x16xf32, #tpu.memory_space<vmem_shared>> -> memref<156x16xf32, #tpu.memory_space<vmem_shared>>
        %dma_wait3A_154 = arith.constant 0 : i32
        %dma_wait3A_155 = tpu.memref_slice %arg22[%add3A_128, %dma_wait3A_154] : memref<10000x16xf32, #tpu.memory_space<vmem_shared>> -> memref<156x16xf32, #tpu.memory_space<vmem_shared>>
        %dma_wait3A_156 = arith.constant 0 : i32
        %dma_wait3A_157 = arith.constant 0 : i32
        %dma_wait3A_158 = tpu.memref_slice %arg20[%dma_wait3A_156, %dma_wait3A_157] : memref<640x16xf32, #tpu.memory_space<vmem>> -> memref<156x16xf32, #tpu.memory_space<vmem>>
        tpu.wait_dma2 semaphore(%run_scoped3A : memref<!tpu.dma_semaphore, #tpu.memory_space<semaphore_mem>>) src(%dma_wait3A_158 : memref<156x16xf32, #tpu.memory_space<vmem>>) dst(%dma_wait3A_155 : memref<156x16xf32, #tpu.memory_space<vmem_shared>>)
        tpu.yield
      }) : () -> ()
    } else {
    }
    %barrier3A_65 = arith.constant 0 : index
    tpu.barrier barrier_id(%barrier3A_65)
    %mul3A_66 = arith.constant 10000 : i32
    %mul3A_67 = arith.muli %add3A, %mul3A_66 : i32
    %mul3A_68 = arith.constant 1250 : i32
    %mul3A_69 = arith.muli %add3A, %mul3A_68 : i32
    %scan3A_70 = arith.constant 0 : i32
    %scan3A_71 = arith.constant 0 : i32
    %scan3A_72 = arith.constant 25 : i32
    %scan3A_73 = arith.addi %scan3A_71, %scan3A_72 : i32
    %scan3A_74 = arith.constant 1 : i32
    scf.for %scan3A_85 = %scan3A_71 to %scan3A_73 step %scan3A_74  : i32 {
      %mul3A_86 = arith.constant 400 : i32
      %mul3A_87 = arith.muli %scan3A_85, %mul3A_86 : i32
      %add3A_88 = arith.addi %mul3A_67, %mul3A_87 : i32
      %mul3A_89 = arith.constant 50 : i32
      %mul3A_90 = arith.muli %scan3A_85, %mul3A_89 : i32
      %add3A_91 = arith.addi %mul3A_69, %mul3A_90 : i32
      %dma_start3A = tpu.memref_slice %arg7[%add3A_88] : memref<320000xi32, #tpu.memory_space<hbm>> -> memref<400xi32, #tpu.memory_space<hbm>>
      %dma_start3A_92 = tpu.memref_slice %arg7[%add3A_88] : memref<320000xi32, #tpu.memory_space<hbm>> -> memref<400xi32, #tpu.memory_space<hbm>>
      tpu.enqueue_dma source(%dma_start3A_92 : memref<400xi32, #tpu.memory_space<hbm>>) target(%arg14 : memref<400xi32, #tpu.memory_space<vmem>>) target_semaphore(%arg25 : memref<!tpu.dma_semaphore, #tpu.memory_space<semaphore_mem>>)
      %dma_start3A_93 = tpu.memref_slice %arg8[%add3A_88] : memref<320000xi32, #tpu.memory_space<hbm>> -> memref<400xi32, #tpu.memory_space<hbm>>
      %dma_start3A_94 = tpu.memref_slice %arg8[%add3A_88] : memref<320000xi32, #tpu.memory_space<hbm>> -> memref<400xi32, #tpu.memory_space<hbm>>
      tpu.enqueue_dma source(%dma_start3A_94 : memref<400xi32, #tpu.memory_space<hbm>>) target(%arg15 : memref<400xi32, #tpu.memory_space<vmem>>) target_semaphore(%arg25 : memref<!tpu.dma_semaphore, #tpu.memory_space<semaphore_mem>>)
      %dma_start3A_95 = arith.constant 0 : i32
      %dma_start3A_96 = tpu.memref_slice %arg4[%add3A_91, %dma_start3A_95] : memref<40000x128xf32, #tpu.memory_space<hbm>> -> memref<50x128xf32, #tpu.memory_space<hbm>>
      %dma_start3A_97 = arith.constant 0 : i32
      %dma_start3A_98 = tpu.memref_slice %arg4[%add3A_91, %dma_start3A_97] : memref<40000x128xf32, #tpu.memory_space<hbm>> -> memref<50x128xf32, #tpu.memory_space<hbm>>
      tpu.enqueue_dma source(%dma_start3A_98 : memref<50x128xf32, #tpu.memory_space<hbm>>) target(%arg18 : memref<50x128xf32, #tpu.memory_space<vmem>>) target_semaphore(%arg25 : memref<!tpu.dma_semaphore, #tpu.memory_space<semaphore_mem>>)
      %dma_wait3A = tpu.memref_slice %arg7[%add3A_88] : memref<320000xi32, #tpu.memory_space<hbm>> -> memref<400xi32, #tpu.memory_space<hbm>>
      %dma_wait3A_99 = tpu.memref_slice %arg7[%add3A_88] : memref<320000xi32, #tpu.memory_space<hbm>> -> memref<400xi32, #tpu.memory_space<hbm>>
      tpu.wait_dma2 semaphore(%arg25 : memref<!tpu.dma_semaphore, #tpu.memory_space<semaphore_mem>>) src(%dma_wait3A_99 : memref<400xi32, #tpu.memory_space<hbm>>) dst(%arg14 : memref<400xi32, #tpu.memory_space<vmem>>)
      %dma_wait3A_100 = tpu.memref_slice %arg8[%add3A_88] : memref<320000xi32, #tpu.memory_space<hbm>> -> memref<400xi32, #tpu.memory_space<hbm>>
      %dma_wait3A_101 = tpu.memref_slice %arg8[%add3A_88] : memref<320000xi32, #tpu.memory_space<hbm>> -> memref<400xi32, #tpu.memory_space<hbm>>
      tpu.wait_dma2 semaphore(%arg25 : memref<!tpu.dma_semaphore, #tpu.memory_space<semaphore_mem>>) src(%dma_wait3A_101 : memref<400xi32, #tpu.memory_space<hbm>>) dst(%arg15 : memref<400xi32, #tpu.memory_space<vmem>>)
      %dma_wait3A_102 = arith.constant 0 : i32
      %dma_wait3A_103 = tpu.memref_slice %arg4[%add3A_91, %dma_wait3A_102] : memref<40000x128xf32, #tpu.memory_space<hbm>> -> memref<50x128xf32, #tpu.memory_space<hbm>>
      %dma_wait3A_104 = arith.constant 0 : i32
      %dma_wait3A_105 = tpu.memref_slice %arg4[%add3A_91, %dma_wait3A_104] : memref<40000x128xf32, #tpu.memory_space<hbm>> -> memref<50x128xf32, #tpu.memory_space<hbm>>
      tpu.wait_dma2 semaphore(%arg25 : memref<!tpu.dma_semaphore, #tpu.memory_space<semaphore_mem>>) src(%dma_wait3A_105 : memref<50x128xf32, #tpu.memory_space<hbm>>) dst(%arg18 : memref<50x128xf32, #tpu.memory_space<vmem>>)
      %dma_start3A_106 = arith.constant 0 : i32
      %dma_start3A_107 = arith.constant 0 : i32
      %dma_start3A_108 = tpu.memref_slice %arg16[%dma_start3A_106, %dma_start3A_107] : memref<400x16xf32, #tpu.memory_space<vmem>> -> memref<128x16xf32, #tpu.memory_space<vmem>>
      %dma_start3A_109 = arith.constant 0 : i32
      %dma_start3A_110 = tpu.memref_slice %arg14[%dma_start3A_109] : memref<400xi32, #tpu.memory_space<vmem>> -> memref<128xi32, #tpu.memory_space<vmem>>
      %dma_start3A_111 = arith.constant 0 : i32
      %dma_start3A_112 = arith.constant 0 : i32
      %dma_start3A_113 = tpu.memref_slice %arg21[%dma_start3A_111, %dma_start3A_112] : memref<10000x16xf32, #tpu.memory_space<vmem_shared>> -> memref<10000x16xf32, #tpu.memory_space<vmem_shared>>
      tpu.enqueue_indirect_dma source(%dma_start3A_113 : memref<10000x16xf32, #tpu.memory_space<vmem_shared>>) target(%dma_start3A_108 : memref<128x16xf32, #tpu.memory_space<vmem>>) offsets(%dma_start3A_110 : memref<128xi32, #tpu.memory_space<vmem>>) semaphore(%arg24 : memref<!tpu.dma_semaphore, #tpu.memory_space<semaphore_mem>>)
      %dma_start3A_114 = arith.constant 0 : i32
      %dma_start3A_115 = arith.constant 0 : i32
      %dma_start3A_116 = tpu.memref_slice %arg17[%dma_start3A_114, %dma_start3A_115] : memref<400x16xf32, #tpu.memory_space<vmem>> -> memref<128x16xf32, #tpu.memory_space<vmem>>
      %dma_start3A_117 = arith.constant 0 : i32
      %dma_start3A_118 = tpu.memref_slice %arg15[%dma_start3A_117] : memref<400xi32, #tpu.memory_space<vmem>> -> memref<128xi32, #tpu.memory_space<vmem>>
      %dma_start3A_119 = arith.constant 0 : i32
      %dma_start3A_120 = arith.constant 0 : i32
      %dma_start3A_121 = tpu.memref_slice %arg22[%dma_start3A_119, %dma_start3A_120] : memref<10000x16xf32, #tpu.memory_space<vmem_shared>> -> memref<10000x16xf32, #tpu.memory_space<vmem_shared>>
      tpu.enqueue_indirect_dma source(%dma_start3A_121 : memref<10000x16xf32, #tpu.memory_space<vmem_shared>>) target(%dma_start3A_116 : memref<128x16xf32, #tpu.memory_space<vmem>>) offsets(%dma_start3A_118 : memref<128xi32, #tpu.memory_space<vmem>>) semaphore(%arg24 : memref<!tpu.dma_semaphore, #tpu.memory_space<semaphore_mem>>)
      %dma_start3A_122 = arith.constant 128 : i32
      %dma_start3A_123 = arith.constant 0 : i32
      %dma_start3A_124 = tpu.memref_slice %arg16[%dma_start3A_122, %dma_start3A_123] : memref<400x16xf32, #tpu.memory_space<vmem>> -> memref<128x16xf32, #tpu.memory_space<vmem>>
      %dma_start3A_125 = arith.constant 128 : i32
      %dma_start3A_126 = tpu.memref_slice %arg14[%dma_start3A_125] : memref<400xi32, #tpu.memory_space<vmem>> -> memref<128xi32, #tpu.memory_space<vmem>>
      %dma_start3A_127 = arith.constant 0 : i32
      %dma_start3A_128 = arith.constant 0 : i32
      %dma_start3A_129 = tpu.memref_slice %arg21[%dma_start3A_127, %dma_start3A_128] : memref<10000x16xf32, #tpu.memory_space<vmem_shared>> -> memref<10000x16xf32, #tpu.memory_space<vmem_shared>>
      tpu.enqueue_indirect_dma source(%dma_start3A_129 : memref<10000x16xf32, #tpu.memory_space<vmem_shared>>) target(%dma_start3A_124 : memref<128x16xf32, #tpu.memory_space<vmem>>) offsets(%dma_start3A_126 : memref<128xi32, #tpu.memory_space<vmem>>) semaphore(%arg24 : memref<!tpu.dma_semaphore, #tpu.memory_space<semaphore_mem>>)
      %dma_start3A_130 = arith.constant 128 : i32
      %dma_start3A_131 = arith.constant 0 : i32
      %dma_start3A_132 = tpu.memref_slice %arg17[%dma_start3A_130, %dma_start3A_131] : memref<400x16xf32, #tpu.memory_space<vmem>> -> memref<128x16xf32, #tpu.memory_space<vmem>>
      %dma_start3A_133 = arith.constant 128 : i32
      %dma_start3A_134 = tpu.memref_slice %arg15[%dma_start3A_133] : memref<400xi32, #tpu.memory_space<vmem>> -> memref<128xi32, #tpu.memory_space<vmem>>
      %dma_start3A_135 = arith.constant 0 : i32
      %dma_start3A_136 = arith.constant 0 : i32
      %dma_start3A_137 = tpu.memref_slice %arg22[%dma_start3A_135, %dma_start3A_136] : memref<10000x16xf32, #tpu.memory_space<vmem_shared>> -> memref<10000x16xf32, #tpu.memory_space<vmem_shared>>
      tpu.enqueue_indirect_dma source(%dma_start3A_137 : memref<10000x16xf32, #tpu.memory_space<vmem_shared>>) target(%dma_start3A_132 : memref<128x16xf32, #tpu.memory_space<vmem>>) offsets(%dma_start3A_134 : memref<128xi32, #tpu.memory_space<vmem>>) semaphore(%arg24 : memref<!tpu.dma_semaphore, #tpu.memory_space<semaphore_mem>>)
      %dma_start3A_138 = arith.constant 256 : i32
      %dma_start3A_139 = arith.constant 0 : i32
      %dma_start3A_140 = tpu.memref_slice %arg16[%dma_start3A_138, %dma_start3A_139] : memref<400x16xf32, #tpu.memory_space<vmem>> -> memref<128x16xf32, #tpu.memory_space<vmem>>
      %dma_start3A_141 = arith.constant 256 : i32
      %dma_start3A_142 = tpu.memref_slice %arg14[%dma_start3A_141] : memref<400xi32, #tpu.memory_space<vmem>> -> memref<128xi32, #tpu.memory_space<vmem>>
      %dma_start3A_143 = arith.constant 0 : i32
      %dma_start3A_144 = arith.constant 0 : i32
      %dma_start3A_145 = tpu.memref_slice %arg21[%dma_start3A_143, %dma_start3A_144] : memref<10000x16xf32, #tpu.memory_space<vmem_shared>> -> memref<10000x16xf32, #tpu.memory_space<vmem_shared>>
      tpu.enqueue_indirect_dma source(%dma_start3A_145 : memref<10000x16xf32, #tpu.memory_space<vmem_shared>>) target(%dma_start3A_140 : memref<128x16xf32, #tpu.memory_space<vmem>>) offsets(%dma_start3A_142 : memref<128xi32, #tpu.memory_space<vmem>>) semaphore(%arg24 : memref<!tpu.dma_semaphore, #tpu.memory_space<semaphore_mem>>)
      %dma_start3A_146 = arith.constant 256 : i32
      %dma_start3A_147 = arith.constant 0 : i32
      %dma_start3A_148 = tpu.memref_slice %arg17[%dma_start3A_146, %dma_start3A_147] : memref<400x16xf32, #tpu.memory_space<vmem>> -> memref<128x16xf32, #tpu.memory_space<vmem>>
      %dma_start3A_149 = arith.constant 256 : i32
      %dma_start3A_150 = tpu.memref_slice %arg15[%dma_start3A_149] : memref<400xi32, #tpu.memory_space<vmem>> -> memref<128xi32, #tpu.memory_space<vmem>>
      %dma_start3A_151 = arith.constant 0 : i32
      %dma_start3A_152 = arith.constant 0 : i32
      %dma_start3A_153 = tpu.memref_slice %arg22[%dma_start3A_151, %dma_start3A_152] : memref<10000x16xf32, #tpu.memory_space<vmem_shared>> -> memref<10000x16xf32, #tpu.memory_space<vmem_shared>>
      tpu.enqueue_indirect_dma source(%dma_start3A_153 : memref<10000x16xf32, #tpu.memory_space<vmem_shared>>) target(%dma_start3A_148 : memref<128x16xf32, #tpu.memory_space<vmem>>) offsets(%dma_start3A_150 : memref<128xi32, #tpu.memory_space<vmem>>) semaphore(%arg24 : memref<!tpu.dma_semaphore, #tpu.memory_space<semaphore_mem>>)
      %dma_start3A_154 = arith.constant 384 : i32
      %dma_start3A_155 = arith.constant 0 : i32
      %dma_start3A_156 = tpu.memref_slice %arg16[%dma_start3A_154, %dma_start3A_155] : memref<400x16xf32, #tpu.memory_space<vmem>> -> memref<16x16xf32, #tpu.memory_space<vmem>>
      %dma_start3A_157 = arith.constant 384 : i32
      %dma_start3A_158 = tpu.memref_slice %arg14[%dma_start3A_157] : memref<400xi32, #tpu.memory_space<vmem>> -> memref<16xi32, #tpu.memory_space<vmem>>
      %dma_start3A_159 = arith.constant 0 : i32
      %dma_start3A_160 = arith.constant 0 : i32
      %dma_start3A_161 = tpu.memref_slice %arg21[%dma_start3A_159, %dma_start3A_160] : memref<10000x16xf32, #tpu.memory_space<vmem_shared>> -> memref<10000x16xf32, #tpu.memory_space<vmem_shared>>
      tpu.enqueue_indirect_dma source(%dma_start3A_161 : memref<10000x16xf32, #tpu.memory_space<vmem_shared>>) target(%dma_start3A_156 : memref<16x16xf32, #tpu.memory_space<vmem>>) offsets(%dma_start3A_158 : memref<16xi32, #tpu.memory_space<vmem>>) semaphore(%arg24 : memref<!tpu.dma_semaphore, #tpu.memory_space<semaphore_mem>>)
      %dma_start3A_162 = arith.constant 384 : i32
      %dma_start3A_163 = arith.constant 0 : i32
      %dma_start3A_164 = tpu.memref_slice %arg17[%dma_start3A_162, %dma_start3A_163] : memref<400x16xf32, #tpu.memory_space<vmem>> -> memref<16x16xf32, #tpu.memory_space<vmem>>
      %dma_start3A_165 = arith.constant 384 : i32
      %dma_start3A_166 = tpu.memref_slice %arg15[%dma_start3A_165] : memref<400xi32, #tpu.memory_space<vmem>> -> memref<16xi32, #tpu.memory_space<vmem>>
      %dma_start3A_167 = arith.constant 0 : i32
      %dma_start3A_168 = arith.constant 0 : i32
      %dma_start3A_169 = tpu.memref_slice %arg22[%dma_start3A_167, %dma_start3A_168] : memref<10000x16xf32, #tpu.memory_space<vmem_shared>> -> memref<10000x16xf32, #tpu.memory_space<vmem_shared>>
      tpu.enqueue_indirect_dma source(%dma_start3A_169 : memref<10000x16xf32, #tpu.memory_space<vmem_shared>>) target(%dma_start3A_164 : memref<16x16xf32, #tpu.memory_space<vmem>>) offsets(%dma_start3A_166 : memref<16xi32, #tpu.memory_space<vmem>>) semaphore(%arg24 : memref<!tpu.dma_semaphore, #tpu.memory_space<semaphore_mem>>)
      %dma_wait3A_170 = arith.constant 0 : i32
      %dma_wait3A_171 = arith.constant 0 : i32
      %dma_wait3A_172 = tpu.memref_slice %arg16[%dma_wait3A_170, %dma_wait3A_171] : memref<400x16xf32, #tpu.memory_space<vmem>> -> memref<128x16xf32, #tpu.memory_space<vmem>>
      %dma_wait3A_173 = arith.constant 0 : i32
      %dma_wait3A_174 = tpu.memref_slice %arg14[%dma_wait3A_173] : memref<400xi32, #tpu.memory_space<vmem>> -> memref<128xi32, #tpu.memory_space<vmem>>
      %dma_wait3A_175 = arith.constant 0 : i32
      %dma_wait3A_176 = arith.constant 0 : i32
      %dma_wait3A_177 = tpu.memref_slice %arg21[%dma_wait3A_175, %dma_wait3A_176] : memref<10000x16xf32, #tpu.memory_space<vmem_shared>> -> memref<10000x16xf32, #tpu.memory_space<vmem_shared>>
      tpu.wait_indirect_dma semaphore(%arg24 : memref<!tpu.dma_semaphore, #tpu.memory_space<semaphore_mem>>) src(%dma_wait3A_177 : memref<10000x16xf32, #tpu.memory_space<vmem_shared>>) dst(%dma_wait3A_172 : memref<128x16xf32, #tpu.memory_space<vmem>>)
      %dma_wait3A_178 = arith.constant 0 : i32
      %dma_wait3A_179 = arith.constant 0 : i32
      %dma_wait3A_180 = tpu.memref_slice %arg17[%dma_wait3A_178, %dma_wait3A_179] : memref<400x16xf32, #tpu.memory_space<vmem>> -> memref<128x16xf32, #tpu.memory_space<vmem>>
      %dma_wait3A_181 = arith.constant 0 : i32
      %dma_wait3A_182 = tpu.memref_slice %arg15[%dma_wait3A_181] : memref<400xi32, #tpu.memory_space<vmem>> -> memref<128xi32, #tpu.memory_space<vmem>>
      %dma_wait3A_183 = arith.constant 0 : i32
      %dma_wait3A_184 = arith.constant 0 : i32
      %dma_wait3A_185 = tpu.memref_slice %arg22[%dma_wait3A_183, %dma_wait3A_184] : memref<10000x16xf32, #tpu.memory_space<vmem_shared>> -> memref<10000x16xf32, #tpu.memory_space<vmem_shared>>
      tpu.wait_indirect_dma semaphore(%arg24 : memref<!tpu.dma_semaphore, #tpu.memory_space<semaphore_mem>>) src(%dma_wait3A_185 : memref<10000x16xf32, #tpu.memory_space<vmem_shared>>) dst(%dma_wait3A_180 : memref<128x16xf32, #tpu.memory_space<vmem>>)
      %dma_wait3A_186 = arith.constant 128 : i32
      %dma_wait3A_187 = arith.constant 0 : i32
      %dma_wait3A_188 = tpu.memref_slice %arg16[%dma_wait3A_186, %dma_wait3A_187] : memref<400x16xf32, #tpu.memory_space<vmem>> -> memref<128x16xf32, #tpu.memory_space<vmem>>
      %dma_wait3A_189 = arith.constant 128 : i32
      %dma_wait3A_190 = tpu.memref_slice %arg14[%dma_wait3A_189] : memref<400xi32, #tpu.memory_space<vmem>> -> memref<128xi32, #tpu.memory_space<vmem>>
      %dma_wait3A_191 = arith.constant 0 : i32
      %dma_wait3A_192 = arith.constant 0 : i32
      %dma_wait3A_193 = tpu.memref_slice %arg21[%dma_wait3A_191, %dma_wait3A_192] : memref<10000x16xf32, #tpu.memory_space<vmem_shared>> -> memref<10000x16xf32, #tpu.memory_space<vmem_shared>>
      tpu.wait_indirect_dma semaphore(%arg24 : memref<!tpu.dma_semaphore, #tpu.memory_space<semaphore_mem>>) src(%dma_wait3A_193 : memref<10000x16xf32, #tpu.memory_space<vmem_shared>>) dst(%dma_wait3A_188 : memref<128x16xf32, #tpu.memory_space<vmem>>)
      %dma_wait3A_194 = arith.constant 128 : i32
      %dma_wait3A_195 = arith.constant 0 : i32
      %dma_wait3A_196 = tpu.memref_slice %arg17[%dma_wait3A_194, %dma_wait3A_195] : memref<400x16xf32, #tpu.memory_space<vmem>> -> memref<128x16xf32, #tpu.memory_space<vmem>>
      %dma_wait3A_197 = arith.constant 128 : i32
      %dma_wait3A_198 = tpu.memref_slice %arg15[%dma_wait3A_197] : memref<400xi32, #tpu.memory_space<vmem>> -> memref<128xi32, #tpu.memory_space<vmem>>
      %dma_wait3A_199 = arith.constant 0 : i32
      %dma_wait3A_200 = arith.constant 0 : i32
      %dma_wait3A_201 = tpu.memref_slice %arg22[%dma_wait3A_199, %dma_wait3A_200] : memref<10000x16xf32, #tpu.memory_space<vmem_shared>> -> memref<10000x16xf32, #tpu.memory_space<vmem_shared>>
      tpu.wait_indirect_dma semaphore(%arg24 : memref<!tpu.dma_semaphore, #tpu.memory_space<semaphore_mem>>) src(%dma_wait3A_201 : memref<10000x16xf32, #tpu.memory_space<vmem_shared>>) dst(%dma_wait3A_196 : memref<128x16xf32, #tpu.memory_space<vmem>>)
      %dma_wait3A_202 = arith.constant 256 : i32
      %dma_wait3A_203 = arith.constant 0 : i32
      %dma_wait3A_204 = tpu.memref_slice %arg16[%dma_wait3A_202, %dma_wait3A_203] : memref<400x16xf32, #tpu.memory_space<vmem>> -> memref<128x16xf32, #tpu.memory_space<vmem>>
      %dma_wait3A_205 = arith.constant 256 : i32
      %dma_wait3A_206 = tpu.memref_slice %arg14[%dma_wait3A_205] : memref<400xi32, #tpu.memory_space<vmem>> -> memref<128xi32, #tpu.memory_space<vmem>>
      %dma_wait3A_207 = arith.constant 0 : i32
      %dma_wait3A_208 = arith.constant 0 : i32
      %dma_wait3A_209 = tpu.memref_slice %arg21[%dma_wait3A_207, %dma_wait3A_208] : memref<10000x16xf32, #tpu.memory_space<vmem_shared>> -> memref<10000x16xf32, #tpu.memory_space<vmem_shared>>
      tpu.wait_indirect_dma semaphore(%arg24 : memref<!tpu.dma_semaphore, #tpu.memory_space<semaphore_mem>>) src(%dma_wait3A_209 : memref<10000x16xf32, #tpu.memory_space<vmem_shared>>) dst(%dma_wait3A_204 : memref<128x16xf32, #tpu.memory_space<vmem>>)
      %dma_wait3A_210 = arith.constant 256 : i32
      %dma_wait3A_211 = arith.constant 0 : i32
      %dma_wait3A_212 = tpu.memref_slice %arg17[%dma_wait3A_210, %dma_wait3A_211] : memref<400x16xf32, #tpu.memory_space<vmem>> -> memref<128x16xf32, #tpu.memory_space<vmem>>
      %dma_wait3A_213 = arith.constant 256 : i32
      %dma_wait3A_214 = tpu.memref_slice %arg15[%dma_wait3A_213] : memref<400xi32, #tpu.memory_space<vmem>> -> memref<128xi32, #tpu.memory_space<vmem>>
      %dma_wait3A_215 = arith.constant 0 : i32
      %dma_wait3A_216 = arith.constant 0 : i32
      %dma_wait3A_217 = tpu.memref_slice %arg22[%dma_wait3A_215, %dma_wait3A_216] : memref<10000x16xf32, #tpu.memory_space<vmem_shared>> -> memref<10000x16xf32, #tpu.memory_space<vmem_shared>>
      tpu.wait_indirect_dma semaphore(%arg24 : memref<!tpu.dma_semaphore, #tpu.memory_space<semaphore_mem>>) src(%dma_wait3A_217 : memref<10000x16xf32, #tpu.memory_space<vmem_shared>>) dst(%dma_wait3A_212 : memref<128x16xf32, #tpu.memory_space<vmem>>)
      %dma_wait3A_218 = arith.constant 384 : i32
      %dma_wait3A_219 = arith.constant 0 : i32
      %dma_wait3A_220 = tpu.memref_slice %arg16[%dma_wait3A_218, %dma_wait3A_219] : memref<400x16xf32, #tpu.memory_space<vmem>> -> memref<16x16xf32, #tpu.memory_space<vmem>>
      %dma_wait3A_221 = arith.constant 384 : i32
      %dma_wait3A_222 = tpu.memref_slice %arg14[%dma_wait3A_221] : memref<400xi32, #tpu.memory_space<vmem>> -> memref<16xi32, #tpu.memory_space<vmem>>
      %dma_wait3A_223 = arith.constant 0 : i32
      %dma_wait3A_224 = arith.constant 0 : i32
      %dma_wait3A_225 = tpu.memref_slice %arg21[%dma_wait3A_223, %dma_wait3A_224] : memref<10000x16xf32, #tpu.memory_space<vmem_shared>> -> memref<10000x16xf32, #tpu.memory_space<vmem_shared>>
      tpu.wait_indirect_dma semaphore(%arg24 : memref<!tpu.dma_semaphore, #tpu.memory_space<semaphore_mem>>) src(%dma_wait3A_225 : memref<10000x16xf32, #tpu.memory_space<vmem_shared>>) dst(%dma_wait3A_220 : memref<16x16xf32, #tpu.memory_space<vmem>>)
      %dma_wait3A_226 = arith.constant 384 : i32
      %dma_wait3A_227 = arith.constant 0 : i32
      %dma_wait3A_228 = tpu.memref_slice %arg17[%dma_wait3A_226, %dma_wait3A_227] : memref<400x16xf32, #tpu.memory_space<vmem>> -> memref<16x16xf32, #tpu.memory_space<vmem>>
      %dma_wait3A_229 = arith.constant 384 : i32
      %dma_wait3A_230 = tpu.memref_slice %arg15[%dma_wait3A_229] : memref<400xi32, #tpu.memory_space<vmem>> -> memref<16xi32, #tpu.memory_space<vmem>>
      %dma_wait3A_231 = arith.constant 0 : i32
      %dma_wait3A_232 = arith.constant 0 : i32
      %dma_wait3A_233 = tpu.memref_slice %arg22[%dma_wait3A_231, %dma_wait3A_232] : memref<10000x16xf32, #tpu.memory_space<vmem_shared>> -> memref<10000x16xf32, #tpu.memory_space<vmem_shared>>
      tpu.wait_indirect_dma semaphore(%arg24 : memref<!tpu.dma_semaphore, #tpu.memory_space<semaphore_mem>>) src(%dma_wait3A_233 : memref<10000x16xf32, #tpu.memory_space<vmem_shared>>) dst(%dma_wait3A_228 : memref<16x16xf32, #tpu.memory_space<vmem>>)
      %scan3A_234 = arith.constant 0 : i32
      %scan3A_235 = arith.constant 0 : i32
      %scan3A_236 = arith.constant 50 : i32
      %scan3A_237 = arith.addi %scan3A_235, %scan3A_236 : i32
      %scan3A_238 = arith.constant 1 : i32
      scf.for %scan3A_240 = %scan3A_235 to %scan3A_237 step %scan3A_238  : i32 {
        %mul3A_241 = arith.constant 8 : i32
        %mul3A_242 = arith.muli %scan3A_240, %mul3A_241 : i32
        %add3A_243 = arith.constant 0 : i32
        %add3A_244 = arith.addi %mul3A_242, %add3A_243 : i32
        %get3A = arith.index_cast %add3A_244 : i32 to index
        %get3A_245 = arith.constant 0 : index
        %get3A_246 = tpu.vector_load %arg16[%get3A, %get3A_245] {strides = array<i32>} : memref<400x16xf32, #tpu.memory_space<vmem>>, vector<1x16xf32>,
        %get3A_247 = vector.shape_cast %get3A_246 : vector<1x16xf32> to vector<16xf32>
        %get3A_248 = arith.index_cast %add3A_244 : i32 to index
        %get3A_249 = arith.constant 0 : index
        %get3A_250 = tpu.vector_load %arg17[%get3A_248, %get3A_249] {strides = array<i32>} : memref<400x16xf32, #tpu.memory_space<vmem>>, vector<1x16xf32>,
        %get3A_251 = vector.shape_cast %get3A_250 : vector<1x16xf32> to vector<16xf32>
        %add3A_252 = arith.addf %get3A_247, %get3A_251 : vector<16xf32>
        %get3A_253 = arith.index_cast %scan3A_240 : i32 to index
        %get3A_254 = arith.constant 0 : index
        %get3A_255 = tpu.vector_load %arg18[%get3A_253, %get3A_254] {strides = array<i32>} : memref<50x128xf32, #tpu.memory_space<vmem>>, vector<1x16xf32>,
        %get3A_256 = vector.shape_cast %get3A_255 : vector<1x16xf32> to vector<16xf32>
        %add3A_257 = arith.addf %add3A_252, %get3A_256 : vector<16xf32>
        %max3A = arith.constant 0.000000e+00 : f32
        %max3A_258 = vector.broadcast %max3A : f32 to vector<16xf32>
        %max3A_259 = arith.maximumf %add3A_257, %max3A_258 : vector<16xf32>
        %swap3A = arith.index_cast %add3A_244 : i32 to index
        %swap3A_260 = arith.constant 0 : index
        %swap3A_261 = tpu.vector_load %arg16[%swap3A, %swap3A_260] {strides = array<i32>} : memref<400x16xf32, #tpu.memory_space<vmem>>, vector<1x16xf32>,
        %swap3A_262 = vector.shape_cast %swap3A_261 : vector<1x16xf32> to vector<16xf32>
        %swap3A_263 = vector.shape_cast %max3A_259 : vector<16xf32> to vector<1x16xf32>
        tpu.vector_store %arg16[%swap3A, %swap3A_260], %swap3A_263 {strides = array<i32>} : memref<400x16xf32, #tpu.memory_space<vmem>>, vector<1x16xf32>,
        %swap3A_264 = arith.index_cast %scan3A_240 : i32 to index
        %swap3A_265 = arith.constant 0 : index
        %swap3A_266 = tpu.vector_load %arg19[%swap3A_264, %swap3A_265] {strides = array<i32>} : memref<50x128xf32, #tpu.memory_space<vmem>>, vector<1x16xf32>,
        %swap3A_267 = vector.shape_cast %swap3A_266 : vector<1x16xf32> to vector<16xf32>
        %swap3A_268 = vector.shape_cast %max3A_259 : vector<16xf32> to vector<1x16xf32>
        tpu.vector_store %arg19[%swap3A_264, %swap3A_265], %swap3A_268 {strides = array<i32>} : memref<50x128xf32, #tpu.memory_space<vmem>>, vector<1x16xf32>,
        %mul3A_269 = arith.constant 8 : i32
        %mul3A_270 = arith.muli %scan3A_240, %mul3A_269 : i32
        %add3A_271 = arith.constant 1 : i32
        %add3A_272 = arith.addi %mul3A_270, %add3A_271 : i32
        %get3A_273 = arith.index_cast %add3A_272 : i32 to index
        %get3A_274 = arith.constant 0 : index
        %get3A_275 = tpu.vector_load %arg16[%get3A_273, %get3A_274] {strides = array<i32>} : memref<400x16xf32, #tpu.memory_space<vmem>>, vector<1x16xf32>,
        %get3A_276 = vector.shape_cast %get3A_275 : vector<1x16xf32> to vector<16xf32>
        %get3A_277 = arith.index_cast %add3A_272 : i32 to index
        %get3A_278 = arith.constant 0 : index
        %get3A_279 = tpu.vector_load %arg17[%get3A_277, %get3A_278] {strides = array<i32>} : memref<400x16xf32, #tpu.memory_space<vmem>>, vector<1x16xf32>,
        %get3A_280 = vector.shape_cast %get3A_279 : vector<1x16xf32> to vector<16xf32>
        %add3A_281 = arith.addf %get3A_276, %get3A_280 : vector<16xf32>
        %get3A_282 = arith.index_cast %scan3A_240 : i32 to index
        %get3A_283 = arith.constant 16 : index
        %get3A_284 = tpu.vector_load %arg18[%get3A_282, %get3A_283] {strides = array<i32>} : memref<50x128xf32, #tpu.memory_space<vmem>>, vector<1x16xf32>,
        %get3A_285 = vector.shape_cast %get3A_284 : vector<1x16xf32> to vector<16xf32>
        %add3A_286 = arith.addf %add3A_281, %get3A_285 : vector<16xf32>
        %max3A_287 = arith.constant 0.000000e+00 : f32
        %max3A_288 = vector.broadcast %max3A_287 : f32 to vector<16xf32>
        %max3A_289 = arith.maximumf %add3A_286, %max3A_288 : vector<16xf32>
        %swap3A_290 = arith.index_cast %add3A_272 : i32 to index
        %swap3A_291 = arith.constant 0 : index
        %swap3A_292 = tpu.vector_load %arg16[%swap3A_290, %swap3A_291] {strides = array<i32>} : memref<400x16xf32, #tpu.memory_space<vmem>>, vector<1x16xf32>,
        %swap3A_293 = vector.shape_cast %swap3A_292 : vector<1x16xf32> to vector<16xf32>
        %swap3A_294 = vector.shape_cast %max3A_289 : vector<16xf32> to vector<1x16xf32>
        tpu.vector_store %arg16[%swap3A_290, %swap3A_291], %swap3A_294 {strides = array<i32>} : memref<400x16xf32, #tpu.memory_space<vmem>>, vector<1x16xf32>,
        %swap3A_295 = arith.index_cast %scan3A_240 : i32 to index
        %swap3A_296 = arith.constant 16 : index
        %swap3A_297 = tpu.vector_load %arg19[%swap3A_295, %swap3A_296] {strides = array<i32>} : memref<50x128xf32, #tpu.memory_space<vmem>>, vector<1x16xf32>,
        %swap3A_298 = vector.shape_cast %swap3A_297 : vector<1x16xf32> to vector<16xf32>
        %swap3A_299 = vector.shape_cast %max3A_289 : vector<16xf32> to vector<1x16xf32>
        tpu.vector_store %arg19[%swap3A_295, %swap3A_296], %swap3A_299 {strides = array<i32>} : memref<50x128xf32, #tpu.memory_space<vmem>>, vector<1x16xf32>,
        %mul3A_300 = arith.constant 8 : i32
        %mul3A_301 = arith.muli %scan3A_240, %mul3A_300 : i32
        %add3A_302 = arith.constant 2 : i32
        %add3A_303 = arith.addi %mul3A_301, %add3A_302 : i32
        %get3A_304 = arith.index_cast %add3A_303 : i32 to index
        %get3A_305 = arith.constant 0 : index
        %get3A_306 = tpu.vector_load %arg16[%get3A_304, %get3A_305] {strides = array<i32>} : memref<400x16xf32, #tpu.memory_space<vmem>>, vector<1x16xf32>,
        %get3A_307 = vector.shape_cast %get3A_306 : vector<1x16xf32> to vector<16xf32>
        %get3A_308 = arith.index_cast %add3A_303 : i32 to index
        %get3A_309 = arith.constant 0 : index
        %get3A_310 = tpu.vector_load %arg17[%get3A_308, %get3A_309] {strides = array<i32>} : memref<400x16xf32, #tpu.memory_space<vmem>>, vector<1x16xf32>,
        %get3A_311 = vector.shape_cast %get3A_310 : vector<1x16xf32> to vector<16xf32>
        %add3A_312 = arith.addf %get3A_307, %get3A_311 : vector<16xf32>
        %get3A_313 = arith.index_cast %scan3A_240 : i32 to index
        %get3A_314 = arith.constant 32 : index
        %get3A_315 = tpu.vector_load %arg18[%get3A_313, %get3A_314] {strides = array<i32>} : memref<50x128xf32, #tpu.memory_space<vmem>>, vector<1x16xf32>,
        %get3A_316 = vector.shape_cast %get3A_315 : vector<1x16xf32> to vector<16xf32>
        %add3A_317 = arith.addf %add3A_312, %get3A_316 : vector<16xf32>
        %max3A_318 = arith.constant 0.000000e+00 : f32
        %max3A_319 = vector.broadcast %max3A_318 : f32 to vector<16xf32>
        %max3A_320 = arith.maximumf %add3A_317, %max3A_319 : vector<16xf32>
        %swap3A_321 = arith.index_cast %add3A_303 : i32 to index
        %swap3A_322 = arith.constant 0 : index
        %swap3A_323 = tpu.vector_load %arg16[%swap3A_321, %swap3A_322] {strides = array<i32>} : memref<400x16xf32, #tpu.memory_space<vmem>>, vector<1x16xf32>,
        %swap3A_324 = vector.shape_cast %swap3A_323 : vector<1x16xf32> to vector<16xf32>
        %swap3A_325 = vector.shape_cast %max3A_320 : vector<16xf32> to vector<1x16xf32>
        tpu.vector_store %arg16[%swap3A_321, %swap3A_322], %swap3A_325 {strides = array<i32>} : memref<400x16xf32, #tpu.memory_space<vmem>>, vector<1x16xf32>,
        %swap3A_326 = arith.index_cast %scan3A_240 : i32 to index
        %swap3A_327 = arith.constant 32 : index
        %swap3A_328 = tpu.vector_load %arg19[%swap3A_326, %swap3A_327] {strides = array<i32>} : memref<50x128xf32, #tpu.memory_space<vmem>>, vector<1x16xf32>,
        %swap3A_329 = vector.shape_cast %swap3A_328 : vector<1x16xf32> to vector<16xf32>
        %swap3A_330 = vector.shape_cast %max3A_320 : vector<16xf32> to vector<1x16xf32>
        tpu.vector_store %arg19[%swap3A_326, %swap3A_327], %swap3A_330 {strides = array<i32>} : memref<50x128xf32, #tpu.memory_space<vmem>>, vector<1x16xf32>,
        %mul3A_331 = arith.constant 8 : i32
        %mul3A_332 = arith.muli %scan3A_240, %mul3A_331 : i32
        %add3A_333 = arith.constant 3 : i32
        %add3A_334 = arith.addi %mul3A_332, %add3A_333 : i32
        %get3A_335 = arith.index_cast %add3A_334 : i32 to index
        %get3A_336 = arith.constant 0 : index
        %get3A_337 = tpu.vector_load %arg16[%get3A_335, %get3A_336] {strides = array<i32>} : memref<400x16xf32, #tpu.memory_space<vmem>>, vector<1x16xf32>,
        %get3A_338 = vector.shape_cast %get3A_337 : vector<1x16xf32> to vector<16xf32>
        %get3A_339 = arith.index_cast %add3A_334 : i32 to index
        %get3A_340 = arith.constant 0 : index
        %get3A_341 = tpu.vector_load %arg17[%get3A_339, %get3A_340] {strides = array<i32>} : memref<400x16xf32, #tpu.memory_space<vmem>>, vector<1x16xf32>,
        %get3A_342 = vector.shape_cast %get3A_341 : vector<1x16xf32> to vector<16xf32>
        %add3A_343 = arith.addf %get3A_338, %get3A_342 : vector<16xf32>
        %get3A_344 = arith.index_cast %scan3A_240 : i32 to index
        %get3A_345 = arith.constant 48 : index
        %get3A_346 = tpu.vector_load %arg18[%get3A_344, %get3A_345] {strides = array<i32>} : memref<50x128xf32, #tpu.memory_space<vmem>>, vector<1x16xf32>,
        %get3A_347 = vector.shape_cast %get3A_346 : vector<1x16xf32> to vector<16xf32>
        %add3A_348 = arith.addf %add3A_343, %get3A_347 : vector<16xf32>
        %max3A_349 = arith.constant 0.000000e+00 : f32
        %max3A_350 = vector.broadcast %max3A_349 : f32 to vector<16xf32>
        %max3A_351 = arith.maximumf %add3A_348, %max3A_350 : vector<16xf32>
        %swap3A_352 = arith.index_cast %add3A_334 : i32 to index
        %swap3A_353 = arith.constant 0 : index
        %swap3A_354 = tpu.vector_load %arg16[%swap3A_352, %swap3A_353] {strides = array<i32>} : memref<400x16xf32, #tpu.memory_space<vmem>>, vector<1x16xf32>,
        %swap3A_355 = vector.shape_cast %swap3A_354 : vector<1x16xf32> to vector<16xf32>
        %swap3A_356 = vector.shape_cast %max3A_351 : vector<16xf32> to vector<1x16xf32>
        tpu.vector_store %arg16[%swap3A_352, %swap3A_353], %swap3A_356 {strides = array<i32>} : memref<400x16xf32, #tpu.memory_space<vmem>>, vector<1x16xf32>,
        %swap3A_357 = arith.index_cast %scan3A_240 : i32 to index
        %swap3A_358 = arith.constant 48 : index
        %swap3A_359 = tpu.vector_load %arg19[%swap3A_357, %swap3A_358] {strides = array<i32>} : memref<50x128xf32, #tpu.memory_space<vmem>>, vector<1x16xf32>,
        %swap3A_360 = vector.shape_cast %swap3A_359 : vector<1x16xf32> to vector<16xf32>
        %swap3A_361 = vector.shape_cast %max3A_351 : vector<16xf32> to vector<1x16xf32>
        tpu.vector_store %arg19[%swap3A_357, %swap3A_358], %swap3A_361 {strides = array<i32>} : memref<50x128xf32, #tpu.memory_space<vmem>>, vector<1x16xf32>,
        %mul3A_362 = arith.constant 8 : i32
        %mul3A_363 = arith.muli %scan3A_240, %mul3A_362 : i32
        %add3A_364 = arith.constant 4 : i32
        %add3A_365 = arith.addi %mul3A_363, %add3A_364 : i32
        %get3A_366 = arith.index_cast %add3A_365 : i32 to index
        %get3A_367 = arith.constant 0 : index
        %get3A_368 = tpu.vector_load %arg16[%get3A_366, %get3A_367] {strides = array<i32>} : memref<400x16xf32, #tpu.memory_space<vmem>>, vector<1x16xf32>,
        %get3A_369 = vector.shape_cast %get3A_368 : vector<1x16xf32> to vector<16xf32>
        %get3A_370 = arith.index_cast %add3A_365 : i32 to index
        %get3A_371 = arith.constant 0 : index
        %get3A_372 = tpu.vector_load %arg17[%get3A_370, %get3A_371] {strides = array<i32>} : memref<400x16xf32, #tpu.memory_space<vmem>>, vector<1x16xf32>,
        %get3A_373 = vector.shape_cast %get3A_372 : vector<1x16xf32> to vector<16xf32>
        %add3A_374 = arith.addf %get3A_369, %get3A_373 : vector<16xf32>
        %get3A_375 = arith.index_cast %scan3A_240 : i32 to index
        %get3A_376 = arith.constant 64 : index
        %get3A_377 = tpu.vector_load %arg18[%get3A_375, %get3A_376] {strides = array<i32>} : memref<50x128xf32, #tpu.memory_space<vmem>>, vector<1x16xf32>,
        %get3A_378 = vector.shape_cast %get3A_377 : vector<1x16xf32> to vector<16xf32>
        %add3A_379 = arith.addf %add3A_374, %get3A_378 : vector<16xf32>
        %max3A_380 = arith.constant 0.000000e+00 : f32
        %max3A_381 = vector.broadcast %max3A_380 : f32 to vector<16xf32>
        %max3A_382 = arith.maximumf %add3A_379, %max3A_381 : vector<16xf32>
        %swap3A_383 = arith.index_cast %add3A_365 : i32 to index
        %swap3A_384 = arith.constant 0 : index
        %swap3A_385 = tpu.vector_load %arg16[%swap3A_383, %swap3A_384] {strides = array<i32>} : memref<400x16xf32, #tpu.memory_space<vmem>>, vector<1x16xf32>,
        %swap3A_386 = vector.shape_cast %swap3A_385 : vector<1x16xf32> to vector<16xf32>
        %swap3A_387 = vector.shape_cast %max3A_382 : vector<16xf32> to vector<1x16xf32>
        tpu.vector_store %arg16[%swap3A_383, %swap3A_384], %swap3A_387 {strides = array<i32>} : memref<400x16xf32, #tpu.memory_space<vmem>>, vector<1x16xf32>,
        %swap3A_388 = arith.index_cast %scan3A_240 : i32 to index
        %swap3A_389 = arith.constant 64 : index
        %swap3A_390 = tpu.vector_load %arg19[%swap3A_388, %swap3A_389] {strides = array<i32>} : memref<50x128xf32, #tpu.memory_space<vmem>>, vector<1x16xf32>,
        %swap3A_391 = vector.shape_cast %swap3A_390 : vector<1x16xf32> to vector<16xf32>
        %swap3A_392 = vector.shape_cast %max3A_382 : vector<16xf32> to vector<1x16xf32>
        tpu.vector_store %arg19[%swap3A_388, %swap3A_389], %swap3A_392 {strides = array<i32>} : memref<50x128xf32, #tpu.memory_space<vmem>>, vector<1x16xf32>,
        %mul3A_393 = arith.constant 8 : i32
        %mul3A_394 = arith.muli %scan3A_240, %mul3A_393 : i32
        %add3A_395 = arith.constant 5 : i32
        %add3A_396 = arith.addi %mul3A_394, %add3A_395 : i32
        %get3A_397 = arith.index_cast %add3A_396 : i32 to index
        %get3A_398 = arith.constant 0 : index
        %get3A_399 = tpu.vector_load %arg16[%get3A_397, %get3A_398] {strides = array<i32>} : memref<400x16xf32, #tpu.memory_space<vmem>>, vector<1x16xf32>,
        %get3A_400 = vector.shape_cast %get3A_399 : vector<1x16xf32> to vector<16xf32>
        %get3A_401 = arith.index_cast %add3A_396 : i32 to index
        %get3A_402 = arith.constant 0 : index
        %get3A_403 = tpu.vector_load %arg17[%get3A_401, %get3A_402] {strides = array<i32>} : memref<400x16xf32, #tpu.memory_space<vmem>>, vector<1x16xf32>,
        %get3A_404 = vector.shape_cast %get3A_403 : vector<1x16xf32> to vector<16xf32>
        %add3A_405 = arith.addf %get3A_400, %get3A_404 : vector<16xf32>
        %get3A_406 = arith.index_cast %scan3A_240 : i32 to index
        %get3A_407 = arith.constant 80 : index
        %get3A_408 = tpu.vector_load %arg18[%get3A_406, %get3A_407] {strides = array<i32>} : memref<50x128xf32, #tpu.memory_space<vmem>>, vector<1x16xf32>,
        %get3A_409 = vector.shape_cast %get3A_408 : vector<1x16xf32> to vector<16xf32>
        %add3A_410 = arith.addf %add3A_405, %get3A_409 : vector<16xf32>
        %max3A_411 = arith.constant 0.000000e+00 : f32
        %max3A_412 = vector.broadcast %max3A_411 : f32 to vector<16xf32>
        %max3A_413 = arith.maximumf %add3A_410, %max3A_412 : vector<16xf32>
        %swap3A_414 = arith.index_cast %add3A_396 : i32 to index
        %swap3A_415 = arith.constant 0 : index
        %swap3A_416 = tpu.vector_load %arg16[%swap3A_414, %swap3A_415] {strides = array<i32>} : memref<400x16xf32, #tpu.memory_space<vmem>>, vector<1x16xf32>,
        %swap3A_417 = vector.shape_cast %swap3A_416 : vector<1x16xf32> to vector<16xf32>
        %swap3A_418 = vector.shape_cast %max3A_413 : vector<16xf32> to vector<1x16xf32>
        tpu.vector_store %arg16[%swap3A_414, %swap3A_415], %swap3A_418 {strides = array<i32>} : memref<400x16xf32, #tpu.memory_space<vmem>>, vector<1x16xf32>,
        %swap3A_419 = arith.index_cast %scan3A_240 : i32 to index
        %swap3A_420 = arith.constant 80 : index
        %swap3A_421 = tpu.vector_load %arg19[%swap3A_419, %swap3A_420] {strides = array<i32>} : memref<50x128xf32, #tpu.memory_space<vmem>>, vector<1x16xf32>,
        %swap3A_422 = vector.shape_cast %swap3A_421 : vector<1x16xf32> to vector<16xf32>
        %swap3A_423 = vector.shape_cast %max3A_413 : vector<16xf32> to vector<1x16xf32>
        tpu.vector_store %arg19[%swap3A_419, %swap3A_420], %swap3A_423 {strides = array<i32>} : memref<50x128xf32, #tpu.memory_space<vmem>>, vector<1x16xf32>,
        %mul3A_424 = arith.constant 8 : i32
        %mul3A_425 = arith.muli %scan3A_240, %mul3A_424 : i32
        %add3A_426 = arith.constant 6 : i32
        %add3A_427 = arith.addi %mul3A_425, %add3A_426 : i32
        %get3A_428 = arith.index_cast %add3A_427 : i32 to index
        %get3A_429 = arith.constant 0 : index
        %get3A_430 = tpu.vector_load %arg16[%get3A_428, %get3A_429] {strides = array<i32>} : memref<400x16xf32, #tpu.memory_space<vmem>>, vector<1x16xf32>,
        %get3A_431 = vector.shape_cast %get3A_430 : vector<1x16xf32> to vector<16xf32>
        %get3A_432 = arith.index_cast %add3A_427 : i32 to index
        %get3A_433 = arith.constant 0 : index
        %get3A_434 = tpu.vector_load %arg17[%get3A_432, %get3A_433] {strides = array<i32>} : memref<400x16xf32, #tpu.memory_space<vmem>>, vector<1x16xf32>,
        %get3A_435 = vector.shape_cast %get3A_434 : vector<1x16xf32> to vector<16xf32>
        %add3A_436 = arith.addf %get3A_431, %get3A_435 : vector<16xf32>
        %get3A_437 = arith.index_cast %scan3A_240 : i32 to index
        %get3A_438 = arith.constant 96 : index
        %get3A_439 = tpu.vector_load %arg18[%get3A_437, %get3A_438] {strides = array<i32>} : memref<50x128xf32, #tpu.memory_space<vmem>>, vector<1x16xf32>,
        %get3A_440 = vector.shape_cast %get3A_439 : vector<1x16xf32> to vector<16xf32>
        %add3A_441 = arith.addf %add3A_436, %get3A_440 : vector<16xf32>
        %max3A_442 = arith.constant 0.000000e+00 : f32
        %max3A_443 = vector.broadcast %max3A_442 : f32 to vector<16xf32>
        %max3A_444 = arith.maximumf %add3A_441, %max3A_443 : vector<16xf32>
        %swap3A_445 = arith.index_cast %add3A_427 : i32 to index
        %swap3A_446 = arith.constant 0 : index
        %swap3A_447 = tpu.vector_load %arg16[%swap3A_445, %swap3A_446] {strides = array<i32>} : memref<400x16xf32, #tpu.memory_space<vmem>>, vector<1x16xf32>,
        %swap3A_448 = vector.shape_cast %swap3A_447 : vector<1x16xf32> to vector<16xf32>
        %swap3A_449 = vector.shape_cast %max3A_444 : vector<16xf32> to vector<1x16xf32>
        tpu.vector_store %arg16[%swap3A_445, %swap3A_446], %swap3A_449 {strides = array<i32>} : memref<400x16xf32, #tpu.memory_space<vmem>>, vector<1x16xf32>,
        %swap3A_450 = arith.index_cast %scan3A_240 : i32 to index
        %swap3A_451 = arith.constant 96 : index
        %swap3A_452 = tpu.vector_load %arg19[%swap3A_450, %swap3A_451] {strides = array<i32>} : memref<50x128xf32, #tpu.memory_space<vmem>>, vector<1x16xf32>,
        %swap3A_453 = vector.shape_cast %swap3A_452 : vector<1x16xf32> to vector<16xf32>
        %swap3A_454 = vector.shape_cast %max3A_444 : vector<16xf32> to vector<1x16xf32>
        tpu.vector_store %arg19[%swap3A_450, %swap3A_451], %swap3A_454 {strides = array<i32>} : memref<50x128xf32, #tpu.memory_space<vmem>>, vector<1x16xf32>,
        %mul3A_455 = arith.constant 8 : i32
        %mul3A_456 = arith.muli %scan3A_240, %mul3A_455 : i32
        %add3A_457 = arith.constant 7 : i32
        %add3A_458 = arith.addi %mul3A_456, %add3A_457 : i32
        %get3A_459 = arith.index_cast %add3A_458 : i32 to index
        %get3A_460 = arith.constant 0 : index
        %get3A_461 = tpu.vector_load %arg16[%get3A_459, %get3A_460] {strides = array<i32>} : memref<400x16xf32, #tpu.memory_space<vmem>>, vector<1x16xf32>,
        %get3A_462 = vector.shape_cast %get3A_461 : vector<1x16xf32> to vector<16xf32>
        %get3A_463 = arith.index_cast %add3A_458 : i32 to index
        %get3A_464 = arith.constant 0 : index
        %get3A_465 = tpu.vector_load %arg17[%get3A_463, %get3A_464] {strides = array<i32>} : memref<400x16xf32, #tpu.memory_space<vmem>>, vector<1x16xf32>,
        %get3A_466 = vector.shape_cast %get3A_465 : vector<1x16xf32> to vector<16xf32>
        %add3A_467 = arith.addf %get3A_462, %get3A_466 : vector<16xf32>
        %get3A_468 = arith.index_cast %scan3A_240 : i32 to index
        %get3A_469 = arith.constant 112 : index
        %get3A_470 = tpu.vector_load %arg18[%get3A_468, %get3A_469] {strides = array<i32>} : memref<50x128xf32, #tpu.memory_space<vmem>>, vector<1x16xf32>,
        %get3A_471 = vector.shape_cast %get3A_470 : vector<1x16xf32> to vector<16xf32>
        %add3A_472 = arith.addf %add3A_467, %get3A_471 : vector<16xf32>
        %max3A_473 = arith.constant 0.000000e+00 : f32
        %max3A_474 = vector.broadcast %max3A_473 : f32 to vector<16xf32>
        %max3A_475 = arith.maximumf %add3A_472, %max3A_474 : vector<16xf32>
        %swap3A_476 = arith.index_cast %add3A_458 : i32 to index
        %swap3A_477 = arith.constant 0 : index
        %swap3A_478 = tpu.vector_load %arg16[%swap3A_476, %swap3A_477] {strides = array<i32>} : memref<400x16xf32, #tpu.memory_space<vmem>>, vector<1x16xf32>,
        %swap3A_479 = vector.shape_cast %swap3A_478 : vector<1x16xf32> to vector<16xf32>
        %swap3A_480 = vector.shape_cast %max3A_475 : vector<16xf32> to vector<1x16xf32>
        tpu.vector_store %arg16[%swap3A_476, %swap3A_477], %swap3A_480 {strides = array<i32>} : memref<400x16xf32, #tpu.memory_space<vmem>>, vector<1x16xf32>,
        %swap3A_481 = arith.index_cast %scan3A_240 : i32 to index
        %swap3A_482 = arith.constant 112 : index
        %swap3A_483 = tpu.vector_load %arg19[%swap3A_481, %swap3A_482] {strides = array<i32>} : memref<50x128xf32, #tpu.memory_space<vmem>>, vector<1x16xf32>,
        %swap3A_484 = vector.shape_cast %swap3A_483 : vector<1x16xf32> to vector<16xf32>
        %swap3A_485 = vector.shape_cast %max3A_475 : vector<16xf32> to vector<1x16xf32>
        tpu.vector_store %arg19[%swap3A_481, %swap3A_482], %swap3A_485 {strides = array<i32>} : memref<50x128xf32, #tpu.memory_space<vmem>>, vector<1x16xf32>,
      }
      %scan3A_239 = arith.constant 50 : i32
      "tpu.region"() ({
        %run_scoped3A = tpu.sem_alloc : memref<!tpu.dma_semaphore, #tpu.memory_space<semaphore_mem>>
        %dma_start3A_240 = arith.constant 0 : i32
        %dma_start3A_241 = tpu.memref_slice %arg10[%add3A_91, %dma_start3A_240] : memref<40000x128xf32, #tpu.memory_space<hbm>> -> memref<50x128xf32, #tpu.memory_space<hbm>>
        %dma_start3A_242 = arith.constant 0 : i32
        %dma_start3A_243 = tpu.memref_slice %arg10[%add3A_91, %dma_start3A_242] : memref<40000x128xf32, #tpu.memory_space<hbm>> -> memref<50x128xf32, #tpu.memory_space<hbm>>
        tpu.enqueue_dma source(%arg19 : memref<50x128xf32, #tpu.memory_space<vmem>>) target(%dma_start3A_243 : memref<50x128xf32, #tpu.memory_space<hbm>>) target_semaphore(%run_scoped3A : memref<!tpu.dma_semaphore, #tpu.memory_space<semaphore_mem>>)
        %dma_wait3A_244 = arith.constant 0 : i32
        %dma_wait3A_245 = tpu.memref_slice %arg10[%add3A_91, %dma_wait3A_244] : memref<40000x128xf32, #tpu.memory_space<hbm>> -> memref<50x128xf32, #tpu.memory_space<hbm>>
        %dma_wait3A_246 = arith.constant 0 : i32
        %dma_wait3A_247 = tpu.memref_slice %arg10[%add3A_91, %dma_wait3A_246] : memref<40000x128xf32, #tpu.memory_space<hbm>> -> memref<50x128xf32, #tpu.memory_space<hbm>>
        tpu.wait_dma2 semaphore(%run_scoped3A : memref<!tpu.dma_semaphore, #tpu.memory_space<semaphore_mem>>) src(%arg19 : memref<50x128xf32, #tpu.memory_space<vmem>>) dst(%dma_wait3A_247 : memref<50x128xf32, #tpu.memory_space<hbm>>)
        tpu.yield
      }) : () -> ()
      "tpu.region"() ({
        %run_scoped3A = tpu.sem_alloc : memref<!tpu.dma_semaphore, #tpu.memory_space<semaphore_mem>>
        %dma_start3A_240 = arith.constant 0 : i32
        %dma_start3A_241 = arith.constant 0 : i32
        %dma_start3A_242 = tpu.memref_slice %arg16[%dma_start3A_240, %dma_start3A_241] : memref<400x16xf32, #tpu.memory_space<vmem>> -> memref<128x16xf32, #tpu.memory_space<vmem>>
        %dma_start3A_243 = arith.constant 0 : i32
        %dma_start3A_244 = tpu.memref_slice %arg15[%dma_start3A_243] : memref<400xi32, #tpu.memory_space<vmem>> -> memref<128xi32, #tpu.memory_space<vmem>>
        %dma_start3A_245 = arith.constant 0 : i32
        %dma_start3A_246 = arith.constant 0 : i32
        %dma_start3A_247 = tpu.memref_slice %arg23[%dma_start3A_245, %dma_start3A_246] : memref<10000x16xf32, #tpu.memory_space<vmem_shared>> -> memref<10000x16xf32, #tpu.memory_space<vmem_shared>>
        tpu.enqueue_indirect_dma source(%dma_start3A_242 : memref<128x16xf32, #tpu.memory_space<vmem>>) target(%dma_start3A_247 : memref<10000x16xf32, #tpu.memory_space<vmem_shared>>) offsets(%dma_start3A_244 : memref<128xi32, #tpu.memory_space<vmem>>) semaphore(%run_scoped3A : memref<!tpu.dma_semaphore, #tpu.memory_space<semaphore_mem>>) {add = true}
        %dma_wait3A_248 = arith.constant 0 : i32
        %dma_wait3A_249 = arith.constant 0 : i32
        %dma_wait3A_250 = tpu.memref_slice %arg16[%dma_wait3A_248, %dma_wait3A_249] : memref<400x16xf32, #tpu.memory_space<vmem>> -> memref<128x16xf32, #tpu.memory_space<vmem>>
        %dma_wait3A_251 = arith.constant 0 : i32
        %dma_wait3A_252 = tpu.memref_slice %arg15[%dma_wait3A_251] : memref<400xi32, #tpu.memory_space<vmem>> -> memref<128xi32, #tpu.memory_space<vmem>>
        %dma_wait3A_253 = arith.constant 0 : i32
        %dma_wait3A_254 = arith.constant 0 : i32
        %dma_wait3A_255 = tpu.memref_slice %arg23[%dma_wait3A_253, %dma_wait3A_254] : memref<10000x16xf32, #tpu.memory_space<vmem_shared>> -> memref<10000x16xf32, #tpu.memory_space<vmem_shared>>
        tpu.wait_indirect_dma semaphore(%run_scoped3A : memref<!tpu.dma_semaphore, #tpu.memory_space<semaphore_mem>>) src(%dma_wait3A_250 : memref<128x16xf32, #tpu.memory_space<vmem>>) dst(%dma_wait3A_255 : memref<10000x16xf32, #tpu.memory_space<vmem_shared>>)
        tpu.yield
      }) : () -> ()
      "tpu.region"() ({
        %run_scoped3A = tpu.sem_alloc : memref<!tpu.dma_semaphore, #tpu.memory_space<semaphore_mem>>
        %dma_start3A_240 = arith.constant 128 : i32
        %dma_start3A_241 = arith.constant 0 : i32
        %dma_start3A_242 = tpu.memref_slice %arg16[%dma_start3A_240, %dma_start3A_241] : memref<400x16xf32, #tpu.memory_space<vmem>> -> memref<128x16xf32, #tpu.memory_space<vmem>>
        %dma_start3A_243 = arith.constant 128 : i32
        %dma_start3A_244 = tpu.memref_slice %arg15[%dma_start3A_243] : memref<400xi32, #tpu.memory_space<vmem>> -> memref<128xi32, #tpu.memory_space<vmem>>
        %dma_start3A_245 = arith.constant 0 : i32
        %dma_start3A_246 = arith.constant 0 : i32
        %dma_start3A_247 = tpu.memref_slice %arg23[%dma_start3A_245, %dma_start3A_246] : memref<10000x16xf32, #tpu.memory_space<vmem_shared>> -> memref<10000x16xf32, #tpu.memory_space<vmem_shared>>
        tpu.enqueue_indirect_dma source(%dma_start3A_242 : memref<128x16xf32, #tpu.memory_space<vmem>>) target(%dma_start3A_247 : memref<10000x16xf32, #tpu.memory_space<vmem_shared>>) offsets(%dma_start3A_244 : memref<128xi32, #tpu.memory_space<vmem>>) semaphore(%run_scoped3A : memref<!tpu.dma_semaphore, #tpu.memory_space<semaphore_mem>>) {add = true}
        %dma_wait3A_248 = arith.constant 128 : i32
        %dma_wait3A_249 = arith.constant 0 : i32
        %dma_wait3A_250 = tpu.memref_slice %arg16[%dma_wait3A_248, %dma_wait3A_249] : memref<400x16xf32, #tpu.memory_space<vmem>> -> memref<128x16xf32, #tpu.memory_space<vmem>>
        %dma_wait3A_251 = arith.constant 128 : i32
        %dma_wait3A_252 = tpu.memref_slice %arg15[%dma_wait3A_251] : memref<400xi32, #tpu.memory_space<vmem>> -> memref<128xi32, #tpu.memory_space<vmem>>
        %dma_wait3A_253 = arith.constant 0 : i32
        %dma_wait3A_254 = arith.constant 0 : i32
        %dma_wait3A_255 = tpu.memref_slice %arg23[%dma_wait3A_253, %dma_wait3A_254] : memref<10000x16xf32, #tpu.memory_space<vmem_shared>> -> memref<10000x16xf32, #tpu.memory_space<vmem_shared>>
        tpu.wait_indirect_dma semaphore(%run_scoped3A : memref<!tpu.dma_semaphore, #tpu.memory_space<semaphore_mem>>) src(%dma_wait3A_250 : memref<128x16xf32, #tpu.memory_space<vmem>>) dst(%dma_wait3A_255 : memref<10000x16xf32, #tpu.memory_space<vmem_shared>>)
        tpu.yield
      }) : () -> ()
      "tpu.region"() ({
        %run_scoped3A = tpu.sem_alloc : memref<!tpu.dma_semaphore, #tpu.memory_space<semaphore_mem>>
        %dma_start3A_240 = arith.constant 256 : i32
        %dma_start3A_241 = arith.constant 0 : i32
        %dma_start3A_242 = tpu.memref_slice %arg16[%dma_start3A_240, %dma_start3A_241] : memref<400x16xf32, #tpu.memory_space<vmem>> -> memref<128x16xf32, #tpu.memory_space<vmem>>
        %dma_start3A_243 = arith.constant 256 : i32
        %dma_start3A_244 = tpu.memref_slice %arg15[%dma_start3A_243] : memref<400xi32, #tpu.memory_space<vmem>> -> memref<128xi32, #tpu.memory_space<vmem>>
        %dma_start3A_245 = arith.constant 0 : i32
        %dma_start3A_246 = arith.constant 0 : i32
        %dma_start3A_247 = tpu.memref_slice %arg23[%dma_start3A_245, %dma_start3A_246] : memref<10000x16xf32, #tpu.memory_space<vmem_shared>> -> memref<10000x16xf32, #tpu.memory_space<vmem_shared>>
        tpu.enqueue_indirect_dma source(%dma_start3A_242 : memref<128x16xf32, #tpu.memory_space<vmem>>) target(%dma_start3A_247 : memref<10000x16xf32, #tpu.memory_space<vmem_shared>>) offsets(%dma_start3A_244 : memref<128xi32, #tpu.memory_space<vmem>>) semaphore(%run_scoped3A : memref<!tpu.dma_semaphore, #tpu.memory_space<semaphore_mem>>) {add = true}
        %dma_wait3A_248 = arith.constant 256 : i32
        %dma_wait3A_249 = arith.constant 0 : i32
        %dma_wait3A_250 = tpu.memref_slice %arg16[%dma_wait3A_248, %dma_wait3A_249] : memref<400x16xf32, #tpu.memory_space<vmem>> -> memref<128x16xf32, #tpu.memory_space<vmem>>
        %dma_wait3A_251 = arith.constant 256 : i32
        %dma_wait3A_252 = tpu.memref_slice %arg15[%dma_wait3A_251] : memref<400xi32, #tpu.memory_space<vmem>> -> memref<128xi32, #tpu.memory_space<vmem>>
        %dma_wait3A_253 = arith.constant 0 : i32
        %dma_wait3A_254 = arith.constant 0 : i32
        %dma_wait3A_255 = tpu.memref_slice %arg23[%dma_wait3A_253, %dma_wait3A_254] : memref<10000x16xf32, #tpu.memory_space<vmem_shared>> -> memref<10000x16xf32, #tpu.memory_space<vmem_shared>>
        tpu.wait_indirect_dma semaphore(%run_scoped3A : memref<!tpu.dma_semaphore, #tpu.memory_space<semaphore_mem>>) src(%dma_wait3A_250 : memref<128x16xf32, #tpu.memory_space<vmem>>) dst(%dma_wait3A_255 : memref<10000x16xf32, #tpu.memory_space<vmem_shared>>)
        tpu.yield
      }) : () -> ()
      "tpu.region"() ({
        %run_scoped3A = tpu.sem_alloc : memref<!tpu.dma_semaphore, #tpu.memory_space<semaphore_mem>>
        %dma_start3A_240 = arith.constant 384 : i32
        %dma_start3A_241 = arith.constant 0 : i32
        %dma_start3A_242 = tpu.memref_slice %arg16[%dma_start3A_240, %dma_start3A_241] : memref<400x16xf32, #tpu.memory_space<vmem>> -> memref<16x16xf32, #tpu.memory_space<vmem>>
        %dma_start3A_243 = arith.constant 384 : i32
        %dma_start3A_244 = tpu.memref_slice %arg15[%dma_start3A_243] : memref<400xi32, #tpu.memory_space<vmem>> -> memref<16xi32, #tpu.memory_space<vmem>>
        %dma_start3A_245 = arith.constant 0 : i32
        %dma_start3A_246 = arith.constant 0 : i32
        %dma_start3A_247 = tpu.memref_slice %arg23[%dma_start3A_245, %dma_start3A_246] : memref<10000x16xf32, #tpu.memory_space<vmem_shared>> -> memref<10000x16xf32, #tpu.memory_space<vmem_shared>>
        tpu.enqueue_indirect_dma source(%dma_start3A_242 : memref<16x16xf32, #tpu.memory_space<vmem>>) target(%dma_start3A_247 : memref<10000x16xf32, #tpu.memory_space<vmem_shared>>) offsets(%dma_start3A_244 : memref<16xi32, #tpu.memory_space<vmem>>) semaphore(%run_scoped3A : memref<!tpu.dma_semaphore, #tpu.memory_space<semaphore_mem>>) {add = true}
        %dma_wait3A_248 = arith.constant 384 : i32
        %dma_wait3A_249 = arith.constant 0 : i32
        %dma_wait3A_250 = tpu.memref_slice %arg16[%dma_wait3A_248, %dma_wait3A_249] : memref<400x16xf32, #tpu.memory_space<vmem>> -> memref<16x16xf32, #tpu.memory_space<vmem>>
        %dma_wait3A_251 = arith.constant 384 : i32
        %dma_wait3A_252 = tpu.memref_slice %arg15[%dma_wait3A_251] : memref<400xi32, #tpu.memory_space<vmem>> -> memref<16xi32, #tpu.memory_space<vmem>>
        %dma_wait3A_253 = arith.constant 0 : i32
        %dma_wait3A_254 = arith.constant 0 : i32
        %dma_wait3A_255 = tpu.memref_slice %arg23[%dma_wait3A_253, %dma_wait3A_254] : memref<10000x16xf32, #tpu.memory_space<vmem_shared>> -> memref<10000x16xf32, #tpu.memory_space<vmem_shared>>
        tpu.wait_indirect_dma semaphore(%run_scoped3A : memref<!tpu.dma_semaphore, #tpu.memory_space<semaphore_mem>>) src(%dma_wait3A_250 : memref<16x16xf32, #tpu.memory_space<vmem>>) dst(%dma_wait3A_255 : memref<10000x16xf32, #tpu.memory_space<vmem_shared>>)
        tpu.yield
      }) : () -> ()
    }
    %scan3A_75 = arith.constant 25 : i32
    %barrier3A_76 = arith.constant 0 : index
    tpu.barrier barrier_id(%barrier3A_76)
    %convert_element_type3A_77 = arith.extui %eq3A_3 : i1 to i32
    %cond3A_78 = arith.constant 0 : i32
    %cond3A_79 = arith.cmpi ne, %convert_element_type3A_77, %cond3A_78 : i32
    scf.if %cond3A_79 {
      "tpu.region"() ({
        %run_scoped3A = tpu.sem_alloc : memref<!tpu.dma_semaphore, #tpu.memory_space<semaphore_mem>>
        %dma_start3A = arith.constant 0 : i32
        %dma_start3A_85 = tpu.memref_slice %arg23[%mul3A_2, %dma_start3A] : memref<10000x16xf32, #tpu.memory_space<vmem_shared>> -> memref<640x16xf32, #tpu.memory_space<vmem_shared>>
        %dma_start3A_86 = arith.constant 0 : i32
        %dma_start3A_87 = tpu.memref_slice %arg23[%mul3A_2, %dma_start3A_86] : memref<10000x16xf32, #tpu.memory_space<vmem_shared>> -> memref<640x16xf32, #tpu.memory_space<vmem_shared>>
        tpu.enqueue_dma source(%dma_start3A_87 : memref<640x16xf32, #tpu.memory_space<vmem_shared>>) target(%arg20 : memref<640x16xf32, #tpu.memory_space<vmem>>) target_semaphore(%run_scoped3A : memref<!tpu.dma_semaphore, #tpu.memory_space<semaphore_mem>>)
        %dma_wait3A = arith.constant 0 : i32
        %dma_wait3A_88 = tpu.memref_slice %arg23[%mul3A_2, %dma_wait3A] : memref<10000x16xf32, #tpu.memory_space<vmem_shared>> -> memref<640x16xf32, #tpu.memory_space<vmem_shared>>
        %dma_wait3A_89 = arith.constant 0 : i32
        %dma_wait3A_90 = tpu.memref_slice %arg23[%mul3A_2, %dma_wait3A_89] : memref<10000x16xf32, #tpu.memory_space<vmem_shared>> -> memref<640x16xf32, #tpu.memory_space<vmem_shared>>
        tpu.wait_dma2 semaphore(%run_scoped3A : memref<!tpu.dma_semaphore, #tpu.memory_space<semaphore_mem>>) src(%dma_wait3A_90 : memref<640x16xf32, #tpu.memory_space<vmem_shared>>) dst(%arg20 : memref<640x16xf32, #tpu.memory_space<vmem>>)
        tpu.yield
      }) : () -> ()
      "tpu.region"() ({
        %run_scoped3A = tpu.sem_alloc : memref<!tpu.dma_semaphore, #tpu.memory_space<semaphore_mem>>
        %dma_start3A = arith.constant 0 : i32
        %dma_start3A_85 = tpu.memref_slice %arg12[%arg0, %mul3A_2, %dma_start3A] : memref<2x10000x16xf32, #tpu.memory_space<hbm>> -> memref<1x640x16xf32, #tpu.memory_space<hbm>>
        %dma_start3A_86 = tpu.memref_squeeze %dma_start3A_85 : memref<1x640x16xf32, #tpu.memory_space<hbm>> -> memref<640x16xf32, #tpu.memory_space<hbm>>
        %dma_start3A_87 = arith.constant 0 : i32
        %dma_start3A_88 = tpu.memref_slice %arg12[%arg0, %mul3A_2, %dma_start3A_87] : memref<2x10000x16xf32, #tpu.memory_space<hbm>> -> memref<1x640x16xf32, #tpu.memory_space<hbm>>
        %dma_start3A_89 = tpu.memref_squeeze %dma_start3A_88 : memref<1x640x16xf32, #tpu.memory_space<hbm>> -> memref<640x16xf32, #tpu.memory_space<hbm>>
        tpu.enqueue_dma source(%arg20 : memref<640x16xf32, #tpu.memory_space<vmem>>) target(%dma_start3A_89 : memref<640x16xf32, #tpu.memory_space<hbm>>) target_semaphore(%run_scoped3A : memref<!tpu.dma_semaphore, #tpu.memory_space<semaphore_mem>>)
        %dma_wait3A = arith.constant 0 : i32
        %dma_wait3A_90 = tpu.memref_slice %arg12[%arg0, %mul3A_2, %dma_wait3A] : memref<2x10000x16xf32, #tpu.memory_space<hbm>> -> memref<1x640x16xf32, #tpu.memory_space<hbm>>
        %dma_wait3A_91 = tpu.memref_squeeze %dma_wait3A_90 : memref<1x640x16xf32, #tpu.memory_space<hbm>> -> memref<640x16xf32, #tpu.memory_space<hbm>>
        %dma_wait3A_92 = arith.constant 0 : i32
        %dma_wait3A_93 = tpu.memref_slice %arg12[%arg0, %mul3A_2, %dma_wait3A_92] : memref<2x10000x16xf32, #tpu.memory_space<hbm>> -> memref<1x640x16xf32, #tpu.memory_space<hbm>>
        %dma_wait3A_94 = tpu.memref_squeeze %dma_wait3A_93 : memref<1x640x16xf32, #tpu.memory_space<hbm>> -> memref<640x16xf32, #tpu.memory_space<hbm>>
        tpu.wait_dma2 semaphore(%run_scoped3A : memref<!tpu.dma_semaphore, #tpu.memory_space<semaphore_mem>>) src(%arg20 : memref<640x16xf32, #tpu.memory_space<vmem>>) dst(%dma_wait3A_94 : memref<640x16xf32, #tpu.memory_space<hbm>>)
        tpu.yield
      }) : () -> ()
    } else {
    }
    %not3A_80 = arith.constant true
    %not3A_81 = arith.xori %eq3A_3, %not3A_80 : i1
    %convert_element_type3A_82 = arith.extui %not3A_81 : i1 to i32
    %cond3A_83 = arith.constant 0 : i32
    %cond3A_84 = arith.cmpi ne, %convert_element_type3A_82, %cond3A_83 : i32
    scf.if %cond3A_84 {
      "tpu.region"() ({
        %run_scoped3A = tpu.sem_alloc : memref<!tpu.dma_semaphore, #tpu.memory_space<semaphore_mem>>
        %dma_start3A = arith.constant 0 : i32
        %dma_start3A_85 = arith.constant 0 : i32
        %dma_start3A_86 = tpu.memref_slice %arg20[%dma_start3A, %dma_start3A_85] : memref<640x16xf32, #tpu.memory_space<vmem>> -> memref<624x16xf32, #tpu.memory_space<vmem>>
        %dma_start3A_87 = arith.constant 0 : i32
        %dma_start3A_88 = tpu.memref_slice %arg23[%mul3A_2, %dma_start3A_87] : memref<10000x16xf32, #tpu.memory_space<vmem_shared>> -> memref<624x16xf32, #tpu.memory_space<vmem_shared>>
        %dma_start3A_89 = arith.constant 0 : i32
        %dma_start3A_90 = arith.constant 0 : i32
        %dma_start3A_91 = tpu.memref_slice %arg20[%dma_start3A_89, %dma_start3A_90] : memref<640x16xf32, #tpu.memory_space<vmem>> -> memref<624x16xf32, #tpu.memory_space<vmem>>
        %dma_start3A_92 = arith.constant 0 : i32
        %dma_start3A_93 = tpu.memref_slice %arg23[%mul3A_2, %dma_start3A_92] : memref<10000x16xf32, #tpu.memory_space<vmem_shared>> -> memref<624x16xf32, #tpu.memory_space<vmem_shared>>
        tpu.enqueue_dma source(%dma_start3A_93 : memref<624x16xf32, #tpu.memory_space<vmem_shared>>) target(%dma_start3A_91 : memref<624x16xf32, #tpu.memory_space<vmem>>) target_semaphore(%run_scoped3A : memref<!tpu.dma_semaphore, #tpu.memory_space<semaphore_mem>>)
        %dma_wait3A = arith.constant 0 : i32
        %dma_wait3A_94 = arith.constant 0 : i32
        %dma_wait3A_95 = tpu.memref_slice %arg20[%dma_wait3A, %dma_wait3A_94] : memref<640x16xf32, #tpu.memory_space<vmem>> -> memref<624x16xf32, #tpu.memory_space<vmem>>
        %dma_wait3A_96 = arith.constant 0 : i32
        %dma_wait3A_97 = tpu.memref_slice %arg23[%mul3A_2, %dma_wait3A_96] : memref<10000x16xf32, #tpu.memory_space<vmem_shared>> -> memref<624x16xf32, #tpu.memory_space<vmem_shared>>
        %dma_wait3A_98 = arith.constant 0 : i32
        %dma_wait3A_99 = arith.constant 0 : i32
        %dma_wait3A_100 = tpu.memref_slice %arg20[%dma_wait3A_98, %dma_wait3A_99] : memref<640x16xf32, #tpu.memory_space<vmem>> -> memref<624x16xf32, #tpu.memory_space<vmem>>
        %dma_wait3A_101 = arith.constant 0 : i32
        %dma_wait3A_102 = tpu.memref_slice %arg23[%mul3A_2, %dma_wait3A_101] : memref<10000x16xf32, #tpu.memory_space<vmem_shared>> -> memref<624x16xf32, #tpu.memory_space<vmem_shared>>
        tpu.wait_dma2 semaphore(%run_scoped3A : memref<!tpu.dma_semaphore, #tpu.memory_space<semaphore_mem>>) src(%dma_wait3A_102 : memref<624x16xf32, #tpu.memory_space<vmem_shared>>) dst(%dma_wait3A_100 : memref<624x16xf32, #tpu.memory_space<vmem>>)
        tpu.yield
      }) : () -> ()
      "tpu.region"() ({
        %run_scoped3A = tpu.sem_alloc : memref<!tpu.dma_semaphore, #tpu.memory_space<semaphore_mem>>
        %dma_start3A = arith.constant 0 : i32
        %dma_start3A_85 = arith.constant 0 : i32
        %dma_start3A_86 = tpu.memref_slice %arg20[%dma_start3A, %dma_start3A_85] : memref<640x16xf32, #tpu.memory_space<vmem>> -> memref<624x16xf32, #tpu.memory_space<vmem>>
        %dma_start3A_87 = arith.constant 0 : i32
        %dma_start3A_88 = tpu.memref_slice %arg12[%arg0, %mul3A_2, %dma_start3A_87] : memref<2x10000x16xf32, #tpu.memory_space<hbm>> -> memref<1x624x16xf32, #tpu.memory_space<hbm>>
        %dma_start3A_89 = tpu.memref_squeeze %dma_start3A_88 : memref<1x624x16xf32, #tpu.memory_space<hbm>> -> memref<624x16xf32, #tpu.memory_space<hbm>>
        %dma_start3A_90 = arith.constant 0 : i32
        %dma_start3A_91 = tpu.memref_slice %arg12[%arg0, %mul3A_2, %dma_start3A_90] : memref<2x10000x16xf32, #tpu.memory_space<hbm>> -> memref<1x624x16xf32, #tpu.memory_space<hbm>>
        %dma_start3A_92 = tpu.memref_squeeze %dma_start3A_91 : memref<1x624x16xf32, #tpu.memory_space<hbm>> -> memref<624x16xf32, #tpu.memory_space<hbm>>
        %dma_start3A_93 = arith.constant 0 : i32
        %dma_start3A_94 = arith.constant 0 : i32
        %dma_start3A_95 = tpu.memref_slice %arg20[%dma_start3A_93, %dma_start3A_94] : memref<640x16xf32, #tpu.memory_space<vmem>> -> memref<624x16xf32, #tpu.memory_space<vmem>>
        tpu.enqueue_dma source(%dma_start3A_95 : memref<624x16xf32, #tpu.memory_space<vmem>>) target(%dma_start3A_92 : memref<624x16xf32, #tpu.memory_space<hbm>>) target_semaphore(%run_scoped3A : memref<!tpu.dma_semaphore, #tpu.memory_space<semaphore_mem>>)
        %dma_wait3A = arith.constant 0 : i32
        %dma_wait3A_96 = arith.constant 0 : i32
        %dma_wait3A_97 = tpu.memref_slice %arg20[%dma_wait3A, %dma_wait3A_96] : memref<640x16xf32, #tpu.memory_space<vmem>> -> memref<624x16xf32, #tpu.memory_space<vmem>>
        %dma_wait3A_98 = arith.constant 0 : i32
        %dma_wait3A_99 = tpu.memref_slice %arg12[%arg0, %mul3A_2, %dma_wait3A_98] : memref<2x10000x16xf32, #tpu.memory_space<hbm>> -> memref<1x624x16xf32, #tpu.memory_space<hbm>>
        %dma_wait3A_100 = tpu.memref_squeeze %dma_wait3A_99 : memref<1x624x16xf32, #tpu.memory_space<hbm>> -> memref<624x16xf32, #tpu.memory_space<hbm>>
        %dma_wait3A_101 = arith.constant 0 : i32
        %dma_wait3A_102 = tpu.memref_slice %arg12[%arg0, %mul3A_2, %dma_wait3A_101] : memref<2x10000x16xf32, #tpu.memory_space<hbm>> -> memref<1x624x16xf32, #tpu.memory_space<hbm>>
        %dma_wait3A_103 = tpu.memref_squeeze %dma_wait3A_102 : memref<1x624x16xf32, #tpu.memory_space<hbm>> -> memref<624x16xf32, #tpu.memory_space<hbm>>
        %dma_wait3A_104 = arith.constant 0 : i32
        %dma_wait3A_105 = arith.constant 0 : i32
        %dma_wait3A_106 = tpu.memref_slice %arg20[%dma_wait3A_104, %dma_wait3A_105] : memref<640x16xf32, #tpu.memory_space<vmem>> -> memref<624x16xf32, #tpu.memory_space<vmem>>
        tpu.wait_dma2 semaphore(%run_scoped3A : memref<!tpu.dma_semaphore, #tpu.memory_space<semaphore_mem>>) src(%dma_wait3A_106 : memref<624x16xf32, #tpu.memory_space<vmem>>) dst(%dma_wait3A_103 : memref<624x16xf32, #tpu.memory_space<hbm>>)
        tpu.yield
      }) : () -> ()
    } else {
    }
    return
  }
}

module attributes {stable_mosaic.version = 14 : i64} {
  func.func @_prep_body(%arg0: memref<10000x128xf32, #tpu.memory_space<vmem>>, %arg1: memref<128x128xf32, #tpu.memory_space<vmem>>, %arg2: memref<1x128xf32, #tpu.memory_space<vmem>>, %arg3: memref<10000x128xf32, #tpu.memory_space<vmem>>) attributes {dimension_semantics = [], scalar_prefetch = 0 : i64, scratch_operands = 0 : i64, tpu.core_type = #tpu.core_type<tc>} {
    %get3A = arith.constant 0 : index
    %get3A_0 = arith.constant 0 : index
    %get3A_1 = vector.load %arg0[%get3A, %get3A_0] : memref<10000x128xf32, #tpu.memory_space<vmem>>, vector<10000x128xf32>
    %get3A_2 = arith.constant 0 : index
    %get3A_3 = arith.constant 0 : index
    %get3A_4 = vector.load %arg1[%get3A_2, %get3A_3] : memref<128x128xf32, #tpu.memory_space<vmem>>, vector<128x128xf32>
    %dot_general3A = arith.constant dense<0.000000e+00> : vector<10000x128xf32>
    %dot_general3A_5 = tpu.matmul %get3A_1, %get3A_4, %dot_general3A {dimension_numbers = #tpu.dot_dimension_numbers<[1], [0], [0], [1], [0, 0, 1, 1], [], []>, transpose_lhs_hint = false} : vector<10000x128xf32>, vector<128x128xf32>, vector<10000x128xf32> -> vector<10000x128xf32>
    %get3A_6 = arith.constant 0 : index
    %get3A_7 = arith.constant 0 : index
    %get3A_8 = vector.load %arg2[%get3A_6, %get3A_7] : memref<1x128xf32, #tpu.memory_space<vmem>>, vector<1x128xf32>
    %add3A = vector.broadcast %get3A_8 : vector<1x128xf32> to vector<10000x128xf32>
    %add3A_9 = arith.addf %dot_general3A_5, %add3A : vector<10000x128xf32>
    %swap3A = arith.constant 0 : index
    %swap3A_10 = arith.constant 0 : index
    %swap3A_11 = vector.load %arg3[%swap3A, %swap3A_10] : memref<10000x128xf32, #tpu.memory_space<vmem>>, vector<10000x128xf32>
    tpu.vector_store %arg3[%swap3A, %swap3A_10], %add3A_9 {strides = array<i32>} : memref<10000x128xf32, #tpu.memory_space<vmem>>, vector<10000x128xf32>,
    return
  }
}

module attributes {stable_mosaic.version = 14 : i64} {
  func.func @_amat_body(%arg0: i32, %arg1: memref<2000x128xf32, #tpu.memory_space<vmem>>, %arg2: memref<2000x128xf32, #tpu.memory_space<vmem>>, %arg3: memref<2x16000xi32, #tpu.memory_space<vmem>>, %arg4: memref<2x16000xi32, #tpu.memory_space<vmem>>, %arg5: memref<128x128xf32, #tpu.memory_space<vmem>>, %arg6: memref<128x128xf32, #tpu.memory_space<vmem>>, %arg7: memref<2000x128xf32, #tpu.memory_space<vmem>>, %arg8: memref<2000x128xf32, #tpu.memory_space<vmem>>, %arg9: memref<320000xi32, #tpu.memory_space<vmem>>, %arg10: memref<320000xi32, #tpu.memory_space<vmem>>, %arg11: memref<320000xi32, #tpu.memory_space<vmem>>, %arg12: memref<320000xi32, #tpu.memory_space<vmem>>) attributes {dimension_semantics = [#tpu.dimension_semantics<arbitrary>], iteration_bounds = array<i64: 20>, scalar_prefetch = 0 : i64, scratch_operands = 0 : i64, tpu.core_type = #tpu.core_type<tc>, window_params = [{transform_indices = @transform_0, window_bounds = array<i64: 2000, 128>}, {transform_indices = @transform_1, window_bounds = array<i64: 2000, 128>}, {transform_indices = @transform_2, window_bounds = array<i64: 2, 16000>}, {transform_indices = @transform_3, window_bounds = array<i64: 2, 16000>}, {pipeline_mode = #tpu.pipeline_mode<synchronous>, transform_indices = @transform_4, window_bounds = array<i64: 128, 128>}, {pipeline_mode = #tpu.pipeline_mode<synchronous>, transform_indices = @transform_5, window_bounds = array<i64: 128, 128>}, {transform_indices = @transform_6, window_bounds = array<i64: 2000, 128>}, {transform_indices = @transform_7, window_bounds = array<i64: 2000, 128>}, {pipeline_mode = #tpu.pipeline_mode<synchronous>, transform_indices = @transform_8, window_bounds = array<i64: 320000>}, {pipeline_mode = #tpu.pipeline_mode<synchronous>, transform_indices = @transform_9, window_bounds = array<i64: 320000>}, {pipeline_mode = #tpu.pipeline_mode<synchronous>, transform_indices = @transform_10, window_bounds = array<i64: 320000>}, {pipeline_mode = #tpu.pipeline_mode<synchronous>, transform_indices = @transform_11, window_bounds = array<i64: 320000>}]} {
    %get3A = arith.constant 0 : index
    %get3A_0 = arith.constant 0 : index
    %get3A_1 = vector.load %arg1[%get3A, %get3A_0] : memref<2000x128xf32, #tpu.memory_space<vmem>>, vector<2000x128xf32>
    %get3A_2 = arith.constant 0 : index
    %get3A_3 = arith.constant 0 : index
    %get3A_4 = vector.load %arg5[%get3A_2, %get3A_3] : memref<128x128xf32, #tpu.memory_space<vmem>>, vector<128x128xf32>
    %dot_general3A = arith.constant dense<0.000000e+00> : vector<2000x128xf32>
    %dot_general3A_5 = tpu.matmul %get3A_1, %get3A_4, %dot_general3A {dimension_numbers = #tpu.dot_dimension_numbers<[1], [0], [0], [1], [0, 0, 1, 1], [], []>, transpose_lhs_hint = false} : vector<2000x128xf32>, vector<128x128xf32>, vector<2000x128xf32> -> vector<2000x128xf32>
    %swap3A = arith.constant 0 : index
    %swap3A_6 = arith.constant 0 : index
    %swap3A_7 = vector.load %arg7[%swap3A, %swap3A_6] : memref<2000x128xf32, #tpu.memory_space<vmem>>, vector<2000x128xf32>
    tpu.vector_store %arg7[%swap3A, %swap3A_6], %dot_general3A_5 {strides = array<i32>} : memref<2000x128xf32, #tpu.memory_space<vmem>>, vector<2000x128xf32>,
    %get3A_8 = arith.constant 0 : index
    %get3A_9 = arith.constant 0 : index
    %get3A_10 = vector.load %arg2[%get3A_8, %get3A_9] : memref<2000x128xf32, #tpu.memory_space<vmem>>, vector<2000x128xf32>
    %get3A_11 = arith.constant 0 : index
    %get3A_12 = arith.constant 0 : index
    %get3A_13 = vector.load %arg6[%get3A_11, %get3A_12] : memref<128x128xf32, #tpu.memory_space<vmem>>, vector<128x128xf32>
    %dot_general3A_14 = arith.constant dense<0.000000e+00> : vector<2000x128xf32>
    %dot_general3A_15 = tpu.matmul %get3A_10, %get3A_13, %dot_general3A_14 {dimension_numbers = #tpu.dot_dimension_numbers<[1], [0], [0], [1], [0, 0, 1, 1], [], []>, transpose_lhs_hint = false} : vector<2000x128xf32>, vector<128x128xf32>, vector<2000x128xf32> -> vector<2000x128xf32>
    %swap3A_16 = arith.constant 0 : index
    %swap3A_17 = arith.constant 0 : index
    %swap3A_18 = vector.load %arg8[%swap3A_16, %swap3A_17] : memref<2000x128xf32, #tpu.memory_space<vmem>>, vector<2000x128xf32>
    tpu.vector_store %arg8[%swap3A_16, %swap3A_17], %dot_general3A_15 {strides = array<i32>} : memref<2000x128xf32, #tpu.memory_space<vmem>>, vector<2000x128xf32>,
    %get3A_19 = arith.constant 0 : index
    %get3A_20 = arith.constant 0 : index
    %get3A_21 = vector.load %arg3[%get3A_19, %get3A_20] : memref<2x16000xi32, #tpu.memory_space<vmem>>, vector<1x16000xi32>
    %get3A_22 = vector.shape_cast %get3A_21 : vector<1x16000xi32> to vector<16000xi32>
    %mul3A = arith.constant 16000 : i32
    %mul3A_23 = arith.muli %arg0, %mul3A : i32
    %swap3A_24 = arith.index_cast %mul3A_23 : i32 to index
    %swap3A_25 = vector.load %arg9[%swap3A_24] : memref<320000xi32, #tpu.memory_space<vmem>>, vector<16000xi32>
    tpu.vector_store %arg9[%swap3A_24], %get3A_22 {strides = array<i32>} : memref<320000xi32, #tpu.memory_space<vmem>>, vector<16000xi32>,
    %get3A_26 = arith.constant 1 : index
    %get3A_27 = arith.constant 0 : index
    %get3A_28 = vector.load %arg3[%get3A_26, %get3A_27] : memref<2x16000xi32, #tpu.memory_space<vmem>>, vector<1x16000xi32>
    %get3A_29 = vector.shape_cast %get3A_28 : vector<1x16000xi32> to vector<16000xi32>
    %mul3A_30 = arith.constant 16000 : i32
    %mul3A_31 = arith.muli %arg0, %mul3A_30 : i32
    %swap3A_32 = arith.index_cast %mul3A_31 : i32 to index
    %swap3A_33 = vector.load %arg10[%swap3A_32] : memref<320000xi32, #tpu.memory_space<vmem>>, vector<16000xi32>
    tpu.vector_store %arg10[%swap3A_32], %get3A_29 {strides = array<i32>} : memref<320000xi32, #tpu.memory_space<vmem>>, vector<16000xi32>,
    %get3A_34 = arith.constant 0 : index
    %get3A_35 = arith.constant 0 : index
    %get3A_36 = vector.load %arg4[%get3A_34, %get3A_35] : memref<2x16000xi32, #tpu.memory_space<vmem>>, vector<1x16000xi32>
    %get3A_37 = vector.shape_cast %get3A_36 : vector<1x16000xi32> to vector<16000xi32>
    %mul3A_38 = arith.constant 16000 : i32
    %mul3A_39 = arith.muli %arg0, %mul3A_38 : i32
    %swap3A_40 = arith.index_cast %mul3A_39 : i32 to index
    %swap3A_41 = vector.load %arg11[%swap3A_40] : memref<320000xi32, #tpu.memory_space<vmem>>, vector<16000xi32>
    tpu.vector_store %arg11[%swap3A_40], %get3A_37 {strides = array<i32>} : memref<320000xi32, #tpu.memory_space<vmem>>, vector<16000xi32>,
    %get3A_42 = arith.constant 1 : index
    %get3A_43 = arith.constant 0 : index
    %get3A_44 = vector.load %arg4[%get3A_42, %get3A_43] : memref<2x16000xi32, #tpu.memory_space<vmem>>, vector<1x16000xi32>
    %get3A_45 = vector.shape_cast %get3A_44 : vector<1x16000xi32> to vector<16000xi32>
    %mul3A_46 = arith.constant 16000 : i32
    %mul3A_47 = arith.muli %arg0, %mul3A_46 : i32
    %swap3A_48 = arith.index_cast %mul3A_47 : i32 to index
    %swap3A_49 = vector.load %arg12[%swap3A_48] : memref<320000xi32, #tpu.memory_space<vmem>>, vector<16000xi32>
    tpu.vector_store %arg12[%swap3A_48], %get3A_45 {strides = array<i32>} : memref<320000xi32, #tpu.memory_space<vmem>>, vector<16000xi32>,
    return
  }
  func.func @transform_0(%arg0: i32) -> (i32, i32) {
    %c0_i32 = arith.constant 0 : i32
    %c0_i32_0 = arith.constant 0 : i32
    return %arg0, %c0_i32 : i32, i32
  }
  func.func @transform_1(%arg0: i32) -> (i32, i32) {
    %c0_i32 = arith.constant 0 : i32
    %c0_i32_0 = arith.constant 0 : i32
    return %arg0, %c0_i32 : i32, i32
  }
  func.func @transform_2(%arg0: i32) -> (i32, i32) {
    %c0_i32 = arith.constant 0 : i32
    %c0_i32_0 = arith.constant 0 : i32
    return %c0_i32, %arg0 : i32, i32
  }
  func.func @transform_3(%arg0: i32) -> (i32, i32) {
    %c0_i32 = arith.constant 0 : i32
    %c0_i32_0 = arith.constant 0 : i32
    return %c0_i32, %arg0 : i32, i32
  }
  func.func @transform_4(%arg0: i32) -> (i32, i32) {
    %c0_i32 = arith.constant 0 : i32
    %c0_i32_0 = arith.constant 0 : i32
    %c0_i32_1 = arith.constant 0 : i32
    return %c0_i32, %c0_i32_0 : i32, i32
  }
  func.func @transform_5(%arg0: i32) -> (i32, i32) {
    %c0_i32 = arith.constant 0 : i32
    %c0_i32_0 = arith.constant 0 : i32
    %c0_i32_1 = arith.constant 0 : i32
    return %c0_i32, %c0_i32_0 : i32, i32
  }
  func.func @transform_6(%arg0: i32) -> (i32, i32) {
    %c0_i32 = arith.constant 0 : i32
    %c0_i32_0 = arith.constant 0 : i32
    return %arg0, %c0_i32 : i32, i32
  }
  func.func @transform_7(%arg0: i32) -> (i32, i32) {
    %c0_i32 = arith.constant 0 : i32
    %c0_i32_0 = arith.constant 0 : i32
    return %arg0, %c0_i32 : i32, i32
  }
  func.func @transform_8(%arg0: i32) -> i32 {
    %c0_i32 = arith.constant 0 : i32
    %c0_i32_0 = arith.constant 0 : i32
    return %c0_i32 : i32
  }
  func.func @transform_9(%arg0: i32) -> i32 {
    %c0_i32 = arith.constant 0 : i32
    %c0_i32_0 = arith.constant 0 : i32
    return %c0_i32 : i32
  }
  func.func @transform_10(%arg0: i32) -> i32 {
    %c0_i32 = arith.constant 0 : i32
    %c0_i32_0 = arith.constant 0 : i32
    return %c0_i32 : i32
  }
  func.func @transform_11(%arg0: i32) -> i32 {
    %c0_i32 = arith.constant 0 : i32
    %c0_i32_0 = arith.constant 0 : i32
    return %c0_i32 : i32
  }
}

module attributes {stable_mosaic.version = 14 : i64} {
  func.func @_node_body(%arg0: i32, %arg1: memref<2000x128xf32, #tpu.memory_space<vmem>>, %arg2: memref<2x2000x16xf32, #tpu.memory_space<vmem>>, %arg3: memref<2x2000x16xf32, #tpu.memory_space<vmem>>, %arg4: memref<128x128xf32, #tpu.memory_space<vmem>>, %arg5: memref<32x128xf32, #tpu.memory_space<vmem>>, %arg6: memref<1x128xf32, #tpu.memory_space<vmem>>, %arg7: memref<160x32xf32, #tpu.memory_space<vmem>>, %arg8: memref<1x32xf32, #tpu.memory_space<vmem>>, %arg9: memref<1x32xf32, #tpu.memory_space<vmem>>, %arg10: memref<2000x128xf32, #tpu.memory_space<vmem>>, %arg11: memref<1x32xf32, #tpu.memory_space<vmem>>, %arg12: memref<1x128xf32, #tpu.memory_space<vmem>>) attributes {dimension_semantics = [#tpu.dimension_semantics<arbitrary>], iteration_bounds = array<i64: 5>, scalar_prefetch = 0 : i64, scratch_operands = 1 : i64, tpu.core_type = #tpu.core_type<tc>, window_params = [{transform_indices = @transform_0, window_bounds = array<i64: 2000, 128>}, {transform_indices = @transform_1, window_bounds = array<i64: 2, 2000, 16>}, {transform_indices = @transform_2, window_bounds = array<i64: 2, 2000, 16>}, {pipeline_mode = #tpu.pipeline_mode<synchronous>, transform_indices = @transform_3, window_bounds = array<i64: 128, 128>}, {pipeline_mode = #tpu.pipeline_mode<synchronous>, transform_indices = @transform_4, window_bounds = array<i64: 32, 128>}, {pipeline_mode = #tpu.pipeline_mode<synchronous>, transform_indices = @transform_5, window_bounds = array<i64: 1, 128>}, {pipeline_mode = #tpu.pipeline_mode<synchronous>, transform_indices = @transform_6, window_bounds = array<i64: 160, 32>}, {pipeline_mode = #tpu.pipeline_mode<synchronous>, transform_indices = @transform_7, window_bounds = array<i64: 1, 32>}, {pipeline_mode = #tpu.pipeline_mode<synchronous>, transform_indices = @transform_8, window_bounds = array<i64: 1, 32>}, {transform_indices = @transform_9, window_bounds = array<i64: 2000, 128>}, {pipeline_mode = #tpu.pipeline_mode<synchronous>, transform_indices = @transform_10, window_bounds = array<i64: 1, 32>}]} {
    %get3A = arith.constant 0 : index
    %get3A_0 = arith.constant 0 : index
    %get3A_1 = arith.constant 0 : index
    %get3A_2 = vector.load %arg2[%get3A, %get3A_0, %get3A_1] : memref<2x2000x16xf32, #tpu.memory_space<vmem>>, vector<1x2000x16xf32>
    %get3A_3 = vector.shape_cast %get3A_2 : vector<1x2000x16xf32> to vector<2000x16xf32>
    %get3A_4 = arith.constant 1 : index
    %get3A_5 = arith.constant 0 : index
    %get3A_6 = arith.constant 0 : index
    %get3A_7 = vector.load %arg2[%get3A_4, %get3A_5, %get3A_6] : memref<2x2000x16xf32, #tpu.memory_space<vmem>>, vector<1x2000x16xf32>
    %get3A_8 = vector.shape_cast %get3A_7 : vector<1x2000x16xf32> to vector<2000x16xf32>
    %add3A = arith.addf %get3A_3, %get3A_8 : vector<2000x16xf32>
    %get3A_9 = arith.constant 0 : index
    %get3A_10 = arith.constant 0 : index
    %get3A_11 = arith.constant 0 : index
    %get3A_12 = vector.load %arg3[%get3A_9, %get3A_10, %get3A_11] : memref<2x2000x16xf32, #tpu.memory_space<vmem>>, vector<1x2000x16xf32>
    %get3A_13 = vector.shape_cast %get3A_12 : vector<1x2000x16xf32> to vector<2000x16xf32>
    %get3A_14 = arith.constant 1 : index
    %get3A_15 = arith.constant 0 : index
    %get3A_16 = arith.constant 0 : index
    %get3A_17 = vector.load %arg3[%get3A_14, %get3A_15, %get3A_16] : memref<2x2000x16xf32, #tpu.memory_space<vmem>>, vector<1x2000x16xf32>
    %get3A_18 = vector.shape_cast %get3A_17 : vector<1x2000x16xf32> to vector<2000x16xf32>
    %add3A_19 = arith.addf %get3A_13, %get3A_18 : vector<2000x16xf32>
    %concatenate3A = tpu.concatenate %add3A, %add3A_19 in 1 : vector<2000x16xf32>, vector<2000x16xf32> -> vector<2000x32xf32>
    %get3A_20 = arith.constant 0 : index
    %get3A_21 = arith.constant 0 : index
    %get3A_22 = vector.load %arg1[%get3A_20, %get3A_21] : memref<2000x128xf32, #tpu.memory_space<vmem>>, vector<2000x128xf32>
    %get3A_23 = arith.constant 0 : index
    %get3A_24 = arith.constant 0 : index
    %get3A_25 = vector.load %arg4[%get3A_23, %get3A_24] : memref<128x128xf32, #tpu.memory_space<vmem>>, vector<128x128xf32>
    %dot_general3A = arith.constant dense<0.000000e+00> : vector<2000x128xf32>
    %dot_general3A_26 = tpu.matmul %get3A_22, %get3A_25, %dot_general3A {dimension_numbers = #tpu.dot_dimension_numbers<[1], [0], [0], [1], [0, 0, 1, 1], [], []>, transpose_lhs_hint = false} : vector<2000x128xf32>, vector<128x128xf32>, vector<2000x128xf32> -> vector<2000x128xf32>
    %get3A_27 = arith.constant 0 : index
    %get3A_28 = arith.constant 0 : index
    %get3A_29 = vector.load %arg5[%get3A_27, %get3A_28] : memref<32x128xf32, #tpu.memory_space<vmem>>, vector<32x128xf32>
    %dot_general3A_30 = arith.constant dense<0.000000e+00> : vector<2000x128xf32>
    %dot_general3A_31 = tpu.matmul %concatenate3A, %get3A_29, %dot_general3A_30 {dimension_numbers = #tpu.dot_dimension_numbers<[1], [0], [0], [1], [0, 0, 1, 1], [], []>, transpose_lhs_hint = false} : vector<2000x32xf32>, vector<32x128xf32>, vector<2000x128xf32> -> vector<2000x128xf32>
    %add3A_32 = arith.addf %dot_general3A_26, %dot_general3A_31 : vector<2000x128xf32>
    %get3A_33 = arith.constant 0 : index
    %get3A_34 = arith.constant 0 : index
    %get3A_35 = vector.load %arg6[%get3A_33, %get3A_34] : memref<1x128xf32, #tpu.memory_space<vmem>>, vector<1x128xf32>
    %add3A_36 = vector.broadcast %get3A_35 : vector<1x128xf32> to vector<2000x128xf32>
    %add3A_37 = arith.addf %add3A_32, %add3A_36 : vector<2000x128xf32>
    %swap3A = arith.constant 0 : index
    %swap3A_38 = arith.constant 0 : index
    %swap3A_39 = vector.load %arg10[%swap3A, %swap3A_38] : memref<2000x128xf32, #tpu.memory_space<vmem>>, vector<2000x128xf32>
    tpu.vector_store %arg10[%swap3A, %swap3A_38], %add3A_37 {strides = array<i32>} : memref<2000x128xf32, #tpu.memory_space<vmem>>, vector<2000x128xf32>,
    %eq3A = arith.constant 0 : i32
    %eq3A_40 = arith.cmpi eq, %arg0, %eq3A : i32
    %convert_element_type3A = arith.extui %eq3A_40 : i1 to i32
    %cond3A = arith.constant 0 : i32
    %cond3A_41 = arith.cmpi ne, %convert_element_type3A, %cond3A : i32
    scf.if %cond3A_41 {
      %broadcast_in_dim3A_55 = arith.constant 0.000000e+00 : f32
      %broadcast_in_dim3A_56 = vector.broadcast %broadcast_in_dim3A_55 : f32 to vector<1x128xf32>
      %swap3A_57 = arith.constant 0 : index
      %swap3A_58 = arith.constant 0 : index
      %swap3A_59 = vector.load %arg12[%swap3A_57, %swap3A_58] : memref<1x128xf32, #tpu.memory_space<vmem>>, vector<1x128xf32>
      tpu.vector_store %arg12[%swap3A_57, %swap3A_58], %broadcast_in_dim3A_56 {strides = array<i32>} : memref<1x128xf32, #tpu.memory_space<vmem>>, vector<1x128xf32>,
    } else {
    }
    %get3A_42 = arith.constant 0 : index
    %get3A_43 = arith.constant 0 : index
    %get3A_44 = vector.load %arg12[%get3A_42, %get3A_43] : memref<1x128xf32, #tpu.memory_space<vmem>>, vector<1x128xf32>
    %reduce_sum3A = arith.constant dense<0.000000e+00> : vector<128xf32>
    %reduce_sum3A_45 = vector.multi_reduction <add>, %add3A_37, %reduce_sum3A [0] : vector<2000x128xf32> to vector<128xf32>
    %broadcast_in_dim3A = vector.shape_cast %reduce_sum3A_45 : vector<128xf32> to vector<1x128xf32>
    %add3A_46 = arith.addf %get3A_44, %broadcast_in_dim3A : vector<1x128xf32>
    %swap3A_47 = arith.constant 0 : index
    %swap3A_48 = arith.constant 0 : index
    %swap3A_49 = vector.load %arg12[%swap3A_47, %swap3A_48] : memref<1x128xf32, #tpu.memory_space<vmem>>, vector<1x128xf32>
    tpu.vector_store %arg12[%swap3A_47, %swap3A_48], %add3A_46 {strides = array<i32>} : memref<1x128xf32, #tpu.memory_space<vmem>>, vector<1x128xf32>,
    %eq3A_50 = arith.constant 4 : i32
    %eq3A_51 = arith.cmpi eq, %arg0, %eq3A_50 : i32
    %convert_element_type3A_52 = arith.extui %eq3A_51 : i1 to i32
    %cond3A_53 = arith.constant 0 : i32
    %cond3A_54 = arith.cmpi ne, %convert_element_type3A_52, %cond3A_53 : i32
    scf.if %cond3A_54 {
      %get3A_55 = arith.constant 0 : index
      %get3A_56 = arith.constant 0 : index
      %get3A_57 = vector.load %arg12[%get3A_55, %get3A_56] : memref<1x128xf32, #tpu.memory_space<vmem>>, vector<1x128xf32>
      %div3A = arith.constant 1.000000e+04 : f32
      %div3A_58 = vector.broadcast %div3A : f32 to vector<1x128xf32>
      %div3A_59 = arith.divf %get3A_57, %div3A_58 : vector<1x128xf32>
      %get3A_60 = arith.constant 0 : index
      %get3A_61 = arith.constant 0 : index
      %get3A_62 = vector.load %arg7[%get3A_60, %get3A_61] : memref<160x32xf32, #tpu.memory_space<vmem>>, vector<128x32xf32>
      %dot_general3A_63 = arith.constant dense<0.000000e+00> : vector<1x32xf32>
      %dot_general3A_64 = tpu.matmul %div3A_59, %get3A_62, %dot_general3A_63 {dimension_numbers = #tpu.dot_dimension_numbers<[1], [0], [0], [1], [0, 0, 1, 1], [], []>, transpose_lhs_hint = false} : vector<1x128xf32>, vector<128x32xf32>, vector<1x32xf32> -> vector<1x32xf32>
      %get3A_65 = arith.constant 0 : index
      %get3A_66 = arith.constant 0 : index
      %get3A_67 = vector.load %arg8[%get3A_65, %get3A_66] : memref<1x32xf32, #tpu.memory_space<vmem>>, vector<1x32xf32>
      %get3A_68 = arith.constant 128 : index
      %get3A_69 = arith.constant 0 : index
      %get3A_70 = vector.load %arg7[%get3A_68, %get3A_69] : memref<160x32xf32, #tpu.memory_space<vmem>>, vector<32x32xf32>
      %dot_general3A_71 = arith.constant dense<0.000000e+00> : vector<1x32xf32>
      %dot_general3A_72 = tpu.matmul %get3A_67, %get3A_70, %dot_general3A_71 {dimension_numbers = #tpu.dot_dimension_numbers<[1], [0], [0], [1], [0, 0, 1, 1], [], []>, transpose_lhs_hint = false} : vector<1x32xf32>, vector<32x32xf32>, vector<1x32xf32> -> vector<1x32xf32>
      %add3A_73 = arith.addf %dot_general3A_64, %dot_general3A_72 : vector<1x32xf32>
      %get3A_74 = arith.constant 0 : index
      %get3A_75 = arith.constant 0 : index
      %get3A_76 = vector.load %arg9[%get3A_74, %get3A_75] : memref<1x32xf32, #tpu.memory_space<vmem>>, vector<1x32xf32>
      %add3A_77 = arith.addf %add3A_73, %get3A_76 : vector<1x32xf32>
      %swap3A_78 = arith.constant 0 : index
      %swap3A_79 = arith.constant 0 : index
      %swap3A_80 = vector.load %arg11[%swap3A_78, %swap3A_79] : memref<1x32xf32, #tpu.memory_space<vmem>>, vector<1x32xf32>
      tpu.vector_store %arg11[%swap3A_78, %swap3A_79], %add3A_77 {strides = array<i32>} : memref<1x32xf32, #tpu.memory_space<vmem>>, vector<1x32xf32>,
    } else {
    }
    return
  }
  func.func @transform_0(%arg0: i32) -> (i32, i32) {
    %c0_i32 = arith.constant 0 : i32
    %c0_i32_0 = arith.constant 0 : i32
    return %arg0, %c0_i32 : i32, i32
  }
  func.func @transform_1(%arg0: i32) -> (i32, i32, i32) {
    %c0_i32 = arith.constant 0 : i32
    %c0_i32_0 = arith.constant 0 : i32
    %c0_i32_1 = arith.constant 0 : i32
    return %c0_i32, %arg0, %c0_i32_0 : i32, i32, i32
  }
  func.func @transform_2(%arg0: i32) -> (i32, i32, i32) {
    %c0_i32 = arith.constant 0 : i32
    %c0_i32_0 = arith.constant 0 : i32
    %c0_i32_1 = arith.constant 0 : i32
    return %c0_i32, %arg0, %c0_i32_0 : i32, i32, i32
  }
  func.func @transform_3(%arg0: i32) -> (i32, i32) {
    %c0_i32 = arith.constant 0 : i32
    %c0_i32_0 = arith.constant 0 : i32
    %c0_i32_1 = arith.constant 0 : i32
    return %c0_i32, %c0_i32_0 : i32, i32
  }
  func.func @transform_4(%arg0: i32) -> (i32, i32) {
    %c0_i32 = arith.constant 0 : i32
    %c0_i32_0 = arith.constant 0 : i32
    %c0_i32_1 = arith.constant 0 : i32
    return %c0_i32, %c0_i32_0 : i32, i32
  }
  func.func @transform_5(%arg0: i32) -> (i32, i32) {
    %c0_i32 = arith.constant 0 : i32
    %c0_i32_0 = arith.constant 0 : i32
    %c0_i32_1 = arith.constant 0 : i32
    return %c0_i32, %c0_i32_0 : i32, i32
  }
  func.func @transform_6(%arg0: i32) -> (i32, i32) {
    %c0_i32 = arith.constant 0 : i32
    %c0_i32_0 = arith.constant 0 : i32
    %c0_i32_1 = arith.constant 0 : i32
    return %c0_i32, %c0_i32_0 : i32, i32
  }
  func.func @transform_7(%arg0: i32) -> (i32, i32) {
    %c0_i32 = arith.constant 0 : i32
    %c0_i32_0 = arith.constant 0 : i32
    %c0_i32_1 = arith.constant 0 : i32
    return %c0_i32, %c0_i32_0 : i32, i32
  }
  func.func @transform_8(%arg0: i32) -> (i32, i32) {
    %c0_i32 = arith.constant 0 : i32
    %c0_i32_0 = arith.constant 0 : i32
    %c0_i32_1 = arith.constant 0 : i32
    return %c0_i32, %c0_i32_0 : i32, i32
  }
  func.func @transform_9(%arg0: i32) -> (i32, i32) {
    %c0_i32 = arith.constant 0 : i32
    %c0_i32_0 = arith.constant 0 : i32
    return %arg0, %c0_i32 : i32, i32
  }
  func.func @transform_10(%arg0: i32) -> (i32, i32) {
    %c0_i32 = arith.constant 0 : i32
    %c0_i32_0 = arith.constant 0 : i32
    %c0_i32_1 = arith.constant 0 : i32
    return %c0_i32, %c0_i32_0 : i32, i32
  }
}

</mosaic_0001>

<sc_bundles>
// kernel: kernel.6.cloned.1.call-start
scs
__scs_entry_jumppad:
0x0: {  	(pc) =	sbr.rel $0x88, $3  }
0x1: {  	(tag) =	ssettag $0x0;
	lr =	simm.s32 $0x1  }
0x2: {  	[smem:$0x3F93] =	sst lr;
	_ =	strace $0xD0000000  }
0x3: {  	_ = 	snop  }
0x4: {  	_ = 	snop  }
0x5: {  	_ = 	snop  }
0x6: {  	_ = 	snop  }
0x7: {  	_ = 	snop  }
__scs_overlays_trampoline_lowered:
0x8: {  	[smem:$0x3FA2] =	sst s0  }
0x9: {  	[smem:$0x3FA3] =	sst s1  }
0xa: {  	[smem:$0x3FA4] =	sst s2  }
0xb: {  	[smem:$0x3FA5] =	sst s3  }
0xc: {  	[smem:$0x3FA6] =	sst s4  }
0xd: {  	[smem:$0x3FA7] =	sst s5  }
0xe: {  	[smem:$0x3FA8] =	sst s6  }
0xf: {  	[smem:$0x3FA9] =	sst s7  }
0x10: {  	[smem:$0x3FAA] =	sst s8  }
0x11: {  	[smem:$0x3FAB] =	sst s9;
	s0 =	simm.s32 @!p0 $0x0  }
0x12: {  	s1 =	sld [smem:$0x3F91];
	s0 =	simm.s32 @p0 $0x1  }
0x13: {  	[smem:$0x3FAC] =	sst s0;
	s0 =	simm.s32 @!p1 $0x0  }
0x14: {  	s2 =	sld [smem:$0x3F90];
	s0 =	simm.s32 @p1 $0x1  }
0x15: {  	[smem:$0x3FAD] =	sst s0;
	s0 =	simm.s32 @!p2 $0x0  }
0x16: {  	s3 =	sld [smem:$0x3FDB];
	s0 =	simm.s32 @p2 $0x1  }
0x17: {  	s4 =	simm.s32 $0x1BF5;
	[smem:$0x3FAF] =	sst s0  }
0x18: {  	s0 =	sld [smem:$0x3F92];
	_ =	swait.ge [sflag:s4], $0x0  }
0x19: {  	s7 =	sld [smem:$0x3F93]  }
0x1a: {  	s8 =	sadd.s32 $0xFFFFE003, lr  }
0x1b: {  	s9 =	sadd.s32 $0xFFFFFEF7, lr;
	s5 =	simm.s32 $0xFFFFFFFF;
	p2 =	slt.u32 s8, $0xFFFFF086  }
0x1c: {  	p1 =	slt.u32 s9, $0xF7A;
	s5 =	simm.s32 @!p2 $0x0  }
0x1d: {  	s5 =	simm.s32 @p1 $0x1;
	p0 =	seq.s32 s7, s2  }
0x1e: {  	s7 =	smul.u32 @!p0 $0xF7A, s2;
	p2 =	seq.s32 @!p0 s5, $0x0  }
0x1f: {  	s9 =	smul.u32 $0xF7A, s1;
	s8 =	simm.s32 @!p0 $0x1BF5;
	p2 =	por !p2, p0  }
0x20: {  	[sflag:s8] =	ssyncset.s32 @!p0 $0xFFFFF086;
	s6 =	sadd.s32 @!p0 s3, s7;
	s7 =	simm.s32 @!p0 $0x108  }
0x21: {  	s3 =	sadd.s32 s3, s9;
	s6 =	sadd.s32 @!p0 $0x88, s6;
	s7 =	simm.s32 @p2 $0x1082  }
0x22: {  	[simem:s7], [sflag:s8] =	dma.local @!p0 [hbm:s6], $0xF7A  }
0x23: {  	s9 =	sor.u32 $0xD0000000, s2;
	s6 =	simm.s32 $0x108;
	_ =	swait.ge @!p0 [sflag:s8], $0x0  }
0x24: {  	s3 =	sadd.s32 $0x88, s3;
	s6 =	simm.s32 @!p1 $0x1082;
	[sflag:s4] =	ssyncset.s32 $0xFFFFF086  }
0x25: {  	[simem:s6], [sflag:s4] =	dma.local [hbm:s3], $0xF7A  }
0x26: {  	[smem:$0x3F93] =	sst s1;
	(tag) =	ssettag s2;
	_ =	strace s9  }
0x27: {  	s1 =	sld [smem:$0x3FA3]  }
0x28: {  	s2 =	sld [smem:$0x3FA4]  }
0x29: {  	s4 =	sld [smem:$0x3FA6]  }
0x2a: {  	p0 =	seq.s32 s5, $0x0;
	s5 =	sld [smem:$0x3FA7]  }
0x2b: {  	s6 =	sld [smem:$0x3FA8]  }
0x2c: {  	s7 =	sld [smem:$0x3FA9]  }
0x2d: {  	s3 =	simm.s32 $0x108;
	s8 =	sld [smem:$0x3FAA]  }
0x2e: {  	s3 =	simm.s32 @!p0 $0x1082;
	s9 =	sld [smem:$0x3FAB]  }
0x2f: {  	lr =	sadd.s32 s0, s3;
	s0 =	sld [smem:$0x3FA2]  }
0x30: {  	s3 =	sld [smem:$0x3FA5]  }
0x31: {  	[smem:$0x3FAE] =	sst s10  }
0x32: {  	s10 =	sld [smem:$0x3FAC];
	_ =	sdelay $0x3  }
0x33: {  	p0 =	seq.s32 s10, $0x1;
	s10 =	sld [smem:$0x3FAE];
	_ =	sdelay $0x3  }
0x34: {  	[smem:$0x3FAE] =	sst s10  }
0x35: {  	s10 =	sld [smem:$0x3FAD];
	_ =	sdelay $0x3  }
0x36: {  	p1 =	seq.s32 s10, $0x1;
	s10 =	sld [smem:$0x3FAE];
	_ =	sdelay $0x3  }
0x37: {  	[smem:$0x3FAE] =	sst s10  }
0x38: {  	s10 =	sld [smem:$0x3FAF]  }
0x39: {  	_ = 	snop;
	(pc) =	sbr.ind lr, $3  }
0x3a: {  	_ = 	snop  }
0x3b: {  	_ = 	snop  }
0x3c: {  	p2 =	seq.s32 s10, $0x1;
	s10 =	sld [smem:$0x3FAE]  }
0x3d: {  	_ =	shalt  }
0x3e: {  	_ =	shalt  }
0x3f: {  	_ =	shalt  }
0x40: {  	_ =	shalt  }
0x41: {  	_ =	shalt  }
0x42: {  	_ =	shalt  }
0x43: {  	_ =	shalt  }
0x44: {  	_ =	shalt  }
0x45: {  	_ =	shalt  }
0x46: {  	_ =	shalt  }
0x47: {  	_ =	shalt  }
0x48: {  	_ =	shalt  }
0x49: {  	_ =	shalt  }
0x4a: {  	_ =	shalt  }
0x4b: {  	_ =	shalt  }
0x4c: {  	_ =	shalt  }
0x4d: {  	_ =	shalt  }
0x4e: {  	_ =	shalt  }
0x4f: {  	_ =	shalt  }
0x50: {  	_ =	shalt  }
0x51: {  	_ =	shalt  }
0x52: {  	_ =	shalt  }
0x53: {  	_ =	shalt  }
0x54: {  	_ =	shalt  }
0x55: {  	_ =	shalt  }
0x56: {  	_ =	shalt  }
0x57: {  	_ =	shalt  }
0x58: {  	_ =	shalt  }
0x59: {  	_ =	shalt  }
0x5a: {  	_ =	shalt  }
0x5b: {  	_ =	shalt  }
0x5c: {  	_ =	shalt  }
0x5d: {  	_ =	shalt  }
0x5e: {  	_ =	shalt  }
0x5f: {  	_ =	shalt  }
0x60: {  	_ =	shalt  }
0x61: {  	_ =	shalt  }
0x62: {  	_ =	shalt  }
0x63: {  	_ =	shalt  }
0x64: {  	_ =	shalt  }
0x65: {  	_ =	shalt  }
0x66: {  	_ =	shalt  }
0x67: {  	_ =	shalt  }
0x68: {  	_ =	shalt  }
0x69: {  	_ =	shalt  }
0x6a: {  	_ =	shalt  }
0x6b: {  	_ =	shalt  }
0x6c: {  	_ =	shalt  }
0x6d: {  	_ =	shalt  }
0x6e: {  	_ =	shalt  }
0x6f: {  	_ =	shalt  }
0x70: {  	_ =	shalt  }
0x71: {  	_ =	shalt  }
0x72: {  	_ =	shalt  }
0x73: {  	_ =	shalt  }
0x74: {  	_ =	shalt  }
0x75: {  	_ =	shalt  }
0x76: {  	_ =	shalt  }
0x77: {  	_ =	shalt  }
0x78: {  	_ =	shalt  }
0x79: {  	_ =	shalt  }
0x7a: {  	_ =	shalt  }
0x7b: {  	_ =	shalt  }
0x7c: {  	_ =	shalt  }
0x7d: {  	_ =	shalt  }
0x7e: {  	_ =	shalt  }
0x7f: {  	_ =	shalt  }
0x80: {  	_ =	shalt  }
0x81: {  	_ =	shalt  }
0x82: {  	_ =	shalt  }
0x83: {  	_ =	shalt  }
0x84: {  	_ =	shalt  }
0x85: {  	_ =	shalt  }
0x86: {  	_ =	shalt  }
0x87: {  	_ =	shalt  }
.Lfunc_end0:
.L_simem_size_0:
called_computation_lowered:
.L_overlay_start_0:
0x88: {  	s2 =	sld [smem:$0x3FD9]  }
0x89: {  	s3 =	sld [smem:$0x3FFE];
	_ =	sdelay $0x1  }
0x8a: {  	s1 =	srdreg.scid  }
0x8b: {  	s0 =	sand.u32 $0x1, s1  }
0x8c: {  	s14 =	sshll.u32 s0, $0xA;
	s2 =	sadd.s32 s3, s2  }
0x8d: {  	s2 =	sadd.s32 s2, s14  }
0x8e: {  	[smem:$0x3FBA] =	sst s2  }
0x8f: {  	_ = 	snop  }
0x90: {  	s2 =	sld [smem:$0x3FD0];
	_ =	sdelay $0x2  }
0x91: {  	s15 =	simm.s32 $0xA;
	s4 =	simm.s32 $0x10  }
0x92: {  	[smem:s4], [sflag:s15] =	dma.local [hbm:s2], $0x1  }
0x93: {  	_ =	swait.eq [sflag:s15], $0x1  }
0x94: {  	s16 =	sld [smem:$0x10];
	[sflag:s15] =	ssyncset.done $0x0  }
0x95: {  	s17 =	sld [smem:$0x11];
	[sflag:s15] =	ssyncadd.s32 $0xFFFFFFFF  }
0x96: {  	s18 =	sld [smem:$0x12];
	(tm) =	ssettm $0x1  }
0x97: {  	s5 =	sld [smem:$0x3FFB];
	_ =	sdelay $0x3  }
0x98: {  	_ =	strace s5  }
0x99: {  	s5 =	sld [smem:$0x3FFC];
	_ =	sdelay $0x3  }
0x9a: {  	_ =	strace s5  }
0x9b: {  	s5 =	sld [smem:$0x3FFD];
	_ =	sdelay $0x3  }
0x9c: {  	_ =	strace s5  }
0x9d: {  	_ =	strace $0x8FFFFFFF  }
0x9e: {  	s19 =	sld [smem:$0x3FDB];
	_ =	sdelay $0x1  }
0x9f: {  	s6 =	simm.s32 $_scs_section_size  }
0xa0: {  	s7 =	simm.s32 $_size__tile_overlayer_lowered;
	s8 =	simm.s32 $_tile_overlayer_lowered  }
0xa1: {  	s22 =	simm.s32 $0x1BFF;
	s21 =	sshll.u32 s8, $0x1;
	s5 =	sadd.s32 s6, s19  }
0xa2: {  	s9 =	simm.s32 $0x0;
	s20 =	sshll.u32 s7, $0x1;
	s7 =	sadd.s32 s21, s5  }
0xa3: {  	[timem:s9], [sflag:s22] =	dma.local [hbm:s7], s20  }
0xa4: {  	_ =	swait.ge [sflag:s22], s20  }
0xa5: {  	s6 =	ssub.s32 $0x0, s20;
	[sflag:s22] =	ssyncset.done $0x0  }
0xa6: {  	[sflag:s22] =	ssyncadd.s32 s6;
	_ =	sdelay $0x1  }
0xa7: {  	s23 =	simm.s32 $0x1B8B  }
0xa8: {  	_ =	swait.ge [sflag:s23], $0x1  }
0xa9: {  	[sflag:s23] =	ssyncset.done $0x0  }
0xaa: {  	s25 =	simm.s32 $0x1B8E;
	s24 =	sld [smem:$0x3FFE];
	[sflag:s23] =	ssyncadd.s32 $0xFFFFFFFF  }
0xab: {  	s26 =	simm.s32 $execute0_lowered;
	[smem:$0x3FD2] =	sst s25  }
0xac: {  	s7 =	sshll.u32 s26, $0x1;
	_ =	strace $0x80000046;
	[dreg:$0x1] =	wrdreg $0xFFFFFFFF  }
0xad: {  	s28 =	simm.s32 $_size_execute0_lowered;
	s5 =	sadd.s32 s5, s7;
	[dreg:$0x0] =	wrdreg $0x0  }
0xae: {  	s7 =	sshll.u32 s28, $0x1;
	[dreg:$0x2] =	wrdreg s5  }
0xaf: {  	[dreg:$0x3] =	wrdreg s7  }
0xb0: {  	[dreg:$0x4] =	wrdreg $0xC0  }
0xb1: {  	_ =	task [dreg:s9], $0x5FFFF  }
0xb2: {  	[dreg:$0x1] =	wrdreg $0xFFFFFFFF  }
0xb3: {  	[dreg:$0x0] =	wrdreg $0x60  }
0xb4: {  	[dreg:$0x2] =	wrdreg s16  }
0xb5: {  	[dreg:$0x3] =	wrdreg s24  }
0xb6: {  	[dreg:$0x4] =	wrdreg s17  }
0xb7: {  	[dreg:$0x5] =	wrdreg s18  }
0xb8: {  	[dreg:$0x6] =	wrdreg $0x12D400  }
0xb9: {  	[dreg:$0x7] =	wrdreg $0xDF200  }
0xba: {  	[dreg:$0x8] =	wrdreg $0x106300  }
0xbb: {  	[dreg:$0x9] =	wrdreg $0x9  }
0xbc: {  	_ =	task.clear_ibuf [dreg:s9], $0xAFFFF;
	_ =	strace $0x90000046  }
0xbd: {  	s29 =	simm.s32 $0x9;
	_ =	strace $0x80000048  }
0xbe: {  	_ =	swait.ge [sflag:s29], $0x1  }
0xbf: {  	[sflag:s29] =	ssyncadd.s32 $0xFFFFFFFF  }
0xc0: {  	_ =	strace $0x90000048  }
0xc1: {  	_ =	sfence  }
0xc2: {  	s30 =	sld [smem:$0x0];
	_ =	sdelay $0x2  }
0xc3: {  	s31 =	sshll.u32 s1, $0xD;
	s1 =	sshrl.u32 s1, $0x2  }
0xc4: {  	s3 =	sand.u32 $0x4000, s31;
	s1 =	sadd.s32 s1, s30  }
0xc5: {  	s0 =	sor.u32 s3, s0;
	s1 =	sshll.u32 s1, $0x11  }
0xc6: {  	s0 =	sor.u32 s1, s0  }
0xc7: {  	s0 =	sadd.s32 $0x8F2B, s0  }
0xc8: {  	[sflag:s0] =	ssyncadd.remote.s32 $0x1  }
0xc9: {  	_ =	sfence.sel $0xFFFF  }
0xca: {  	[dreg:$0x0] =	wrdreg $0xFFFFFFFF;
	(pc) =	sbr.abs _section_cstart, $3  }
0xcb: {  	[dreg:$0x1] =	wrdreg $0xFFFFFFFF  }
0xcc: {  	_ =	task.clear_ibuf [dreg:s9], $0x2FFFF;
	_ =	strace $0x9FFFFFFF  }
0xcd: {  	(tm) =	ssettm $0x7FFFFFFF  }
tec
execute0_lowered:
.L_overlay_start_1:
0x0: {  	(tag) =	ssettag $0x1  }
0x1: {  	s0 =	rddreg [dreg:$0x0]  }
0x2: {  	s1 =	rddreg [dreg:$0x1]  }
0x3: {  	s3 =	rddreg [dreg:$0x4]  }
0x4: {  	s4 =	rddreg [dreg:$0x5]  }
0x5: {  	s5 =	rddreg [dreg:$0x6];
	s2 =	simm.s32 $0x0  }
0x6: {  	s13 =	srdreg.scid;
	[smem:$0x7FF] =	sst s2  }
0x7: {  	s8 =	sadd.s32 $0x7600, s1;
	s9 =	sadd.s32 $0xA3A00, s1;
	s10 =	sadd.s32 $0x13FE00, s1  }
0x8: {  	s11 =	sadd.s32 $0x149C00, s1;
	_ =	strace $0x80000047;
	[dreg:$0x8] =	wrdreg s8  }
0x9: {  	s12 =	sadd.s32 $0x153A00, s1;
	s6 =	sadd.s32 $0x171400, s1;
	[dreg:$0x9] =	wrdreg s9  }
0xa: {  	s2 =	sand.u32 $0x1, s13;
	[dreg:$0xc] =	wrdreg s12;
	s12 =	stileid.u32  }
0xb: {  	[dreg:$0xa] =	wrdreg s10;
	s8 =	ssub.s32 $0x2, s2;
	s14 =	smul.u32 $0x9C00, s12  }
0xc: {  	[dreg:$0xb] =	wrdreg s11;
	s10 =	smul.u32 $0x2700, s12;
	s9 =	sshrl.u32 s8, $0x1  }
0xd: {  	[dreg:$0xd] =	wrdreg s6;
	s8 =	ssub.s32 s8, s9;
	s9 =	sadd.s32 $0x25300, s0  }
0xe: {  	s6 =	sshrl.u32 s14, $0x2;
	[dreg:$0x1e] =	wrdreg s9;
	s14 =	sadd.s32 s10, s5  }
0xf: {  	s16 =	sadd.s32 $0x9C0, s10;
	s6 =	sadd.s32 s6, s3;
	[smem:$0x7F2] =	sst s14  }
0x10: {  	s31 =	simm.s32 $0x3;
	s13 =	sadd.s32 s0, s16;
	[dreg:$0xe] =	wrdreg s6  }
0x11: {  	s28 =	simm.s32 $0x5100;
	s18 =	sadd.s32 s16, s4;
	[dreg:$0xf] =	wrdreg s13  }
0x12: {  	s20 =	sadd.s32 $0x1380, s10;
	s19 =	sadd.s32 s16, s5;
	[dreg:$0x14] =	wrdreg s18  }
0x13: {  	s29 =	simm.s32 $0x6320;
	s21 =	sadd.s32 s0, s20;
	[dreg:$0x15] =	wrdreg s19  }
0x14: {  	s23 =	sadd.s32 $0x1D40, s10;
	s22 =	sadd.s32 s20, s4;
	[dreg:$0x16] =	wrdreg s21  }
0x15: {  	s30 =	simm.s32 $0x10;
	s24 =	sadd.s32 s0, s23;
	[dreg:$0x17] =	wrdreg s22  }
0x16: {  	s7 =	sadd.s32 $0x167600, s1;
	s25 =	sadd.s32 s23, s4;
	[dreg:$0x19] =	wrdreg s24  }
0x17: {  	s1 =	sadd.s32 $0x15D800, s1;
	s26 =	sadd.s32 s23, s5;
	[dreg:$0x1a] =	wrdreg s25  }
0x18: {  	s11 =	smul.u32 $0x27100, s2;
	s16 =	sadd.s32 s10, s3;
	[dreg:$0x1b] =	wrdreg s26  }
0x19: {  	s2 =	sshll.u32 s2, $0x4;
	s23 =	sadd.s32 $0x25D00, s4;
	[smem:$0x7F3] =	sst s16  }
0x1a: {  	s2 =	sor.u32 s12, s2;
	s13 =	sadd.s32 s10, s4;
	[smem:$0x7FA] =	sst s23  }
0x1b: {  	p0 =	seq.s32 s12, $0xF;
	s18 =	sadd.s32 $0x24900, s3;
	[smem:$0x7F1] =	sst s13  }
0x1c: {  	p1 =	sne.s32 s12, $0xF;
	s19 =	sadd.s32 $0x24900, s4;
	[smem:$0x7F5] =	sst s18  }
0x1d: {  	s15 =	sadd.s32 s10, s11;
	s21 =	sadd.s32 $0x25300, s4;
	[smem:$0x7F6] =	sst s19  }
0x1e: {  	s11 =	sshrl.u32 s11, $0x3;
	s22 =	sadd.s32 $0x25300, s5;
	[smem:$0x7F8] =	sst s21  }
0x1f: {  	s9 =	smul.u32 $0x2710, s2;
	s24 =	sadd.s32 $0x25D00, s5;
	[smem:$0x7F9] =	sst s22  }
0x20: {  	s11 =	sadd.s32 $0x4920, s11;
	s25 =	sadd.s32 $0x26700, s4;
	[smem:$0x7FB] =	sst s24  }
0x21: {  	s6 =	sshrl.u32 s15, $0x3;
	s26 =	sadd.s32 $0x26700, s5;
	[smem:$0x7FC] =	sst s25  }
0x22: {  	s14 =	simm.s32 $0x5190;
	s17 =	sadd.s32 s7, s6;
	[smem:$0x7FD] =	sst s26  }
0x23: {  	s15 =	smul.u32 $0x4E2, s2;
	s7 =	sadd.s32 s7, s11;
	[dreg:$0x10] =	wrdreg s17  }
0x24: {  	s16 =	simm.s32 $0xB720;
	s6 =	sadd.s32 s1, s6;
	[dreg:$0x11] =	wrdreg s7  }
0x25: {  	s2 =	simm.s32 $0x6B20;
	s1 =	sadd.s32 s1, s11;
	[dreg:$0x12] =	wrdreg s6  }
0x26: {  	s11 =	sadd.s32 $0x25D00, s0;
	s19 =	simm.s32 $0x80;
	[dreg:$0x13] =	wrdreg s1  }
0x27: {  	s21 =	simm.s32 $0x5320;
	s1 =	sadd.s32 s20, s5;
	[dreg:$0x1f] =	wrdreg s11  }
0x28: {  	s24 =	simm.s32 $0x5B20;
	s6 =	sadd.s32 s0, s10;
	[dreg:$0x18] =	wrdreg s1  }
0x29: {  	s25 =	simm.s32 $0x5210;
	s7 =	sadd.s32 $0x24900, s0;
	[dreg:$0x1c] =	wrdreg s6  }
0x2a: {  	s26 =	simm.s32 $0x7420;
	s0 =	sadd.s32 $0x26700, s0;
	[dreg:$0x1d] =	wrdreg s7  }
0x2b: {  	s18 =	simm.s32 $0x5290;
	s17 =	smax.u32 s8, $0x1;
	[smem:$0x7F0] =	sst s0  }
0x2c: {  	s13 =	simm.s32 $0x0;
	s20 =	sadd.s32 $0x24900, s5;
	[smem:$0x7F4] =	sst s17  }
0x2d: {  	s8 =	simm.s32 $0x1;
	s10 =	simm.s32 $0x9E20;
	[smem:$0x7F7] =	sst s20  }
0x2e: {  	s0 =	simm.s32 $0x5000;
	s17 =	simm.s32 $0x2;
	s20 =	simm.s32 $0x7C20  }
0x2f: {  	v0 =	vimm.f32 $0.0e+00;
	s1 =	simm.s32 $0x5180;
	s6 =	simm.s32 $0x5310;
	s7 =	simm.s32 $0x8420  }
.LBB2_1:
0x30: {  	s11 =	simm.s32 $0x40;
	s12 =	simm.s32 $0x0  }
.LBB2_2:
0x31: {  	p2 =	sne.s32 s11, $0x9FC0;
	[tilespmem:s12+$0xB720] =	vst v0;
	s12 =	smov.u32 s11;
	s11 =	sadd.s32 $0x40, s11  }
.Ltmp0:
0x32: {  	(pc) =	sbr.rel @p2 .LBB2_2-.Ltmp0, $2  }
0x33: {  	_ =	sdelay $0x2  }
0x34: {  	s12 =	sshra.s32 s12, $0x2  }
.Ltmp1:
0x35: {  	(pc) =	sbr.rel @!p0 .LBB2_4-.Ltmp1, $2  }
0x36: {  	_ =	sdelay $0x2  }
0x37: {  	[tilespmem:s12+$0xB720] =	vst v0;
	[smem:$0x7EF] =	sst s13  }
0x38: {  	s11 =	sld [smem:$0x7F5];
	_ =	sdelay $0x2  }
0x39: {  	[spmem:s11] =	stream.linear.scatter [tilespmem:s16], [sflag:$0x3], $0x2800, $0x38;
	[tilespmem:$0x15450] =	vst v63  }
0x3a: {  	_ =	swait.ge [sflag:s31], $0x2800  }
0x3b: {  	[sflag:s31] =	ssyncset.done $0x0  }
0x3c: {  	s11 =	simm.s32 $0x0;
	s12 =	rddreg [dreg:$0x1d];
	[sflag:s31] =	ssyncadd.s32 $0xFFFFD800  }
0x3d: {  	[tilespmem:s11], [sflag:$0x3] =	stream.linear.gather [hbm4b:s12+s11], $0x5000, $0x38;
	[tilespmem:$0x15450] =	vst v63  }
0x3e: {  	_ =	swait.ge [sflag:s31], $0x5000  }
0x3f: {  	[sflag:s31] =	ssyncset.done $0x0  }
0x40: {  	[sflag:s31] =	ssyncadd.s32 $0xFFFFB000  }
0x41: {  	v1 =	vld [tilespmem:s11+$0x0];
	_ =	sdelay $0x2  }
0x42: {  	s13 =	simm.s32 $0x0;
	s12 =	simm.s32 $0x40  }
.LBB2_22:
0x43: {  	p2 =	sne.s32 s12, $0x27C0  }
0x44: {  	[tilespmem:s13+$0xB720] =	vst v1;
	s11 =	sadd.s32 $0x80, s11;
	s13 =	smov.u32 s12;
	s12 =	sadd.s32 $0x40, s12  }
.Ltmp2:
0x45: {  	v1 =	vld [tilespmem:s11+$0x0];
	(pc) =	sbr.rel @p2 .LBB2_22-.Ltmp2, $2  }
0x46: {  	_ =	sdelay $0x2  }
0x47: {  	s13 =	sshra.s32 s13, $0x2  }
0x48: {  	s11 =	sld [smem:$0x7F6];
	_ =	sdelay $0x1  }
0x49: {  	[tilespmem:s13+$0xB720] =	vst v1  }
0x4a: {  	[spmem:s11] =	stream.linear.scatter [tilespmem:s16], [sflag:$0x3], $0xA00, $0x38;
	[tilespmem:$0x15450] =	vst v63  }
0x4b: {  	_ =	swait.ge [sflag:s31], $0xA00  }
0x4c: {  	[sflag:s31] =	ssyncset.done $0x0  }
0x4d: {  	s11 =	simm.s32 $0x10;
	[sflag:s31] =	ssyncadd.s32 $0xFFFFF600  }
0x4e: {  	v1 =	vld [tilespmem:s11+$0x0];
	_ =	sdelay $0x2  }
0x4f: {  	s12 =	simm.s32 $0x40;
	s13 =	simm.s32 $0x0  }
.LBB2_24:
0x50: {  	p2 =	sne.s32 s12, $0x27C0  }
0x51: {  	[tilespmem:s13+$0xB720] =	vst v1;
	s11 =	sadd.s32 $0x80, s11;
	s13 =	smov.u32 s12;
	s12 =	sadd.s32 $0x40, s12  }
.Ltmp3:
0x52: {  	v1 =	vld [tilespmem:s11+$0x0];
	(pc) =	sbr.rel @p2 .LBB2_24-.Ltmp3, $2  }
0x53: {  	_ =	sdelay $0x2  }
0x54: {  	s13 =	sshra.s32 s13, $0x2  }
0x55: {  	s11 =	sld [smem:$0x7F7];
	_ =	sdelay $0x1  }
0x56: {  	[tilespmem:s13+$0xB720] =	vst v1  }
0x57: {  	[spmem:s11] =	stream.linear.scatter [tilespmem:s16], [sflag:$0x3], $0xA00, $0x38;
	[tilespmem:$0x15450] =	vst v63  }
0x58: {  	_ =	swait.ge [sflag:s31], $0xA00  }
0x59: {  	[sflag:s31] =	ssyncset.done $0x0  }
0x5a: {  	s11 =	simm.s32 $0x0;
	s12 =	rddreg [dreg:$0x1e];
	[sflag:s31] =	ssyncadd.s32 $0xFFFFF600  }
0x5b: {  	[tilespmem:s11], [sflag:$0x3] =	stream.linear.gather [hbm4b:s12+s11], $0x5000, $0x38;
	[tilespmem:$0x15450] =	vst v63  }
0x5c: {  	_ =	swait.ge [sflag:s31], $0x5000  }
0x5d: {  	[sflag:s31] =	ssyncset.done $0x0  }
0x5e: {  	[sflag:s31] =	ssyncadd.s32 $0xFFFFB000  }
0x5f: {  	v1 =	vld [tilespmem:s11+$0x0];
	_ =	sdelay $0x2  }
0x60: {  	s13 =	simm.s32 $0x0;
	s12 =	simm.s32 $0x40  }
.LBB2_26:
0x61: {  	p2 =	sne.s32 s12, $0x27C0  }
0x62: {  	[tilespmem:s13+$0xB720] =	vst v1;
	s11 =	sadd.s32 $0x80, s11;
	s13 =	smov.u32 s12;
	s12 =	sadd.s32 $0x40, s12  }
.Ltmp4:
0x63: {  	v1 =	vld [tilespmem:s11+$0x0];
	(pc) =	sbr.rel @p2 .LBB2_26-.Ltmp4, $2  }
0x64: {  	_ =	sdelay $0x2  }
0x65: {  	s13 =	sshra.s32 s13, $0x2  }
0x66: {  	s11 =	sld [smem:$0x7F8];
	_ =	sdelay $0x1  }
0x67: {  	[tilespmem:s13+$0xB720] =	vst v1  }
0x68: {  	[spmem:s11] =	stream.linear.scatter [tilespmem:s16], [sflag:$0x3], $0xA00, $0x38;
	[tilespmem:$0x15450] =	vst v63  }
0x69: {  	_ =	swait.ge [sflag:s31], $0xA00  }
0x6a: {  	[sflag:s31] =	ssyncset.done $0x0  }
0x6b: {  	s11 =	simm.s32 $0x10;
	[sflag:s31] =	ssyncadd.s32 $0xFFFFF600  }
0x6c: {  	v1 =	vld [tilespmem:s11+$0x0];
	_ =	sdelay $0x2  }
0x6d: {  	s12 =	simm.s32 $0x40;
	s13 =	simm.s32 $0x0  }
.LBB2_28:
0x6e: {  	p2 =	sne.s32 s12, $0x27C0  }
0x6f: {  	[tilespmem:s13+$0xB720] =	vst v1;
	s11 =	sadd.s32 $0x80, s11;
	s13 =	smov.u32 s12;
	s12 =	sadd.s32 $0x40, s12  }
.Ltmp5:
0x70: {  	v1 =	vld [tilespmem:s11+$0x0];
	(pc) =	sbr.rel @p2 .LBB2_28-.Ltmp5, $2  }
0x71: {  	_ =	sdelay $0x2  }
0x72: {  	s13 =	sshra.s32 s13, $0x2  }
0x73: {  	s11 =	sld [smem:$0x7F9];
	_ =	sdelay $0x1  }
0x74: {  	[tilespmem:s13+$0xB720] =	vst v1  }
0x75: {  	[spmem:s11] =	stream.linear.scatter [tilespmem:s16], [sflag:$0x3], $0xA00, $0x38;
	[tilespmem:$0x15450] =	vst v63  }
0x76: {  	_ =	swait.ge [sflag:s31], $0xA00  }
0x77: {  	[sflag:s31] =	ssyncset.done $0x0  }
0x78: {  	s11 =	simm.s32 $0x0;
	s12 =	rddreg [dreg:$0x1f];
	[sflag:s31] =	ssyncadd.s32 $0xFFFFF600  }
0x79: {  	[tilespmem:s11], [sflag:$0x3] =	stream.linear.gather [hbm4b:s12+s11], $0x5000, $0x38;
	[tilespmem:$0x15450] =	vst v63  }
0x7a: {  	_ =	swait.ge [sflag:s31], $0x5000  }
0x7b: {  	[sflag:s31] =	ssyncset.done $0x0  }
0x7c: {  	[sflag:s31] =	ssyncadd.s32 $0xFFFFB000  }
0x7d: {  	v1 =	vld [tilespmem:s11+$0x0];
	_ =	sdelay $0x2  }
0x7e: {  	s13 =	simm.s32 $0x0;
	s12 =	simm.s32 $0x40  }
.LBB2_30:
0x7f: {  	p2 =	sne.s32 s12, $0x27C0  }
0x80: {  	[tilespmem:s13+$0xB720] =	vst v1;
	s11 =	sadd.s32 $0x80, s11;
	s13 =	smov.u32 s12;
	s12 =	sadd.s32 $0x40, s12  }
.Ltmp6:
0x81: {  	v1 =	vld [tilespmem:s11+$0x0];
	(pc) =	sbr.rel @p2 .LBB2_30-.Ltmp6, $2  }
0x82: {  	_ =	sdelay $0x2  }
0x83: {  	s13 =	sshra.s32 s13, $0x2  }
0x84: {  	s11 =	sld [smem:$0x7FA];
	_ =	sdelay $0x1  }
0x85: {  	[tilespmem:s13+$0xB720] =	vst v1  }
0x86: {  	[spmem:s11] =	stream.linear.scatter [tilespmem:s16], [sflag:$0x3], $0xA00, $0x38;
	[tilespmem:$0x15450] =	vst v63  }
0x87: {  	_ =	swait.ge [sflag:s31], $0xA00  }
0x88: {  	[sflag:s31] =	ssyncset.done $0x0  }
0x89: {  	s11 =	simm.s32 $0x10;
	[sflag:s31] =	ssyncadd.s32 $0xFFFFF600  }
0x8a: {  	v1 =	vld [tilespmem:s11+$0x0];
	_ =	sdelay $0x2  }
0x8b: {  	s12 =	simm.s32 $0x40;
	s13 =	simm.s32 $0x0  }
.LBB2_32:
0x8c: {  	p2 =	sne.s32 s12, $0x27C0  }
0x8d: {  	[tilespmem:s13+$0xB720] =	vst v1;
	s11 =	sadd.s32 $0x80, s11;
	s13 =	smov.u32 s12;
	s12 =	sadd.s32 $0x40, s12  }
.Ltmp7:
0x8e: {  	v1 =	vld [tilespmem:s11+$0x0];
	(pc) =	sbr.rel @p2 .LBB2_32-.Ltmp7, $2  }
0x8f: {  	_ =	sdelay $0x2  }
0x90: {  	s13 =	sshra.s32 s13, $0x2  }
0x91: {  	s11 =	sld [smem:$0x7FB];
	_ =	sdelay $0x1  }
0x92: {  	[tilespmem:s13+$0xB720] =	vst v1  }
0x93: {  	[spmem:s11] =	stream.linear.scatter [tilespmem:s16], [sflag:$0x3], $0xA00, $0x38;
	[tilespmem:$0x15450] =	vst v63  }
0x94: {  	_ =	swait.ge [sflag:s31], $0xA00  }
0x95: {  	s12 =	sld [smem:$0x7F0]  }
0x96: {  	[sflag:s31] =	ssyncset.done $0x0  }
0x97: {  	s11 =	simm.s32 $0x0;
	[sflag:s31] =	ssyncadd.s32 $0xFFFFF600  }
0x98: {  	[tilespmem:s11], [sflag:$0x3] =	stream.linear.gather [hbm4b:s12+s11], $0x5000, $0x38;
	[tilespmem:$0x15450] =	vst v63  }
0x99: {  	_ =	swait.ge [sflag:s31], $0x5000  }
0x9a: {  	[sflag:s31] =	ssyncset.done $0x0  }
0x9b: {  	[sflag:s31] =	ssyncadd.s32 $0xFFFFB000  }
0x9c: {  	v1 =	vld [tilespmem:s11+$0x0];
	_ =	sdelay $0x2  }
0x9d: {  	s13 =	simm.s32 $0x0;
	s12 =	simm.s32 $0x40  }
.LBB2_34:
0x9e: {  	p2 =	sne.s32 s12, $0x27C0  }
0x9f: {  	[tilespmem:s13+$0xB720] =	vst v1;
	s11 =	sadd.s32 $0x80, s11;
	s13 =	smov.u32 s12;
	s12 =	sadd.s32 $0x40, s12  }
.Ltmp8:
0xa0: {  	v1 =	vld [tilespmem:s11+$0x0];
	(pc) =	sbr.rel @p2 .LBB2_34-.Ltmp8, $2  }
0xa1: {  	_ =	sdelay $0x2  }
0xa2: {  	s13 =	sshra.s32 s13, $0x2  }
0xa3: {  	s11 =	sld [smem:$0x7FC];
	_ =	sdelay $0x1  }
0xa4: {  	[tilespmem:s13+$0xB720] =	vst v1  }
0xa5: {  	[spmem:s11] =	stream.linear.scatter [tilespmem:s16], [sflag:$0x3], $0xA00, $0x38;
	[tilespmem:$0x15450] =	vst v63  }
0xa6: {  	_ =	swait.ge [sflag:s31], $0xA00  }
0xa7: {  	[sflag:s31] =	ssyncset.done $0x0  }
0xa8: {  	s11 =	simm.s32 $0x10;
	[sflag:s31] =	ssyncadd.s32 $0xFFFFF600  }
0xa9: {  	v1 =	vld [tilespmem:s11+$0x0];
	_ =	sdelay $0x2  }
0xaa: {  	s12 =	simm.s32 $0x40;
	s13 =	simm.s32 $0x0  }
.LBB2_36:
0xab: {  	p2 =	sne.s32 s12, $0x27C0  }
0xac: {  	[tilespmem:s13+$0xB720] =	vst v1;
	s11 =	sadd.s32 $0x80, s11;
	s13 =	smov.u32 s12;
	s12 =	sadd.s32 $0x40, s12  }
.Ltmp9:
0xad: {  	v1 =	vld [tilespmem:s11+$0x0];
	(pc) =	sbr.rel @p2 .LBB2_36-.Ltmp9, $2  }
0xae: {  	_ =	sdelay $0x2  }
0xaf: {  	s13 =	sshra.s32 s13, $0x2  }
0xb0: {  	s11 =	sld [smem:$0x7FD];
	_ =	sdelay $0x1  }
.Ltmp10:
0xb1: {  	[tilespmem:s13+$0xB720] =	vst v1;
	(pc) =	sbr.rel .LBB2_38-.Ltmp10, $4  }
0xb2: {  	[spmem:s11] =	stream.linear.scatter [tilespmem:s16], [sflag:$0x3], $0xA00, $0x38;
	[tilespmem:$0x15450] =	vst v63  }
0xb3: {  	_ =	swait.ge [sflag:s31], $0xA00  }
0xb4: {  	[sflag:s31] =	ssyncset.done $0x0  }
0xb5: {  	[sflag:s31] =	ssyncadd.s32 $0xFFFFF600  }
.LBB2_4:
0xb6: {  	s11 =	rddreg [dreg:$0xe]  }
0xb7: {  	[spmem:s11] =	stream.linear.scatter [tilespmem:s16], [sflag:$0x3], $0x2700, $0x38;
	[tilespmem:$0x15450] =	vst v63  }
0xb8: {  	_ =	swait.ge [sflag:s31], $0x2700  }
0xb9: {  	[sflag:s31] =	ssyncset.done $0x0  }
0xba: {  	s11 =	simm.s32 $0x0;
	s12 =	rddreg [dreg:$0x1c];
	[sflag:s31] =	ssyncadd.s32 $0xFFFFD900  }
0xbb: {  	[tilespmem:s11], [sflag:$0x3] =	stream.linear.gather [hbm4b:s12+s11], $0x4E00, $0x38;
	[tilespmem:$0x15450] =	vst v63  }
0xbc: {  	_ =	swait.ge [sflag:s31], $0x4E00  }
0xbd: {  	[sflag:s31] =	ssyncset.done $0x0  }
0xbe: {  	[sflag:s31] =	ssyncadd.s32 $0xFFFFB200  }
0xbf: {  	v1 =	vld [tilespmem:s11+$0x0];
	_ =	sdelay $0x2  }
0xc0: {  	s13 =	simm.s32 $0x0;
	s12 =	simm.s32 $0x40  }
.LBB2_5:
0xc1: {  	p2 =	sne.s32 s12, $0x26C0  }
0xc2: {  	[tilespmem:s13+$0xB720] =	vst v1;
	s11 =	sadd.s32 $0x80, s11;
	s13 =	smov.u32 s12;
	s12 =	sadd.s32 $0x40, s12  }
.Ltmp11:
0xc3: {  	v1 =	vld [tilespmem:s11+$0x0];
	(pc) =	sbr.rel @p2 .LBB2_5-.Ltmp11, $2  }
0xc4: {  	_ =	sdelay $0x2  }
0xc5: {  	s13 =	sshra.s32 s13, $0x2  }
0xc6: {  	s11 =	sld [smem:$0x7F1];
	_ =	sdelay $0x1  }
0xc7: {  	[tilespmem:s13+$0xB720] =	vst v1  }
0xc8: {  	[spmem:s11] =	stream.linear.scatter [tilespmem:s16], [sflag:$0x3], $0x9C0, $0x38;
	[tilespmem:$0x15450] =	vst v63  }
0xc9: {  	_ =	swait.ge [sflag:s31], $0x9C0  }
0xca: {  	[sflag:s31] =	ssyncset.done $0x0  }
0xcb: {  	s11 =	simm.s32 $0x10;
	[sflag:s31] =	ssyncadd.s32 $0xFFFFF640  }
0xcc: {  	v1 =	vld [tilespmem:s11+$0x0];
	_ =	sdelay $0x2  }
0xcd: {  	s12 =	simm.s32 $0x40;
	s13 =	simm.s32 $0x0  }
.LBB2_7:
0xce: {  	p2 =	sne.s32 s12, $0x26C0  }
0xcf: {  	[tilespmem:s13+$0xB720] =	vst v1;
	s11 =	sadd.s32 $0x80, s11;
	s13 =	smov.u32 s12;
	s12 =	sadd.s32 $0x40, s12  }
.Ltmp12:
0xd0: {  	v1 =	vld [tilespmem:s11+$0x0];
	(pc) =	sbr.rel @p2 .LBB2_7-.Ltmp12, $2  }
0xd1: {  	_ =	sdelay $0x2  }
0xd2: {  	s13 =	sshra.s32 s13, $0x2  }
0xd3: {  	s11 =	sld [smem:$0x7F2];
	_ =	sdelay $0x1  }
0xd4: {  	[tilespmem:s13+$0xB720] =	vst v1  }
0xd5: {  	[spmem:s11] =	stream.linear.scatter [tilespmem:s16], [sflag:$0x3], $0x9C0, $0x38;
	[tilespmem:$0x15450] =	vst v63  }
0xd6: {  	_ =	swait.ge [sflag:s31], $0x9C0  }
0xd7: {  	[sflag:s31] =	ssyncset.done $0x0  }
0xd8: {  	s11 =	simm.s32 $0x0;
	s12 =	rddreg [dreg:$0xf];
	[sflag:s31] =	ssyncadd.s32 $0xFFFFF640  }
0xd9: {  	[tilespmem:s11], [sflag:$0x3] =	stream.linear.gather [hbm4b:s12+s11], $0x4E00, $0x38;
	[tilespmem:$0x15450] =	vst v63  }
0xda: {  	_ =	swait.ge [sflag:s31], $0x4E00  }
0xdb: {  	[sflag:s31] =	ssyncset.done $0x0  }
0xdc: {  	[sflag:s31] =	ssyncadd.s32 $0xFFFFB200  }
0xdd: {  	v1 =	vld [tilespmem:s11+$0x0];
	_ =	sdelay $0x2  }
0xde: {  	s13 =	simm.s32 $0x0;
	s12 =	simm.s32 $0x40  }
.LBB2_9:
0xdf: {  	p2 =	sne.s32 s12, $0x26C0  }
0xe0: {  	[tilespmem:s13+$0xB720] =	vst v1;
	s11 =	sadd.s32 $0x80, s11;
	s13 =	smov.u32 s12;
	s12 =	sadd.s32 $0x40, s12  }
.Ltmp13:
0xe1: {  	v1 =	vld [tilespmem:s11+$0x0];
	(pc) =	sbr.rel @p2 .LBB2_9-.Ltmp13, $2  }
0xe2: {  	_ =	sdelay $0x2  }
0xe3: {  	s13 =	sshra.s32 s13, $0x2  }
0xe4: {  	[tilespmem:s13+$0xB720] =	vst v1;
	s11 =	rddreg [dreg:$0x14]  }
0xe5: {  	[spmem:s11] =	stream.linear.scatter [tilespmem:s16], [sflag:$0x3], $0x9C0, $0x38;
	[tilespmem:$0x15450] =	vst v63  }
0xe6: {  	_ =	swait.ge [sflag:s31], $0x9C0  }
0xe7: {  	[sflag:s31] =	ssyncset.done $0x0  }
0xe8: {  	s11 =	simm.s32 $0x10;
	[sflag:s31] =	ssyncadd.s32 $0xFFFFF640  }
0xe9: {  	v1 =	vld [tilespmem:s11+$0x0];
	_ =	sdelay $0x2  }
0xea: {  	s12 =	simm.s32 $0x40;
	s13 =	simm.s32 $0x0  }
.LBB2_11:
0xeb: {  	p2 =	sne.s32 s12, $0x26C0  }
0xec: {  	[tilespmem:s13+$0xB720] =	vst v1;
	s11 =	sadd.s32 $0x80, s11;
	s13 =	smov.u32 s12;
	s12 =	sadd.s32 $0x40, s12  }
.Ltmp14:
0xed: {  	v1 =	vld [tilespmem:s11+$0x0];
	(pc) =	sbr.rel @p2 .LBB2_11-.Ltmp14, $2  }
0xee: {  	_ =	sdelay $0x2  }
0xef: {  	s13 =	sshra.s32 s13, $0x2  }
0xf0: {  	[tilespmem:s13+$0xB720] =	vst v1;
	s11 =	rddreg [dreg:$0x15]  }
0xf1: {  	[spmem:s11] =	stream.linear.scatter [tilespmem:s16], [sflag:$0x3], $0x9C0, $0x38;
	[tilespmem:$0x15450] =	vst v63  }
0xf2: {  	_ =	swait.ge [sflag:s31], $0x9C0  }
0xf3: {  	[sflag:s31] =	ssyncset.done $0x0  }
0xf4: {  	s11 =	simm.s32 $0x0;
	s12 =	rddreg [dreg:$0x16];
	[sflag:s31] =	ssyncadd.s32 $0xFFFFF640  }
0xf5: {  	[tilespmem:s11], [sflag:$0x3] =	stream.linear.gather [hbm4b:s12+s11], $0x4E00, $0x38;
	[tilespmem:$0x15450] =	vst v63  }
0xf6: {  	_ =	swait.ge [sflag:s31], $0x4E00  }
0xf7: {  	[sflag:s31] =	ssyncset.done $0x0  }
0xf8: {  	[sflag:s31] =	ssyncadd.s32 $0xFFFFB200  }
0xf9: {  	v1 =	vld [tilespmem:s11+$0x0];
	_ =	sdelay $0x2  }
0xfa: {  	s13 =	simm.s32 $0x0;
	s12 =	simm.s32 $0x40  }
.LBB2_13:
0xfb: {  	p2 =	sne.s32 s12, $0x26C0  }
0xfc: {  	[tilespmem:s13+$0xB720] =	vst v1;
	s11 =	sadd.s32 $0x80, s11;
	s13 =	smov.u32 s12;
	s12 =	sadd.s32 $0x40, s12  }
.Ltmp15:
0xfd: {  	v1 =	vld [tilespmem:s11+$0x0];
	(pc) =	sbr.rel @p2 .LBB2_13-.Ltmp15, $2  }
0xfe: {  	_ =	sdelay $0x2  }
0xff: {  	s13 =	sshra.s32 s13, $0x2  }
0x100: {  	[tilespmem:s13+$0xB720] =	vst v1;
	s11 =	rddreg [dreg:$0x17]  }
0x101: {  	[spmem:s11] =	stream.linear.scatter [tilespmem:s16], [sflag:$0x3], $0x9C0, $0x38;
	[tilespmem:$0x15450] =	vst v63  }
0x102: {  	_ =	swait.ge [sflag:s31], $0x9C0  }
0x103: {  	[sflag:s31] =	ssyncset.done $0x0  }
0x104: {  	s11 =	simm.s32 $0x10;
	[sflag:s31] =	ssyncadd.s32 $0xFFFFF640  }
0x105: {  	v1 =	vld [tilespmem:s11+$0x0];
	_ =	sdelay $0x2  }
0x106: {  	s12 =	simm.s32 $0x40;
	s13 =	simm.s32 $0x0  }
.LBB2_15:
0x107: {  	p2 =	sne.s32 s12, $0x26C0  }
0x108: {  	[tilespmem:s13+$0xB720] =	vst v1;
	s11 =	sadd.s32 $0x80, s11;
	s13 =	smov.u32 s12;
	s12 =	sadd.s32 $0x40, s12  }
.Ltmp16:
0x109: {  	v1 =	vld [tilespmem:s11+$0x0];
	(pc) =	sbr.rel @p2 .LBB2_15-.Ltmp16, $2  }
0x10a: {  	_ =	sdelay $0x2  }
0x10b: {  	s13 =	sshra.s32 s13, $0x2  }
0x10c: {  	[tilespmem:s13+$0xB720] =	vst v1;
	s11 =	rddreg [dreg:$0x18]  }
0x10d: {  	[spmem:s11] =	stream.linear.scatter [tilespmem:s16], [sflag:$0x3], $0x9C0, $0x38;
	[tilespmem:$0x15450] =	vst v63  }
0x10e: {  	_ =	swait.ge [sflag:s31], $0x9C0  }
0x10f: {  	[sflag:s31] =	ssyncset.done $0x0  }
0x110: {  	s11 =	simm.s32 $0x0;
	s12 =	rddreg [dreg:$0x19];
	[sflag:s31] =	ssyncadd.s32 $0xFFFFF640  }
0x111: {  	[tilespmem:s11], [sflag:$0x3] =	stream.linear.gather [hbm4b:s12+s11], $0x4E00, $0x38;
	[tilespmem:$0x15450] =	vst v63  }
0x112: {  	_ =	swait.ge [sflag:s31], $0x4E00  }
0x113: {  	[sflag:s31] =	ssyncset.done $0x0  }
0x114: {  	[sflag:s31] =	ssyncadd.s32 $0xFFFFB200  }
0x115: {  	v1 =	vld [tilespmem:s11+$0x0];
	_ =	sdelay $0x2  }
0x116: {  	s13 =	simm.s32 $0x0;
	s12 =	simm.s32 $0x40  }
.LBB2_17:
0x117: {  	p2 =	sne.s32 s12, $0x26C0  }
0x118: {  	[tilespmem:s13+$0xB720] =	vst v1;
	s11 =	sadd.s32 $0x80, s11;
	s13 =	smov.u32 s12;
	s12 =	sadd.s32 $0x40, s12  }
.Ltmp17:
0x119: {  	v1 =	vld [tilespmem:s11+$0x0];
	(pc) =	sbr.rel @p2 .LBB2_17-.Ltmp17, $2  }
0x11a: {  	_ =	sdelay $0x2  }
0x11b: {  	s13 =	sshra.s32 s13, $0x2  }
0x11c: {  	[tilespmem:s13+$0xB720] =	vst v1;
	s11 =	rddreg [dreg:$0x1a]  }
0x11d: {  	[spmem:s11] =	stream.linear.scatter [tilespmem:s16], [sflag:$0x3], $0x9C0, $0x38;
	[tilespmem:$0x15450] =	vst v63  }
0x11e: {  	_ =	swait.ge [sflag:s31], $0x9C0  }
0x11f: {  	[sflag:s31] =	ssyncset.done $0x0  }
0x120: {  	s11 =	simm.s32 $0x10;
	[sflag:s31] =	ssyncadd.s32 $0xFFFFF640  }
0x121: {  	v1 =	vld [tilespmem:s11+$0x0];
	_ =	sdelay $0x2  }
0x122: {  	s12 =	simm.s32 $0x40;
	s13 =	simm.s32 $0x0  }
.LBB2_19:
0x123: {  	p2 =	sne.s32 s12, $0x26C0  }
0x124: {  	[tilespmem:s13+$0xB720] =	vst v1;
	s11 =	sadd.s32 $0x80, s11;
	s13 =	smov.u32 s12;
	s12 =	sadd.s32 $0x40, s12  }
.Ltmp18:
0x125: {  	v1 =	vld [tilespmem:s11+$0x0];
	(pc) =	sbr.rel @p2 .LBB2_19-.Ltmp18, $2  }
0x126: {  	_ =	sdelay $0x2  }
0x127: {  	s13 =	sshra.s32 s13, $0x2  }
0x128: {  	[tilespmem:s13+$0xB720] =	vst v1;
	s11 =	rddreg [dreg:$0x1b]  }
0x129: {  	[spmem:s11] =	stream.linear.scatter [tilespmem:s16], [sflag:$0x3], $0x9C0, $0x38;
	[tilespmem:$0x15450] =	vst v63  }
0x12a: {  	_ =	swait.ge [sflag:s31], $0x9C0  }
0x12b: {  	[sflag:s31] =	ssyncset.done $0x0  }
0x12c: {  	[sflag:s31] =	ssyncadd.s32 $0xFFFFF640  }
.LBB2_38:
0x12d: {  	[bflag:$0x0] =	sbarrier.arrive $0xFFFF;
	s11 =	simm.s32 $0x0;
	s12 =	simm.s32 $0x0  }
.LBB2_39:
0x12e: {  	s13 =	smul.u32 $0x190, s12;
	_ =	sdelay $0x1  }
0x12f: {  	s13 =	sadd.s32 s9, s13  }
0x130: {  	s22 =	rddreg [dreg:$0x2];
	s13 =	sshrl.u32 s13, $0x3  }
0x131: {  	s16 =	smul.u32 $0x32, s12;
	s23 =	rddreg [dreg:$0xa];
	s22 =	sadd.s32 s22, s13  }
0x132: {  	[tilespmem:s0], [sflag:$0x2] =	stream.linear.gather [hbm4b:s22+s11], $0x190, $0x38;
	[tilespmem:$0x15450] =	vst v63  }
0x133: {  	s16 =	sadd.s32 s15, s16;
	s13 =	sadd.s32 s23, s13  }
0x134: {  	[tilespmem:s14], [sflag:$0x2] =	stream.linear.gather [hbm4b:s13+s11], $0x190, $0x38;
	[tilespmem:$0x15450] =	vst v63  }
0x135: {  	s22 =	rddreg [dreg:$0x8];
	s13 =	sshll.u32 s16, $0x4  }
0x136: {  	s23 =	simm.s32 $0x8520;
	s16 =	sadd.s32 s22, s13  }
0x137: {  	[tilespmem:s23], [sflag:$0x2] =	stream.linear.gather [hbm4b:s16+s11], $0x1900, $0x38;
	[tilespmem:$0x15450] =	vst v63  }
0x138: {  	_ =	swait.ge [sflag:s17], $0x190  }
0x139: {  	[sflag:s17] =	ssyncset.done $0x0  }
0x13a: {  	[sflag:s17] =	ssyncadd.s32 $0xFFFFFE70  }
0x13b: {  	_ =	swait.ge [sflag:s17], $0x190  }
0x13c: {  	[sflag:s17] =	ssyncset.done $0x0  }
0x13d: {  	[sflag:s17] =	ssyncadd.s32 $0xFFFFFE70  }
0x13e: {  	_ =	swait.ge [sflag:s17], $0x1900  }
0x13f: {  	[sflag:s17] =	ssyncset.done $0x0  }
0x140: {  	[sflag:s17] =	ssyncadd.s32 $0xFFFFE700  }
0x141: {  	[tilespmem:s21], [sflag:$0x1] =	stream.indirect.gather [spmem:s4], $0x10, s0, s19, $0xb8;
	[tilespmem:$0x15450] =	vst v63  }
0x142: {  	s22 =	simm.s32 $0x6C20  }
0x143: {  	[tilespmem:s22], [sflag:$0x1] =	stream.indirect.gather [spmem:s5], $0x10, s14, s19, $0xb8;
	[tilespmem:$0x15450] =	vst v63  }
0x144: {  	s23 =	simm.s32 $0x5080  }
0x145: {  	[tilespmem:s24], [sflag:$0x1] =	stream.indirect.gather [spmem:s4], $0x10, s23, s19, $0xb8;
	[tilespmem:$0x15450] =	vst v63  }
0x146: {  	_ = 	snop  }
0x147: {  	[tilespmem:s26], [sflag:$0x1] =	stream.indirect.gather [spmem:s5], $0x10, s25, s19, $0xb8;
	[tilespmem:$0x15450] =	vst v63  }
0x148: {  	_ = 	snop  }
0x149: {  	[tilespmem:s29], [sflag:$0x1] =	stream.indirect.gather [spmem:s4], $0x10, s28, s19, $0xb8;
	[tilespmem:$0x15450] =	vst v63  }
0x14a: {  	_ = 	snop  }
0x14b: {  	[tilespmem:s20], [sflag:$0x1] =	stream.indirect.gather [spmem:s5], $0x10, s18, s19, $0xb8;
	[tilespmem:$0x15450] =	vst v63  }
0x14c: {  	_ = 	snop  }
0x14d: {  	[tilespmem:s2], [sflag:$0x1] =	stream.indirect.gather [spmem:s4], $0x10, s1, s30, $0xb8;
	[tilespmem:$0x15450] =	vst v63  }
0x14e: {  	_ = 	snop  }
0x14f: {  	[tilespmem:s7], [sflag:$0x1] =	stream.indirect.gather [spmem:s5], $0x10, s6, s30, $0xb8;
	[tilespmem:$0x15450] =	vst v63  }
0x150: {  	_ =	swait.ge [sflag:s8], $0x800  }
0x151: {  	[sflag:s8] =	ssyncset.done $0x0  }
0x152: {  	[sflag:s8] =	ssyncadd.s32 $0xFFFFF800  }
0x153: {  	_ =	swait.ge [sflag:s8], $0x800  }
0x154: {  	[sflag:s8] =	ssyncset.done $0x0  }
0x155: {  	[sflag:s8] =	ssyncadd.s32 $0xFFFFF800  }
0x156: {  	_ =	swait.ge [sflag:s8], $0x800  }
0x157: {  	[sflag:s8] =	ssyncset.done $0x0  }
0x158: {  	[sflag:s8] =	ssyncadd.s32 $0xFFFFF800  }
0x159: {  	_ =	swait.ge [sflag:s8], $0x800  }
0x15a: {  	[sflag:s8] =	ssyncset.done $0x0  }
0x15b: {  	[sflag:s8] =	ssyncadd.s32 $0xFFFFF800  }
0x15c: {  	_ =	swait.ge [sflag:s8], $0x800  }
0x15d: {  	[sflag:s8] =	ssyncset.done $0x0  }
0x15e: {  	[sflag:s8] =	ssyncadd.s32 $0xFFFFF800  }
0x15f: {  	_ =	swait.ge [sflag:s8], $0x800  }
0x160: {  	[sflag:s8] =	ssyncset.done $0x0  }
0x161: {  	[sflag:s8] =	ssyncadd.s32 $0xFFFFF800  }
0x162: {  	_ =	swait.ge [sflag:s8], $0x100  }
0x163: {  	[sflag:s8] =	ssyncset.done $0x0  }
0x164: {  	[sflag:s8] =	ssyncadd.s32 $0xFFFFFF00  }
0x165: {  	_ =	swait.ge [sflag:s8], $0x100  }
0x166: {  	[sflag:s8] =	ssyncset.done $0x0  }
0x167: {  	s16 =	simm.s32 $0x0;
	[sflag:s8] =	ssyncadd.s32 $0xFFFFFF00  }
0x168: {  	v5 =	vld [tilespmem:s16+$0x8520]  }
0x169: {  	v6 =	vld [tilespmem:s16+$0x8530]  }
0x16a: {  	v4 =	vld [tilespmem:s16+$0x8540]  }
0x16b: {  	v3 =	vld [tilespmem:s16+$0x8550]  }
0x16c: {  	v2 =	vld [tilespmem:s16+$0x8560]  }
0x16d: {  	v1 =	vld [tilespmem:s16+$0x8570]  }
0x16e: {  	v13 =	vld [tilespmem:s16+$0x6C20]  }
0x16f: {  	v18 =	vld [tilespmem:s16+$0x6C30]  }
0x170: {  	v12 =	vld [tilespmem:s16+$0x6C40]  }
0x171: {  	v11 =	vld [tilespmem:s16+$0x6C50]  }
0x172: {  	v10 =	vld [tilespmem:s16+$0x6C60]  }
0x173: {  	v9 =	vld [tilespmem:s16+$0x6C70]  }
0x174: {  	v8 =	vld [tilespmem:s16+$0x6C80]  }
0x175: {  	v7 =	vld [tilespmem:s16+$0x6C90]  }
0x176: {  	v19 =	vld [tilespmem:s16+$0x5320]  }
0x177: {  	v20 =	vld [tilespmem:s16+$0x5330]  }
0x178: {  	v17 =	vld [tilespmem:s16+$0x5340]  }
0x179: {  	v16 =	vld [tilespmem:s16+$0x5350]  }
0x17a: {  	v15 =	vld [tilespmem:s16+$0x5360]  }
0x17b: {  	v14 =	vld [tilespmem:s16+$0x5370];
	v19 =	vadd.f32 v13, v19  }
0x17c: {  	s22 =	simm.s32 $0x200;
	v18 =	vadd.f32 v18, v20;
	v13 =	vld [tilespmem:s16+$0x5380]  }
.LBB2_40:
0x17d: {  	p2 =	sne.s32 s22, $0x6200;
	v5 =	vadd.f32 v5, v19;
	v12 =	vadd.f32 v12, v17;
	v17 =	vld [tilespmem:s16+$0x5390]  }
0x17e: {  	v6 =	vadd.f32 v6, v18;
	v11 =	vadd.f32 v11, v16;
	v16 =	vld [tilespmem:s16+$0x8580]  }
0x17f: {  	s23 =	sshra.s32 s22, $0x2;
	v18 =	vmax.f32 v5, $0.0e+00;
	v4 =	vadd.f32 v4, v12;
	v10 =	vadd.f32 v10, v15;
	v12 =	vld [tilespmem:s16+$0x8590]  }
0x180: {  	v5 =	vld [tilespmem:s23+$0x8520];
	[tilespmem:s16+$0x5320] =	vst v18;
	v15 =	vmax.f32 v6, $0.0e+00;
	v3 =	vadd.f32 v3, v11;
	v9 =	vadd.f32 v9, v14  }
0x181: {  	v6 =	vld [tilespmem:s23+$0x8530];
	[tilespmem:s16+$0x5330] =	vst v15;
	v14 =	vmax.f32 v4, $0.0e+00;
	v2 =	vadd.f32 v2, v10;
	v8 =	vadd.f32 v8, v13  }
0x182: {  	v4 =	vld [tilespmem:s23+$0x8540];
	[tilespmem:s16+$0x5340] =	vst v14;
	v13 =	vmax.f32 v3, $0.0e+00;
	v1 =	vadd.f32 v1, v9;
	v7 =	vadd.f32 v7, v17  }
0x183: {  	v3 =	vld [tilespmem:s23+$0x8550];
	[tilespmem:s16+$0x5350] =	vst v13;
	v17 =	vmax.f32 v2, $0.0e+00;
	v8 =	vadd.f32 v16, v8  }
0x184: {  	v2 =	vld [tilespmem:s23+$0x8560];
	[tilespmem:s16+$0x5360] =	vst v17;
	v16 =	vmax.f32 v1, $0.0e+00;
	v7 =	vadd.f32 v12, v7  }
0x185: {  	v1 =	vld [tilespmem:s23+$0x8570];
	[tilespmem:s16+$0x5370] =	vst v16;
	v19 =	vmax.f32 v8, $0.0e+00  }
0x186: {  	v20 =	vld [tilespmem:s23+$0x6C20];
	[tilespmem:s16+$0x5380] =	vst v19;
	v21 =	vmax.f32 v7, $0.0e+00  }
0x187: {  	v22 =	vld [tilespmem:s23+$0x6C30];
	[tilespmem:s16+$0x5390] =	vst v21  }
0x188: {  	v12 =	vld [tilespmem:s23+$0x6C40];
	[tilespmem:s16+$0x9E20] =	vst v18  }
0x189: {  	v11 =	vld [tilespmem:s23+$0x6C50];
	[tilespmem:s16+$0x9E30] =	vst v15  }
0x18a: {  	v10 =	vld [tilespmem:s23+$0x6C60];
	[tilespmem:s16+$0x9E40] =	vst v14  }
0x18b: {  	v9 =	vld [tilespmem:s23+$0x6C70];
	[tilespmem:s16+$0x9E50] =	vst v13  }
0x18c: {  	v8 =	vld [tilespmem:s23+$0x6C80];
	[tilespmem:s16+$0x9E60] =	vst v17  }
0x18d: {  	v7 =	vld [tilespmem:s23+$0x6C90];
	[tilespmem:s16+$0x9E70] =	vst v16  }
0x18e: {  	v13 =	vld [tilespmem:s23+$0x5320];
	[tilespmem:s16+$0x9E80] =	vst v19  }
0x18f: {  	v18 =	vld [tilespmem:s23+$0x5330];
	[tilespmem:s16+$0x9E90] =	vst v21;
	s16 =	smov.u32 s23  }
.Ltmp19:
0x190: {  	v17 =	vld [tilespmem:s16+$0x5340];
	(pc) =	sbr.rel @p2 .LBB2_40-.Ltmp19, $4  }
0x191: {  	v16 =	vld [tilespmem:s16+$0x5350]  }
0x192: {  	v15 =	vld [tilespmem:s16+$0x5360]  }
0x193: {  	v19 =	vadd.f32 v20, v13;
	v14 =	vld [tilespmem:s16+$0x5370]  }
0x194: {  	s22 =	sadd.s32 $0x200, s22;
	v18 =	vadd.f32 v22, v18;
	v13 =	vld [tilespmem:s16+$0x5380]  }
0x195: {  	v5 =	vadd.f32 v5, v19;
	_ =	sdelay $0x1  }
0x196: {  	v12 =	vadd.f32 v12, v17;
	v6 =	vadd.f32 v6, v18;
	v5 =	vmax.f32 v5, $0.0e+00  }
0x197: {  	[tilespmem:s16+$0x5320] =	vst v5  }
0x198: {  	v11 =	vadd.f32 v11, v16;
	v4 =	vadd.f32 v4, v12;
	v6 =	vmax.f32 v6, $0.0e+00;
	[tilespmem:s16+$0x9E20] =	vst v5  }
0x199: {  	[tilespmem:s16+$0x5330] =	vst v6  }
0x19a: {  	v61 =	vld [tilespmem:s16+$0x5390];
	v10 =	vadd.f32 v10, v15;
	v3 =	vadd.f32 v3, v11;
	v4 =	vmax.f32 v4, $0.0e+00;
	[tilespmem:s16+$0x9E30] =	vst v6  }
0x19b: {  	v62 =	vld [tilespmem:s16+$0x8580];
	[tilespmem:s16+$0x5340] =	vst v4  }
0x19c: {  	v9 =	vadd.f32 v9, v14;
	v2 =	vadd.f32 v2, v10;
	v3 =	vmax.f32 v3, $0.0e+00;
	[tilespmem:s16+$0x9E40] =	vst v4  }
0x19d: {  	v63 =	vld [tilespmem:s16+$0x8590];
	[tilespmem:s16+$0x5350] =	vst v3  }
0x19e: {  	v8 =	vadd.f32 v8, v13;
	v1 =	vadd.f32 v1, v9;
	v2 =	vmax.f32 v2, $0.0e+00;
	[tilespmem:s16+$0x9E50] =	vst v3  }
0x19f: {  	[tilespmem:s16+$0x5360] =	vst v2  }
0x1a0: {  	v7 =	vadd.f32 v7, v61;
	v8 =	vadd.f32 v62, v8;
	v1 =	vmax.f32 v1, $0.0e+00;
	[tilespmem:s16+$0x9E60] =	vst v2  }
0x1a1: {  	[tilespmem:s16+$0x5370] =	vst v1  }
0x1a2: {  	v7 =	vadd.f32 v63, v7;
	v8 =	vmax.f32 v8, $0.0e+00;
	[tilespmem:s16+$0x9E70] =	vst v1  }
0x1a3: {  	[tilespmem:s16+$0x5380] =	vst v8  }
0x1a4: {  	v7 =	vmax.f32 v7, $0.0e+00;
	[tilespmem:s16+$0x9E80] =	vst v8  }
0x1a5: {  	s22 =	rddreg [dreg:$0x3];
	[tilespmem:s16+$0x5390] =	vst v7  }
0x1a6: {  	s23 =	simm.s32 $0x0;
	s13 =	sadd.s32 s22, s13;
	[tilespmem:s16+$0x9E90] =	vst v7  }
0x1a7: {  	[hbm4b:s13+s23] =	stream.linear.scatter [tilespmem:s10], [sflag:$0x3], $0x1900, $0x38;
	[tilespmem:$0x15450] =	vst v63  }
0x1a8: {  	_ =	swait.ge [sflag:s31], $0x1900  }
0x1a9: {  	[sflag:s31] =	ssyncset.done $0x0  }
0x1aa: {  	[sflag:s31] =	ssyncadd.s32 $0xFFFFE700  }
0x1ab: {  	[spmem:s3] =	stream.indirect.scatter.add.f32 [tilespmem:s21], [sflag:$0x3], $0x10, s14, s19, $0xb8;
	[tilespmem:$0x15450] =	vst v63  }
0x1ac: {  	_ =	swait.ge [sflag:s31], $0x800  }
0x1ad: {  	[sflag:s31] =	ssyncset.done $0x0  }
0x1ae: {  	[sflag:s31] =	ssyncadd.s32 $0xFFFFF800  }
0x1af: {  	[spmem:s3] =	stream.indirect.scatter.add.f32 [tilespmem:s24], [sflag:$0x3], $0x10, s25, s19, $0xb8;
	[tilespmem:$0x15450] =	vst v63  }
0x1b0: {  	_ =	swait.ge [sflag:s31], $0x800  }
0x1b1: {  	[sflag:s31] =	ssyncset.done $0x0  }
0x1b2: {  	[sflag:s31] =	ssyncadd.s32 $0xFFFFF800  }
0x1b3: {  	[spmem:s3] =	stream.indirect.scatter.add.f32 [tilespmem:s29], [sflag:$0x3], $0x10, s18, s19, $0xb8;
	[tilespmem:$0x15450] =	vst v63  }
0x1b4: {  	s12 =	sadd.s32 $0x1, s12;
	_ =	swait.ge [sflag:s31], $0x800  }
0x1b5: {  	p2 =	sne.s32 s12, $0x19;
	[sflag:s31] =	ssyncset.done $0x0  }
.Ltmp20:
0x1b6: {  	[sflag:s31] =	ssyncadd.s32 $0xFFFFF800;
	(pc) =	sbr.rel @p2 .LBB2_39-.Ltmp20, $4  }
0x1b7: {  	[spmem:s3] =	stream.indirect.scatter.add.f32 [tilespmem:s2], [sflag:$0x3], $0x10, s6, s30, $0xb8;
	[tilespmem:$0x15450] =	vst v63  }
0x1b8: {  	_ =	swait.ge [sflag:s31], $0x100  }
0x1b9: {  	[sflag:s31] =	ssyncset.done $0x0  }
0x1ba: {  	[sflag:s31] =	ssyncadd.s32 $0xFFFFFF00  }
0x1bb: {  	[bflag:$0x0] =	sbarrier.arrive $0xFFFF  }
0x1bc: {  	s12 =	sld [smem:$0x7F3];
	_ =	sdelay $0x1  }
0x1bd: {  	s11 =	simm.s32 @p1 $0xB720  }
0x1be: {  	[tilespmem:s11], [sflag:$0x3] =	stream.linear.gather @p1 [spmem:s12], $0x2700, $0x38;
	[tilespmem:$0x15450] =	vst v63  }
0x1bf: {  	s12 =	simm.s32 @p1 $0x3  }
0x1c0: {  	_ =	swait.ge @p1 [sflag:s12], $0x2700  }
0x1c1: {  	[sflag:s12] =	ssyncset.done @p1 $0x0  }
0x1c2: {  	s13 =	simm.s32 @p1 $0x0;
	s16 =	rddreg [dreg:$0x10];
	[sflag:s12] =	ssyncadd.s32 @p1 $0xFFFFD900  }
0x1c3: {  	[hbm4b:s16+s13] =	stream.linear.scatter @p1 [tilespmem:s11], [sflag:$0x3], $0x2700, $0x38;
	[tilespmem:$0x15450] =	vst v63  }
0x1c4: {  	_ =	swait.ge @p1 [sflag:s12], $0x2700  }
0x1c5: {  	[sflag:s12] =	ssyncset.done @p1 $0x0  }
0x1c6: {  	[sflag:s12] =	ssyncadd.s32 @p1 $0xFFFFD900;
	s12 =	sld [smem:$0x7F5];
	_ =	sdelay $0x1  }
0x1c7: {  	s11 =	simm.s32 @!p1 $0xB720  }
0x1c8: {  	[tilespmem:s11], [sflag:$0x3] =	stream.linear.gather @!p1 [spmem:s12], $0x2800, $0x38;
	[tilespmem:$0x15450] =	vst v63  }
0x1c9: {  	s12 =	simm.s32 @!p1 $0x3  }
0x1ca: {  	_ =	swait.ge @!p1 [sflag:s12], $0x2800  }
0x1cb: {  	[sflag:s12] =	ssyncset.done @!p1 $0x0  }
0x1cc: {  	s13 =	simm.s32 @!p1 $0x0;
	s16 =	rddreg [dreg:$0x11];
	[sflag:s12] =	ssyncadd.s32 @!p1 $0xFFFFD800  }
0x1cd: {  	[hbm4b:s16+s13] =	stream.linear.scatter @!p1 [tilespmem:s11], [sflag:$0x3], $0x2800, $0x38;
	[tilespmem:$0x15450] =	vst v63  }
0x1ce: {  	_ =	swait.ge @!p1 [sflag:s12], $0x2800  }
0x1cf: {  	[sflag:s12] =	ssyncset.done @!p1 $0x0  }
0x1d0: {  	s11 =	simm.s32 $0x40;
	[sflag:s12] =	ssyncadd.s32 @!p1 $0xFFFFD800;
	s12 =	simm.s32 $0x0  }
.LBB2_43:
0x1d1: {  	p2 =	sne.s32 s11, $0x9FC0;
	[tilespmem:s12+$0xB720] =	vst v0;
	s12 =	smov.u32 s11;
	s11 =	sadd.s32 $0x40, s11  }
.Ltmp21:
0x1d2: {  	(pc) =	sbr.rel @p2 .LBB2_43-.Ltmp21, $2  }
0x1d3: {  	_ =	sdelay $0x2  }
0x1d4: {  	s12 =	sshra.s32 s12, $0x2  }
.Ltmp22:
0x1d5: {  	(pc) =	sbr.rel @!p0 .LBB2_45-.Ltmp22, $2  }
0x1d6: {  	_ =	sdelay $0x2  }
0x1d7: {  	[tilespmem:s12+$0xB720] =	vst v0;
	s16 =	simm.s32 $0xB720  }
0x1d8: {  	s11 =	sld [smem:$0x7F5];
	_ =	sdelay $0x2  }
0x1d9: {  	[spmem:s11] =	stream.linear.scatter [tilespmem:s16], [sflag:$0x3], $0x2800, $0x38;
	[tilespmem:$0x15450] =	vst v63  }
0x1da: {  	_ =	swait.ge [sflag:s31], $0x2800  }
0x1db: {  	[sflag:s31] =	ssyncset.done $0x0  }
0x1dc: {  	[sflag:s31] =	ssyncadd.s32 $0xFFFFD800  }
0x1dd: {  	[bflag:$0x0] =	sbarrier.arrive $0xFFFF  }
0x1de: {  	s23 =	simm.s32 $0x0;
	s12 =	rddreg [dreg:$0x1d]  }
0x1df: {  	[tilespmem:s23], [sflag:$0x3] =	stream.linear.gather [hbm4b:s12+s23], $0x5000, $0x38;
	[tilespmem:$0x15450] =	vst v63  }
0x1e0: {  	_ =	swait.ge [sflag:s31], $0x5000  }
0x1e1: {  	[sflag:s31] =	ssyncset.done $0x0  }
0x1e2: {  	s11 =	simm.s32 $0x20;
	[sflag:s31] =	ssyncadd.s32 $0xFFFFB000  }
0x1e3: {  	v1 =	vld [tilespmem:s11+$0x0];
	_ =	sdelay $0x2  }
0x1e4: {  	s13 =	simm.s32 $0x0;
	s12 =	simm.s32 $0x40  }
.LBB2_63:
0x1e5: {  	p2 =	sne.s32 s12, $0x27C0  }
0x1e6: {  	[tilespmem:s13+$0xB720] =	vst v1;
	s11 =	sadd.s32 $0x80, s11;
	s13 =	smov.u32 s12;
	s12 =	sadd.s32 $0x40, s12  }
.Ltmp23:
0x1e7: {  	v1 =	vld [tilespmem:s11+$0x0];
	(pc) =	sbr.rel @p2 .LBB2_63-.Ltmp23, $2  }
0x1e8: {  	_ =	sdelay $0x2  }
0x1e9: {  	s13 =	sshra.s32 s13, $0x2  }
0x1ea: {  	s11 =	sld [smem:$0x7F6];
	_ =	sdelay $0x1  }
0x1eb: {  	[tilespmem:s13+$0xB720] =	vst v1  }
0x1ec: {  	[spmem:s11] =	stream.linear.scatter [tilespmem:s16], [sflag:$0x3], $0xA00, $0x38;
	[tilespmem:$0x15450] =	vst v63  }
0x1ed: {  	_ =	swait.ge [sflag:s31], $0xA00  }
0x1ee: {  	[sflag:s31] =	ssyncset.done $0x0  }
0x1ef: {  	s11 =	simm.s32 $0x30;
	[sflag:s31] =	ssyncadd.s32 $0xFFFFF600  }
0x1f0: {  	v1 =	vld [tilespmem:s11+$0x0];
	_ =	sdelay $0x2  }
0x1f1: {  	s12 =	simm.s32 $0x40;
	s13 =	simm.s32 $0x0  }
.LBB2_65:
0x1f2: {  	p2 =	sne.s32 s12, $0x27C0  }
0x1f3: {  	[tilespmem:s13+$0xB720] =	vst v1;
	s11 =	sadd.s32 $0x80, s11;
	s13 =	smov.u32 s12;
	s12 =	sadd.s32 $0x40, s12  }
.Ltmp24:
0x1f4: {  	v1 =	vld [tilespmem:s11+$0x0];
	(pc) =	sbr.rel @p2 .LBB2_65-.Ltmp24, $2  }
0x1f5: {  	_ =	sdelay $0x2  }
0x1f6: {  	s13 =	sshra.s32 s13, $0x2  }
0x1f7: {  	s11 =	sld [smem:$0x7F7];
	_ =	sdelay $0x1  }
0x1f8: {  	[tilespmem:s13+$0xB720] =	vst v1  }
0x1f9: {  	[spmem:s11] =	stream.linear.scatter [tilespmem:s16], [sflag:$0x3], $0xA00, $0x38;
	[tilespmem:$0x15450] =	vst v63  }
0x1fa: {  	_ =	swait.ge [sflag:s31], $0xA00  }
0x1fb: {  	[sflag:s31] =	ssyncset.done $0x0  }
0x1fc: {  	s23 =	simm.s32 $0x0;
	s12 =	rddreg [dreg:$0x1e];
	[sflag:s31] =	ssyncadd.s32 $0xFFFFF600  }
0x1fd: {  	[tilespmem:s23], [sflag:$0x3] =	stream.linear.gather [hbm4b:s12+s23], $0x5000, $0x38;
	[tilespmem:$0x15450] =	vst v63  }
0x1fe: {  	_ =	swait.ge [sflag:s31], $0x5000  }
0x1ff: {  	[sflag:s31] =	ssyncset.done $0x0  }
0x200: {  	s11 =	simm.s32 $0x20;
	[sflag:s31] =	ssyncadd.s32 $0xFFFFB000  }
0x201: {  	v1 =	vld [tilespmem:s11+$0x0];
	_ =	sdelay $0x2  }
0x202: {  	s13 =	simm.s32 $0x0;
	s12 =	simm.s32 $0x40  }
.LBB2_67:
0x203: {  	p2 =	sne.s32 s12, $0x27C0  }
0x204: {  	[tilespmem:s13+$0xB720] =	vst v1;
	s11 =	sadd.s32 $0x80, s11;
	s13 =	smov.u32 s12;
	s12 =	sadd.s32 $0x40, s12  }
.Ltmp25:
0x205: {  	v1 =	vld [tilespmem:s11+$0x0];
	(pc) =	sbr.rel @p2 .LBB2_67-.Ltmp25, $2  }
0x206: {  	_ =	sdelay $0x2  }
0x207: {  	s13 =	sshra.s32 s13, $0x2  }
0x208: {  	s11 =	sld [smem:$0x7F8];
	_ =	sdelay $0x1  }
0x209: {  	[tilespmem:s13+$0xB720] =	vst v1  }
0x20a: {  	[spmem:s11] =	stream.linear.scatter [tilespmem:s16], [sflag:$0x3], $0xA00, $0x38;
	[tilespmem:$0x15450] =	vst v63  }
0x20b: {  	_ =	swait.ge [sflag:s31], $0xA00  }
0x20c: {  	[sflag:s31] =	ssyncset.done $0x0  }
0x20d: {  	s11 =	simm.s32 $0x30;
	[sflag:s31] =	ssyncadd.s32 $0xFFFFF600  }
0x20e: {  	v1 =	vld [tilespmem:s11+$0x0];
	_ =	sdelay $0x2  }
0x20f: {  	s12 =	simm.s32 $0x40;
	s13 =	simm.s32 $0x0  }
.LBB2_69:
0x210: {  	p2 =	sne.s32 s12, $0x27C0  }
0x211: {  	[tilespmem:s13+$0xB720] =	vst v1;
	s11 =	sadd.s32 $0x80, s11;
	s13 =	smov.u32 s12;
	s12 =	sadd.s32 $0x40, s12  }
.Ltmp26:
0x212: {  	v1 =	vld [tilespmem:s11+$0x0];
	(pc) =	sbr.rel @p2 .LBB2_69-.Ltmp26, $2  }
0x213: {  	_ =	sdelay $0x2  }
0x214: {  	s13 =	sshra.s32 s13, $0x2  }
0x215: {  	s11 =	sld [smem:$0x7F9];
	_ =	sdelay $0x1  }
0x216: {  	[tilespmem:s13+$0xB720] =	vst v1  }
0x217: {  	[spmem:s11] =	stream.linear.scatter [tilespmem:s16], [sflag:$0x3], $0xA00, $0x38;
	[tilespmem:$0x15450] =	vst v63  }
0x218: {  	_ =	swait.ge [sflag:s31], $0xA00  }
0x219: {  	[sflag:s31] =	ssyncset.done $0x0  }
0x21a: {  	s23 =	simm.s32 $0x0;
	s12 =	rddreg [dreg:$0x1f];
	[sflag:s31] =	ssyncadd.s32 $0xFFFFF600  }
0x21b: {  	[tilespmem:s23], [sflag:$0x3] =	stream.linear.gather [hbm4b:s12+s23], $0x5000, $0x38;
	[tilespmem:$0x15450] =	vst v63  }
0x21c: {  	_ =	swait.ge [sflag:s31], $0x5000  }
0x21d: {  	[sflag:s31] =	ssyncset.done $0x0  }
0x21e: {  	s11 =	simm.s32 $0x20;
	[sflag:s31] =	ssyncadd.s32 $0xFFFFB000  }
0x21f: {  	v1 =	vld [tilespmem:s11+$0x0];
	_ =	sdelay $0x2  }
0x220: {  	s13 =	simm.s32 $0x0;
	s12 =	simm.s32 $0x40  }
.LBB2_71:
0x221: {  	p2 =	sne.s32 s12, $0x27C0  }
0x222: {  	[tilespmem:s13+$0xB720] =	vst v1;
	s11 =	sadd.s32 $0x80, s11;
	s13 =	smov.u32 s12;
	s12 =	sadd.s32 $0x40, s12  }
.Ltmp27:
0x223: {  	v1 =	vld [tilespmem:s11+$0x0];
	(pc) =	sbr.rel @p2 .LBB2_71-.Ltmp27, $2  }
0x224: {  	_ =	sdelay $0x2  }
0x225: {  	s13 =	sshra.s32 s13, $0x2  }
0x226: {  	s11 =	sld [smem:$0x7FA];
	_ =	sdelay $0x1  }
0x227: {  	[tilespmem:s13+$0xB720] =	vst v1  }
0x228: {  	[spmem:s11] =	stream.linear.scatter [tilespmem:s16], [sflag:$0x3], $0xA00, $0x38;
	[tilespmem:$0x15450] =	vst v63  }
0x229: {  	_ =	swait.ge [sflag:s31], $0xA00  }
0x22a: {  	[sflag:s31] =	ssyncset.done $0x0  }
0x22b: {  	s11 =	simm.s32 $0x30;
	[sflag:s31] =	ssyncadd.s32 $0xFFFFF600  }
0x22c: {  	v1 =	vld [tilespmem:s11+$0x0];
	_ =	sdelay $0x2  }
0x22d: {  	s12 =	simm.s32 $0x40;
	s13 =	simm.s32 $0x0  }
.LBB2_73:
0x22e: {  	p2 =	sne.s32 s12, $0x27C0  }
0x22f: {  	[tilespmem:s13+$0xB720] =	vst v1;
	s11 =	sadd.s32 $0x80, s11;
	s13 =	smov.u32 s12;
	s12 =	sadd.s32 $0x40, s12  }
.Ltmp28:
0x230: {  	v1 =	vld [tilespmem:s11+$0x0];
	(pc) =	sbr.rel @p2 .LBB2_73-.Ltmp28, $2  }
0x231: {  	_ =	sdelay $0x2  }
0x232: {  	s13 =	sshra.s32 s13, $0x2  }
0x233: {  	s11 =	sld [smem:$0x7FB];
	_ =	sdelay $0x1  }
0x234: {  	[tilespmem:s13+$0xB720] =	vst v1  }
0x235: {  	[spmem:s11] =	stream.linear.scatter [tilespmem:s16], [sflag:$0x3], $0xA00, $0x38;
	[tilespmem:$0x15450] =	vst v63  }
0x236: {  	_ =	swait.ge [sflag:s31], $0xA00  }
0x237: {  	s12 =	sld [smem:$0x7F0]  }
0x238: {  	[sflag:s31] =	ssyncset.done $0x0  }
0x239: {  	s23 =	simm.s32 $0x0;
	[sflag:s31] =	ssyncadd.s32 $0xFFFFF600  }
0x23a: {  	[tilespmem:s23], [sflag:$0x3] =	stream.linear.gather [hbm4b:s12+s23], $0x5000, $0x38;
	[tilespmem:$0x15450] =	vst v63  }
0x23b: {  	_ =	swait.ge [sflag:s31], $0x5000  }
0x23c: {  	[sflag:s31] =	ssyncset.done $0x0  }
0x23d: {  	s11 =	simm.s32 $0x20;
	[sflag:s31] =	ssyncadd.s32 $0xFFFFB000  }
0x23e: {  	v1 =	vld [tilespmem:s11+$0x0];
	_ =	sdelay $0x2  }
0x23f: {  	s13 =	simm.s32 $0x0;
	s12 =	simm.s32 $0x40  }
.LBB2_75:
0x240: {  	p2 =	sne.s32 s12, $0x27C0  }
0x241: {  	[tilespmem:s13+$0xB720] =	vst v1;
	s11 =	sadd.s32 $0x80, s11;
	s13 =	smov.u32 s12;
	s12 =	sadd.s32 $0x40, s12  }
.Ltmp29:
0x242: {  	v1 =	vld [tilespmem:s11+$0x0];
	(pc) =	sbr.rel @p2 .LBB2_75-.Ltmp29, $2  }
0x243: {  	_ =	sdelay $0x2  }
0x244: {  	s13 =	sshra.s32 s13, $0x2  }
0x245: {  	s11 =	sld [smem:$0x7FC];
	_ =	sdelay $0x1  }
0x246: {  	[tilespmem:s13+$0xB720] =	vst v1  }
0x247: {  	[spmem:s11] =	stream.linear.scatter [tilespmem:s16], [sflag:$0x3], $0xA00, $0x38;
	[tilespmem:$0x15450] =	vst v63  }
0x248: {  	_ =	swait.ge [sflag:s31], $0xA00  }
0x249: {  	[sflag:s31] =	ssyncset.done $0x0  }
0x24a: {  	s11 =	simm.s32 $0x30;
	[sflag:s31] =	ssyncadd.s32 $0xFFFFF600  }
0x24b: {  	v1 =	vld [tilespmem:s11+$0x0];
	_ =	sdelay $0x2  }
0x24c: {  	s12 =	simm.s32 $0x40;
	s13 =	simm.s32 $0x0  }
.LBB2_77:
0x24d: {  	p2 =	sne.s32 s12, $0x27C0  }
0x24e: {  	[tilespmem:s13+$0xB720] =	vst v1;
	s11 =	sadd.s32 $0x80, s11;
	s13 =	smov.u32 s12;
	s12 =	sadd.s32 $0x40, s12  }
.Ltmp30:
0x24f: {  	v1 =	vld [tilespmem:s11+$0x0];
	(pc) =	sbr.rel @p2 .LBB2_77-.Ltmp30, $2  }
0x250: {  	_ =	sdelay $0x2  }
0x251: {  	s13 =	sshra.s32 s13, $0x2  }
0x252: {  	s11 =	sld [smem:$0x7FD];
	_ =	sdelay $0x1  }
.Ltmp31:
0x253: {  	[tilespmem:s13+$0xB720] =	vst v1;
	(pc) =	sbr.rel .LBB2_79-.Ltmp31, $4  }
0x254: {  	[spmem:s11] =	stream.linear.scatter [tilespmem:s16], [sflag:$0x3], $0xA00, $0x38;
	[tilespmem:$0x15450] =	vst v63  }
0x255: {  	_ =	swait.ge [sflag:s31], $0xA00  }
0x256: {  	[sflag:s31] =	ssyncset.done $0x0  }
0x257: {  	[sflag:s31] =	ssyncadd.s32 $0xFFFFF600  }
.LBB2_45:
0x258: {  	s11 =	rddreg [dreg:$0xe]  }
0x259: {  	[spmem:s11] =	stream.linear.scatter [tilespmem:s16], [sflag:$0x3], $0x2700, $0x38;
	[tilespmem:$0x15450] =	vst v63  }
0x25a: {  	_ =	swait.ge [sflag:s31], $0x2700  }
0x25b: {  	[sflag:s31] =	ssyncset.done $0x0  }
0x25c: {  	[sflag:s31] =	ssyncadd.s32 $0xFFFFD900  }
0x25d: {  	[bflag:$0x0] =	sbarrier.arrive $0xFFFF  }
0x25e: {  	s23 =	simm.s32 $0x0;
	s12 =	rddreg [dreg:$0x1c]  }
0x25f: {  	[tilespmem:s23], [sflag:$0x3] =	stream.linear.gather [hbm4b:s12+s23], $0x4E00, $0x38;
	[tilespmem:$0x15450] =	vst v63  }
0x260: {  	_ =	swait.ge [sflag:s31], $0x4E00  }
0x261: {  	[sflag:s31] =	ssyncset.done $0x0  }
0x262: {  	s11 =	simm.s32 $0x20;
	[sflag:s31] =	ssyncadd.s32 $0xFFFFB200  }
0x263: {  	v1 =	vld [tilespmem:s11+$0x0];
	_ =	sdelay $0x2  }
0x264: {  	s13 =	simm.s32 $0x0;
	s12 =	simm.s32 $0x40  }
.LBB2_46:
0x265: {  	p2 =	sne.s32 s12, $0x26C0  }
0x266: {  	[tilespmem:s13+$0xB720] =	vst v1;
	s11 =	sadd.s32 $0x80, s11;
	s13 =	smov.u32 s12;
	s12 =	sadd.s32 $0x40, s12  }
.Ltmp32:
0x267: {  	v1 =	vld [tilespmem:s11+$0x0];
	(pc) =	sbr.rel @p2 .LBB2_46-.Ltmp32, $2  }
0x268: {  	_ =	sdelay $0x2  }
0x269: {  	s13 =	sshra.s32 s13, $0x2  }
0x26a: {  	s11 =	sld [smem:$0x7F1];
	_ =	sdelay $0x1  }
0x26b: {  	[tilespmem:s13+$0xB720] =	vst v1  }
0x26c: {  	[spmem:s11] =	stream.linear.scatter [tilespmem:s16], [sflag:$0x3], $0x9C0, $0x38;
	[tilespmem:$0x15450] =	vst v63  }
0x26d: {  	_ =	swait.ge [sflag:s31], $0x9C0  }
0x26e: {  	[sflag:s31] =	ssyncset.done $0x0  }
0x26f: {  	s11 =	simm.s32 $0x30;
	[sflag:s31] =	ssyncadd.s32 $0xFFFFF640  }
0x270: {  	v1 =	vld [tilespmem:s11+$0x0];
	_ =	sdelay $0x2  }
0x271: {  	s12 =	simm.s32 $0x40;
	s13 =	simm.s32 $0x0  }
.LBB2_48:
0x272: {  	p2 =	sne.s32 s12, $0x26C0  }
0x273: {  	[tilespmem:s13+$0xB720] =	vst v1;
	s11 =	sadd.s32 $0x80, s11;
	s13 =	smov.u32 s12;
	s12 =	sadd.s32 $0x40, s12  }
.Ltmp33:
0x274: {  	v1 =	vld [tilespmem:s11+$0x0];
	(pc) =	sbr.rel @p2 .LBB2_48-.Ltmp33, $2  }
0x275: {  	_ =	sdelay $0x2  }
0x276: {  	s13 =	sshra.s32 s13, $0x2  }
0x277: {  	s11 =	sld [smem:$0x7F2];
	_ =	sdelay $0x1  }
0x278: {  	[tilespmem:s13+$0xB720] =	vst v1  }
0x279: {  	[spmem:s11] =	stream.linear.scatter [tilespmem:s16], [sflag:$0x3], $0x9C0, $0x38;
	[tilespmem:$0x15450] =	vst v63  }
0x27a: {  	_ =	swait.ge [sflag:s31], $0x9C0  }
0x27b: {  	[sflag:s31] =	ssyncset.done $0x0  }
0x27c: {  	s23 =	simm.s32 $0x0;
	s12 =	rddreg [dreg:$0xf];
	[sflag:s31] =	ssyncadd.s32 $0xFFFFF640  }
0x27d: {  	[tilespmem:s23], [sflag:$0x3] =	stream.linear.gather [hbm4b:s12+s23], $0x4E00, $0x38;
	[tilespmem:$0x15450] =	vst v63  }
0x27e: {  	_ =	swait.ge [sflag:s31], $0x4E00  }
0x27f: {  	[sflag:s31] =	ssyncset.done $0x0  }
0x280: {  	s11 =	simm.s32 $0x20;
	[sflag:s31] =	ssyncadd.s32 $0xFFFFB200  }
0x281: {  	v1 =	vld [tilespmem:s11+$0x0];
	_ =	sdelay $0x2  }
0x282: {  	s13 =	simm.s32 $0x0;
	s12 =	simm.s32 $0x40  }
.LBB2_50:
0x283: {  	p2 =	sne.s32 s12, $0x26C0  }
0x284: {  	[tilespmem:s13+$0xB720] =	vst v1;
	s11 =	sadd.s32 $0x80, s11;
	s13 =	smov.u32 s12;
	s12 =	sadd.s32 $0x40, s12  }
.Ltmp34:
0x285: {  	v1 =	vld [tilespmem:s11+$0x0];
	(pc) =	sbr.rel @p2 .LBB2_50-.Ltmp34, $2  }
0x286: {  	_ =	sdelay $0x2  }
0x287: {  	s13 =	sshra.s32 s13, $0x2  }
0x288: {  	[tilespmem:s13+$0xB720] =	vst v1;
	s11 =	rddreg [dreg:$0x14]  }
0x289: {  	[spmem:s11] =	stream.linear.scatter [tilespmem:s16], [sflag:$0x3], $0x9C0, $0x38;
	[tilespmem:$0x15450] =	vst v63  }
0x28a: {  	_ =	swait.ge [sflag:s31], $0x9C0  }
0x28b: {  	[sflag:s31] =	ssyncset.done $0x0  }
0x28c: {  	s11 =	simm.s32 $0x30;
	[sflag:s31] =	ssyncadd.s32 $0xFFFFF640  }
0x28d: {  	v1 =	vld [tilespmem:s11+$0x0];
	_ =	sdelay $0x2  }
0x28e: {  	s12 =	simm.s32 $0x40;
	s13 =	simm.s32 $0x0  }
.LBB2_52:
0x28f: {  	p2 =	sne.s32 s12, $0x26C0  }
0x290: {  	[tilespmem:s13+$0xB720] =	vst v1;
	s11 =	sadd.s32 $0x80, s11;
	s13 =	smov.u32 s12;
	s12 =	sadd.s32 $0x40, s12  }
.Ltmp35:
0x291: {  	v1 =	vld [tilespmem:s11+$0x0];
	(pc) =	sbr.rel @p2 .LBB2_52-.Ltmp35, $2  }
0x292: {  	_ =	sdelay $0x2  }
0x293: {  	s13 =	sshra.s32 s13, $0x2  }
0x294: {  	[tilespmem:s13+$0xB720] =	vst v1;
	s11 =	rddreg [dreg:$0x15]  }
0x295: {  	[spmem:s11] =	stream.linear.scatter [tilespmem:s16], [sflag:$0x3], $0x9C0, $0x38;
	[tilespmem:$0x15450] =	vst v63  }
0x296: {  	_ =	swait.ge [sflag:s31], $0x9C0  }
0x297: {  	[sflag:s31] =	ssyncset.done $0x0  }
0x298: {  	s23 =	simm.s32 $0x0;
	s12 =	rddreg [dreg:$0x16];
	[sflag:s31] =	ssyncadd.s32 $0xFFFFF640  }
0x299: {  	[tilespmem:s23], [sflag:$0x3] =	stream.linear.gather [hbm4b:s12+s23], $0x4E00, $0x38;
	[tilespmem:$0x15450] =	vst v63  }
0x29a: {  	_ =	swait.ge [sflag:s31], $0x4E00  }
0x29b: {  	[sflag:s31] =	ssyncset.done $0x0  }
0x29c: {  	s11 =	simm.s32 $0x20;
	[sflag:s31] =	ssyncadd.s32 $0xFFFFB200  }
0x29d: {  	v1 =	vld [tilespmem:s11+$0x0];
	_ =	sdelay $0x2  }
0x29e: {  	s13 =	simm.s32 $0x0;
	s12 =	simm.s32 $0x40  }
.LBB2_54:
0x29f: {  	p2 =	sne.s32 s12, $0x26C0  }
0x2a0: {  	[tilespmem:s13+$0xB720] =	vst v1;
	s11 =	sadd.s32 $0x80, s11;
	s13 =	smov.u32 s12;
	s12 =	sadd.s32 $0x40, s12  }
.Ltmp36:
0x2a1: {  	v1 =	vld [tilespmem:s11+$0x0];
	(pc) =	sbr.rel @p2 .LBB2_54-.Ltmp36, $2  }
0x2a2: {  	_ =	sdelay $0x2  }
0x2a3: {  	s13 =	sshra.s32 s13, $0x2  }
0x2a4: {  	[tilespmem:s13+$0xB720] =	vst v1;
	s11 =	rddreg [dreg:$0x17]  }
0x2a5: {  	[spmem:s11] =	stream.linear.scatter [tilespmem:s16], [sflag:$0x3], $0x9C0, $0x38;
	[tilespmem:$0x15450] =	vst v63  }
0x2a6: {  	_ =	swait.ge [sflag:s31], $0x9C0  }
0x2a7: {  	[sflag:s31] =	ssyncset.done $0x0  }
0x2a8: {  	s11 =	simm.s32 $0x30;
	[sflag:s31] =	ssyncadd.s32 $0xFFFFF640  }
0x2a9: {  	v1 =	vld [tilespmem:s11+$0x0];
	_ =	sdelay $0x2  }
0x2aa: {  	s12 =	simm.s32 $0x40;
	s13 =	simm.s32 $0x0  }
.LBB2_56:
0x2ab: {  	p2 =	sne.s32 s12, $0x26C0  }
0x2ac: {  	[tilespmem:s13+$0xB720] =	vst v1;
	s11 =	sadd.s32 $0x80, s11;
	s13 =	smov.u32 s12;
	s12 =	sadd.s32 $0x40, s12  }
.Ltmp37:
0x2ad: {  	v1 =	vld [tilespmem:s11+$0x0];
	(pc) =	sbr.rel @p2 .LBB2_56-.Ltmp37, $2  }
0x2ae: {  	_ =	sdelay $0x2  }
0x2af: {  	s13 =	sshra.s32 s13, $0x2  }
0x2b0: {  	[tilespmem:s13+$0xB720] =	vst v1;
	s11 =	rddreg [dreg:$0x18]  }
0x2b1: {  	[spmem:s11] =	stream.linear.scatter [tilespmem:s16], [sflag:$0x3], $0x9C0, $0x38;
	[tilespmem:$0x15450] =	vst v63  }
0x2b2: {  	_ =	swait.ge [sflag:s31], $0x9C0  }
0x2b3: {  	[sflag:s31] =	ssyncset.done $0x0  }
0x2b4: {  	s23 =	simm.s32 $0x0;
	s12 =	rddreg [dreg:$0x19];
	[sflag:s31] =	ssyncadd.s32 $0xFFFFF640  }
0x2b5: {  	[tilespmem:s23], [sflag:$0x3] =	stream.linear.gather [hbm4b:s12+s23], $0x4E00, $0x38;
	[tilespmem:$0x15450] =	vst v63  }
0x2b6: {  	_ =	swait.ge [sflag:s31], $0x4E00  }
0x2b7: {  	[sflag:s31] =	ssyncset.done $0x0  }
0x2b8: {  	s11 =	simm.s32 $0x20;
	[sflag:s31] =	ssyncadd.s32 $0xFFFFB200  }
0x2b9: {  	v1 =	vld [tilespmem:s11+$0x0];
	_ =	sdelay $0x2  }
0x2ba: {  	s13 =	simm.s32 $0x0;
	s12 =	simm.s32 $0x40  }
.LBB2_58:
0x2bb: {  	p2 =	sne.s32 s12, $0x26C0  }
0x2bc: {  	[tilespmem:s13+$0xB720] =	vst v1;
	s11 =	sadd.s32 $0x80, s11;
	s13 =	smov.u32 s12;
	s12 =	sadd.s32 $0x40, s12  }
.Ltmp38:
0x2bd: {  	v1 =	vld [tilespmem:s11+$0x0];
	(pc) =	sbr.rel @p2 .LBB2_58-.Ltmp38, $2  }
0x2be: {  	_ =	sdelay $0x2  }
0x2bf: {  	s13 =	sshra.s32 s13, $0x2  }
0x2c0: {  	[tilespmem:s13+$0xB720] =	vst v1;
	s11 =	rddreg [dreg:$0x1a]  }
0x2c1: {  	[spmem:s11] =	stream.linear.scatter [tilespmem:s16], [sflag:$0x3], $0x9C0, $0x38;
	[tilespmem:$0x15450] =	vst v63  }
0x2c2: {  	_ =	swait.ge [sflag:s31], $0x9C0  }
0x2c3: {  	[sflag:s31] =	ssyncset.done $0x0  }
0x2c4: {  	s11 =	simm.s32 $0x30;
	[sflag:s31] =	ssyncadd.s32 $0xFFFFF640  }
0x2c5: {  	v1 =	vld [tilespmem:s11+$0x0];
	_ =	sdelay $0x2  }
0x2c6: {  	s12 =	simm.s32 $0x40;
	s13 =	simm.s32 $0x0  }
.LBB2_60:
0x2c7: {  	p2 =	sne.s32 s12, $0x26C0  }
0x2c8: {  	[tilespmem:s13+$0xB720] =	vst v1;
	s11 =	sadd.s32 $0x80, s11;
	s13 =	smov.u32 s12;
	s12 =	sadd.s32 $0x40, s12  }
.Ltmp39:
0x2c9: {  	v1 =	vld [tilespmem:s11+$0x0];
	(pc) =	sbr.rel @p2 .LBB2_60-.Ltmp39, $2  }
0x2ca: {  	_ =	sdelay $0x2  }
0x2cb: {  	s13 =	sshra.s32 s13, $0x2  }
0x2cc: {  	[tilespmem:s13+$0xB720] =	vst v1;
	s11 =	rddreg [dreg:$0x1b]  }
0x2cd: {  	[spmem:s11] =	stream.linear.scatter [tilespmem:s16], [sflag:$0x3], $0x9C0, $0x38;
	[tilespmem:$0x15450] =	vst v63  }
0x2ce: {  	_ =	swait.ge [sflag:s31], $0x9C0  }
0x2cf: {  	[sflag:s31] =	ssyncset.done $0x0  }
0x2d0: {  	[sflag:s31] =	ssyncadd.s32 $0xFFFFF640  }
.LBB2_79:
0x2d1: {  	[bflag:$0x0] =	sbarrier.arrive $0xFFFF;
	s11 =	simm.s32 $0x0;
	s12 =	simm.s32 $0x0  }
.LBB2_80:
0x2d2: {  	s13 =	smul.u32 $0x190, s12;
	_ =	sdelay $0x1  }
0x2d3: {  	s13 =	sadd.s32 s9, s13  }
0x2d4: {  	s22 =	rddreg [dreg:$0xb];
	s13 =	sshrl.u32 s13, $0x3  }
0x2d5: {  	s16 =	smul.u32 $0x32, s12;
	s23 =	rddreg [dreg:$0xc];
	s22 =	sadd.s32 s22, s13  }
0x2d6: {  	[tilespmem:s0], [sflag:$0x2] =	stream.linear.gather [hbm4b:s22+s11], $0x190, $0x38;
	[tilespmem:$0x15450] =	vst v63  }
0x2d7: {  	s16 =	sadd.s32 s15, s16;
	s13 =	sadd.s32 s23, s13  }
0x2d8: {  	[tilespmem:s14], [sflag:$0x2] =	stream.linear.gather [hbm4b:s13+s11], $0x190, $0x38;
	[tilespmem:$0x15450] =	vst v63  }
0x2d9: {  	s22 =	rddreg [dreg:$0x9];
	s13 =	sshll.u32 s16, $0x4  }
0x2da: {  	s23 =	simm.s32 $0x8520;
	s16 =	sadd.s32 s22, s13  }
0x2db: {  	[tilespmem:s23], [sflag:$0x2] =	stream.linear.gather [hbm4b:s16+s11], $0x1900, $0x38;
	[tilespmem:$0x15450] =	vst v63  }
0x2dc: {  	_ =	swait.ge [sflag:s17], $0x190  }
0x2dd: {  	[sflag:s17] =	ssyncset.done $0x0  }
0x2de: {  	[sflag:s17] =	ssyncadd.s32 $0xFFFFFE70  }
0x2df: {  	_ =	swait.ge [sflag:s17], $0x190  }
0x2e0: {  	[sflag:s17] =	ssyncset.done $0x0  }
0x2e1: {  	[sflag:s17] =	ssyncadd.s32 $0xFFFFFE70  }
0x2e2: {  	_ =	swait.ge [sflag:s17], $0x1900  }
0x2e3: {  	[sflag:s17] =	ssyncset.done $0x0  }
0x2e4: {  	[sflag:s17] =	ssyncadd.s32 $0xFFFFE700  }
0x2e5: {  	[tilespmem:s21], [sflag:$0x1] =	stream.indirect.gather [spmem:s4], $0x10, s0, s19, $0xb8;
	[tilespmem:$0x15450] =	vst v63  }
0x2e6: {  	s22 =	simm.s32 $0x6C20  }
0x2e7: {  	[tilespmem:s22], [sflag:$0x1] =	stream.indirect.gather [spmem:s5], $0x10, s14, s19, $0xb8;
	[tilespmem:$0x15450] =	vst v63  }
0x2e8: {  	s23 =	simm.s32 $0x5080  }
0x2e9: {  	[tilespmem:s24], [sflag:$0x1] =	stream.indirect.gather [spmem:s4], $0x10, s23, s19, $0xb8;
	[tilespmem:$0x15450] =	vst v63  }
0x2ea: {  	_ = 	snop  }
0x2eb: {  	[tilespmem:s26], [sflag:$0x1] =	stream.indirect.gather [spmem:s5], $0x10, s25, s19, $0xb8;
	[tilespmem:$0x15450] =	vst v63  }
0x2ec: {  	_ = 	snop  }
0x2ed: {  	[tilespmem:s29], [sflag:$0x1] =	stream.indirect.gather [spmem:s4], $0x10, s28, s19, $0xb8;
	[tilespmem:$0x15450] =	vst v63  }
0x2ee: {  	_ = 	snop  }
0x2ef: {  	[tilespmem:s20], [sflag:$0x1] =	stream.indirect.gather [spmem:s5], $0x10, s18, s19, $0xb8;
	[tilespmem:$0x15450] =	vst v63  }
0x2f0: {  	_ = 	snop  }
0x2f1: {  	[tilespmem:s2], [sflag:$0x1] =	stream.indirect.gather [spmem:s4], $0x10, s1, s30, $0xb8;
	[tilespmem:$0x15450] =	vst v63  }
0x2f2: {  	_ = 	snop  }
0x2f3: {  	[tilespmem:s7], [sflag:$0x1] =	stream.indirect.gather [spmem:s5], $0x10, s6, s30, $0xb8;
	[tilespmem:$0x15450] =	vst v63  }
0x2f4: {  	_ =	swait.ge [sflag:s8], $0x800  }
0x2f5: {  	[sflag:s8] =	ssyncset.done $0x0  }
0x2f6: {  	[sflag:s8] =	ssyncadd.s32 $0xFFFFF800  }
0x2f7: {  	_ =	swait.ge [sflag:s8], $0x800  }
0x2f8: {  	[sflag:s8] =	ssyncset.done $0x0  }
0x2f9: {  	[sflag:s8] =	ssyncadd.s32 $0xFFFFF800  }
0x2fa: {  	_ =	swait.ge [sflag:s8], $0x800  }
0x2fb: {  	[sflag:s8] =	ssyncset.done $0x0  }
0x2fc: {  	[sflag:s8] =	ssyncadd.s32 $0xFFFFF800  }
0x2fd: {  	_ =	swait.ge [sflag:s8], $0x800  }
0x2fe: {  	[sflag:s8] =	ssyncset.done $0x0  }
0x2ff: {  	[sflag:s8] =	ssyncadd.s32 $0xFFFFF800  }
0x300: {  	_ =	swait.ge [sflag:s8], $0x800  }
0x301: {  	[sflag:s8] =	ssyncset.done $0x0  }
0x302: {  	[sflag:s8] =	ssyncadd.s32 $0xFFFFF800  }
0x303: {  	_ =	swait.ge [sflag:s8], $0x800  }
0x304: {  	[sflag:s8] =	ssyncset.done $0x0  }
0x305: {  	[sflag:s8] =	ssyncadd.s32 $0xFFFFF800  }
0x306: {  	_ =	swait.ge [sflag:s8], $0x100  }
0x307: {  	[sflag:s8] =	ssyncset.done $0x0  }
0x308: {  	[sflag:s8] =	ssyncadd.s32 $0xFFFFFF00  }
0x309: {  	_ =	swait.ge [sflag:s8], $0x100  }
0x30a: {  	[sflag:s8] =	ssyncset.done $0x0  }
0x30b: {  	s16 =	simm.s32 $0x0;
	[sflag:s8] =	ssyncadd.s32 $0xFFFFFF00  }
0x30c: {  	v5 =	vld [tilespmem:s16+$0x8520]  }
0x30d: {  	v6 =	vld [tilespmem:s16+$0x8530]  }
0x30e: {  	v4 =	vld [tilespmem:s16+$0x8540]  }
0x30f: {  	v3 =	vld [tilespmem:s16+$0x8550]  }
0x310: {  	v2 =	vld [tilespmem:s16+$0x8560]  }
0x311: {  	v1 =	vld [tilespmem:s16+$0x8570]  }
0x312: {  	v13 =	vld [tilespmem:s16+$0x6C20]  }
0x313: {  	v18 =	vld [tilespmem:s16+$0x6C30]  }
0x314: {  	v12 =	vld [tilespmem:s16+$0x6C40]  }
0x315: {  	v11 =	vld [tilespmem:s16+$0x6C50]  }
0x316: {  	v10 =	vld [tilespmem:s16+$0x6C60]  }
0x317: {  	v9 =	vld [tilespmem:s16+$0x6C70]  }
0x318: {  	v8 =	vld [tilespmem:s16+$0x6C80]  }
0x319: {  	v7 =	vld [tilespmem:s16+$0x6C90]  }
0x31a: {  	v19 =	vld [tilespmem:s16+$0x5320]  }
0x31b: {  	v20 =	vld [tilespmem:s16+$0x5330]  }
0x31c: {  	v17 =	vld [tilespmem:s16+$0x5340]  }
0x31d: {  	v16 =	vld [tilespmem:s16+$0x5350]  }
0x31e: {  	v15 =	vld [tilespmem:s16+$0x5360]  }
0x31f: {  	v14 =	vld [tilespmem:s16+$0x5370];
	v19 =	vadd.f32 v13, v19  }
0x320: {  	s22 =	simm.s32 $0x200;
	v18 =	vadd.f32 v18, v20;
	v13 =	vld [tilespmem:s16+$0x5380]  }
.LBB2_81:
0x321: {  	p2 =	sne.s32 s22, $0x6200;
	v5 =	vadd.f32 v5, v19;
	v12 =	vadd.f32 v12, v17;
	v17 =	vld [tilespmem:s16+$0x5390]  }
0x322: {  	v6 =	vadd.f32 v6, v18;
	v11 =	vadd.f32 v11, v16;
	v16 =	vld [tilespmem:s16+$0x8580]  }
0x323: {  	s23 =	sshra.s32 s22, $0x2;
	v18 =	vmax.f32 v5, $0.0e+00;
	v4 =	vadd.f32 v4, v12;
	v10 =	vadd.f32 v10, v15;
	v12 =	vld [tilespmem:s16+$0x8590]  }
0x324: {  	v5 =	vld [tilespmem:s23+$0x8520];
	[tilespmem:s16+$0x5320] =	vst v18;
	v15 =	vmax.f32 v6, $0.0e+00;
	v3 =	vadd.f32 v3, v11;
	v9 =	vadd.f32 v9, v14  }
0x325: {  	v6 =	vld [tilespmem:s23+$0x8530];
	[tilespmem:s16+$0x5330] =	vst v15;
	v14 =	vmax.f32 v4, $0.0e+00;
	v2 =	vadd.f32 v2, v10;
	v8 =	vadd.f32 v8, v13  }
0x326: {  	v4 =	vld [tilespmem:s23+$0x8540];
	[tilespmem:s16+$0x5340] =	vst v14;
	v13 =	vmax.f32 v3, $0.0e+00;
	v1 =	vadd.f32 v1, v9;
	v7 =	vadd.f32 v7, v17  }
0x327: {  	v3 =	vld [tilespmem:s23+$0x8550];
	[tilespmem:s16+$0x5350] =	vst v13;
	v17 =	vmax.f32 v2, $0.0e+00;
	v8 =	vadd.f32 v16, v8  }
0x328: {  	v2 =	vld [tilespmem:s23+$0x8560];
	[tilespmem:s16+$0x5360] =	vst v17;
	v16 =	vmax.f32 v1, $0.0e+00;
	v7 =	vadd.f32 v12, v7  }
0x329: {  	v1 =	vld [tilespmem:s23+$0x8570];
	[tilespmem:s16+$0x5370] =	vst v16;
	v19 =	vmax.f32 v8, $0.0e+00  }
0x32a: {  	v20 =	vld [tilespmem:s23+$0x6C20];
	[tilespmem:s16+$0x5380] =	vst v19;
	v21 =	vmax.f32 v7, $0.0e+00  }
0x32b: {  	v22 =	vld [tilespmem:s23+$0x6C30];
	[tilespmem:s16+$0x5390] =	vst v21  }
0x32c: {  	v12 =	vld [tilespmem:s23+$0x6C40];
	[tilespmem:s16+$0x9E20] =	vst v18  }
0x32d: {  	v11 =	vld [tilespmem:s23+$0x6C50];
	[tilespmem:s16+$0x9E30] =	vst v15  }
0x32e: {  	v10 =	vld [tilespmem:s23+$0x6C60];
	[tilespmem:s16+$0x9E40] =	vst v14  }
0x32f: {  	v9 =	vld [tilespmem:s23+$0x6C70];
	[tilespmem:s16+$0x9E50] =	vst v13  }
0x330: {  	v8 =	vld [tilespmem:s23+$0x6C80];
	[tilespmem:s16+$0x9E60] =	vst v17  }
0x331: {  	v7 =	vld [tilespmem:s23+$0x6C90];
	[tilespmem:s16+$0x9E70] =	vst v16  }
0x332: {  	v13 =	vld [tilespmem:s23+$0x5320];
	[tilespmem:s16+$0x9E80] =	vst v19  }
0x333: {  	v18 =	vld [tilespmem:s23+$0x5330];
	[tilespmem:s16+$0x9E90] =	vst v21;
	s16 =	smov.u32 s23  }
.Ltmp40:
0x334: {  	v17 =	vld [tilespmem:s16+$0x5340];
	(pc) =	sbr.rel @p2 .LBB2_81-.Ltmp40, $4  }
0x335: {  	v16 =	vld [tilespmem:s16+$0x5350]  }
0x336: {  	v15 =	vld [tilespmem:s16+$0x5360]  }
0x337: {  	v19 =	vadd.f32 v20, v13;
	v14 =	vld [tilespmem:s16+$0x5370]  }
0x338: {  	s22 =	sadd.s32 $0x200, s22;
	v18 =	vadd.f32 v22, v18;
	v13 =	vld [tilespmem:s16+$0x5380]  }
0x339: {  	v5 =	vadd.f32 v5, v19;
	_ =	sdelay $0x1  }
0x33a: {  	v12 =	vadd.f32 v12, v17;
	v6 =	vadd.f32 v6, v18;
	v5 =	vmax.f32 v5, $0.0e+00  }
0x33b: {  	[tilespmem:s16+$0x5320] =	vst v5  }
0x33c: {  	v11 =	vadd.f32 v11, v16;
	v4 =	vadd.f32 v4, v12;
	v6 =	vmax.f32 v6, $0.0e+00;
	[tilespmem:s16+$0x9E20] =	vst v5  }
0x33d: {  	[tilespmem:s16+$0x5330] =	vst v6  }
0x33e: {  	v61 =	vld [tilespmem:s16+$0x5390];
	v10 =	vadd.f32 v10, v15;
	v3 =	vadd.f32 v3, v11;
	v4 =	vmax.f32 v4, $0.0e+00;
	[tilespmem:s16+$0x9E30] =	vst v6  }
0x33f: {  	v62 =	vld [tilespmem:s16+$0x8580];
	[tilespmem:s16+$0x5340] =	vst v4  }
0x340: {  	v9 =	vadd.f32 v9, v14;
	v2 =	vadd.f32 v2, v10;
	v3 =	vmax.f32 v3, $0.0e+00;
	[tilespmem:s16+$0x9E40] =	vst v4  }
0x341: {  	v63 =	vld [tilespmem:s16+$0x8590];
	[tilespmem:s16+$0x5350] =	vst v3  }
0x342: {  	v8 =	vadd.f32 v8, v13;
	v1 =	vadd.f32 v1, v9;
	v2 =	vmax.f32 v2, $0.0e+00;
	[tilespmem:s16+$0x9E50] =	vst v3  }
0x343: {  	[tilespmem:s16+$0x5360] =	vst v2  }
0x344: {  	v7 =	vadd.f32 v7, v61;
	v8 =	vadd.f32 v62, v8;
	v1 =	vmax.f32 v1, $0.0e+00;
	[tilespmem:s16+$0x9E60] =	vst v2  }
0x345: {  	[tilespmem:s16+$0x5370] =	vst v1  }
0x346: {  	v7 =	vadd.f32 v63, v7;
	v8 =	vmax.f32 v8, $0.0e+00;
	[tilespmem:s16+$0x9E70] =	vst v1  }
0x347: {  	[tilespmem:s16+$0x5380] =	vst v8  }
0x348: {  	v7 =	vmax.f32 v7, $0.0e+00;
	[tilespmem:s16+$0x9E80] =	vst v8  }
0x349: {  	s22 =	rddreg [dreg:$0xd];
	[tilespmem:s16+$0x5390] =	vst v7  }
0x34a: {  	s23 =	simm.s32 $0x0;
	s13 =	sadd.s32 s22, s13;
	[tilespmem:s16+$0x9E90] =	vst v7  }
0x34b: {  	[hbm4b:s13+s23] =	stream.linear.scatter [tilespmem:s10], [sflag:$0x3], $0x1900, $0x38;
	[tilespmem:$0x15450] =	vst v63  }
0x34c: {  	_ =	swait.ge [sflag:s31], $0x1900  }
0x34d: {  	[sflag:s31] =	ssyncset.done $0x0  }
0x34e: {  	[sflag:s31] =	ssyncadd.s32 $0xFFFFE700  }
0x34f: {  	[spmem:s3] =	stream.indirect.scatter.add.f32 [tilespmem:s21], [sflag:$0x3], $0x10, s14, s19, $0xb8;
	[tilespmem:$0x15450] =	vst v63  }
0x350: {  	_ =	swait.ge [sflag:s31], $0x800  }
0x351: {  	[sflag:s31] =	ssyncset.done $0x0  }
0x352: {  	[sflag:s31] =	ssyncadd.s32 $0xFFFFF800  }
0x353: {  	[spmem:s3] =	stream.indirect.scatter.add.f32 [tilespmem:s24], [sflag:$0x3], $0x10, s25, s19, $0xb8;
	[tilespmem:$0x15450] =	vst v63  }
0x354: {  	_ =	swait.ge [sflag:s31], $0x800  }
0x355: {  	[sflag:s31] =	ssyncset.done $0x0  }
0x356: {  	[sflag:s31] =	ssyncadd.s32 $0xFFFFF800  }
0x357: {  	[spmem:s3] =	stream.indirect.scatter.add.f32 [tilespmem:s29], [sflag:$0x3], $0x10, s18, s19, $0xb8;
	[tilespmem:$0x15450] =	vst v63  }
0x358: {  	s12 =	sadd.s32 $0x1, s12;
	_ =	swait.ge [sflag:s31], $0x800  }
0x359: {  	p2 =	sne.s32 s12, $0x19;
	[sflag:s31] =	ssyncset.done $0x0  }
.Ltmp41:
0x35a: {  	[sflag:s31] =	ssyncadd.s32 $0xFFFFF800;
	(pc) =	sbr.rel @p2 .LBB2_80-.Ltmp41, $4  }
0x35b: {  	[spmem:s3] =	stream.indirect.scatter.add.f32 [tilespmem:s2], [sflag:$0x3], $0x10, s6, s30, $0xb8;
	[tilespmem:$0x15450] =	vst v63  }
0x35c: {  	_ =	swait.ge [sflag:s31], $0x100  }
0x35d: {  	[sflag:s31] =	ssyncset.done $0x0  }
0x35e: {  	[sflag:s31] =	ssyncadd.s32 $0xFFFFFF00  }
0x35f: {  	[bflag:$0x0] =	sbarrier.arrive $0xFFFF  }
0x360: {  	s12 =	sld [smem:$0x7F3];
	_ =	sdelay $0x1  }
0x361: {  	s11 =	simm.s32 @p1 $0xB720  }
0x362: {  	[tilespmem:s11], [sflag:$0x3] =	stream.linear.gather @p1 [spmem:s12], $0x2700, $0x38;
	[tilespmem:$0x15450] =	vst v63  }
0x363: {  	s12 =	simm.s32 @p1 $0x3  }
0x364: {  	_ =	swait.ge @p1 [sflag:s12], $0x2700  }
0x365: {  	[sflag:s12] =	ssyncset.done @p1 $0x0  }
0x366: {  	s13 =	simm.s32 @p1 $0x0;
	s16 =	rddreg [dreg:$0x12];
	[sflag:s12] =	ssyncadd.s32 @p1 $0xFFFFD900  }
0x367: {  	[hbm4b:s16+s13] =	stream.linear.scatter @p1 [tilespmem:s11], [sflag:$0x3], $0x2700, $0x38;
	[tilespmem:$0x15450] =	vst v63  }
0x368: {  	_ =	swait.ge @p1 [sflag:s12], $0x2700  }
0x369: {  	[sflag:s12] =	ssyncset.done @p1 $0x0  }
0x36a: {  	[sflag:s12] =	ssyncadd.s32 @p1 $0xFFFFD900;
	s12 =	sld [smem:$0x7F5];
	_ =	sdelay $0x1  }
0x36b: {  	s11 =	simm.s32 @!p1 $0xB720  }
0x36c: {  	[tilespmem:s11], [sflag:$0x3] =	stream.linear.gather @!p1 [spmem:s12], $0x2800, $0x38;
	[tilespmem:$0x15450] =	vst v63  }
0x36d: {  	s12 =	simm.s32 @!p1 $0x3  }
0x36e: {  	_ =	swait.ge @!p1 [sflag:s12], $0x2800  }
0x36f: {  	[sflag:s12] =	ssyncset.done @!p1 $0x0  }
0x370: {  	s13 =	simm.s32 @!p1 $0x0;
	s16 =	rddreg [dreg:$0x13];
	[sflag:s12] =	ssyncadd.s32 @!p1 $0xFFFFD800  }
0x371: {  	[hbm4b:s16+s13] =	stream.linear.scatter @!p1 [tilespmem:s11], [sflag:$0x3], $0x2800, $0x38;
	[tilespmem:$0x15450] =	vst v63  }
0x372: {  	_ =	swait.ge @!p1 [sflag:s12], $0x2800  }
0x373: {  	s22 =	sld [smem:$0x7EF]  }
0x374: {  	s23 =	sld [smem:$0x7F4];
	_ =	sdelay $0x1  }
0x375: {  	s13 =	sadd.s32 $0x1, s22  }
0x376: {  	p2 =	sne.s32 s13, s23  }
.Ltmp42:
0x377: {  	_ = 	snop;
	(pc) =	sbr.rel @p2 .LBB2_1-.Ltmp42, $3  }
0x378: {  	_ =	sdelay $0x1  }
0x379: {  	[sflag:s12] =	ssyncset.done @!p1 $0x0  }
0x37a: {  	s16 =	simm.s32 $0xB720;
	[sflag:s12] =	ssyncadd.s32 @!p1 $0xFFFFD800  }
0x37b: {  	_ =	sfence.sel $0x180000  }
0x37c: {  	[bflag:$0x0] =	sbarrier.arrive $0xFFFF  }
0x37d: {  	_ =	strace $0x90000047  }
0x37e: {  	s0 =	stileid.u32;
	[bflag:$0x2] =	sbarrier.arrive $0xFFFF  }
0x37f: {  	p0 =	sne.s32 s0, $0x0;
	s0 =	rddreg [dreg:$0x7]  }
0x380: {  	s0 =	sadd.s32 @!p0 $0x100000, s0  }
0x381: {  	[sflag:s0] =	ssyncadd.tile.s32 @!p0 $0x1;
	_ =	shalt  }
.Lfunc_end2:
_tile_overlayer_lowered:
.L_overlay_start_2:
0x382: {  	(tag) =	ssettag $0x2  }
0x383: {  	s0 =	rddreg [dreg:$0x0];
	s2 =	stileid.u32  }
0x384: {  	s1 =	rddreg [dreg:$0x1];
	p0 =	sne.s32 s2, $0x0  }
0x385: {  	s3 =	rddreg [dreg:$0x2];
	[bflag:$0x3] =	sbarrier.arrive $0xFFFF;
	s2 =	simm.s32 @!p0 $0x1C03  }
0x386: {  	[timem:s3], [sflag:s2] =	dma.local @!p0 [hbm:s0], s1  }
0x387: {  	s0 =	simm.s32 @!p0 $0x3  }
0x388: {  	_ =	swait.ge @!p0 [sflag:s0], s1  }
0x389: {  	s1 =	ssub.s32 @!p0 $0x0, s1;
	[sflag:s0] =	ssyncset.done @!p0 $0x0  }
0x38a: {  	[sflag:s0] =	ssyncadd.s32 @!p0 s1  }
0x38b: {  	[bflag:$0x3] =	sbarrier.arrive $0xFFFF  }
0x38c: {  	_ =	shalt  }

</sc_bundles>
